<compile_context>
chip_gen: v7x
topology: tpu7x:2x2x1
jax: 0.10.2.dev20260603
libtpu: 0.0.44.dev20260713+nightly
codegen_flags: <defaults>
</compile_context>

<pallas_src>
import functools

import jax
import jax.numpy as jnp
from jax import lax
from jax.experimental import pallas as pl
from jax.experimental.pallas import tpu as pltpu
from jax.experimental.pallas import tpu_sc as plsc

_NC = 2
_NS = 16
_NW = _NC * _NS
_L = 16
_B = 128
_CHUNK = 512
_UNROLL = 2


def _rsqrt(x):
    i = plsc.bitcast(x, jnp.int32)
    y = plsc.bitcast(jnp.int32(0x5F3759DF) - (i >> 1), jnp.float32)
    for _ in range(3):
        y = y * (1.5 - 0.5 * x * y * y)
    return y


def _inv_norm4(w, x, y, z):
    n2 = (w * w + x * x) + (y * y + z * z)
    nrm = n2 * _rsqrt(jnp.maximum(n2, 1e-30))
    return 1.0 / (nrm + 1e-8)


def _rotmat(w, x, y, z):
    n2 = (w * w + x * x) + (y * y + z * z)
    s = 2.0 / (n2 + 1e-30)
    xs, ys, zs = x * s, y * s, z * s
    wx, wy, wz = w * xs, w * ys, w * zs
    xx, xy, xz = x * xs, x * ys, x * zs
    yy, yz, zz = y * ys, y * zs, z * zs
    return ((1.0 - (yy + zz), xy - wz, xz + wy),
            (xy + wz, 1.0 - (xx + zz), yz - wx),
            (xz - wy, yz + wx, 1.0 - (xx + yy)))


@functools.lru_cache(maxsize=None)
def _build(N, M):
    assert N % (_NW * _CHUNK) == 0 and M % (_NS * _L) == 0
    assert _CHUNK % _B == 0
    G = N // _NW
    NCH = G // _CHUNK
    assert NCH % 2 == 0
    GROUPS = _CHUNK // _L
    MSL = M // _NS

    mesh = plsc.VectorSubcoreMesh(core_axis_name="c", subcore_axis_name="s")
    f32 = jnp.float32

    def in_set():
        return (pltpu.VMEM((7 * _CHUNK,), f32),
                pltpu.VMEM((4 * _CHUNK,), f32),
                pltpu.VMEM((8 * _CHUNK,), f32),
                pltpu.VMEM((8 * _CHUNK,), jnp.int32))

    @functools.partial(
        pl.kernel,
        out_type=(
            jax.ShapeDtypeStruct((4 * N,), f32),
            jax.ShapeDtypeStruct((12 * N,), f32),
            jax.ShapeDtypeStruct((4 * N,), f32),
            jax.ShapeDtypeStruct((N,), f32),
        ),
        mesh=mesh,
        compiler_params=pltpu.CompilerParams(
            needs_layout_passes=False,
            use_tc_tiling_on_sc=False,
        ),
        scratch_types=(
            pltpu.VMEM_SHARED((7 * M,), f32),
            [pltpu.VMEM((M,), f32) for _ in range(7)],
            pltpu.VMEM((14 * MSL,), f32),
            pltpu.VMEM((7 * MSL,), f32),
            in_set(),
            in_set(),
            pltpu.VMEM((21 * _CHUNK,), f32),
            pltpu.VMEM((21 * _CHUNK,), f32),
            pltpu.SemaphoreType.DMA,
            pltpu.SemaphoreType.DMA,
            pltpu.SemaphoreType.DMA,
            pltpu.SemaphoreType.DMA,
        ),
    )
    def skin(qx_h, qq_h, sc_h, op_h, ind_h, w_h,
             nrx_h, nrq_h, ntx_h, ntq_h,
             mu_h, fr_h, s_h, o_h,
             shared, tb, nin, tsl, setA, setB, cfoutA, cfoutB,
             semA, semB, osemA, osemB):
        ci = lax.axis_index("c")
        si = lax.axis_index("s")
        wid = si * _NC + ci

        iota = jnp.arange(_L, dtype=jnp.int32)

        def in_copies(bufs, sem, b):
            cfin, cqq, cw, cind = bufs
            cps = []
            for cc in range(3):
                cps.append((qx_h.at[pl.ds(cc * N + b, _CHUNK)],
                            cfin.at[pl.ds(cc * _CHUNK, _CHUNK)], sem))
                cps.append((sc_h.at[pl.ds(cc * N + b, _CHUNK)],
                            cfin.at[pl.ds((3 + cc) * _CHUNK, _CHUNK)], sem))
            cps.append((op_h.at[pl.ds(b, _CHUNK)],
                        cfin.at[pl.ds(6 * _CHUNK, _CHUNK)], sem))
            cps.append((qq_h.at[pl.ds(b * 4, 4 * _CHUNK)], cqq, sem))
            cps.append((w_h.at[pl.ds(b * 8, 8 * _CHUNK)], cw, sem))
            cps.append((ind_h.at[pl.ds(b * 8, 8 * _CHUNK)], cind, sem))
            return cps

        def issue(copies):
            for s, d, sem in copies:
                pltpu.async_copy(s, d, sem)

        def drain(copies):
            for s, d, sem in copies:
                pltpu.make_async_copy(s, d, sem).wait()


        nb = si * MSL
        handles = []
        for cc in range(3):
            handles.append(pltpu.async_copy(
                nrx_h.at[pl.ds(cc * M + nb, MSL)],
                nin.at[pl.ds(cc * MSL, MSL)], semA))
            handles.append(pltpu.async_copy(
                ntx_h.at[pl.ds(cc * M + nb, MSL)],
                nin.at[pl.ds((3 + cc) * MSL, MSL)], semA))
        handles.append(pltpu.async_copy(
            nrq_h.at[pl.ds(nb * 4, 4 * MSL)],
            nin.at[pl.ds(6 * MSL, 4 * MSL)], semA))
        handles.append(pltpu.async_copy(
            ntq_h.at[pl.ds(nb * 4, 4 * MSL)],
            nin.at[pl.ds(10 * MSL, 4 * MSL)], semA))
        issue(in_copies(setA, semA, wid * G))
        for h in handles:
            h.wait()

        def node_group(g, carry):
            def ld(row):
                return plsc.load_gather(nin, [iota + (row * MSL + g * _L)])
            blk = g // (_B // _L)
            off = (g % (_B // _L)) * _L
            qb_ = blk * (4 * _B) + off

            def ldq(qoff, cc):
                return plsc.load_gather(
                    nin, [iota + (qoff + qb_ + cc * _B)])
            rv = [ld(0), ld(1), ld(2)]
            rq = [ldq(6 * MSL, cc) for cc in range(4)]
            tv = [ld(3), ld(4), ld(5)]
            tq = [ldq(10 * MSL, cc) for cc in range(4)]
            rinv = _inv_norm4(*rq)
            tinv = _inv_norm4(*tq)
            aw, ax, ay, az = (q * tinv for q in tq)
            bw = rq[0] * rinv
            bx = -rq[1] * rinv
            by = -rq[2] * rinv
            bz = -rq[3] * rinv
            dw = aw * bw - ax * bx - ay * by - az * bz
            dx = aw * bx + ax * bw + ay * bz - az * by
            dy = aw * by - ax * bz + ay * bw + az * bx
            dz = aw * bz + ax * by - ay * bx + az * bw
            R = _rotmat(dw, dx, dy, dz)
            t = [tv[r] - (R[r][0] * rv[0] + R[r][1] * rv[1] + R[r][2] * rv[2])
                 for r in range(3)]
            base = g * _L
            for row, val in enumerate((dw, dx, dy, dz, t[0], t[1], t[2])):
                plsc.store_scatter(tsl, [iota + (row * MSL + base)], val)
            return carry

        lax.fori_loop(0, MSL // _L, node_group, 0)
        for comp in range(7):
            pltpu.sync_copy(tsl.at[pl.ds(comp * MSL, MSL)],
                            shared.at[pl.ds(comp * M + si * MSL, MSL)])
        plsc.subcore_barrier()
        for comp in range(7):
            pltpu.sync_copy(shared.at[pl.ds(comp * M, M)], tb[comp])

        g0 = wid * G

        def do_group(bufs, cfout, g):
            cfin, cqq, cw, cind = bufs
            base = g * _L
            blk = g // (_B // _L)
            off = (g % (_B // _L)) * _L
            qbase = blk * (4 * _B) + off
            wbase = blk * (8 * _B) + off

            ks = [cind[pl.ds(wbase + k * _B, _L)] for k in range(8)]
            ws = [cw[pl.ds(wbase + k * _B, _L)] for k in range(8)]
            wsum = (((ws[0] + ws[1]) + (ws[2] + ws[3]))
                    + ((ws[4] + ws[5]) + (ws[6] + ws[7])))
            winv = 1.0 / (wsum + 1e-8)

            q0 = [plsc.load_gather(tb[cc], [ks[0]]) for cc in range(4)]
            wk = [ws[0]]
            for k in range(1, 8):
                qk = [plsc.load_gather(tb[cc], [ks[k]]) for cc in range(4)]
                d = ((q0[0] * qk[0] + q0[1] * qk[1])
                     + (q0[2] * qk[2] + q0[3] * qk[3]))
                wk.append(jnp.where(d < 0, -ws[k], ws[k]))
                if k == 1:
                    aq = [wk[1] * q for q in qk]
                else:
                    aq = [aq[cc] + wk[k] * qk[cc] for cc in range(4)]
            aq = [aq[cc] + wk[0] * q0[cc] for cc in range(4)]
            at = None
            for k in range(8):
                tk = [plsc.load_gather(tb[4 + cc], [ks[k]])
                      for cc in range(3)]
                if at is None:
                    at = [ws[0] * t for t in tk]
                else:
                    at = [at[cc] + ws[k] * tk[cc] for cc in range(3)]

            tb_ = [a * winv for a in at]
            Rb = _rotmat(aq[0], aq[1], aq[2], aq[3])

            def ldf(row):
                return cfin[pl.ds(row * _CHUNK + base, _L)]

            mub = blk * (4 * _B) + off
            v = [ldf(0), ldf(1), ldf(2)]
            for r in range(3):
                cfout[pl.ds(mub + r * _B, _L)] = (
                    (Rb[r][0] * v[0] + Rb[r][1] * v[1])
                    + (Rb[r][2] * v[2] + tb_[r]))

            qr = [cqq[pl.ds(qbase + cc * _B, _L)] for cc in range(4)]
            mw = aq[0] * qr[0] - aq[1] * qr[1] - aq[2] * qr[2] - aq[3] * qr[3]
            mx = aq[0] * qr[1] + aq[1] * qr[0] + aq[2] * qr[3] - aq[3] * qr[2]
            my = aq[0] * qr[2] - aq[1] * qr[3] + aq[2] * qr[0] + aq[3] * qr[1]
            mz = aq[0] * qr[3] + aq[1] * qr[2] - aq[2] * qr[1] + aq[3] * qr[0]
            Rm = _rotmat(mw, mx, my, mz)
            for r in range(3):
                frb = (4 + 4 * r) * _CHUNK + mub
                for col in range(3):
                    cfout[pl.ds(frb + col * _B, _L)] = Rm[r][col]

            sb = 16 * _CHUNK + mub
            for cc in range(3):
                cfout[pl.ds(sb + cc * _B, _L)] = jnp.exp(ldf(3 + cc))
            cfout[pl.ds(20 * _CHUNK + base, _L)] = (
                1.0 / (1.0 + jnp.exp(-ldf(6))))

        def compute_chunk(bufs, cfout):
            def group_fn(j, carry2):
                for u in range(_UNROLL):
                    do_group(bufs, cfout, j * _UNROLL + u)
                return carry2
            lax.fori_loop(0, GROUPS // _UNROLL, group_fn, 0)

        def out_copies(cfout, osem, b):
            cps = [(cfout.at[pl.ds(0, 4 * _CHUNK)],
                    mu_h.at[pl.ds(b * 4, 4 * _CHUNK)], osem)]
            for r in range(3):
                cps.append((cfout.at[pl.ds((4 + 4 * r) * _CHUNK, 4 * _CHUNK)],
                            fr_h.at[pl.ds(r * (4 * N) + b * 4, 4 * _CHUNK)],
                            osem))
            cps.append((cfout.at[pl.ds(16 * _CHUNK, 4 * _CHUNK)],
                        s_h.at[pl.ds(b * 4, 4 * _CHUNK)], osem))
            cps.append((cfout.at[pl.ds(20 * _CHUNK, _CHUNK)],
                        o_h.at[pl.ds(b, _CHUNK)], osem))
            return cps

        def body(i, carry):
            b0 = g0 + (2 * i) * _CHUNK
            b1 = b0 + _CHUNK
            issue(in_copies(setB, semB, b1))
            drain(in_copies(setA, semA, b0))

            @pl.when(i > 0)
            def _drainA():
                drain(out_copies(cfoutA, osemA, b0))

            compute_chunk(setA, cfoutA)
            issue(out_copies(cfoutA, osemA, b0))

            @pl.when(i + 1 < NCH // 2)
            def _prefetch():
                issue(in_copies(setA, semA, b1 + _CHUNK))

            drain(in_copies(setB, semB, b1))

            @pl.when(i > 0)
            def _drainB():
                drain(out_copies(cfoutB, osemB, b1))

            compute_chunk(setB, cfoutB)
            issue(out_copies(cfoutB, osemB, b1))
            return carry

        lax.fori_loop(0, NCH // 2, body, 0)
        drain(out_copies(cfoutA, osemA, g0))
        drain(out_copies(cfoutB, osemB, g0))

    return skin


def kernel(query_xyz, query_quats, scales, opacities, sph, sk_ind, sk_w,
           node_ref_xyz, node_ref_quat, node_tgt_xyz, node_tgt_quat):
    N = query_xyz.shape[0]
    M = node_ref_xyz.shape[0]
    assert sk_ind.shape[1] == 8

    def blocks(a):
        rows, C = a.shape
        return a.T.reshape(C, rows // _B, _B).transpose(1, 0, 2).reshape(-1)

    mu_t, fr_t, s_t, o = _build(N, M)(
        query_xyz.T.reshape(-1),
        blocks(query_quats),
        scales.T.reshape(-1),
        opacities,
        blocks(sk_ind.astype(jnp.int32)),
        blocks(sk_w),
        node_ref_xyz.T.reshape(-1),
        blocks(node_ref_quat),
        node_tgt_xyz.T.reshape(-1),
        blocks(node_tgt_quat),
    )
    mu = (mu_t.reshape(N // _B, 4, _B)[:, :3, :]
          .transpose(0, 2, 1).reshape(N, 3))
    fr = (fr_t.reshape(3, N // _B, 4, _B)[:, :, :3, :]
          .transpose(1, 3, 0, 2).reshape(N, 3, 3))
    s = (s_t.reshape(N // _B, 4, _B)[:, :3, :]
         .transpose(0, 2, 1).reshape(N, 3))
    return (mu, fr, s, o, sph * jnp.float32(1.0))

# --- scband reference (transcript-rebuilt; emitter-appended) ---
"""Pipeline reference for scband-dynamic-scene-47717086658728 (READ-ONLY COPY).

The authoritative reference and input builder live on the scoring server;
editing this copy changes nothing except your own understanding.
"""

import jax, jax.numpy as jnp
import numpy as np

N = 262144
M = 4096
K = 8
SPH = 27

def quat_normalize(q):
    return q / (jnp.linalg.norm(q, axis=-1, keepdims=True) + 1e-8)

def quat_conj(q):
    return q * jnp.array([1.0, -1.0, -1.0, -1.0], dtype=q.dtype)

def quat_mul(a, b):
    aw, ax, ay, az = a[..., 0], a[..., 1], a[..., 2], a[..., 3]
    bw, bx, by, bz = b[..., 0], b[..., 1], b[..., 2], b[..., 3]
    return jnp.stack([
        aw * bw - ax * bx - ay * by - az * bz,
        aw * bx + ax * bw + ay * bz - az * by,
        aw * by - ax * bz + ay * bw + az * bx,
        aw * bz + ax * by - ay * bx + az * bw,
    ], axis=-1)

def quat_to_rotmat(q):
    q = quat_normalize(q)
    w, x, y, z = q[..., 0], q[..., 1], q[..., 2], q[..., 3]
    R = jnp.stack([
        1 - 2 * (y * y + z * z), 2 * (x * y - w * z), 2 * (x * z + w * y),
        2 * (x * y + w * z), 1 - 2 * (x * x + z * z), 2 * (y * z - w * x),
        2 * (x * z - w * y), 2 * (y * z + w * x), 1 - 2 * (x * x + y * y),
    ], axis=-1)
    return R.reshape(q.shape[:-1] + (3, 3))

def setup_inputs(seed: int = 0) -> dict:
    key = jax.random.key(seed)
    ks = jax.random.split(key, 11)
    return {
        'query_xyz': jax.random.normal(ks[0], (N, 3), dtype=jnp.float32),
        'query_quats': jax.random.normal(ks[1], (N, 4), dtype=jnp.float32),
        'scales': jax.random.normal(ks[2], (N, 3), dtype=jnp.float32),
        'opacities': jax.random.normal(ks[3], (N,), dtype=jnp.float32),
        'sph': jax.random.normal(ks[4], (N, SPH), dtype=jnp.float32),
        'sk_ind': jax.random.randint(ks[5], (N, K), 0, M, dtype=jnp.int64) if jax.config.jax_enable_x64 else jax.random.randint(ks[5], (N, K), 0, M, dtype=jnp.int32),
        'sk_w': jax.random.uniform(ks[6], (N, K), dtype=jnp.float32),
        'node_ref_xyz': jax.random.normal(ks[7], (M, 3), dtype=jnp.float32),
        'node_ref_quat': jax.random.normal(ks[8], (M, 4), dtype=jnp.float32),
        'node_tgt_xyz': jax.random.normal(ks[9], (M, 3), dtype=jnp.float32),
        'node_tgt_quat': jax.random.normal(ks[10], (M, 4), dtype=jnp.float32),
    }

def reference(query_xyz, query_quats, scales, opacities, sph, sk_ind, sk_w,
              node_ref_xyz, node_ref_quat, node_tgt_xyz, node_tgt_quat):
    # Per-node rigid delta transform from ref time to target time t
    q_ref = quat_normalize(node_ref_quat)
    q_tgt = quat_normalize(node_tgt_quat)
    q_delta = quat_mul(q_tgt, quat_conj(q_ref))            # [M, 4]
    R_delta = quat_to_rotmat(q_delta)                      # [M, 3, 3]
    t_node = node_tgt_xyz - jnp.einsum('mij,mj->mi', R_delta, node_ref_xyz)  # [M, 3]

    # Skinning: gather K nearest nodes per Gaussian and blend (QLB skinning)
    w = sk_w / (jnp.sum(sk_w, axis=-1, keepdims=True) + 1e-8)  # [N, K]
    g_q = q_delta[sk_ind]                                  # [N, K, 4]
    g_t = t_node[sk_ind]                                   # [N, K, 3]
    # sign-align quats to the first neighbor before blending
    d = jnp.sum(g_q * g_q[:, :1, :], axis=-1, keepdims=True)
    g_q = g_q * jnp.where(d < 0, -1.0, 1.0)
    q_blend = quat_normalize(jnp.sum(w[..., None] * g_q, axis=1))  # [N, 4]
    t_blend = jnp.sum(w[..., None] * g_t, axis=1)                  # [N, 3]

    R_blend = quat_to_rotmat(q_blend)                      # [N, 3, 3]
    mu_live = jnp.einsum('nij,nj->ni', R_blend, query_xyz) + t_blend  # [N, 3]
    fr_ref = quat_to_rotmat(query_quats)                   # [N, 3, 3]
    fr_live = jnp.einsum('nij,njk->nik', R_blend, fr_ref)  # [N, 3, 3]

    s = jnp.exp(scales)                                    # activated scales
    o = jax.nn.sigmoid(opacities)                          # activated opacities
    return (mu_live, fr_live, s, o, sph)

if False:  # reference __main__ guard neutralized (emitter)
    out = reference(**setup_inputs())
    print([o.shape for o in out])

if __name__ == "__main__":
    import jax
    _d = setup_inputs()
    print(jax.jit(kernel)(*tuple(_d.values())))

</pallas_src>

<mosaic_0001>
#map = affine_map<(d0, d1) -> (0)>
module attributes {stable_mosaic.version = 14 : i64} {
  func.func @skin(%arg0: i32, %arg1: i32, %arg2: memref<786432xf32, #tpu.memory_space<hbm>>, %arg3: memref<1048576xf32, #tpu.memory_space<hbm>>, %arg4: memref<786432xf32, #tpu.memory_space<hbm>>, %arg5: memref<262144xf32, #tpu.memory_space<hbm>>, %arg6: memref<2097152xi32, #tpu.memory_space<hbm>>, %arg7: memref<2097152xf32, #tpu.memory_space<hbm>>, %arg8: memref<12288xf32, #tpu.memory_space<hbm>>, %arg9: memref<16384xf32, #tpu.memory_space<hbm>>, %arg10: memref<12288xf32, #tpu.memory_space<hbm>>, %arg11: memref<16384xf32, #tpu.memory_space<hbm>>, %arg12: memref<1048576xf32, #tpu.memory_space<hbm>>, %arg13: memref<3145728xf32, #tpu.memory_space<hbm>>, %arg14: memref<1048576xf32, #tpu.memory_space<hbm>>, %arg15: memref<262144xf32, #tpu.memory_space<hbm>>, %arg16: memref<28672xf32, #tpu.memory_space<vmem_shared>>, %arg17: memref<4096xf32, #tpu.memory_space<vmem>>, %arg18: memref<4096xf32, #tpu.memory_space<vmem>>, %arg19: memref<4096xf32, #tpu.memory_space<vmem>>, %arg20: memref<4096xf32, #tpu.memory_space<vmem>>, %arg21: memref<4096xf32, #tpu.memory_space<vmem>>, %arg22: memref<4096xf32, #tpu.memory_space<vmem>>, %arg23: memref<4096xf32, #tpu.memory_space<vmem>>, %arg24: memref<3584xf32, #tpu.memory_space<vmem>>, %arg25: memref<1792xf32, #tpu.memory_space<vmem>>, %arg26: memref<3584xf32, #tpu.memory_space<vmem>>, %arg27: memref<2048xf32, #tpu.memory_space<vmem>>, %arg28: memref<4096xf32, #tpu.memory_space<vmem>>, %arg29: memref<4096xi32, #tpu.memory_space<vmem>>, %arg30: memref<3584xf32, #tpu.memory_space<vmem>>, %arg31: memref<2048xf32, #tpu.memory_space<vmem>>, %arg32: memref<4096xf32, #tpu.memory_space<vmem>>, %arg33: memref<4096xi32, #tpu.memory_space<vmem>>, %arg34: memref<10752xf32, #tpu.memory_space<vmem>>, %arg35: memref<10752xf32, #tpu.memory_space<vmem>>, %arg36: memref<!tpu.dma_semaphore, #tpu.memory_space<semaphore_mem>>, %arg37: memref<!tpu.dma_semaphore, #tpu.memory_space<semaphore_mem>>, %arg38: memref<!tpu.dma_semaphore, #tpu.memory_space<semaphore_mem>>, %arg39: memref<!tpu.dma_semaphore, #tpu.memory_space<semaphore_mem>>) attributes {dimension_semantics = [#tpu.dimension_semantics<core_parallel>, #tpu.dimension_semantics<subcore_parallel>], iteration_bounds = array<i64: 2, 16>, scalar_prefetch = 0 : i64, scratch_operands = 24 : i64, tpu.core_type = #tpu.core_type<sc_vector_subcore>, window_params = [{transform_indices = #map}, {transform_indices = #map}, {transform_indices = #map}, {transform_indices = #map}, {transform_indices = #map}, {transform_indices = #map}, {transform_indices = #map}, {transform_indices = #map}, {transform_indices = #map}, {transform_indices = #map}, {transform_indices = #map}, {transform_indices = #map}, {transform_indices = #map}, {transform_indices = #map}]} {
    %mul3A = arith.constant 2 : i32
    %mul3A_0 = arith.muli %arg1, %mul3A : i32
    %add3A = arith.addi %mul3A_0, %arg0 : i32
    %iota3A = tpu.iota {dimensions = array<i32: 0>} : vector<16xi32>
    %mul3A_1 = arith.constant 256 : i32
    %mul3A_2 = arith.muli %arg1, %mul3A_1 : i32
    %add3A_3 = arith.constant 0 : i32
    %add3A_4 = arith.addi %add3A_3, %mul3A_2 : i32
    %dma_start3A = arith.constant 0 : i32
    %dma_start3A_5 = tpu.memref_slice %arg24[%dma_start3A] : memref<3584xf32, #tpu.memory_space<vmem>> -> memref<256xf32, #tpu.memory_space<vmem>>
    %dma_start3A_6 = tpu.memref_slice %arg8[%add3A_4] : memref<12288xf32, #tpu.memory_space<hbm>> -> memref<256xf32, #tpu.memory_space<hbm>>
    %dma_start3A_7 = arith.constant 0 : i32
    %dma_start3A_8 = tpu.memref_slice %arg24[%dma_start3A_7] : memref<3584xf32, #tpu.memory_space<vmem>> -> memref<256xf32, #tpu.memory_space<vmem>>
    %dma_start3A_9 = tpu.memref_slice %arg8[%add3A_4] : memref<12288xf32, #tpu.memory_space<hbm>> -> memref<256xf32, #tpu.memory_space<hbm>>
    tpu.enqueue_dma source(%dma_start3A_9 : memref<256xf32, #tpu.memory_space<hbm>>) target(%dma_start3A_8 : memref<256xf32, #tpu.memory_space<vmem>>) target_semaphore(%arg36 : memref<!tpu.dma_semaphore, #tpu.memory_space<semaphore_mem>>)
    %add3A_10 = arith.constant 0 : i32
    %add3A_11 = arith.addi %add3A_10, %mul3A_2 : i32
    %dma_start3A_12 = arith.constant 768 : i32
    %dma_start3A_13 = tpu.memref_slice %arg24[%dma_start3A_12] : memref<3584xf32, #tpu.memory_space<vmem>> -> memref<256xf32, #tpu.memory_space<vmem>>
    %dma_start3A_14 = tpu.memref_slice %arg10[%add3A_11] : memref<12288xf32, #tpu.memory_space<hbm>> -> memref<256xf32, #tpu.memory_space<hbm>>
    %dma_start3A_15 = arith.constant 768 : i32
    %dma_start3A_16 = tpu.memref_slice %arg24[%dma_start3A_15] : memref<3584xf32, #tpu.memory_space<vmem>> -> memref<256xf32, #tpu.memory_space<vmem>>
    %dma_start3A_17 = tpu.memref_slice %arg10[%add3A_11] : memref<12288xf32, #tpu.memory_space<hbm>> -> memref<256xf32, #tpu.memory_space<hbm>>
    tpu.enqueue_dma source(%dma_start3A_17 : memref<256xf32, #tpu.memory_space<hbm>>) target(%dma_start3A_16 : memref<256xf32, #tpu.memory_space<vmem>>) target_semaphore(%arg36 : memref<!tpu.dma_semaphore, #tpu.memory_space<semaphore_mem>>)
    %add3A_18 = arith.constant 4096 : i32
    %add3A_19 = arith.addi %add3A_18, %mul3A_2 : i32
    %dma_start3A_20 = arith.constant 256 : i32
    %dma_start3A_21 = tpu.memref_slice %arg24[%dma_start3A_20] : memref<3584xf32, #tpu.memory_space<vmem>> -> memref<256xf32, #tpu.memory_space<vmem>>
    %dma_start3A_22 = tpu.memref_slice %arg8[%add3A_19] : memref<12288xf32, #tpu.memory_space<hbm>> -> memref<256xf32, #tpu.memory_space<hbm>>
    %dma_start3A_23 = arith.constant 256 : i32
    %dma_start3A_24 = tpu.memref_slice %arg24[%dma_start3A_23] : memref<3584xf32, #tpu.memory_space<vmem>> -> memref<256xf32, #tpu.memory_space<vmem>>
    %dma_start3A_25 = tpu.memref_slice %arg8[%add3A_19] : memref<12288xf32, #tpu.memory_space<hbm>> -> memref<256xf32, #tpu.memory_space<hbm>>
    tpu.enqueue_dma source(%dma_start3A_25 : memref<256xf32, #tpu.memory_space<hbm>>) target(%dma_start3A_24 : memref<256xf32, #tpu.memory_space<vmem>>) target_semaphore(%arg36 : memref<!tpu.dma_semaphore, #tpu.memory_space<semaphore_mem>>)
    %add3A_26 = arith.constant 4096 : i32
    %add3A_27 = arith.addi %add3A_26, %mul3A_2 : i32
    %dma_start3A_28 = arith.constant 1024 : i32
    %dma_start3A_29 = tpu.memref_slice %arg24[%dma_start3A_28] : memref<3584xf32, #tpu.memory_space<vmem>> -> memref<256xf32, #tpu.memory_space<vmem>>
    %dma_start3A_30 = tpu.memref_slice %arg10[%add3A_27] : memref<12288xf32, #tpu.memory_space<hbm>> -> memref<256xf32, #tpu.memory_space<hbm>>
    %dma_start3A_31 = arith.constant 1024 : i32
    %dma_start3A_32 = tpu.memref_slice %arg24[%dma_start3A_31] : memref<3584xf32, #tpu.memory_space<vmem>> -> memref<256xf32, #tpu.memory_space<vmem>>
    %dma_start3A_33 = tpu.memref_slice %arg10[%add3A_27] : memref<12288xf32, #tpu.memory_space<hbm>> -> memref<256xf32, #tpu.memory_space<hbm>>
    tpu.enqueue_dma source(%dma_start3A_33 : memref<256xf32, #tpu.memory_space<hbm>>) target(%dma_start3A_32 : memref<256xf32, #tpu.memory_space<vmem>>) target_semaphore(%arg36 : memref<!tpu.dma_semaphore, #tpu.memory_space<semaphore_mem>>)
    %add3A_34 = arith.constant 8192 : i32
    %add3A_35 = arith.addi %add3A_34, %mul3A_2 : i32
    %dma_start3A_36 = arith.constant 512 : i32
    %dma_start3A_37 = tpu.memref_slice %arg24[%dma_start3A_36] : memref<3584xf32, #tpu.memory_space<vmem>> -> memref<256xf32, #tpu.memory_space<vmem>>
    %dma_start3A_38 = tpu.memref_slice %arg8[%add3A_35] : memref<12288xf32, #tpu.memory_space<hbm>> -> memref<256xf32, #tpu.memory_space<hbm>>
    %dma_start3A_39 = arith.constant 512 : i32
    %dma_start3A_40 = tpu.memref_slice %arg24[%dma_start3A_39] : memref<3584xf32, #tpu.memory_space<vmem>> -> memref<256xf32, #tpu.memory_space<vmem>>
    %dma_start3A_41 = tpu.memref_slice %arg8[%add3A_35] : memref<12288xf32, #tpu.memory_space<hbm>> -> memref<256xf32, #tpu.memory_space<hbm>>
    tpu.enqueue_dma source(%dma_start3A_41 : memref<256xf32, #tpu.memory_space<hbm>>) target(%dma_start3A_40 : memref<256xf32, #tpu.memory_space<vmem>>) target_semaphore(%arg36 : memref<!tpu.dma_semaphore, #tpu.memory_space<semaphore_mem>>)
    %add3A_42 = arith.constant 8192 : i32
    %add3A_43 = arith.addi %add3A_42, %mul3A_2 : i32
    %dma_start3A_44 = arith.constant 1280 : i32
    %dma_start3A_45 = tpu.memref_slice %arg24[%dma_start3A_44] : memref<3584xf32, #tpu.memory_space<vmem>> -> memref<256xf32, #tpu.memory_space<vmem>>
    %dma_start3A_46 = tpu.memref_slice %arg10[%add3A_43] : memref<12288xf32, #tpu.memory_space<hbm>> -> memref<256xf32, #tpu.memory_space<hbm>>
    %dma_start3A_47 = arith.constant 1280 : i32
    %dma_start3A_48 = tpu.memref_slice %arg24[%dma_start3A_47] : memref<3584xf32, #tpu.memory_space<vmem>> -> memref<256xf32, #tpu.memory_space<vmem>>
    %dma_start3A_49 = tpu.memref_slice %arg10[%add3A_43] : memref<12288xf32, #tpu.memory_space<hbm>> -> memref<256xf32, #tpu.memory_space<hbm>>
    tpu.enqueue_dma source(%dma_start3A_49 : memref<256xf32, #tpu.memory_space<hbm>>) target(%dma_start3A_48 : memref<256xf32, #tpu.memory_space<vmem>>) target_semaphore(%arg36 : memref<!tpu.dma_semaphore, #tpu.memory_space<semaphore_mem>>)
    %mul3A_50 = arith.constant 4 : i32
    %mul3A_51 = arith.muli %mul3A_2, %mul3A_50 : i32
    %dma_start3A_52 = arith.constant 1536 : i32
    %dma_start3A_53 = tpu.memref_slice %arg24[%dma_start3A_52] : memref<3584xf32, #tpu.memory_space<vmem>> -> memref<1024xf32, #tpu.memory_space<vmem>>
    %dma_start3A_54 = tpu.memref_slice %arg9[%mul3A_51] : memref<16384xf32, #tpu.memory_space<hbm>> -> memref<1024xf32, #tpu.memory_space<hbm>>
    %dma_start3A_55 = arith.constant 1536 : i32
    %dma_start3A_56 = tpu.memref_slice %arg24[%dma_start3A_55] : memref<3584xf32, #tpu.memory_space<vmem>> -> memref<1024xf32, #tpu.memory_space<vmem>>
    %dma_start3A_57 = tpu.memref_slice %arg9[%mul3A_51] : memref<16384xf32, #tpu.memory_space<hbm>> -> memref<1024xf32, #tpu.memory_space<hbm>>
    tpu.enqueue_dma source(%dma_start3A_57 : memref<1024xf32, #tpu.memory_space<hbm>>) target(%dma_start3A_56 : memref<1024xf32, #tpu.memory_space<vmem>>) target_semaphore(%arg36 : memref<!tpu.dma_semaphore, #tpu.memory_space<semaphore_mem>>)
    %mul3A_58 = arith.constant 4 : i32
    %mul3A_59 = arith.muli %mul3A_2, %mul3A_58 : i32
    %dma_start3A_60 = arith.constant 2560 : i32
    %dma_start3A_61 = tpu.memref_slice %arg24[%dma_start3A_60] : memref<3584xf32, #tpu.memory_space<vmem>> -> memref<1024xf32, #tpu.memory_space<vmem>>
    %dma_start3A_62 = tpu.memref_slice %arg11[%mul3A_59] : memref<16384xf32, #tpu.memory_space<hbm>> -> memref<1024xf32, #tpu.memory_space<hbm>>
    %dma_start3A_63 = arith.constant 2560 : i32
    %dma_start3A_64 = tpu.memref_slice %arg24[%dma_start3A_63] : memref<3584xf32, #tpu.memory_space<vmem>> -> memref<1024xf32, #tpu.memory_space<vmem>>
    %dma_start3A_65 = tpu.memref_slice %arg11[%mul3A_59] : memref<16384xf32, #tpu.memory_space<hbm>> -> memref<1024xf32, #tpu.memory_space<hbm>>
    tpu.enqueue_dma source(%dma_start3A_65 : memref<1024xf32, #tpu.memory_space<hbm>>) target(%dma_start3A_64 : memref<1024xf32, #tpu.memory_space<vmem>>) target_semaphore(%arg36 : memref<!tpu.dma_semaphore, #tpu.memory_space<semaphore_mem>>)
    %mul3A_66 = arith.constant 8192 : i32
    %mul3A_67 = arith.muli %add3A, %mul3A_66 : i32
    %add3A_68 = arith.constant 0 : i32
    %add3A_69 = arith.addi %add3A_68, %mul3A_67 : i32
    %add3A_70 = arith.constant 0 : i32
    %add3A_71 = arith.addi %add3A_70, %mul3A_67 : i32
    %add3A_72 = arith.constant 262144 : i32
    %add3A_73 = arith.addi %add3A_72, %mul3A_67 : i32
    %add3A_74 = arith.constant 262144 : i32
    %add3A_75 = arith.addi %add3A_74, %mul3A_67 : i32
    %add3A_76 = arith.constant 524288 : i32
    %add3A_77 = arith.addi %add3A_76, %mul3A_67 : i32
    %add3A_78 = arith.constant 524288 : i32
    %add3A_79 = arith.addi %add3A_78, %mul3A_67 : i32
    %mul3A_80 = arith.constant 4 : i32
    %mul3A_81 = arith.muli %mul3A_67, %mul3A_80 : i32
    %mul3A_82 = arith.constant 8 : i32
    %mul3A_83 = arith.muli %mul3A_67, %mul3A_82 : i32
    %mul3A_84 = arith.constant 8 : i32
    %mul3A_85 = arith.muli %mul3A_67, %mul3A_84 : i32
    %dma_start3A_86 = arith.constant 0 : i32
    %dma_start3A_87 = tpu.memref_slice %arg26[%dma_start3A_86] : memref<3584xf32, #tpu.memory_space<vmem>> -> memref<512xf32, #tpu.memory_space<vmem>>
    %dma_start3A_88 = tpu.memref_slice %arg2[%add3A_69] : memref<786432xf32, #tpu.memory_space<hbm>> -> memref<512xf32, #tpu.memory_space<hbm>>
    %dma_start3A_89 = arith.constant 0 : i32
    %dma_start3A_90 = tpu.memref_slice %arg26[%dma_start3A_89] : memref<3584xf32, #tpu.memory_space<vmem>> -> memref<512xf32, #tpu.memory_space<vmem>>
    %dma_start3A_91 = tpu.memref_slice %arg2[%add3A_69] : memref<786432xf32, #tpu.memory_space<hbm>> -> memref<512xf32, #tpu.memory_space<hbm>>
    tpu.enqueue_dma source(%dma_start3A_91 : memref<512xf32, #tpu.memory_space<hbm>>) target(%dma_start3A_90 : memref<512xf32, #tpu.memory_space<vmem>>) target_semaphore(%arg36 : memref<!tpu.dma_semaphore, #tpu.memory_space<semaphore_mem>>)
    %dma_start3A_92 = arith.constant 1536 : i32
    %dma_start3A_93 = tpu.memref_slice %arg26[%dma_start3A_92] : memref<3584xf32, #tpu.memory_space<vmem>> -> memref<512xf32, #tpu.memory_space<vmem>>
    %dma_start3A_94 = tpu.memref_slice %arg4[%add3A_71] : memref<786432xf32, #tpu.memory_space<hbm>> -> memref<512xf32, #tpu.memory_space<hbm>>
    %dma_start3A_95 = arith.constant 1536 : i32
    %dma_start3A_96 = tpu.memref_slice %arg26[%dma_start3A_95] : memref<3584xf32, #tpu.memory_space<vmem>> -> memref<512xf32, #tpu.memory_space<vmem>>
    %dma_start3A_97 = tpu.memref_slice %arg4[%add3A_71] : memref<786432xf32, #tpu.memory_space<hbm>> -> memref<512xf32, #tpu.memory_space<hbm>>
    tpu.enqueue_dma source(%dma_start3A_97 : memref<512xf32, #tpu.memory_space<hbm>>) target(%dma_start3A_96 : memref<512xf32, #tpu.memory_space<vmem>>) target_semaphore(%arg36 : memref<!tpu.dma_semaphore, #tpu.memory_space<semaphore_mem>>)
    %dma_start3A_98 = arith.constant 512 : i32
    %dma_start3A_99 = tpu.memref_slice %arg26[%dma_start3A_98] : memref<3584xf32, #tpu.memory_space<vmem>> -> memref<512xf32, #tpu.memory_space<vmem>>
    %dma_start3A_100 = tpu.memref_slice %arg2[%add3A_73] : memref<786432xf32, #tpu.memory_space<hbm>> -> memref<512xf32, #tpu.memory_space<hbm>>
    %dma_start3A_101 = arith.constant 512 : i32
    %dma_start3A_102 = tpu.memref_slice %arg26[%dma_start3A_101] : memref<3584xf32, #tpu.memory_space<vmem>> -> memref<512xf32, #tpu.memory_space<vmem>>
    %dma_start3A_103 = tpu.memref_slice %arg2[%add3A_73] : memref<786432xf32, #tpu.memory_space<hbm>> -> memref<512xf32, #tpu.memory_space<hbm>>
    tpu.enqueue_dma source(%dma_start3A_103 : memref<512xf32, #tpu.memory_space<hbm>>) target(%dma_start3A_102 : memref<512xf32, #tpu.memory_space<vmem>>) target_semaphore(%arg36 : memref<!tpu.dma_semaphore, #tpu.memory_space<semaphore_mem>>)
    %dma_start3A_104 = arith.constant 2048 : i32
    %dma_start3A_105 = tpu.memref_slice %arg26[%dma_start3A_104] : memref<3584xf32, #tpu.memory_space<vmem>> -> memref<512xf32, #tpu.memory_space<vmem>>
    %dma_start3A_106 = tpu.memref_slice %arg4[%add3A_75] : memref<786432xf32, #tpu.memory_space<hbm>> -> memref<512xf32, #tpu.memory_space<hbm>>
    %dma_start3A_107 = arith.constant 2048 : i32
    %dma_start3A_108 = tpu.memref_slice %arg26[%dma_start3A_107] : memref<3584xf32, #tpu.memory_space<vmem>> -> memref<512xf32, #tpu.memory_space<vmem>>
    %dma_start3A_109 = tpu.memref_slice %arg4[%add3A_75] : memref<786432xf32, #tpu.memory_space<hbm>> -> memref<512xf32, #tpu.memory_space<hbm>>
    tpu.enqueue_dma source(%dma_start3A_109 : memref<512xf32, #tpu.memory_space<hbm>>) target(%dma_start3A_108 : memref<512xf32, #tpu.memory_space<vmem>>) target_semaphore(%arg36 : memref<!tpu.dma_semaphore, #tpu.memory_space<semaphore_mem>>)
    %dma_start3A_110 = arith.constant 1024 : i32
    %dma_start3A_111 = tpu.memref_slice %arg26[%dma_start3A_110] : memref<3584xf32, #tpu.memory_space<vmem>> -> memref<512xf32, #tpu.memory_space<vmem>>
    %dma_start3A_112 = tpu.memref_slice %arg2[%add3A_77] : memref<786432xf32, #tpu.memory_space<hbm>> -> memref<512xf32, #tpu.memory_space<hbm>>
    %dma_start3A_113 = arith.constant 1024 : i32
    %dma_start3A_114 = tpu.memref_slice %arg26[%dma_start3A_113] : memref<3584xf32, #tpu.memory_space<vmem>> -> memref<512xf32, #tpu.memory_space<vmem>>
    %dma_start3A_115 = tpu.memref_slice %arg2[%add3A_77] : memref<786432xf32, #tpu.memory_space<hbm>> -> memref<512xf32, #tpu.memory_space<hbm>>
    tpu.enqueue_dma source(%dma_start3A_115 : memref<512xf32, #tpu.memory_space<hbm>>) target(%dma_start3A_114 : memref<512xf32, #tpu.memory_space<vmem>>) target_semaphore(%arg36 : memref<!tpu.dma_semaphore, #tpu.memory_space<semaphore_mem>>)
    %dma_start3A_116 = arith.constant 2560 : i32
    %dma_start3A_117 = tpu.memref_slice %arg26[%dma_start3A_116] : memref<3584xf32, #tpu.memory_space<vmem>> -> memref<512xf32, #tpu.memory_space<vmem>>
    %dma_start3A_118 = tpu.memref_slice %arg4[%add3A_79] : memref<786432xf32, #tpu.memory_space<hbm>> -> memref<512xf32, #tpu.memory_space<hbm>>
    %dma_start3A_119 = arith.constant 2560 : i32
    %dma_start3A_120 = tpu.memref_slice %arg26[%dma_start3A_119] : memref<3584xf32, #tpu.memory_space<vmem>> -> memref<512xf32, #tpu.memory_space<vmem>>
    %dma_start3A_121 = tpu.memref_slice %arg4[%add3A_79] : memref<786432xf32, #tpu.memory_space<hbm>> -> memref<512xf32, #tpu.memory_space<hbm>>
    tpu.enqueue_dma source(%dma_start3A_121 : memref<512xf32, #tpu.memory_space<hbm>>) target(%dma_start3A_120 : memref<512xf32, #tpu.memory_space<vmem>>) target_semaphore(%arg36 : memref<!tpu.dma_semaphore, #tpu.memory_space<semaphore_mem>>)
    %dma_start3A_122 = arith.constant 3072 : i32
    %dma_start3A_123 = tpu.memref_slice %arg26[%dma_start3A_122] : memref<3584xf32, #tpu.memory_space<vmem>> -> memref<512xf32, #tpu.memory_space<vmem>>
    %dma_start3A_124 = tpu.memref_slice %arg5[%mul3A_67] : memref<262144xf32, #tpu.memory_space<hbm>> -> memref<512xf32, #tpu.memory_space<hbm>>
    %dma_start3A_125 = arith.constant 3072 : i32
    %dma_start3A_126 = tpu.memref_slice %arg26[%dma_start3A_125] : memref<3584xf32, #tpu.memory_space<vmem>> -> memref<512xf32, #tpu.memory_space<vmem>>
    %dma_start3A_127 = tpu.memref_slice %arg5[%mul3A_67] : memref<262144xf32, #tpu.memory_space<hbm>> -> memref<512xf32, #tpu.memory_space<hbm>>
    tpu.enqueue_dma source(%dma_start3A_127 : memref<512xf32, #tpu.memory_space<hbm>>) target(%dma_start3A_126 : memref<512xf32, #tpu.memory_space<vmem>>) target_semaphore(%arg36 : memref<!tpu.dma_semaphore, #tpu.memory_space<semaphore_mem>>)
    %dma_start3A_128 = tpu.memref_slice %arg3[%mul3A_81] : memref<1048576xf32, #tpu.memory_space<hbm>> -> memref<2048xf32, #tpu.memory_space<hbm>>
    %dma_start3A_129 = tpu.memref_slice %arg3[%mul3A_81] : memref<1048576xf32, #tpu.memory_space<hbm>> -> memref<2048xf32, #tpu.memory_space<hbm>>
    tpu.enqueue_dma source(%dma_start3A_129 : memref<2048xf32, #tpu.memory_space<hbm>>) target(%arg27 : memref<2048xf32, #tpu.memory_space<vmem>>) target_semaphore(%arg36 : memref<!tpu.dma_semaphore, #tpu.memory_space<semaphore_mem>>)
    %dma_start3A_130 = tpu.memref_slice %arg7[%mul3A_83] : memref<2097152xf32, #tpu.memory_space<hbm>> -> memref<4096xf32, #tpu.memory_space<hbm>>
    %dma_start3A_131 = tpu.memref_slice %arg7[%mul3A_83] : memref<2097152xf32, #tpu.memory_space<hbm>> -> memref<4096xf32, #tpu.memory_space<hbm>>
    tpu.enqueue_dma source(%dma_start3A_131 : memref<4096xf32, #tpu.memory_space<hbm>>) target(%arg28 : memref<4096xf32, #tpu.memory_space<vmem>>) target_semaphore(%arg36 : memref<!tpu.dma_semaphore, #tpu.memory_space<semaphore_mem>>)
    %dma_start3A_132 = tpu.memref_slice %arg6[%mul3A_85] : memref<2097152xi32, #tpu.memory_space<hbm>> -> memref<4096xi32, #tpu.memory_space<hbm>>
    %dma_start3A_133 = tpu.memref_slice %arg6[%mul3A_85] : memref<2097152xi32, #tpu.memory_space<hbm>> -> memref<4096xi32, #tpu.memory_space<hbm>>
    tpu.enqueue_dma source(%dma_start3A_133 : memref<4096xi32, #tpu.memory_space<hbm>>) target(%arg29 : memref<4096xi32, #tpu.memory_space<vmem>>) target_semaphore(%arg36 : memref<!tpu.dma_semaphore, #tpu.memory_space<semaphore_mem>>)
    %dma_wait3A = arith.constant 0 : i32
    %dma_wait3A_134 = tpu.memref_slice %arg24[%dma_wait3A] : memref<3584xf32, #tpu.memory_space<vmem>> -> memref<256xf32, #tpu.memory_space<vmem>>
    %dma_wait3A_135 = tpu.memref_slice %arg8[%add3A_4] : memref<12288xf32, #tpu.memory_space<hbm>> -> memref<256xf32, #tpu.memory_space<hbm>>
    %dma_wait3A_136 = arith.constant 0 : i32
    %dma_wait3A_137 = tpu.memref_slice %arg24[%dma_wait3A_136] : memref<3584xf32, #tpu.memory_space<vmem>> -> memref<256xf32, #tpu.memory_space<vmem>>
    %dma_wait3A_138 = tpu.memref_slice %arg8[%add3A_4] : memref<12288xf32, #tpu.memory_space<hbm>> -> memref<256xf32, #tpu.memory_space<hbm>>
    tpu.wait_dma2 semaphore(%arg36 : memref<!tpu.dma_semaphore, #tpu.memory_space<semaphore_mem>>) src(%dma_wait3A_138 : memref<256xf32, #tpu.memory_space<hbm>>) dst(%dma_wait3A_137 : memref<256xf32, #tpu.memory_space<vmem>>)
    %dma_wait3A_139 = arith.constant 768 : i32
    %dma_wait3A_140 = tpu.memref_slice %arg24[%dma_wait3A_139] : memref<3584xf32, #tpu.memory_space<vmem>> -> memref<256xf32, #tpu.memory_space<vmem>>
    %dma_wait3A_141 = tpu.memref_slice %arg10[%add3A_11] : memref<12288xf32, #tpu.memory_space<hbm>> -> memref<256xf32, #tpu.memory_space<hbm>>
    %dma_wait3A_142 = arith.constant 768 : i32
    %dma_wait3A_143 = tpu.memref_slice %arg24[%dma_wait3A_142] : memref<3584xf32, #tpu.memory_space<vmem>> -> memref<256xf32, #tpu.memory_space<vmem>>
    %dma_wait3A_144 = tpu.memref_slice %arg10[%add3A_11] : memref<12288xf32, #tpu.memory_space<hbm>> -> memref<256xf32, #tpu.memory_space<hbm>>
    tpu.wait_dma2 semaphore(%arg36 : memref<!tpu.dma_semaphore, #tpu.memory_space<semaphore_mem>>) src(%dma_wait3A_144 : memref<256xf32, #tpu.memory_space<hbm>>) dst(%dma_wait3A_143 : memref<256xf32, #tpu.memory_space<vmem>>)
    %dma_wait3A_145 = arith.constant 256 : i32
    %dma_wait3A_146 = tpu.memref_slice %arg24[%dma_wait3A_145] : memref<3584xf32, #tpu.memory_space<vmem>> -> memref<256xf32, #tpu.memory_space<vmem>>
    %dma_wait3A_147 = tpu.memref_slice %arg8[%add3A_19] : memref<12288xf32, #tpu.memory_space<hbm>> -> memref<256xf32, #tpu.memory_space<hbm>>
    %dma_wait3A_148 = arith.constant 256 : i32
    %dma_wait3A_149 = tpu.memref_slice %arg24[%dma_wait3A_148] : memref<3584xf32, #tpu.memory_space<vmem>> -> memref<256xf32, #tpu.memory_space<vmem>>
    %dma_wait3A_150 = tpu.memref_slice %arg8[%add3A_19] : memref<12288xf32, #tpu.memory_space<hbm>> -> memref<256xf32, #tpu.memory_space<hbm>>
    tpu.wait_dma2 semaphore(%arg36 : memref<!tpu.dma_semaphore, #tpu.memory_space<semaphore_mem>>) src(%dma_wait3A_150 : memref<256xf32, #tpu.memory_space<hbm>>) dst(%dma_wait3A_149 : memref<256xf32, #tpu.memory_space<vmem>>)
    %dma_wait3A_151 = arith.constant 1024 : i32
    %dma_wait3A_152 = tpu.memref_slice %arg24[%dma_wait3A_151] : memref<3584xf32, #tpu.memory_space<vmem>> -> memref<256xf32, #tpu.memory_space<vmem>>
    %dma_wait3A_153 = tpu.memref_slice %arg10[%add3A_27] : memref<12288xf32, #tpu.memory_space<hbm>> -> memref<256xf32, #tpu.memory_space<hbm>>
    %dma_wait3A_154 = arith.constant 1024 : i32
    %dma_wait3A_155 = tpu.memref_slice %arg24[%dma_wait3A_154] : memref<3584xf32, #tpu.memory_space<vmem>> -> memref<256xf32, #tpu.memory_space<vmem>>
    %dma_wait3A_156 = tpu.memref_slice %arg10[%add3A_27] : memref<12288xf32, #tpu.memory_space<hbm>> -> memref<256xf32, #tpu.memory_space<hbm>>
    tpu.wait_dma2 semaphore(%arg36 : memref<!tpu.dma_semaphore, #tpu.memory_space<semaphore_mem>>) src(%dma_wait3A_156 : memref<256xf32, #tpu.memory_space<hbm>>) dst(%dma_wait3A_155 : memref<256xf32, #tpu.memory_space<vmem>>)
    %dma_wait3A_157 = arith.constant 512 : i32
    %dma_wait3A_158 = tpu.memref_slice %arg24[%dma_wait3A_157] : memref<3584xf32, #tpu.memory_space<vmem>> -> memref<256xf32, #tpu.memory_space<vmem>>
    %dma_wait3A_159 = tpu.memref_slice %arg8[%add3A_35] : memref<12288xf32, #tpu.memory_space<hbm>> -> memref<256xf32, #tpu.memory_space<hbm>>
    %dma_wait3A_160 = arith.constant 512 : i32
    %dma_wait3A_161 = tpu.memref_slice %arg24[%dma_wait3A_160] : memref<3584xf32, #tpu.memory_space<vmem>> -> memref<256xf32, #tpu.memory_space<vmem>>
    %dma_wait3A_162 = tpu.memref_slice %arg8[%add3A_35] : memref<12288xf32, #tpu.memory_space<hbm>> -> memref<256xf32, #tpu.memory_space<hbm>>
    tpu.wait_dma2 semaphore(%arg36 : memref<!tpu.dma_semaphore, #tpu.memory_space<semaphore_mem>>) src(%dma_wait3A_162 : memref<256xf32, #tpu.memory_space<hbm>>) dst(%dma_wait3A_161 : memref<256xf32, #tpu.memory_space<vmem>>)
    %dma_wait3A_163 = arith.constant 1280 : i32
    %dma_wait3A_164 = tpu.memref_slice %arg24[%dma_wait3A_163] : memref<3584xf32, #tpu.memory_space<vmem>> -> memref<256xf32, #tpu.memory_space<vmem>>
    %dma_wait3A_165 = tpu.memref_slice %arg10[%add3A_43] : memref<12288xf32, #tpu.memory_space<hbm>> -> memref<256xf32, #tpu.memory_space<hbm>>
    %dma_wait3A_166 = arith.constant 1280 : i32
    %dma_wait3A_167 = tpu.memref_slice %arg24[%dma_wait3A_166] : memref<3584xf32, #tpu.memory_space<vmem>> -> memref<256xf32, #tpu.memory_space<vmem>>
    %dma_wait3A_168 = tpu.memref_slice %arg10[%add3A_43] : memref<12288xf32, #tpu.memory_space<hbm>> -> memref<256xf32, #tpu.memory_space<hbm>>
    tpu.wait_dma2 semaphore(%arg36 : memref<!tpu.dma_semaphore, #tpu.memory_space<semaphore_mem>>) src(%dma_wait3A_168 : memref<256xf32, #tpu.memory_space<hbm>>) dst(%dma_wait3A_167 : memref<256xf32, #tpu.memory_space<vmem>>)
    %dma_wait3A_169 = arith.constant 1536 : i32
    %dma_wait3A_170 = tpu.memref_slice %arg24[%dma_wait3A_169] : memref<3584xf32, #tpu.memory_space<vmem>> -> memref<1024xf32, #tpu.memory_space<vmem>>
    %dma_wait3A_171 = tpu.memref_slice %arg9[%mul3A_51] : memref<16384xf32, #tpu.memory_space<hbm>> -> memref<1024xf32, #tpu.memory_space<hbm>>
    %dma_wait3A_172 = arith.constant 1536 : i32
    %dma_wait3A_173 = tpu.memref_slice %arg24[%dma_wait3A_172] : memref<3584xf32, #tpu.memory_space<vmem>> -> memref<1024xf32, #tpu.memory_space<vmem>>
    %dma_wait3A_174 = tpu.memref_slice %arg9[%mul3A_51] : memref<16384xf32, #tpu.memory_space<hbm>> -> memref<1024xf32, #tpu.memory_space<hbm>>
    tpu.wait_dma2 semaphore(%arg36 : memref<!tpu.dma_semaphore, #tpu.memory_space<semaphore_mem>>) src(%dma_wait3A_174 : memref<1024xf32, #tpu.memory_space<hbm>>) dst(%dma_wait3A_173 : memref<1024xf32, #tpu.memory_space<vmem>>)
    %dma_wait3A_175 = arith.constant 2560 : i32
    %dma_wait3A_176 = tpu.memref_slice %arg24[%dma_wait3A_175] : memref<3584xf32, #tpu.memory_space<vmem>> -> memref<1024xf32, #tpu.memory_space<vmem>>
    %dma_wait3A_177 = tpu.memref_slice %arg11[%mul3A_59] : memref<16384xf32, #tpu.memory_space<hbm>> -> memref<1024xf32, #tpu.memory_space<hbm>>
    %dma_wait3A_178 = arith.constant 2560 : i32
    %dma_wait3A_179 = tpu.memref_slice %arg24[%dma_wait3A_178] : memref<3584xf32, #tpu.memory_space<vmem>> -> memref<1024xf32, #tpu.memory_space<vmem>>
    %dma_wait3A_180 = tpu.memref_slice %arg11[%mul3A_59] : memref<16384xf32, #tpu.memory_space<hbm>> -> memref<1024xf32, #tpu.memory_space<hbm>>
    tpu.wait_dma2 semaphore(%arg36 : memref<!tpu.dma_semaphore, #tpu.memory_space<semaphore_mem>>) src(%dma_wait3A_180 : memref<1024xf32, #tpu.memory_space<hbm>>) dst(%dma_wait3A_179 : memref<1024xf32, #tpu.memory_space<vmem>>)
    %scan3A = arith.constant 0 : i32
    %scan3A_181 = arith.constant 0 : i32
    %scan3A_182 = arith.constant 16 : i32
    %scan3A_183 = arith.addi %scan3A_181, %scan3A_182 : i32
    %scan3A_184 = arith.constant 1 : i32
    scf.for %scan3A_326 = %scan3A_181 to %scan3A_183 step %scan3A_184  : i32 {
      %jit3A = arith.constant 8 : i32
      %div3A = arith.divsi %scan3A_326, %jit3A : i32
      %sign3A = arith.constant 0 : i32
      %sign3A_327 = arith.cmpi sgt, %scan3A_326, %sign3A : i32
      %sign3A_328 = arith.extui %sign3A_327 : i1 to i32
      %sign3A_329 = arith.constant 0 : i32
      %sign3A_330 = arith.cmpi slt, %scan3A_326, %sign3A_329 : i32
      %sign3A_331 = arith.extui %sign3A_330 : i1 to i32
      %sign3A_332 = arith.subi %sign3A_328, %sign3A_331 : i32
      %sign3A_333 = arith.constant 0 : i32
      %sign3A_334 = arith.cmpi sgt, %jit3A, %sign3A_333 : i32
      %sign3A_335 = arith.extui %sign3A_334 : i1 to i32
      %sign3A_336 = arith.constant 0 : i32
      %sign3A_337 = arith.cmpi slt, %jit3A, %sign3A_336 : i32
      %sign3A_338 = arith.extui %sign3A_337 : i1 to i32
      %sign3A_339 = arith.subi %sign3A_335, %sign3A_338 : i32
      %ne3A = arith.cmpi ne, %sign3A_332, %sign3A_339 : i32
      %rem3A = arith.remsi %scan3A_326, %jit3A : i32
      %ne3A_340 = arith.constant 0 : i32
      %ne3A_341 = arith.cmpi ne, %rem3A, %ne3A_340 : i32
      %and3A = arith.andi %ne3A, %ne3A_341 : i1
      %sub3A = arith.constant 1 : i32
      %sub3A_342 = arith.subi %div3A, %sub3A : i32
      %select_n3A = arith.select %and3A, %sub3A_342, %div3A : i32
      %jit3A_343 = arith.constant 8 : i32
      %eq3A = arith.constant 0 : i32
      %eq3A_344 = arith.cmpi eq, %jit3A_343, %eq3A : i32
      %jit3A_345 = arith.constant 1 : i32
      %select_n3A_346 = arith.select %eq3A_344, %jit3A_345, %jit3A_343 : i32
      %rem3A_347 = arith.remsi %scan3A_326, %select_n3A_346 : i32
      %ne3A_348 = arith.constant 0 : i32
      %ne3A_349 = arith.cmpi ne, %rem3A_347, %ne3A_348 : i32
      %lt3A = arith.constant 0 : i32
      %lt3A_350 = arith.cmpi slt, %rem3A_347, %lt3A : i32
      %lt3A_351 = arith.constant 0 : i32
      %lt3A_352 = arith.cmpi slt, %select_n3A_346, %lt3A_351 : i32
      %ne3A_353 = arith.xori %lt3A_350, %lt3A_352 : i1
      %and3A_354 = arith.andi %ne3A_353, %ne3A_349 : i1
      %add3A_355 = arith.addi %rem3A_347, %select_n3A_346 : i32
      %select_n3A_356 = arith.select %and3A_354, %add3A_355, %rem3A_347 : i32
      %mul3A_357 = arith.constant 16 : i32
      %mul3A_358 = arith.muli %select_n3A_356, %mul3A_357 : i32
      %mul3A_359 = arith.constant 512 : i32
      %mul3A_360 = arith.muli %select_n3A, %mul3A_359 : i32
      %add3A_361 = arith.addi %mul3A_360, %mul3A_358 : i32
      %mul3A_362 = arith.constant 16 : i32
      %mul3A_363 = arith.muli %scan3A_326, %mul3A_362 : i32
      %add3A_364 = arith.constant 0 : i32
      %add3A_365 = arith.addi %add3A_364, %mul3A_363 : i32
      %add3A_366 = vector.broadcast %add3A_365 : i32 to vector<16xi32>
      %add3A_367 = arith.addi %iota3A, %add3A_366 : vector<16xi32>
      %gather3A = tpu.vector_load_idx %arg24[%add3A_367] : memref<3584xf32, #tpu.memory_space<vmem>>[vector<16xi32>], vector<16xf32>,
      %mul3A_368 = arith.constant 16 : i32
      %mul3A_369 = arith.muli %scan3A_326, %mul3A_368 : i32
      %add3A_370 = arith.constant 256 : i32
      %add3A_371 = arith.addi %add3A_370, %mul3A_369 : i32
      %add3A_372 = vector.broadcast %add3A_371 : i32 to vector<16xi32>
      %add3A_373 = arith.addi %iota3A, %add3A_372 : vector<16xi32>
      %gather3A_374 = tpu.vector_load_idx %arg24[%add3A_373] : memref<3584xf32, #tpu.memory_space<vmem>>[vector<16xi32>], vector<16xf32>,
      %mul3A_375 = arith.constant 16 : i32
      %mul3A_376 = arith.muli %scan3A_326, %mul3A_375 : i32
      %add3A_377 = arith.constant 512 : i32
      %add3A_378 = arith.addi %add3A_377, %mul3A_376 : i32
      %add3A_379 = vector.broadcast %add3A_378 : i32 to vector<16xi32>
      %add3A_380 = arith.addi %iota3A, %add3A_379 : vector<16xi32>
      %gather3A_381 = tpu.vector_load_idx %arg24[%add3A_380] : memref<3584xf32, #tpu.memory_space<vmem>>[vector<16xi32>], vector<16xf32>,
      %add3A_382 = arith.constant 1536 : i32
      %add3A_383 = arith.addi %add3A_382, %add3A_361 : i32
      %add3A_384 = arith.constant 0 : i32
      %add3A_385 = arith.addi %add3A_383, %add3A_384 : i32
      %add3A_386 = vector.broadcast %add3A_385 : i32 to vector<16xi32>
      %add3A_387 = arith.addi %iota3A, %add3A_386 : vector<16xi32>
      %gather3A_388 = tpu.vector_load_idx %arg24[%add3A_387] : memref<3584xf32, #tpu.memory_space<vmem>>[vector<16xi32>], vector<16xf32>,
      %add3A_389 = arith.constant 1536 : i32
      %add3A_390 = arith.addi %add3A_389, %add3A_361 : i32
      %add3A_391 = arith.constant 128 : i32
      %add3A_392 = arith.addi %add3A_390, %add3A_391 : i32
      %add3A_393 = vector.broadcast %add3A_392 : i32 to vector<16xi32>
      %add3A_394 = arith.addi %iota3A, %add3A_393 : vector<16xi32>
      %gather3A_395 = tpu.vector_load_idx %arg24[%add3A_394] : memref<3584xf32, #tpu.memory_space<vmem>>[vector<16xi32>], vector<16xf32>,
      %add3A_396 = arith.constant 1536 : i32
      %add3A_397 = arith.addi %add3A_396, %add3A_361 : i32
      %add3A_398 = arith.constant 256 : i32
      %add3A_399 = arith.addi %add3A_397, %add3A_398 : i32
      %add3A_400 = vector.broadcast %add3A_399 : i32 to vector<16xi32>
      %add3A_401 = arith.addi %iota3A, %add3A_400 : vector<16xi32>
      %gather3A_402 = tpu.vector_load_idx %arg24[%add3A_401] : memref<3584xf32, #tpu.memory_space<vmem>>[vector<16xi32>], vector<16xf32>,
      %add3A_403 = arith.constant 1536 : i32
      %add3A_404 = arith.addi %add3A_403, %add3A_361 : i32
      %add3A_405 = arith.constant 384 : i32
      %add3A_406 = arith.addi %add3A_404, %add3A_405 : i32
      %add3A_407 = vector.broadcast %add3A_406 : i32 to vector<16xi32>
      %add3A_408 = arith.addi %iota3A, %add3A_407 : vector<16xi32>
      %gather3A_409 = tpu.vector_load_idx %arg24[%add3A_408] : memref<3584xf32, #tpu.memory_space<vmem>>[vector<16xi32>], vector<16xf32>,
      %mul3A_410 = arith.constant 16 : i32
      %mul3A_411 = arith.muli %scan3A_326, %mul3A_410 : i32
      %add3A_412 = arith.constant 768 : i32
      %add3A_413 = arith.addi %add3A_412, %mul3A_411 : i32
      %add3A_414 = vector.broadcast %add3A_413 : i32 to vector<16xi32>
      %add3A_415 = arith.addi %iota3A, %add3A_414 : vector<16xi32>
      %gather3A_416 = tpu.vector_load_idx %arg24[%add3A_415] : memref<3584xf32, #tpu.memory_space<vmem>>[vector<16xi32>], vector<16xf32>,
      %mul3A_417 = arith.constant 16 : i32
      %mul3A_418 = arith.muli %scan3A_326, %mul3A_417 : i32
      %add3A_419 = arith.constant 1024 : i32
      %add3A_420 = arith.addi %add3A_419, %mul3A_418 : i32
      %add3A_421 = vector.broadcast %add3A_420 : i32 to vector<16xi32>
      %add3A_422 = arith.addi %iota3A, %add3A_421 : vector<16xi32>
      %gather3A_423 = tpu.vector_load_idx %arg24[%add3A_422] : memref<3584xf32, #tpu.memory_space<vmem>>[vector<16xi32>], vector<16xf32>,
      %mul3A_424 = arith.constant 16 : i32
      %mul3A_425 = arith.muli %scan3A_326, %mul3A_424 : i32
      %add3A_426 = arith.constant 1280 : i32
      %add3A_427 = arith.addi %add3A_426, %mul3A_425 : i32
      %add3A_428 = vector.broadcast %add3A_427 : i32 to vector<16xi32>
      %add3A_429 = arith.addi %iota3A, %add3A_428 : vector<16xi32>
      %gather3A_430 = tpu.vector_load_idx %arg24[%add3A_429] : memref<3584xf32, #tpu.memory_space<vmem>>[vector<16xi32>], vector<16xf32>,
      %add3A_431 = arith.constant 2560 : i32
      %add3A_432 = arith.addi %add3A_431, %add3A_361 : i32
      %add3A_433 = arith.constant 0 : i32
      %add3A_434 = arith.addi %add3A_432, %add3A_433 : i32
      %add3A_435 = vector.broadcast %add3A_434 : i32 to vector<16xi32>
      %add3A_436 = arith.addi %iota3A, %add3A_435 : vector<16xi32>
      %gather3A_437 = tpu.vector_load_idx %arg24[%add3A_436] : memref<3584xf32, #tpu.memory_space<vmem>>[vector<16xi32>], vector<16xf32>,
      %add3A_438 = arith.constant 2560 : i32
      %add3A_439 = arith.addi %add3A_438, %add3A_361 : i32
      %add3A_440 = arith.constant 128 : i32
      %add3A_441 = arith.addi %add3A_439, %add3A_440 : i32
      %add3A_442 = vector.broadcast %add3A_441 : i32 to vector<16xi32>
      %add3A_443 = arith.addi %iota3A, %add3A_442 : vector<16xi32>
      %gather3A_444 = tpu.vector_load_idx %arg24[%add3A_443] : memref<3584xf32, #tpu.memory_space<vmem>>[vector<16xi32>], vector<16xf32>,
      %add3A_445 = arith.constant 2560 : i32
      %add3A_446 = arith.addi %add3A_445, %add3A_361 : i32
      %add3A_447 = arith.constant 256 : i32
      %add3A_448 = arith.addi %add3A_446, %add3A_447 : i32
      %add3A_449 = vector.broadcast %add3A_448 : i32 to vector<16xi32>
      %add3A_450 = arith.addi %iota3A, %add3A_449 : vector<16xi32>
      %gather3A_451 = tpu.vector_load_idx %arg24[%add3A_450] : memref<3584xf32, #tpu.memory_space<vmem>>[vector<16xi32>], vector<16xf32>,
      %add3A_452 = arith.constant 2560 : i32
      %add3A_453 = arith.addi %add3A_452, %add3A_361 : i32
      %add3A_454 = arith.constant 384 : i32
      %add3A_455 = arith.addi %add3A_453, %add3A_454 : i32
      %add3A_456 = vector.broadcast %add3A_455 : i32 to vector<16xi32>
      %add3A_457 = arith.addi %iota3A, %add3A_456 : vector<16xi32>
      %gather3A_458 = tpu.vector_load_idx %arg24[%add3A_457] : memref<3584xf32, #tpu.memory_space<vmem>>[vector<16xi32>], vector<16xf32>,
      %mul3A_459 = arith.mulf %gather3A_388, %gather3A_388 : vector<16xf32>
      %mul3A_460 = arith.mulf %gather3A_395, %gather3A_395 : vector<16xf32>
      %add3A_461 = arith.addf %mul3A_459, %mul3A_460 : vector<16xf32>
      %mul3A_462 = arith.mulf %gather3A_402, %gather3A_402 : vector<16xf32>
      %mul3A_463 = arith.mulf %gather3A_409, %gather3A_409 : vector<16xf32>
      %add3A_464 = arith.addf %mul3A_462, %mul3A_463 : vector<16xf32>
      %add3A_465 = arith.addf %add3A_461, %add3A_464 : vector<16xf32>
      %max3A = arith.constant 1.000000e-30 : f32
      %max3A_466 = vector.broadcast %max3A : f32 to vector<16xf32>
      %max3A_467 = arith.maximumf %add3A_465, %max3A_466 : vector<16xf32>
      %bitcast3A = vector.bitcast %max3A_467 : vector<16xf32> to vector<16xi32>
      %shift_right_arithmetic3A = arith.constant 1 : i32
      %shift_right_arithmetic3A_468 = vector.broadcast %shift_right_arithmetic3A : i32 to vector<16xi32>
      %shift_right_arithmetic3A_469 = arith.shrsi %bitcast3A, %shift_right_arithmetic3A_468 : vector<16xi32>
      %sub3A_470 = arith.constant 1597463007 : i32
      %sub3A_471 = vector.broadcast %sub3A_470 : i32 to vector<16xi32>
      %sub3A_472 = arith.subi %sub3A_471, %shift_right_arithmetic3A_469 : vector<16xi32>
      %bitcast3A_473 = vector.bitcast %sub3A_472 : vector<16xi32> to vector<16xf32>
      %mul3A_474 = arith.constant 5.000000e-01 : f32
      %mul3A_475 = vector.broadcast %mul3A_474 : f32 to vector<16xf32>
      %mul3A_476 = arith.mulf %mul3A_475, %max3A_467 : vector<16xf32>
      %mul3A_477 = arith.mulf %mul3A_476, %bitcast3A_473 : vector<16xf32>
      %mul3A_478 = arith.mulf %mul3A_477, %bitcast3A_473 : vector<16xf32>
      %sub3A_479 = arith.constant 1.500000e+00 : f32
      %sub3A_480 = vector.broadcast %sub3A_479 : f32 to vector<16xf32>
      %sub3A_481 = arith.subf %sub3A_480, %mul3A_478 : vector<16xf32>
      %mul3A_482 = arith.mulf %bitcast3A_473, %sub3A_481 : vector<16xf32>
      %mul3A_483 = arith.constant 5.000000e-01 : f32
      %mul3A_484 = vector.broadcast %mul3A_483 : f32 to vector<16xf32>
      %mul3A_485 = arith.mulf %mul3A_484, %max3A_467 : vector<16xf32>
      %mul3A_486 = arith.mulf %mul3A_485, %mul3A_482 : vector<16xf32>
      %mul3A_487 = arith.mulf %mul3A_486, %mul3A_482 : vector<16xf32>
      %sub3A_488 = arith.constant 1.500000e+00 : f32
      %sub3A_489 = vector.broadcast %sub3A_488 : f32 to vector<16xf32>
      %sub3A_490 = arith.subf %sub3A_489, %mul3A_487 : vector<16xf32>
      %mul3A_491 = arith.mulf %mul3A_482, %sub3A_490 : vector<16xf32>
      %mul3A_492 = arith.constant 5.000000e-01 : f32
      %mul3A_493 = vector.broadcast %mul3A_492 : f32 to vector<16xf32>
      %mul3A_494 = arith.mulf %mul3A_493, %max3A_467 : vector<16xf32>
      %mul3A_495 = arith.mulf %mul3A_494, %mul3A_491 : vector<16xf32>
      %mul3A_496 = arith.mulf %mul3A_495, %mul3A_491 : vector<16xf32>
      %sub3A_497 = arith.constant 1.500000e+00 : f32
      %sub3A_498 = vector.broadcast %sub3A_497 : f32 to vector<16xf32>
      %sub3A_499 = arith.subf %sub3A_498, %mul3A_496 : vector<16xf32>
      %mul3A_500 = arith.mulf %mul3A_491, %sub3A_499 : vector<16xf32>
      %mul3A_501 = arith.mulf %add3A_465, %mul3A_500 : vector<16xf32>
      %add3A_502 = arith.constant 9.99999993E-9 : f32
      %add3A_503 = vector.broadcast %add3A_502 : f32 to vector<16xf32>
      %add3A_504 = arith.addf %mul3A_501, %add3A_503 : vector<16xf32>
      %div3A_505 = arith.constant 1.000000e+00 : f32
      %div3A_506 = vector.broadcast %div3A_505 : f32 to vector<16xf32>
      %div3A_507 = arith.divf %div3A_506, %add3A_504 : vector<16xf32>
      %mul3A_508 = arith.mulf %gather3A_437, %gather3A_437 : vector<16xf32>
      %mul3A_509 = arith.mulf %gather3A_444, %gather3A_444 : vector<16xf32>
      %add3A_510 = arith.addf %mul3A_508, %mul3A_509 : vector<16xf32>
      %mul3A_511 = arith.mulf %gather3A_451, %gather3A_451 : vector<16xf32>
      %mul3A_512 = arith.mulf %gather3A_458, %gather3A_458 : vector<16xf32>
      %add3A_513 = arith.addf %mul3A_511, %mul3A_512 : vector<16xf32>
      %add3A_514 = arith.addf %add3A_510, %add3A_513 : vector<16xf32>
      %max3A_515 = arith.constant 1.000000e-30 : f32
      %max3A_516 = vector.broadcast %max3A_515 : f32 to vector<16xf32>
      %max3A_517 = arith.maximumf %add3A_514, %max3A_516 : vector<16xf32>
      %bitcast3A_518 = vector.bitcast %max3A_517 : vector<16xf32> to vector<16xi32>
      %shift_right_arithmetic3A_519 = arith.constant 1 : i32
      %shift_right_arithmetic3A_520 = vector.broadcast %shift_right_arithmetic3A_519 : i32 to vector<16xi32>
      %shift_right_arithmetic3A_521 = arith.shrsi %bitcast3A_518, %shift_right_arithmetic3A_520 : vector<16xi32>
      %sub3A_522 = arith.constant 1597463007 : i32
      %sub3A_523 = vector.broadcast %sub3A_522 : i32 to vector<16xi32>
      %sub3A_524 = arith.subi %sub3A_523, %shift_right_arithmetic3A_521 : vector<16xi32>
      %bitcast3A_525 = vector.bitcast %sub3A_524 : vector<16xi32> to vector<16xf32>
      %mul3A_526 = arith.constant 5.000000e-01 : f32
      %mul3A_527 = vector.broadcast %mul3A_526 : f32 to vector<16xf32>
      %mul3A_528 = arith.mulf %mul3A_527, %max3A_517 : vector<16xf32>
      %mul3A_529 = arith.mulf %mul3A_528, %bitcast3A_525 : vector<16xf32>
      %mul3A_530 = arith.mulf %mul3A_529, %bitcast3A_525 : vector<16xf32>
      %sub3A_531 = arith.constant 1.500000e+00 : f32
      %sub3A_532 = vector.broadcast %sub3A_531 : f32 to vector<16xf32>
      %sub3A_533 = arith.subf %sub3A_532, %mul3A_530 : vector<16xf32>
      %mul3A_534 = arith.mulf %bitcast3A_525, %sub3A_533 : vector<16xf32>
      %mul3A_535 = arith.constant 5.000000e-01 : f32
      %mul3A_536 = vector.broadcast %mul3A_535 : f32 to vector<16xf32>
      %mul3A_537 = arith.mulf %mul3A_536, %max3A_517 : vector<16xf32>
      %mul3A_538 = arith.mulf %mul3A_537, %mul3A_534 : vector<16xf32>
      %mul3A_539 = arith.mulf %mul3A_538, %mul3A_534 : vector<16xf32>
      %sub3A_540 = arith.constant 1.500000e+00 : f32
      %sub3A_541 = vector.broadcast %sub3A_540 : f32 to vector<16xf32>
      %sub3A_542 = arith.subf %sub3A_541, %mul3A_539 : vector<16xf32>
      %mul3A_543 = arith.mulf %mul3A_534, %sub3A_542 : vector<16xf32>
      %mul3A_544 = arith.constant 5.000000e-01 : f32
      %mul3A_545 = vector.broadcast %mul3A_544 : f32 to vector<16xf32>
      %mul3A_546 = arith.mulf %mul3A_545, %max3A_517 : vector<16xf32>
      %mul3A_547 = arith.mulf %mul3A_546, %mul3A_543 : vector<16xf32>
      %mul3A_548 = arith.mulf %mul3A_547, %mul3A_543 : vector<16xf32>
      %sub3A_549 = arith.constant 1.500000e+00 : f32
      %sub3A_550 = vector.broadcast %sub3A_549 : f32 to vector<16xf32>
      %sub3A_551 = arith.subf %sub3A_550, %mul3A_548 : vector<16xf32>
      %mul3A_552 = arith.mulf %mul3A_543, %sub3A_551 : vector<16xf32>
      %mul3A_553 = arith.mulf %add3A_514, %mul3A_552 : vector<16xf32>
      %add3A_554 = arith.constant 9.99999993E-9 : f32
      %add3A_555 = vector.broadcast %add3A_554 : f32 to vector<16xf32>
      %add3A_556 = arith.addf %mul3A_553, %add3A_555 : vector<16xf32>
      %div3A_557 = arith.constant 1.000000e+00 : f32
      %div3A_558 = vector.broadcast %div3A_557 : f32 to vector<16xf32>
      %div3A_559 = arith.divf %div3A_558, %add3A_556 : vector<16xf32>
      %mul3A_560 = arith.mulf %gather3A_437, %div3A_559 : vector<16xf32>
      %mul3A_561 = arith.mulf %gather3A_444, %div3A_559 : vector<16xf32>
      %mul3A_562 = arith.mulf %gather3A_451, %div3A_559 : vector<16xf32>
      %mul3A_563 = arith.mulf %gather3A_458, %div3A_559 : vector<16xf32>
      %mul3A_564 = arith.mulf %gather3A_388, %div3A_507 : vector<16xf32>
      %neg3A = arith.constant 0.000000e+00 : f32
      %neg3A_565 = vector.broadcast %neg3A : f32 to vector<16xf32>
      %neg3A_566 = arith.subf %neg3A_565, %gather3A_395 : vector<16xf32>
      %mul3A_567 = arith.mulf %neg3A_566, %div3A_507 : vector<16xf32>
      %neg3A_568 = arith.constant 0.000000e+00 : f32
      %neg3A_569 = vector.broadcast %neg3A_568 : f32 to vector<16xf32>
      %neg3A_570 = arith.subf %neg3A_569, %gather3A_402 : vector<16xf32>
      %mul3A_571 = arith.mulf %neg3A_570, %div3A_507 : vector<16xf32>
      %neg3A_572 = arith.constant 0.000000e+00 : f32
      %neg3A_573 = vector.broadcast %neg3A_572 : f32 to vector<16xf32>
      %neg3A_574 = arith.subf %neg3A_573, %gather3A_409 : vector<16xf32>
      %mul3A_575 = arith.mulf %neg3A_574, %div3A_507 : vector<16xf32>
      %mul3A_576 = arith.mulf %mul3A_560, %mul3A_564 : vector<16xf32>
      %mul3A_577 = arith.mulf %mul3A_561, %mul3A_567 : vector<16xf32>
      %sub3A_578 = arith.subf %mul3A_576, %mul3A_577 : vector<16xf32>
      %mul3A_579 = arith.mulf %mul3A_562, %mul3A_571 : vector<16xf32>
      %sub3A_580 = arith.subf %sub3A_578, %mul3A_579 : vector<16xf32>
      %mul3A_581 = arith.mulf %mul3A_563, %mul3A_575 : vector<16xf32>
      %sub3A_582 = arith.subf %sub3A_580, %mul3A_581 : vector<16xf32>
      %mul3A_583 = arith.mulf %mul3A_560, %mul3A_567 : vector<16xf32>
      %mul3A_584 = arith.mulf %mul3A_561, %mul3A_564 : vector<16xf32>
      %add3A_585 = arith.addf %mul3A_583, %mul3A_584 : vector<16xf32>
      %mul3A_586 = arith.mulf %mul3A_562, %mul3A_575 : vector<16xf32>
      %add3A_587 = arith.addf %add3A_585, %mul3A_586 : vector<16xf32>
      %mul3A_588 = arith.mulf %mul3A_563, %mul3A_571 : vector<16xf32>
      %sub3A_589 = arith.subf %add3A_587, %mul3A_588 : vector<16xf32>
      %mul3A_590 = arith.mulf %mul3A_560, %mul3A_571 : vector<16xf32>
      %mul3A_591 = arith.mulf %mul3A_561, %mul3A_575 : vector<16xf32>
      %sub3A_592 = arith.subf %mul3A_590, %mul3A_591 : vector<16xf32>
      %mul3A_593 = arith.mulf %mul3A_562, %mul3A_564 : vector<16xf32>
      %add3A_594 = arith.addf %sub3A_592, %mul3A_593 : vector<16xf32>
      %mul3A_595 = arith.mulf %mul3A_563, %mul3A_567 : vector<16xf32>
      %add3A_596 = arith.addf %add3A_594, %mul3A_595 : vector<16xf32>
      %mul3A_597 = arith.mulf %mul3A_560, %mul3A_575 : vector<16xf32>
      %mul3A_598 = arith.mulf %mul3A_561, %mul3A_571 : vector<16xf32>
      %add3A_599 = arith.addf %mul3A_597, %mul3A_598 : vector<16xf32>
      %mul3A_600 = arith.mulf %mul3A_562, %mul3A_567 : vector<16xf32>
      %sub3A_601 = arith.subf %add3A_599, %mul3A_600 : vector<16xf32>
      %mul3A_602 = arith.mulf %mul3A_563, %mul3A_564 : vector<16xf32>
      %add3A_603 = arith.addf %sub3A_601, %mul3A_602 : vector<16xf32>
      %mul3A_604 = arith.mulf %sub3A_582, %sub3A_582 : vector<16xf32>
      %mul3A_605 = arith.mulf %sub3A_589, %sub3A_589 : vector<16xf32>
      %add3A_606 = arith.addf %mul3A_604, %mul3A_605 : vector<16xf32>
      %mul3A_607 = arith.mulf %add3A_596, %add3A_596 : vector<16xf32>
      %mul3A_608 = arith.mulf %add3A_603, %add3A_603 : vector<16xf32>
      %add3A_609 = arith.addf %mul3A_607, %mul3A_608 : vector<16xf32>
      %add3A_610 = arith.addf %add3A_606, %add3A_609 : vector<16xf32>
      %add3A_611 = arith.constant 1.000000e-30 : f32
      %add3A_612 = vector.broadcast %add3A_611 : f32 to vector<16xf32>
      %add3A_613 = arith.addf %add3A_610, %add3A_612 : vector<16xf32>
      %div3A_614 = arith.constant 2.000000e+00 : f32
      %div3A_615 = vector.broadcast %div3A_614 : f32 to vector<16xf32>
      %div3A_616 = arith.divf %div3A_615, %add3A_613 : vector<16xf32>
      %mul3A_617 = arith.mulf %sub3A_589, %div3A_616 : vector<16xf32>
      %mul3A_618 = arith.mulf %add3A_596, %div3A_616 : vector<16xf32>
      %mul3A_619 = arith.mulf %add3A_603, %div3A_616 : vector<16xf32>
      %mul3A_620 = arith.mulf %sub3A_582, %mul3A_617 : vector<16xf32>
      %mul3A_621 = arith.mulf %sub3A_582, %mul3A_618 : vector<16xf32>
      %mul3A_622 = arith.mulf %sub3A_582, %mul3A_619 : vector<16xf32>
      %mul3A_623 = arith.mulf %sub3A_589, %mul3A_617 : vector<16xf32>
      %mul3A_624 = arith.mulf %sub3A_589, %mul3A_618 : vector<16xf32>
      %mul3A_625 = arith.mulf %sub3A_589, %mul3A_619 : vector<16xf32>
      %mul3A_626 = arith.mulf %add3A_596, %mul3A_618 : vector<16xf32>
      %mul3A_627 = arith.mulf %add3A_596, %mul3A_619 : vector<16xf32>
      %mul3A_628 = arith.mulf %add3A_603, %mul3A_619 : vector<16xf32>
      %add3A_629 = arith.addf %mul3A_626, %mul3A_628 : vector<16xf32>
      %sub3A_630 = arith.constant 1.000000e+00 : f32
      %sub3A_631 = vector.broadcast %sub3A_630 : f32 to vector<16xf32>
      %sub3A_632 = arith.subf %sub3A_631, %add3A_629 : vector<16xf32>
      %sub3A_633 = arith.subf %mul3A_624, %mul3A_622 : vector<16xf32>
      %add3A_634 = arith.addf %mul3A_625, %mul3A_621 : vector<16xf32>
      %add3A_635 = arith.addf %mul3A_624, %mul3A_622 : vector<16xf32>
      %add3A_636 = arith.addf %mul3A_623, %mul3A_628 : vector<16xf32>
      %sub3A_637 = arith.constant 1.000000e+00 : f32
      %sub3A_638 = vector.broadcast %sub3A_637 : f32 to vector<16xf32>
      %sub3A_639 = arith.subf %sub3A_638, %add3A_636 : vector<16xf32>
      %sub3A_640 = arith.subf %mul3A_627, %mul3A_620 : vector<16xf32>
      %sub3A_641 = arith.subf %mul3A_625, %mul3A_621 : vector<16xf32>
      %add3A_642 = arith.addf %mul3A_627, %mul3A_620 : vector<16xf32>
      %add3A_643 = arith.addf %mul3A_623, %mul3A_626 : vector<16xf32>
      %sub3A_644 = arith.constant 1.000000e+00 : f32
      %sub3A_645 = vector.broadcast %sub3A_644 : f32 to vector<16xf32>
      %sub3A_646 = arith.subf %sub3A_645, %add3A_643 : vector<16xf32>
      %mul3A_647 = arith.mulf %sub3A_632, %gather3A : vector<16xf32>
      %mul3A_648 = arith.mulf %sub3A_633, %gather3A_374 : vector<16xf32>
      %add3A_649 = arith.addf %mul3A_647, %mul3A_648 : vector<16xf32>
      %mul3A_650 = arith.mulf %add3A_634, %gather3A_381 : vector<16xf32>
      %add3A_651 = arith.addf %add3A_649, %mul3A_650 : vector<16xf32>
      %sub3A_652 = arith.subf %gather3A_416, %add3A_651 : vector<16xf32>
      %mul3A_653 = arith.mulf %add3A_635, %gather3A : vector<16xf32>
      %mul3A_654 = arith.mulf %sub3A_639, %gather3A_374 : vector<16xf32>
      %add3A_655 = arith.addf %mul3A_653, %mul3A_654 : vector<16xf32>
      %mul3A_656 = arith.mulf %sub3A_640, %gather3A_381 : vector<16xf32>
      %add3A_657 = arith.addf %add3A_655, %mul3A_656 : vector<16xf32>
      %sub3A_658 = arith.subf %gather3A_423, %add3A_657 : vector<16xf32>
      %mul3A_659 = arith.mulf %sub3A_641, %gather3A : vector<16xf32>
      %mul3A_660 = arith.mulf %add3A_642, %gather3A_374 : vector<16xf32>
      %add3A_661 = arith.addf %mul3A_659, %mul3A_660 : vector<16xf32>
      %mul3A_662 = arith.mulf %sub3A_646, %gather3A_381 : vector<16xf32>
      %add3A_663 = arith.addf %add3A_661, %mul3A_662 : vector<16xf32>
      %sub3A_664 = arith.subf %gather3A_430, %add3A_663 : vector<16xf32>
      %mul3A_665 = arith.constant 16 : i32
      %mul3A_666 = arith.muli %scan3A_326, %mul3A_665 : i32
      %add3A_667 = arith.constant 0 : i32
      %add3A_668 = arith.addi %add3A_667, %mul3A_666 : i32
      %add3A_669 = vector.broadcast %add3A_668 : i32 to vector<16xi32>
      %add3A_670 = arith.addi %iota3A, %add3A_669 : vector<16xi32>
      tpu.vector_store_idx %arg25[%add3A_670], %sub3A_582 : memref<1792xf32, #tpu.memory_space<vmem>>[vector<16xi32>], vector<16xf32>,
      %add3A_671 = arith.constant 256 : i32
      %add3A_672 = arith.addi %add3A_671, %mul3A_666 : i32
      %add3A_673 = vector.broadcast %add3A_672 : i32 to vector<16xi32>
      %add3A_674 = arith.addi %iota3A, %add3A_673 : vector<16xi32>
      tpu.vector_store_idx %arg25[%add3A_674], %sub3A_589 : memref<1792xf32, #tpu.memory_space<vmem>>[vector<16xi32>], vector<16xf32>,
      %add3A_675 = arith.constant 512 : i32
      %add3A_676 = arith.addi %add3A_675, %mul3A_666 : i32
      %add3A_677 = vector.broadcast %add3A_676 : i32 to vector<16xi32>
      %add3A_678 = arith.addi %iota3A, %add3A_677 : vector<16xi32>
      tpu.vector_store_idx %arg25[%add3A_678], %add3A_596 : memref<1792xf32, #tpu.memory_space<vmem>>[vector<16xi32>], vector<16xf32>,
      %add3A_679 = arith.constant 768 : i32
      %add3A_680 = arith.addi %add3A_679, %mul3A_666 : i32
      %add3A_681 = vector.broadcast %add3A_680 : i32 to vector<16xi32>
      %add3A_682 = arith.addi %iota3A, %add3A_681 : vector<16xi32>
      tpu.vector_store_idx %arg25[%add3A_682], %add3A_603 : memref<1792xf32, #tpu.memory_space<vmem>>[vector<16xi32>], vector<16xf32>,
      %add3A_683 = arith.constant 1024 : i32
      %add3A_684 = arith.addi %add3A_683, %mul3A_666 : i32
      %add3A_685 = vector.broadcast %add3A_684 : i32 to vector<16xi32>
      %add3A_686 = arith.addi %iota3A, %add3A_685 : vector<16xi32>
      tpu.vector_store_idx %arg25[%add3A_686], %sub3A_652 : memref<1792xf32, #tpu.memory_space<vmem>>[vector<16xi32>], vector<16xf32>,
      %add3A_687 = arith.constant 1280 : i32
      %add3A_688 = arith.addi %add3A_687, %mul3A_666 : i32
      %add3A_689 = vector.broadcast %add3A_688 : i32 to vector<16xi32>
      %add3A_690 = arith.addi %iota3A, %add3A_689 : vector<16xi32>
      tpu.vector_store_idx %arg25[%add3A_690], %sub3A_658 : memref<1792xf32, #tpu.memory_space<vmem>>[vector<16xi32>], vector<16xf32>,
      %add3A_691 = arith.constant 1536 : i32
      %add3A_692 = arith.addi %add3A_691, %mul3A_666 : i32
      %add3A_693 = vector.broadcast %add3A_692 : i32 to vector<16xi32>
      %add3A_694 = arith.addi %iota3A, %add3A_693 : vector<16xi32>
      tpu.vector_store_idx %arg25[%add3A_694], %sub3A_664 : memref<1792xf32, #tpu.memory_space<vmem>>[vector<16xi32>], vector<16xf32>,
    }
    %scan3A_185 = arith.constant 16 : i32
    %mul3A_186 = arith.constant 256 : i32
    %mul3A_187 = arith.muli %arg1, %mul3A_186 : i32
    %add3A_188 = arith.constant 0 : i32
    %add3A_189 = arith.addi %add3A_188, %mul3A_187 : i32
    "tpu.region"() ({
      %run_scoped3A = tpu.sem_alloc : memref<!tpu.dma_semaphore, #tpu.memory_space<semaphore_mem>>
      %dma_start3A_326 = arith.constant 0 : i32
      %dma_start3A_327 = tpu.memref_slice %arg25[%dma_start3A_326] : memref<1792xf32, #tpu.memory_space<vmem>> -> memref<256xf32, #tpu.memory_space<vmem>>
      %dma_start3A_328 = tpu.memref_slice %arg16[%add3A_189] : memref<28672xf32, #tpu.memory_space<vmem_shared>> -> memref<256xf32, #tpu.memory_space<vmem_shared>>
      %dma_start3A_329 = tpu.memref_slice %arg16[%add3A_189] : memref<28672xf32, #tpu.memory_space<vmem_shared>> -> memref<256xf32, #tpu.memory_space<vmem_shared>>
      %dma_start3A_330 = arith.constant 0 : i32
      %dma_start3A_331 = tpu.memref_slice %arg25[%dma_start3A_330] : memref<1792xf32, #tpu.memory_space<vmem>> -> memref<256xf32, #tpu.memory_space<vmem>>
      tpu.enqueue_dma source(%dma_start3A_331 : memref<256xf32, #tpu.memory_space<vmem>>) target(%dma_start3A_329 : memref<256xf32, #tpu.memory_space<vmem_shared>>) target_semaphore(%run_scoped3A : memref<!tpu.dma_semaphore, #tpu.memory_space<semaphore_mem>>)
      %dma_wait3A_332 = arith.constant 0 : i32
      %dma_wait3A_333 = tpu.memref_slice %arg25[%dma_wait3A_332] : memref<1792xf32, #tpu.memory_space<vmem>> -> memref<256xf32, #tpu.memory_space<vmem>>
      %dma_wait3A_334 = tpu.memref_slice %arg16[%add3A_189] : memref<28672xf32, #tpu.memory_space<vmem_shared>> -> memref<256xf32, #tpu.memory_space<vmem_shared>>
      %dma_wait3A_335 = tpu.memref_slice %arg16[%add3A_189] : memref<28672xf32, #tpu.memory_space<vmem_shared>> -> memref<256xf32, #tpu.memory_space<vmem_shared>>
      %dma_wait3A_336 = arith.constant 0 : i32
      %dma_wait3A_337 = tpu.memref_slice %arg25[%dma_wait3A_336] : memref<1792xf32, #tpu.memory_space<vmem>> -> memref<256xf32, #tpu.memory_space<vmem>>
      tpu.wait_dma2 semaphore(%run_scoped3A : memref<!tpu.dma_semaphore, #tpu.memory_space<semaphore_mem>>) src(%dma_wait3A_337 : memref<256xf32, #tpu.memory_space<vmem>>) dst(%dma_wait3A_335 : memref<256xf32, #tpu.memory_space<vmem_shared>>)
      tpu.yield
    }) : () -> ()
    %mul3A_190 = arith.constant 256 : i32
    %mul3A_191 = arith.muli %arg1, %mul3A_190 : i32
    %add3A_192 = arith.constant 4096 : i32
    %add3A_193 = arith.addi %add3A_192, %mul3A_191 : i32
    "tpu.region"() ({
      %run_scoped3A = tpu.sem_alloc : memref<!tpu.dma_semaphore, #tpu.memory_space<semaphore_mem>>
      %dma_start3A_326 = arith.constant 256 : i32
      %dma_start3A_327 = tpu.memref_slice %arg25[%dma_start3A_326] : memref<1792xf32, #tpu.memory_space<vmem>> -> memref<256xf32, #tpu.memory_space<vmem>>
      %dma_start3A_328 = tpu.memref_slice %arg16[%add3A_193] : memref<28672xf32, #tpu.memory_space<vmem_shared>> -> memref<256xf32, #tpu.memory_space<vmem_shared>>
      %dma_start3A_329 = tpu.memref_slice %arg16[%add3A_193] : memref<28672xf32, #tpu.memory_space<vmem_shared>> -> memref<256xf32, #tpu.memory_space<vmem_shared>>
      %dma_start3A_330 = arith.constant 256 : i32
      %dma_start3A_331 = tpu.memref_slice %arg25[%dma_start3A_330] : memref<1792xf32, #tpu.memory_space<vmem>> -> memref<256xf32, #tpu.memory_space<vmem>>
      tpu.enqueue_dma source(%dma_start3A_331 : memref<256xf32, #tpu.memory_space<vmem>>) target(%dma_start3A_329 : memref<256xf32, #tpu.memory_space<vmem_shared>>) target_semaphore(%run_scoped3A : memref<!tpu.dma_semaphore, #tpu.memory_space<semaphore_mem>>)
      %dma_wait3A_332 = arith.constant 256 : i32
      %dma_wait3A_333 = tpu.memref_slice %arg25[%dma_wait3A_332] : memref<1792xf32, #tpu.memory_space<vmem>> -> memref<256xf32, #tpu.memory_space<vmem>>
      %dma_wait3A_334 = tpu.memref_slice %arg16[%add3A_193] : memref<28672xf32, #tpu.memory_space<vmem_shared>> -> memref<256xf32, #tpu.memory_space<vmem_shared>>
      %dma_wait3A_335 = tpu.memref_slice %arg16[%add3A_193] : memref<28672xf32, #tpu.memory_space<vmem_shared>> -> memref<256xf32, #tpu.memory_space<vmem_shared>>
      %dma_wait3A_336 = arith.constant 256 : i32
      %dma_wait3A_337 = tpu.memref_slice %arg25[%dma_wait3A_336] : memref<1792xf32, #tpu.memory_space<vmem>> -> memref<256xf32, #tpu.memory_space<vmem>>
      tpu.wait_dma2 semaphore(%run_scoped3A : memref<!tpu.dma_semaphore, #tpu.memory_space<semaphore_mem>>) src(%dma_wait3A_337 : memref<256xf32, #tpu.memory_space<vmem>>) dst(%dma_wait3A_335 : memref<256xf32, #tpu.memory_space<vmem_shared>>)
      tpu.yield
    }) : () -> ()
    %mul3A_194 = arith.constant 256 : i32
    %mul3A_195 = arith.muli %arg1, %mul3A_194 : i32
    %add3A_196 = arith.constant 8192 : i32
    %add3A_197 = arith.addi %add3A_196, %mul3A_195 : i32
    "tpu.region"() ({
      %run_scoped3A = tpu.sem_alloc : memref<!tpu.dma_semaphore, #tpu.memory_space<semaphore_mem>>
      %dma_start3A_326 = arith.constant 512 : i32
      %dma_start3A_327 = tpu.memref_slice %arg25[%dma_start3A_326] : memref<1792xf32, #tpu.memory_space<vmem>> -> memref<256xf32, #tpu.memory_space<vmem>>
      %dma_start3A_328 = tpu.memref_slice %arg16[%add3A_197] : memref<28672xf32, #tpu.memory_space<vmem_shared>> -> memref<256xf32, #tpu.memory_space<vmem_shared>>
      %dma_start3A_329 = tpu.memref_slice %arg16[%add3A_197] : memref<28672xf32, #tpu.memory_space<vmem_shared>> -> memref<256xf32, #tpu.memory_space<vmem_shared>>
      %dma_start3A_330 = arith.constant 512 : i32
      %dma_start3A_331 = tpu.memref_slice %arg25[%dma_start3A_330] : memref<1792xf32, #tpu.memory_space<vmem>> -> memref<256xf32, #tpu.memory_space<vmem>>
      tpu.enqueue_dma source(%dma_start3A_331 : memref<256xf32, #tpu.memory_space<vmem>>) target(%dma_start3A_329 : memref<256xf32, #tpu.memory_space<vmem_shared>>) target_semaphore(%run_scoped3A : memref<!tpu.dma_semaphore, #tpu.memory_space<semaphore_mem>>)
      %dma_wait3A_332 = arith.constant 512 : i32
      %dma_wait3A_333 = tpu.memref_slice %arg25[%dma_wait3A_332] : memref<1792xf32, #tpu.memory_space<vmem>> -> memref<256xf32, #tpu.memory_space<vmem>>
      %dma_wait3A_334 = tpu.memref_slice %arg16[%add3A_197] : memref<28672xf32, #tpu.memory_space<vmem_shared>> -> memref<256xf32, #tpu.memory_space<vmem_shared>>
      %dma_wait3A_335 = tpu.memref_slice %arg16[%add3A_197] : memref<28672xf32, #tpu.memory_space<vmem_shared>> -> memref<256xf32, #tpu.memory_space<vmem_shared>>
      %dma_wait3A_336 = arith.constant 512 : i32
      %dma_wait3A_337 = tpu.memref_slice %arg25[%dma_wait3A_336] : memref<1792xf32, #tpu.memory_space<vmem>> -> memref<256xf32, #tpu.memory_space<vmem>>
      tpu.wait_dma2 semaphore(%run_scoped3A : memref<!tpu.dma_semaphore, #tpu.memory_space<semaphore_mem>>) src(%dma_wait3A_337 : memref<256xf32, #tpu.memory_space<vmem>>) dst(%dma_wait3A_335 : memref<256xf32, #tpu.memory_space<vmem_shared>>)
      tpu.yield
    }) : () -> ()
    %mul3A_198 = arith.constant 256 : i32
    %mul3A_199 = arith.muli %arg1, %mul3A_198 : i32
    %add3A_200 = arith.constant 12288 : i32
    %add3A_201 = arith.addi %add3A_200, %mul3A_199 : i32
    "tpu.region"() ({
      %run_scoped3A = tpu.sem_alloc : memref<!tpu.dma_semaphore, #tpu.memory_space<semaphore_mem>>
      %dma_start3A_326 = arith.constant 768 : i32
      %dma_start3A_327 = tpu.memref_slice %arg25[%dma_start3A_326] : memref<1792xf32, #tpu.memory_space<vmem>> -> memref<256xf32, #tpu.memory_space<vmem>>
      %dma_start3A_328 = tpu.memref_slice %arg16[%add3A_201] : memref<28672xf32, #tpu.memory_space<vmem_shared>> -> memref<256xf32, #tpu.memory_space<vmem_shared>>
      %dma_start3A_329 = tpu.memref_slice %arg16[%add3A_201] : memref<28672xf32, #tpu.memory_space<vmem_shared>> -> memref<256xf32, #tpu.memory_space<vmem_shared>>
      %dma_start3A_330 = arith.constant 768 : i32
      %dma_start3A_331 = tpu.memref_slice %arg25[%dma_start3A_330] : memref<1792xf32, #tpu.memory_space<vmem>> -> memref<256xf32, #tpu.memory_space<vmem>>
      tpu.enqueue_dma source(%dma_start3A_331 : memref<256xf32, #tpu.memory_space<vmem>>) target(%dma_start3A_329 : memref<256xf32, #tpu.memory_space<vmem_shared>>) target_semaphore(%run_scoped3A : memref<!tpu.dma_semaphore, #tpu.memory_space<semaphore_mem>>)
      %dma_wait3A_332 = arith.constant 768 : i32
      %dma_wait3A_333 = tpu.memref_slice %arg25[%dma_wait3A_332] : memref<1792xf32, #tpu.memory_space<vmem>> -> memref<256xf32, #tpu.memory_space<vmem>>
      %dma_wait3A_334 = tpu.memref_slice %arg16[%add3A_201] : memref<28672xf32, #tpu.memory_space<vmem_shared>> -> memref<256xf32, #tpu.memory_space<vmem_shared>>
      %dma_wait3A_335 = tpu.memref_slice %arg16[%add3A_201] : memref<28672xf32, #tpu.memory_space<vmem_shared>> -> memref<256xf32, #tpu.memory_space<vmem_shared>>
      %dma_wait3A_336 = arith.constant 768 : i32
      %dma_wait3A_337 = tpu.memref_slice %arg25[%dma_wait3A_336] : memref<1792xf32, #tpu.memory_space<vmem>> -> memref<256xf32, #tpu.memory_space<vmem>>
      tpu.wait_dma2 semaphore(%run_scoped3A : memref<!tpu.dma_semaphore, #tpu.memory_space<semaphore_mem>>) src(%dma_wait3A_337 : memref<256xf32, #tpu.memory_space<vmem>>) dst(%dma_wait3A_335 : memref<256xf32, #tpu.memory_space<vmem_shared>>)
      tpu.yield
    }) : () -> ()
    %mul3A_202 = arith.constant 256 : i32
    %mul3A_203 = arith.muli %arg1, %mul3A_202 : i32
    %add3A_204 = arith.constant 16384 : i32
    %add3A_205 = arith.addi %add3A_204, %mul3A_203 : i32
    "tpu.region"() ({
      %run_scoped3A = tpu.sem_alloc : memref<!tpu.dma_semaphore, #tpu.memory_space<semaphore_mem>>
      %dma_start3A_326 = arith.constant 1024 : i32
      %dma_start3A_327 = tpu.memref_slice %arg25[%dma_start3A_326] : memref<1792xf32, #tpu.memory_space<vmem>> -> memref<256xf32, #tpu.memory_space<vmem>>
      %dma_start3A_328 = tpu.memref_slice %arg16[%add3A_205] : memref<28672xf32, #tpu.memory_space<vmem_shared>> -> memref<256xf32, #tpu.memory_space<vmem_shared>>
      %dma_start3A_329 = tpu.memref_slice %arg16[%add3A_205] : memref<28672xf32, #tpu.memory_space<vmem_shared>> -> memref<256xf32, #tpu.memory_space<vmem_shared>>
      %dma_start3A_330 = arith.constant 1024 : i32
      %dma_start3A_331 = tpu.memref_slice %arg25[%dma_start3A_330] : memref<1792xf32, #tpu.memory_space<vmem>> -> memref<256xf32, #tpu.memory_space<vmem>>
      tpu.enqueue_dma source(%dma_start3A_331 : memref<256xf32, #tpu.memory_space<vmem>>) target(%dma_start3A_329 : memref<256xf32, #tpu.memory_space<vmem_shared>>) target_semaphore(%run_scoped3A : memref<!tpu.dma_semaphore, #tpu.memory_space<semaphore_mem>>)
      %dma_wait3A_332 = arith.constant 1024 : i32
      %dma_wait3A_333 = tpu.memref_slice %arg25[%dma_wait3A_332] : memref<1792xf32, #tpu.memory_space<vmem>> -> memref<256xf32, #tpu.memory_space<vmem>>
      %dma_wait3A_334 = tpu.memref_slice %arg16[%add3A_205] : memref<28672xf32, #tpu.memory_space<vmem_shared>> -> memref<256xf32, #tpu.memory_space<vmem_shared>>
      %dma_wait3A_335 = tpu.memref_slice %arg16[%add3A_205] : memref<28672xf32, #tpu.memory_space<vmem_shared>> -> memref<256xf32, #tpu.memory_space<vmem_shared>>
      %dma_wait3A_336 = arith.constant 1024 : i32
      %dma_wait3A_337 = tpu.memref_slice %arg25[%dma_wait3A_336] : memref<1792xf32, #tpu.memory_space<vmem>> -> memref<256xf32, #tpu.memory_space<vmem>>
      tpu.wait_dma2 semaphore(%run_scoped3A : memref<!tpu.dma_semaphore, #tpu.memory_space<semaphore_mem>>) src(%dma_wait3A_337 : memref<256xf32, #tpu.memory_space<vmem>>) dst(%dma_wait3A_335 : memref<256xf32, #tpu.memory_space<vmem_shared>>)
      tpu.yield
    }) : () -> ()
    %mul3A_206 = arith.constant 256 : i32
    %mul3A_207 = arith.muli %arg1, %mul3A_206 : i32
    %add3A_208 = arith.constant 20480 : i32
    %add3A_209 = arith.addi %add3A_208, %mul3A_207 : i32
    "tpu.region"() ({
      %run_scoped3A = tpu.sem_alloc : memref<!tpu.dma_semaphore, #tpu.memory_space<semaphore_mem>>
      %dma_start3A_326 = arith.constant 1280 : i32
      %dma_start3A_327 = tpu.memref_slice %arg25[%dma_start3A_326] : memref<1792xf32, #tpu.memory_space<vmem>> -> memref<256xf32, #tpu.memory_space<vmem>>
      %dma_start3A_328 = tpu.memref_slice %arg16[%add3A_209] : memref<28672xf32, #tpu.memory_space<vmem_shared>> -> memref<256xf32, #tpu.memory_space<vmem_shared>>
      %dma_start3A_329 = tpu.memref_slice %arg16[%add3A_209] : memref<28672xf32, #tpu.memory_space<vmem_shared>> -> memref<256xf32, #tpu.memory_space<vmem_shared>>
      %dma_start3A_330 = arith.constant 1280 : i32
      %dma_start3A_331 = tpu.memref_slice %arg25[%dma_start3A_330] : memref<1792xf32, #tpu.memory_space<vmem>> -> memref<256xf32, #tpu.memory_space<vmem>>
      tpu.enqueue_dma source(%dma_start3A_331 : memref<256xf32, #tpu.memory_space<vmem>>) target(%dma_start3A_329 : memref<256xf32, #tpu.memory_space<vmem_shared>>) target_semaphore(%run_scoped3A : memref<!tpu.dma_semaphore, #tpu.memory_space<semaphore_mem>>)
      %dma_wait3A_332 = arith.constant 1280 : i32
      %dma_wait3A_333 = tpu.memref_slice %arg25[%dma_wait3A_332] : memref<1792xf32, #tpu.memory_space<vmem>> -> memref<256xf32, #tpu.memory_space<vmem>>
      %dma_wait3A_334 = tpu.memref_slice %arg16[%add3A_209] : memref<28672xf32, #tpu.memory_space<vmem_shared>> -> memref<256xf32, #tpu.memory_space<vmem_shared>>
      %dma_wait3A_335 = tpu.memref_slice %arg16[%add3A_209] : memref<28672xf32, #tpu.memory_space<vmem_shared>> -> memref<256xf32, #tpu.memory_space<vmem_shared>>
      %dma_wait3A_336 = arith.constant 1280 : i32
      %dma_wait3A_337 = tpu.memref_slice %arg25[%dma_wait3A_336] : memref<1792xf32, #tpu.memory_space<vmem>> -> memref<256xf32, #tpu.memory_space<vmem>>
      tpu.wait_dma2 semaphore(%run_scoped3A : memref<!tpu.dma_semaphore, #tpu.memory_space<semaphore_mem>>) src(%dma_wait3A_337 : memref<256xf32, #tpu.memory_space<vmem>>) dst(%dma_wait3A_335 : memref<256xf32, #tpu.memory_space<vmem_shared>>)
      tpu.yield
    }) : () -> ()
    %mul3A_210 = arith.constant 256 : i32
    %mul3A_211 = arith.muli %arg1, %mul3A_210 : i32
    %add3A_212 = arith.constant 24576 : i32
    %add3A_213 = arith.addi %add3A_212, %mul3A_211 : i32
    "tpu.region"() ({
      %run_scoped3A = tpu.sem_alloc : memref<!tpu.dma_semaphore, #tpu.memory_space<semaphore_mem>>
      %dma_start3A_326 = arith.constant 1536 : i32
      %dma_start3A_327 = tpu.memref_slice %arg25[%dma_start3A_326] : memref<1792xf32, #tpu.memory_space<vmem>> -> memref<256xf32, #tpu.memory_space<vmem>>
      %dma_start3A_328 = tpu.memref_slice %arg16[%add3A_213] : memref<28672xf32, #tpu.memory_space<vmem_shared>> -> memref<256xf32, #tpu.memory_space<vmem_shared>>
      %dma_start3A_329 = tpu.memref_slice %arg16[%add3A_213] : memref<28672xf32, #tpu.memory_space<vmem_shared>> -> memref<256xf32, #tpu.memory_space<vmem_shared>>
      %dma_start3A_330 = arith.constant 1536 : i32
      %dma_start3A_331 = tpu.memref_slice %arg25[%dma_start3A_330] : memref<1792xf32, #tpu.memory_space<vmem>> -> memref<256xf32, #tpu.memory_space<vmem>>
      tpu.enqueue_dma source(%dma_start3A_331 : memref<256xf32, #tpu.memory_space<vmem>>) target(%dma_start3A_329 : memref<256xf32, #tpu.memory_space<vmem_shared>>) target_semaphore(%run_scoped3A : memref<!tpu.dma_semaphore, #tpu.memory_space<semaphore_mem>>)
      %dma_wait3A_332 = arith.constant 1536 : i32
      %dma_wait3A_333 = tpu.memref_slice %arg25[%dma_wait3A_332] : memref<1792xf32, #tpu.memory_space<vmem>> -> memref<256xf32, #tpu.memory_space<vmem>>
      %dma_wait3A_334 = tpu.memref_slice %arg16[%add3A_213] : memref<28672xf32, #tpu.memory_space<vmem_shared>> -> memref<256xf32, #tpu.memory_space<vmem_shared>>
      %dma_wait3A_335 = tpu.memref_slice %arg16[%add3A_213] : memref<28672xf32, #tpu.memory_space<vmem_shared>> -> memref<256xf32, #tpu.memory_space<vmem_shared>>
      %dma_wait3A_336 = arith.constant 1536 : i32
      %dma_wait3A_337 = tpu.memref_slice %arg25[%dma_wait3A_336] : memref<1792xf32, #tpu.memory_space<vmem>> -> memref<256xf32, #tpu.memory_space<vmem>>
      tpu.wait_dma2 semaphore(%run_scoped3A : memref<!tpu.dma_semaphore, #tpu.memory_space<semaphore_mem>>) src(%dma_wait3A_337 : memref<256xf32, #tpu.memory_space<vmem>>) dst(%dma_wait3A_335 : memref<256xf32, #tpu.memory_space<vmem_shared>>)
      tpu.yield
    }) : () -> ()
    %barrier3A = arith.constant 0 : index
    tpu.barrier barrier_id(%barrier3A)
    "tpu.region"() ({
      %run_scoped3A = tpu.sem_alloc : memref<!tpu.dma_semaphore, #tpu.memory_space<semaphore_mem>>
      %dma_start3A_326 = arith.constant 0 : i32
      %dma_start3A_327 = tpu.memref_slice %arg16[%dma_start3A_326] : memref<28672xf32, #tpu.memory_space<vmem_shared>> -> memref<4096xf32, #tpu.memory_space<vmem_shared>>
      %dma_start3A_328 = arith.constant 0 : i32
      %dma_start3A_329 = tpu.memref_slice %arg16[%dma_start3A_328] : memref<28672xf32, #tpu.memory_space<vmem_shared>> -> memref<4096xf32, #tpu.memory_space<vmem_shared>>
      tpu.enqueue_dma source(%dma_start3A_329 : memref<4096xf32, #tpu.memory_space<vmem_shared>>) target(%arg17 : memref<4096xf32, #tpu.memory_space<vmem>>) target_semaphore(%run_scoped3A : memref<!tpu.dma_semaphore, #tpu.memory_space<semaphore_mem>>)
      %dma_wait3A_330 = arith.constant 0 : i32
      %dma_wait3A_331 = tpu.memref_slice %arg16[%dma_wait3A_330] : memref<28672xf32, #tpu.memory_space<vmem_shared>> -> memref<4096xf32, #tpu.memory_space<vmem_shared>>
      %dma_wait3A_332 = arith.constant 0 : i32
      %dma_wait3A_333 = tpu.memref_slice %arg16[%dma_wait3A_332] : memref<28672xf32, #tpu.memory_space<vmem_shared>> -> memref<4096xf32, #tpu.memory_space<vmem_shared>>
      tpu.wait_dma2 semaphore(%run_scoped3A : memref<!tpu.dma_semaphore, #tpu.memory_space<semaphore_mem>>) src(%dma_wait3A_333 : memref<4096xf32, #tpu.memory_space<vmem_shared>>) dst(%arg17 : memref<4096xf32, #tpu.memory_space<vmem>>)
      tpu.yield
    }) : () -> ()
    "tpu.region"() ({
      %run_scoped3A = tpu.sem_alloc : memref<!tpu.dma_semaphore, #tpu.memory_space<semaphore_mem>>
      %dma_start3A_326 = arith.constant 4096 : i32
      %dma_start3A_327 = tpu.memref_slice %arg16[%dma_start3A_326] : memref<28672xf32, #tpu.memory_space<vmem_shared>> -> memref<4096xf32, #tpu.memory_space<vmem_shared>>
      %dma_start3A_328 = arith.constant 4096 : i32
      %dma_start3A_329 = tpu.memref_slice %arg16[%dma_start3A_328] : memref<28672xf32, #tpu.memory_space<vmem_shared>> -> memref<4096xf32, #tpu.memory_space<vmem_shared>>
      tpu.enqueue_dma source(%dma_start3A_329 : memref<4096xf32, #tpu.memory_space<vmem_shared>>) target(%arg18 : memref<4096xf32, #tpu.memory_space<vmem>>) target_semaphore(%run_scoped3A : memref<!tpu.dma_semaphore, #tpu.memory_space<semaphore_mem>>)
      %dma_wait3A_330 = arith.constant 4096 : i32
      %dma_wait3A_331 = tpu.memref_slice %arg16[%dma_wait3A_330] : memref<28672xf32, #tpu.memory_space<vmem_shared>> -> memref<4096xf32, #tpu.memory_space<vmem_shared>>
      %dma_wait3A_332 = arith.constant 4096 : i32
      %dma_wait3A_333 = tpu.memref_slice %arg16[%dma_wait3A_332] : memref<28672xf32, #tpu.memory_space<vmem_shared>> -> memref<4096xf32, #tpu.memory_space<vmem_shared>>
      tpu.wait_dma2 semaphore(%run_scoped3A : memref<!tpu.dma_semaphore, #tpu.memory_space<semaphore_mem>>) src(%dma_wait3A_333 : memref<4096xf32, #tpu.memory_space<vmem_shared>>) dst(%arg18 : memref<4096xf32, #tpu.memory_space<vmem>>)
      tpu.yield
    }) : () -> ()
    "tpu.region"() ({
      %run_scoped3A = tpu.sem_alloc : memref<!tpu.dma_semaphore, #tpu.memory_space<semaphore_mem>>
      %dma_start3A_326 = arith.constant 8192 : i32
      %dma_start3A_327 = tpu.memref_slice %arg16[%dma_start3A_326] : memref<28672xf32, #tpu.memory_space<vmem_shared>> -> memref<4096xf32, #tpu.memory_space<vmem_shared>>
      %dma_start3A_328 = arith.constant 8192 : i32
      %dma_start3A_329 = tpu.memref_slice %arg16[%dma_start3A_328] : memref<28672xf32, #tpu.memory_space<vmem_shared>> -> memref<4096xf32, #tpu.memory_space<vmem_shared>>
      tpu.enqueue_dma source(%dma_start3A_329 : memref<4096xf32, #tpu.memory_space<vmem_shared>>) target(%arg19 : memref<4096xf32, #tpu.memory_space<vmem>>) target_semaphore(%run_scoped3A : memref<!tpu.dma_semaphore, #tpu.memory_space<semaphore_mem>>)
      %dma_wait3A_330 = arith.constant 8192 : i32
      %dma_wait3A_331 = tpu.memref_slice %arg16[%dma_wait3A_330] : memref<28672xf32, #tpu.memory_space<vmem_shared>> -> memref<4096xf32, #tpu.memory_space<vmem_shared>>
      %dma_wait3A_332 = arith.constant 8192 : i32
      %dma_wait3A_333 = tpu.memref_slice %arg16[%dma_wait3A_332] : memref<28672xf32, #tpu.memory_space<vmem_shared>> -> memref<4096xf32, #tpu.memory_space<vmem_shared>>
      tpu.wait_dma2 semaphore(%run_scoped3A : memref<!tpu.dma_semaphore, #tpu.memory_space<semaphore_mem>>) src(%dma_wait3A_333 : memref<4096xf32, #tpu.memory_space<vmem_shared>>) dst(%arg19 : memref<4096xf32, #tpu.memory_space<vmem>>)
      tpu.yield
    }) : () -> ()
    "tpu.region"() ({
      %run_scoped3A = tpu.sem_alloc : memref<!tpu.dma_semaphore, #tpu.memory_space<semaphore_mem>>
      %dma_start3A_326 = arith.constant 12288 : i32
      %dma_start3A_327 = tpu.memref_slice %arg16[%dma_start3A_326] : memref<28672xf32, #tpu.memory_space<vmem_shared>> -> memref<4096xf32, #tpu.memory_space<vmem_shared>>
      %dma_start3A_328 = arith.constant 12288 : i32
      %dma_start3A_329 = tpu.memref_slice %arg16[%dma_start3A_328] : memref<28672xf32, #tpu.memory_space<vmem_shared>> -> memref<4096xf32, #tpu.memory_space<vmem_shared>>
      tpu.enqueue_dma source(%dma_start3A_329 : memref<4096xf32, #tpu.memory_space<vmem_shared>>) target(%arg20 : memref<4096xf32, #tpu.memory_space<vmem>>) target_semaphore(%run_scoped3A : memref<!tpu.dma_semaphore, #tpu.memory_space<semaphore_mem>>)
      %dma_wait3A_330 = arith.constant 12288 : i32
      %dma_wait3A_331 = tpu.memref_slice %arg16[%dma_wait3A_330] : memref<28672xf32, #tpu.memory_space<vmem_shared>> -> memref<4096xf32, #tpu.memory_space<vmem_shared>>
      %dma_wait3A_332 = arith.constant 12288 : i32
      %dma_wait3A_333 = tpu.memref_slice %arg16[%dma_wait3A_332] : memref<28672xf32, #tpu.memory_space<vmem_shared>> -> memref<4096xf32, #tpu.memory_space<vmem_shared>>
      tpu.wait_dma2 semaphore(%run_scoped3A : memref<!tpu.dma_semaphore, #tpu.memory_space<semaphore_mem>>) src(%dma_wait3A_333 : memref<4096xf32, #tpu.memory_space<vmem_shared>>) dst(%arg20 : memref<4096xf32, #tpu.memory_space<vmem>>)
      tpu.yield
    }) : () -> ()
    "tpu.region"() ({
      %run_scoped3A = tpu.sem_alloc : memref<!tpu.dma_semaphore, #tpu.memory_space<semaphore_mem>>
      %dma_start3A_326 = arith.constant 16384 : i32
      %dma_start3A_327 = tpu.memref_slice %arg16[%dma_start3A_326] : memref<28672xf32, #tpu.memory_space<vmem_shared>> -> memref<4096xf32, #tpu.memory_space<vmem_shared>>
      %dma_start3A_328 = arith.constant 16384 : i32
      %dma_start3A_329 = tpu.memref_slice %arg16[%dma_start3A_328] : memref<28672xf32, #tpu.memory_space<vmem_shared>> -> memref<4096xf32, #tpu.memory_space<vmem_shared>>
      tpu.enqueue_dma source(%dma_start3A_329 : memref<4096xf32, #tpu.memory_space<vmem_shared>>) target(%arg21 : memref<4096xf32, #tpu.memory_space<vmem>>) target_semaphore(%run_scoped3A : memref<!tpu.dma_semaphore, #tpu.memory_space<semaphore_mem>>)
      %dma_wait3A_330 = arith.constant 16384 : i32
      %dma_wait3A_331 = tpu.memref_slice %arg16[%dma_wait3A_330] : memref<28672xf32, #tpu.memory_space<vmem_shared>> -> memref<4096xf32, #tpu.memory_space<vmem_shared>>
      %dma_wait3A_332 = arith.constant 16384 : i32
      %dma_wait3A_333 = tpu.memref_slice %arg16[%dma_wait3A_332] : memref<28672xf32, #tpu.memory_space<vmem_shared>> -> memref<4096xf32, #tpu.memory_space<vmem_shared>>
      tpu.wait_dma2 semaphore(%run_scoped3A : memref<!tpu.dma_semaphore, #tpu.memory_space<semaphore_mem>>) src(%dma_wait3A_333 : memref<4096xf32, #tpu.memory_space<vmem_shared>>) dst(%arg21 : memref<4096xf32, #tpu.memory_space<vmem>>)
      tpu.yield
    }) : () -> ()
    "tpu.region"() ({
      %run_scoped3A = tpu.sem_alloc : memref<!tpu.dma_semaphore, #tpu.memory_space<semaphore_mem>>
      %dma_start3A_326 = arith.constant 20480 : i32
      %dma_start3A_327 = tpu.memref_slice %arg16[%dma_start3A_326] : memref<28672xf32, #tpu.memory_space<vmem_shared>> -> memref<4096xf32, #tpu.memory_space<vmem_shared>>
      %dma_start3A_328 = arith.constant 20480 : i32
      %dma_start3A_329 = tpu.memref_slice %arg16[%dma_start3A_328] : memref<28672xf32, #tpu.memory_space<vmem_shared>> -> memref<4096xf32, #tpu.memory_space<vmem_shared>>
      tpu.enqueue_dma source(%dma_start3A_329 : memref<4096xf32, #tpu.memory_space<vmem_shared>>) target(%arg22 : memref<4096xf32, #tpu.memory_space<vmem>>) target_semaphore(%run_scoped3A : memref<!tpu.dma_semaphore, #tpu.memory_space<semaphore_mem>>)
      %dma_wait3A_330 = arith.constant 20480 : i32
      %dma_wait3A_331 = tpu.memref_slice %arg16[%dma_wait3A_330] : memref<28672xf32, #tpu.memory_space<vmem_shared>> -> memref<4096xf32, #tpu.memory_space<vmem_shared>>
      %dma_wait3A_332 = arith.constant 20480 : i32
      %dma_wait3A_333 = tpu.memref_slice %arg16[%dma_wait3A_332] : memref<28672xf32, #tpu.memory_space<vmem_shared>> -> memref<4096xf32, #tpu.memory_space<vmem_shared>>
      tpu.wait_dma2 semaphore(%run_scoped3A : memref<!tpu.dma_semaphore, #tpu.memory_space<semaphore_mem>>) src(%dma_wait3A_333 : memref<4096xf32, #tpu.memory_space<vmem_shared>>) dst(%arg22 : memref<4096xf32, #tpu.memory_space<vmem>>)
      tpu.yield
    }) : () -> ()
    "tpu.region"() ({
      %run_scoped3A = tpu.sem_alloc : memref<!tpu.dma_semaphore, #tpu.memory_space<semaphore_mem>>
      %dma_start3A_326 = arith.constant 24576 : i32
      %dma_start3A_327 = tpu.memref_slice %arg16[%dma_start3A_326] : memref<28672xf32, #tpu.memory_space<vmem_shared>> -> memref<4096xf32, #tpu.memory_space<vmem_shared>>
      %dma_start3A_328 = arith.constant 24576 : i32
      %dma_start3A_329 = tpu.memref_slice %arg16[%dma_start3A_328] : memref<28672xf32, #tpu.memory_space<vmem_shared>> -> memref<4096xf32, #tpu.memory_space<vmem_shared>>
      tpu.enqueue_dma source(%dma_start3A_329 : memref<4096xf32, #tpu.memory_space<vmem_shared>>) target(%arg23 : memref<4096xf32, #tpu.memory_space<vmem>>) target_semaphore(%run_scoped3A : memref<!tpu.dma_semaphore, #tpu.memory_space<semaphore_mem>>)
      %dma_wait3A_330 = arith.constant 24576 : i32
      %dma_wait3A_331 = tpu.memref_slice %arg16[%dma_wait3A_330] : memref<28672xf32, #tpu.memory_space<vmem_shared>> -> memref<4096xf32, #tpu.memory_space<vmem_shared>>
      %dma_wait3A_332 = arith.constant 24576 : i32
      %dma_wait3A_333 = tpu.memref_slice %arg16[%dma_wait3A_332] : memref<28672xf32, #tpu.memory_space<vmem_shared>> -> memref<4096xf32, #tpu.memory_space<vmem_shared>>
      tpu.wait_dma2 semaphore(%run_scoped3A : memref<!tpu.dma_semaphore, #tpu.memory_space<semaphore_mem>>) src(%dma_wait3A_333 : memref<4096xf32, #tpu.memory_space<vmem_shared>>) dst(%arg23 : memref<4096xf32, #tpu.memory_space<vmem>>)
      tpu.yield
    }) : () -> ()
    %mul3A_214 = arith.constant 8192 : i32
    %mul3A_215 = arith.muli %add3A, %mul3A_214 : i32
    %scan3A_216 = arith.constant 0 : i32
    %scan3A_217 = arith.constant 0 : i32
    %scan3A_218 = arith.constant 8 : i32
    %scan3A_219 = arith.addi %scan3A_217, %scan3A_218 : i32
    %scan3A_220 = arith.constant 1 : i32
    scf.for %scan3A_326 = %scan3A_217 to %scan3A_219 step %scan3A_220  : i32 {
      %mul3A_327 = arith.constant 2 : i32
      %mul3A_328 = arith.muli %mul3A_327, %scan3A_326 : i32
      %mul3A_329 = arith.constant 512 : i32
      %mul3A_330 = arith.muli %mul3A_328, %mul3A_329 : i32
      %add3A_331 = arith.addi %mul3A_215, %mul3A_330 : i32
      %add3A_332 = arith.constant 512 : i32
      %add3A_333 = arith.addi %add3A_331, %add3A_332 : i32
      %add3A_334 = arith.constant 0 : i32
      %add3A_335 = arith.addi %add3A_334, %add3A_333 : i32
      %add3A_336 = arith.constant 0 : i32
      %add3A_337 = arith.addi %add3A_336, %add3A_333 : i32
      %add3A_338 = arith.constant 262144 : i32
      %add3A_339 = arith.addi %add3A_338, %add3A_333 : i32
      %add3A_340 = arith.constant 262144 : i32
      %add3A_341 = arith.addi %add3A_340, %add3A_333 : i32
      %add3A_342 = arith.constant 524288 : i32
      %add3A_343 = arith.addi %add3A_342, %add3A_333 : i32
      %add3A_344 = arith.constant 524288 : i32
      %add3A_345 = arith.addi %add3A_344, %add3A_333 : i32
      %mul3A_346 = arith.constant 4 : i32
      %mul3A_347 = arith.muli %add3A_333, %mul3A_346 : i32
      %mul3A_348 = arith.constant 8 : i32
      %mul3A_349 = arith.muli %add3A_333, %mul3A_348 : i32
      %mul3A_350 = arith.constant 8 : i32
      %mul3A_351 = arith.muli %add3A_333, %mul3A_350 : i32
      %dma_start3A_352 = arith.constant 0 : i32
      %dma_start3A_353 = tpu.memref_slice %arg30[%dma_start3A_352] : memref<3584xf32, #tpu.memory_space<vmem>> -> memref<512xf32, #tpu.memory_space<vmem>>
      %dma_start3A_354 = tpu.memref_slice %arg2[%add3A_335] : memref<786432xf32, #tpu.memory_space<hbm>> -> memref<512xf32, #tpu.memory_space<hbm>>
      %dma_start3A_355 = arith.constant 0 : i32
      %dma_start3A_356 = tpu.memref_slice %arg30[%dma_start3A_355] : memref<3584xf32, #tpu.memory_space<vmem>> -> memref<512xf32, #tpu.memory_space<vmem>>
      %dma_start3A_357 = tpu.memref_slice %arg2[%add3A_335] : memref<786432xf32, #tpu.memory_space<hbm>> -> memref<512xf32, #tpu.memory_space<hbm>>
      tpu.enqueue_dma source(%dma_start3A_357 : memref<512xf32, #tpu.memory_space<hbm>>) target(%dma_start3A_356 : memref<512xf32, #tpu.memory_space<vmem>>) target_semaphore(%arg37 : memref<!tpu.dma_semaphore, #tpu.memory_space<semaphore_mem>>)
      %dma_start3A_358 = arith.constant 1536 : i32
      %dma_start3A_359 = tpu.memref_slice %arg30[%dma_start3A_358] : memref<3584xf32, #tpu.memory_space<vmem>> -> memref<512xf32, #tpu.memory_space<vmem>>
      %dma_start3A_360 = tpu.memref_slice %arg4[%add3A_337] : memref<786432xf32, #tpu.memory_space<hbm>> -> memref<512xf32, #tpu.memory_space<hbm>>
      %dma_start3A_361 = arith.constant 1536 : i32
      %dma_start3A_362 = tpu.memref_slice %arg30[%dma_start3A_361] : memref<3584xf32, #tpu.memory_space<vmem>> -> memref<512xf32, #tpu.memory_space<vmem>>
      %dma_start3A_363 = tpu.memref_slice %arg4[%add3A_337] : memref<786432xf32, #tpu.memory_space<hbm>> -> memref<512xf32, #tpu.memory_space<hbm>>
      tpu.enqueue_dma source(%dma_start3A_363 : memref<512xf32, #tpu.memory_space<hbm>>) target(%dma_start3A_362 : memref<512xf32, #tpu.memory_space<vmem>>) target_semaphore(%arg37 : memref<!tpu.dma_semaphore, #tpu.memory_space<semaphore_mem>>)
      %dma_start3A_364 = arith.constant 512 : i32
      %dma_start3A_365 = tpu.memref_slice %arg30[%dma_start3A_364] : memref<3584xf32, #tpu.memory_space<vmem>> -> memref<512xf32, #tpu.memory_space<vmem>>
      %dma_start3A_366 = tpu.memref_slice %arg2[%add3A_339] : memref<786432xf32, #tpu.memory_space<hbm>> -> memref<512xf32, #tpu.memory_space<hbm>>
      %dma_start3A_367 = arith.constant 512 : i32
      %dma_start3A_368 = tpu.memref_slice %arg30[%dma_start3A_367] : memref<3584xf32, #tpu.memory_space<vmem>> -> memref<512xf32, #tpu.memory_space<vmem>>
      %dma_start3A_369 = tpu.memref_slice %arg2[%add3A_339] : memref<786432xf32, #tpu.memory_space<hbm>> -> memref<512xf32, #tpu.memory_space<hbm>>
      tpu.enqueue_dma source(%dma_start3A_369 : memref<512xf32, #tpu.memory_space<hbm>>) target(%dma_start3A_368 : memref<512xf32, #tpu.memory_space<vmem>>) target_semaphore(%arg37 : memref<!tpu.dma_semaphore, #tpu.memory_space<semaphore_mem>>)
      %dma_start3A_370 = arith.constant 2048 : i32
      %dma_start3A_371 = tpu.memref_slice %arg30[%dma_start3A_370] : memref<3584xf32, #tpu.memory_space<vmem>> -> memref<512xf32, #tpu.memory_space<vmem>>
      %dma_start3A_372 = tpu.memref_slice %arg4[%add3A_341] : memref<786432xf32, #tpu.memory_space<hbm>> -> memref<512xf32, #tpu.memory_space<hbm>>
      %dma_start3A_373 = arith.constant 2048 : i32
      %dma_start3A_374 = tpu.memref_slice %arg30[%dma_start3A_373] : memref<3584xf32, #tpu.memory_space<vmem>> -> memref<512xf32, #tpu.memory_space<vmem>>
      %dma_start3A_375 = tpu.memref_slice %arg4[%add3A_341] : memref<786432xf32, #tpu.memory_space<hbm>> -> memref<512xf32, #tpu.memory_space<hbm>>
      tpu.enqueue_dma source(%dma_start3A_375 : memref<512xf32, #tpu.memory_space<hbm>>) target(%dma_start3A_374 : memref<512xf32, #tpu.memory_space<vmem>>) target_semaphore(%arg37 : memref<!tpu.dma_semaphore, #tpu.memory_space<semaphore_mem>>)
      %dma_start3A_376 = arith.constant 1024 : i32
      %dma_start3A_377 = tpu.memref_slice %arg30[%dma_start3A_376] : memref<3584xf32, #tpu.memory_space<vmem>> -> memref<512xf32, #tpu.memory_space<vmem>>
      %dma_start3A_378 = tpu.memref_slice %arg2[%add3A_343] : memref<786432xf32, #tpu.memory_space<hbm>> -> memref<512xf32, #tpu.memory_space<hbm>>
      %dma_start3A_379 = arith.constant 1024 : i32
      %dma_start3A_380 = tpu.memref_slice %arg30[%dma_start3A_379] : memref<3584xf32, #tpu.memory_space<vmem>> -> memref<512xf32, #tpu.memory_space<vmem>>
      %dma_start3A_381 = tpu.memref_slice %arg2[%add3A_343] : memref<786432xf32, #tpu.memory_space<hbm>> -> memref<512xf32, #tpu.memory_space<hbm>>
      tpu.enqueue_dma source(%dma_start3A_381 : memref<512xf32, #tpu.memory_space<hbm>>) target(%dma_start3A_380 : memref<512xf32, #tpu.memory_space<vmem>>) target_semaphore(%arg37 : memref<!tpu.dma_semaphore, #tpu.memory_space<semaphore_mem>>)
      %dma_start3A_382 = arith.constant 2560 : i32
      %dma_start3A_383 = tpu.memref_slice %arg30[%dma_start3A_382] : memref<3584xf32, #tpu.memory_space<vmem>> -> memref<512xf32, #tpu.memory_space<vmem>>
      %dma_start3A_384 = tpu.memref_slice %arg4[%add3A_345] : memref<786432xf32, #tpu.memory_space<hbm>> -> memref<512xf32, #tpu.memory_space<hbm>>
      %dma_start3A_385 = arith.constant 2560 : i32
      %dma_start3A_386 = tpu.memref_slice %arg30[%dma_start3A_385] : memref<3584xf32, #tpu.memory_space<vmem>> -> memref<512xf32, #tpu.memory_space<vmem>>
      %dma_start3A_387 = tpu.memref_slice %arg4[%add3A_345] : memref<786432xf32, #tpu.memory_space<hbm>> -> memref<512xf32, #tpu.memory_space<hbm>>
      tpu.enqueue_dma source(%dma_start3A_387 : memref<512xf32, #tpu.memory_space<hbm>>) target(%dma_start3A_386 : memref<512xf32, #tpu.memory_space<vmem>>) target_semaphore(%arg37 : memref<!tpu.dma_semaphore, #tpu.memory_space<semaphore_mem>>)
      %dma_start3A_388 = arith.constant 3072 : i32
      %dma_start3A_389 = tpu.memref_slice %arg30[%dma_start3A_388] : memref<3584xf32, #tpu.memory_space<vmem>> -> memref<512xf32, #tpu.memory_space<vmem>>
      %dma_start3A_390 = tpu.memref_slice %arg5[%add3A_333] : memref<262144xf32, #tpu.memory_space<hbm>> -> memref<512xf32, #tpu.memory_space<hbm>>
      %dma_start3A_391 = arith.constant 3072 : i32
      %dma_start3A_392 = tpu.memref_slice %arg30[%dma_start3A_391] : memref<3584xf32, #tpu.memory_space<vmem>> -> memref<512xf32, #tpu.memory_space<vmem>>
      %dma_start3A_393 = tpu.memref_slice %arg5[%add3A_333] : memref<262144xf32, #tpu.memory_space<hbm>> -> memref<512xf32, #tpu.memory_space<hbm>>
      tpu.enqueue_dma source(%dma_start3A_393 : memref<512xf32, #tpu.memory_space<hbm>>) target(%dma_start3A_392 : memref<512xf32, #tpu.memory_space<vmem>>) target_semaphore(%arg37 : memref<!tpu.dma_semaphore, #tpu.memory_space<semaphore_mem>>)
      %dma_start3A_394 = tpu.memref_slice %arg3[%mul3A_347] : memref<1048576xf32, #tpu.memory_space<hbm>> -> memref<2048xf32, #tpu.memory_space<hbm>>
      %dma_start3A_395 = tpu.memref_slice %arg3[%mul3A_347] : memref<1048576xf32, #tpu.memory_space<hbm>> -> memref<2048xf32, #tpu.memory_space<hbm>>
      tpu.enqueue_dma source(%dma_start3A_395 : memref<2048xf32, #tpu.memory_space<hbm>>) target(%arg31 : memref<2048xf32, #tpu.memory_space<vmem>>) target_semaphore(%arg37 : memref<!tpu.dma_semaphore, #tpu.memory_space<semaphore_mem>>)
      %dma_start3A_396 = tpu.memref_slice %arg7[%mul3A_349] : memref<2097152xf32, #tpu.memory_space<hbm>> -> memref<4096xf32, #tpu.memory_space<hbm>>
      %dma_start3A_397 = tpu.memref_slice %arg7[%mul3A_349] : memref<2097152xf32, #tpu.memory_space<hbm>> -> memref<4096xf32, #tpu.memory_space<hbm>>
      tpu.enqueue_dma source(%dma_start3A_397 : memref<4096xf32, #tpu.memory_space<hbm>>) target(%arg32 : memref<4096xf32, #tpu.memory_space<vmem>>) target_semaphore(%arg37 : memref<!tpu.dma_semaphore, #tpu.memory_space<semaphore_mem>>)
      %dma_start3A_398 = tpu.memref_slice %arg6[%mul3A_351] : memref<2097152xi32, #tpu.memory_space<hbm>> -> memref<4096xi32, #tpu.memory_space<hbm>>
      %dma_start3A_399 = tpu.memref_slice %arg6[%mul3A_351] : memref<2097152xi32, #tpu.memory_space<hbm>> -> memref<4096xi32, #tpu.memory_space<hbm>>
      tpu.enqueue_dma source(%dma_start3A_399 : memref<4096xi32, #tpu.memory_space<hbm>>) target(%arg33 : memref<4096xi32, #tpu.memory_space<vmem>>) target_semaphore(%arg37 : memref<!tpu.dma_semaphore, #tpu.memory_space<semaphore_mem>>)
      %add3A_400 = arith.constant 0 : i32
      %add3A_401 = arith.addi %add3A_400, %add3A_331 : i32
      %add3A_402 = arith.constant 0 : i32
      %add3A_403 = arith.addi %add3A_402, %add3A_331 : i32
      %add3A_404 = arith.constant 262144 : i32
      %add3A_405 = arith.addi %add3A_404, %add3A_331 : i32
      %add3A_406 = arith.constant 262144 : i32
      %add3A_407 = arith.addi %add3A_406, %add3A_331 : i32
      %add3A_408 = arith.constant 524288 : i32
      %add3A_409 = arith.addi %add3A_408, %add3A_331 : i32
      %add3A_410 = arith.constant 524288 : i32
      %add3A_411 = arith.addi %add3A_410, %add3A_331 : i32
      %mul3A_412 = arith.constant 4 : i32
      %mul3A_413 = arith.muli %add3A_331, %mul3A_412 : i32
      %mul3A_414 = arith.constant 8 : i32
      %mul3A_415 = arith.muli %add3A_331, %mul3A_414 : i32
      %mul3A_416 = arith.constant 8 : i32
      %mul3A_417 = arith.muli %add3A_331, %mul3A_416 : i32
      %dma_wait3A_418 = arith.constant 0 : i32
      %dma_wait3A_419 = tpu.memref_slice %arg26[%dma_wait3A_418] : memref<3584xf32, #tpu.memory_space<vmem>> -> memref<512xf32, #tpu.memory_space<vmem>>
      %dma_wait3A_420 = tpu.memref_slice %arg2[%add3A_401] : memref<786432xf32, #tpu.memory_space<hbm>> -> memref<512xf32, #tpu.memory_space<hbm>>
      %dma_wait3A_421 = arith.constant 0 : i32
      %dma_wait3A_422 = tpu.memref_slice %arg26[%dma_wait3A_421] : memref<3584xf32, #tpu.memory_space<vmem>> -> memref<512xf32, #tpu.memory_space<vmem>>
      %dma_wait3A_423 = tpu.memref_slice %arg2[%add3A_401] : memref<786432xf32, #tpu.memory_space<hbm>> -> memref<512xf32, #tpu.memory_space<hbm>>
      tpu.wait_dma2 semaphore(%arg36 : memref<!tpu.dma_semaphore, #tpu.memory_space<semaphore_mem>>) src(%dma_wait3A_423 : memref<512xf32, #tpu.memory_space<hbm>>) dst(%dma_wait3A_422 : memref<512xf32, #tpu.memory_space<vmem>>)
      %dma_wait3A_424 = arith.constant 1536 : i32
      %dma_wait3A_425 = tpu.memref_slice %arg26[%dma_wait3A_424] : memref<3584xf32, #tpu.memory_space<vmem>> -> memref<512xf32, #tpu.memory_space<vmem>>
      %dma_wait3A_426 = tpu.memref_slice %arg4[%add3A_403] : memref<786432xf32, #tpu.memory_space<hbm>> -> memref<512xf32, #tpu.memory_space<hbm>>
      %dma_wait3A_427 = arith.constant 1536 : i32
      %dma_wait3A_428 = tpu.memref_slice %arg26[%dma_wait3A_427] : memref<3584xf32, #tpu.memory_space<vmem>> -> memref<512xf32, #tpu.memory_space<vmem>>
      %dma_wait3A_429 = tpu.memref_slice %arg4[%add3A_403] : memref<786432xf32, #tpu.memory_space<hbm>> -> memref<512xf32, #tpu.memory_space<hbm>>
      tpu.wait_dma2 semaphore(%arg36 : memref<!tpu.dma_semaphore, #tpu.memory_space<semaphore_mem>>) src(%dma_wait3A_429 : memref<512xf32, #tpu.memory_space<hbm>>) dst(%dma_wait3A_428 : memref<512xf32, #tpu.memory_space<vmem>>)
      %dma_wait3A_430 = arith.constant 512 : i32
      %dma_wait3A_431 = tpu.memref_slice %arg26[%dma_wait3A_430] : memref<3584xf32, #tpu.memory_space<vmem>> -> memref<512xf32, #tpu.memory_space<vmem>>
      %dma_wait3A_432 = tpu.memref_slice %arg2[%add3A_405] : memref<786432xf32, #tpu.memory_space<hbm>> -> memref<512xf32, #tpu.memory_space<hbm>>
      %dma_wait3A_433 = arith.constant 512 : i32
      %dma_wait3A_434 = tpu.memref_slice %arg26[%dma_wait3A_433] : memref<3584xf32, #tpu.memory_space<vmem>> -> memref<512xf32, #tpu.memory_space<vmem>>
      %dma_wait3A_435 = tpu.memref_slice %arg2[%add3A_405] : memref<786432xf32, #tpu.memory_space<hbm>> -> memref<512xf32, #tpu.memory_space<hbm>>
      tpu.wait_dma2 semaphore(%arg36 : memref<!tpu.dma_semaphore, #tpu.memory_space<semaphore_mem>>) src(%dma_wait3A_435 : memref<512xf32, #tpu.memory_space<hbm>>) dst(%dma_wait3A_434 : memref<512xf32, #tpu.memory_space<vmem>>)
      %dma_wait3A_436 = arith.constant 2048 : i32
      %dma_wait3A_437 = tpu.memref_slice %arg26[%dma_wait3A_436] : memref<3584xf32, #tpu.memory_space<vmem>> -> memref<512xf32, #tpu.memory_space<vmem>>
      %dma_wait3A_438 = tpu.memref_slice %arg4[%add3A_407] : memref<786432xf32, #tpu.memory_space<hbm>> -> memref<512xf32, #tpu.memory_space<hbm>>
      %dma_wait3A_439 = arith.constant 2048 : i32
      %dma_wait3A_440 = tpu.memref_slice %arg26[%dma_wait3A_439] : memref<3584xf32, #tpu.memory_space<vmem>> -> memref<512xf32, #tpu.memory_space<vmem>>
      %dma_wait3A_441 = tpu.memref_slice %arg4[%add3A_407] : memref<786432xf32, #tpu.memory_space<hbm>> -> memref<512xf32, #tpu.memory_space<hbm>>
      tpu.wait_dma2 semaphore(%arg36 : memref<!tpu.dma_semaphore, #tpu.memory_space<semaphore_mem>>) src(%dma_wait3A_441 : memref<512xf32, #tpu.memory_space<hbm>>) dst(%dma_wait3A_440 : memref<512xf32, #tpu.memory_space<vmem>>)
      %dma_wait3A_442 = arith.constant 1024 : i32
      %dma_wait3A_443 = tpu.memref_slice %arg26[%dma_wait3A_442] : memref<3584xf32, #tpu.memory_space<vmem>> -> memref<512xf32, #tpu.memory_space<vmem>>
      %dma_wait3A_444 = tpu.memref_slice %arg2[%add3A_409] : memref<786432xf32, #tpu.memory_space<hbm>> -> memref<512xf32, #tpu.memory_space<hbm>>
      %dma_wait3A_445 = arith.constant 1024 : i32
      %dma_wait3A_446 = tpu.memref_slice %arg26[%dma_wait3A_445] : memref<3584xf32, #tpu.memory_space<vmem>> -> memref<512xf32, #tpu.memory_space<vmem>>
      %dma_wait3A_447 = tpu.memref_slice %arg2[%add3A_409] : memref<786432xf32, #tpu.memory_space<hbm>> -> memref<512xf32, #tpu.memory_space<hbm>>
      tpu.wait_dma2 semaphore(%arg36 : memref<!tpu.dma_semaphore, #tpu.memory_space<semaphore_mem>>) src(%dma_wait3A_447 : memref<512xf32, #tpu.memory_space<hbm>>) dst(%dma_wait3A_446 : memref<512xf32, #tpu.memory_space<vmem>>)
      %dma_wait3A_448 = arith.constant 2560 : i32
      %dma_wait3A_449 = tpu.memref_slice %arg26[%dma_wait3A_448] : memref<3584xf32, #tpu.memory_space<vmem>> -> memref<512xf32, #tpu.memory_space<vmem>>
      %dma_wait3A_450 = tpu.memref_slice %arg4[%add3A_411] : memref<786432xf32, #tpu.memory_space<hbm>> -> memref<512xf32, #tpu.memory_space<hbm>>
      %dma_wait3A_451 = arith.constant 2560 : i32
      %dma_wait3A_452 = tpu.memref_slice %arg26[%dma_wait3A_451] : memref<3584xf32, #tpu.memory_space<vmem>> -> memref<512xf32, #tpu.memory_space<vmem>>
      %dma_wait3A_453 = tpu.memref_slice %arg4[%add3A_411] : memref<786432xf32, #tpu.memory_space<hbm>> -> memref<512xf32, #tpu.memory_space<hbm>>
      tpu.wait_dma2 semaphore(%arg36 : memref<!tpu.dma_semaphore, #tpu.memory_space<semaphore_mem>>) src(%dma_wait3A_453 : memref<512xf32, #tpu.memory_space<hbm>>) dst(%dma_wait3A_452 : memref<512xf32, #tpu.memory_space<vmem>>)
      %dma_wait3A_454 = arith.constant 3072 : i32
      %dma_wait3A_455 = tpu.memref_slice %arg26[%dma_wait3A_454] : memref<3584xf32, #tpu.memory_space<vmem>> -> memref<512xf32, #tpu.memory_space<vmem>>
      %dma_wait3A_456 = tpu.memref_slice %arg5[%add3A_331] : memref<262144xf32, #tpu.memory_space<hbm>> -> memref<512xf32, #tpu.memory_space<hbm>>
      %dma_wait3A_457 = arith.constant 3072 : i32
      %dma_wait3A_458 = tpu.memref_slice %arg26[%dma_wait3A_457] : memref<3584xf32, #tpu.memory_space<vmem>> -> memref<512xf32, #tpu.memory_space<vmem>>
      %dma_wait3A_459 = tpu.memref_slice %arg5[%add3A_331] : memref<262144xf32, #tpu.memory_space<hbm>> -> memref<512xf32, #tpu.memory_space<hbm>>
      tpu.wait_dma2 semaphore(%arg36 : memref<!tpu.dma_semaphore, #tpu.memory_space<semaphore_mem>>) src(%dma_wait3A_459 : memref<512xf32, #tpu.memory_space<hbm>>) dst(%dma_wait3A_458 : memref<512xf32, #tpu.memory_space<vmem>>)
      %dma_wait3A_460 = tpu.memref_slice %arg3[%mul3A_413] : memref<1048576xf32, #tpu.memory_space<hbm>> -> memref<2048xf32, #tpu.memory_space<hbm>>
      %dma_wait3A_461 = tpu.memref_slice %arg3[%mul3A_413] : memref<1048576xf32, #tpu.memory_space<hbm>> -> memref<2048xf32, #tpu.memory_space<hbm>>
      tpu.wait_dma2 semaphore(%arg36 : memref<!tpu.dma_semaphore, #tpu.memory_space<semaphore_mem>>) src(%dma_wait3A_461 : memref<2048xf32, #tpu.memory_space<hbm>>) dst(%arg27 : memref<2048xf32, #tpu.memory_space<vmem>>)
      %dma_wait3A_462 = tpu.memref_slice %arg7[%mul3A_415] : memref<2097152xf32, #tpu.memory_space<hbm>> -> memref<4096xf32, #tpu.memory_space<hbm>>
      %dma_wait3A_463 = tpu.memref_slice %arg7[%mul3A_415] : memref<2097152xf32, #tpu.memory_space<hbm>> -> memref<4096xf32, #tpu.memory_space<hbm>>
      tpu.wait_dma2 semaphore(%arg36 : memref<!tpu.dma_semaphore, #tpu.memory_space<semaphore_mem>>) src(%dma_wait3A_463 : memref<4096xf32, #tpu.memory_space<hbm>>) dst(%arg28 : memref<4096xf32, #tpu.memory_space<vmem>>)
      %dma_wait3A_464 = tpu.memref_slice %arg6[%mul3A_417] : memref<2097152xi32, #tpu.memory_space<hbm>> -> memref<4096xi32, #tpu.memory_space<hbm>>
      %dma_wait3A_465 = tpu.memref_slice %arg6[%mul3A_417] : memref<2097152xi32, #tpu.memory_space<hbm>> -> memref<4096xi32, #tpu.memory_space<hbm>>
      tpu.wait_dma2 semaphore(%arg36 : memref<!tpu.dma_semaphore, #tpu.memory_space<semaphore_mem>>) src(%dma_wait3A_465 : memref<4096xi32, #tpu.memory_space<hbm>>) dst(%arg29 : memref<4096xi32, #tpu.memory_space<vmem>>)
      %gt3A = arith.constant 0 : i32
      %gt3A_466 = arith.cmpi sgt, %scan3A_326, %gt3A : i32
      %convert_element_type3A = arith.extui %gt3A_466 : i1 to i32
      %cond3A = arith.constant 0 : i32
      %cond3A_467 = arith.cmpi ne, %convert_element_type3A, %cond3A : i32
      scf.if %cond3A_467 {
        %mul3A_661 = arith.constant 4 : i32
        %mul3A_662 = arith.muli %add3A_331, %mul3A_661 : i32
        %mul3A_663 = arith.constant 4 : i32
        %mul3A_664 = arith.muli %add3A_331, %mul3A_663 : i32
        %add3A_665 = arith.constant 0 : i32
        %add3A_666 = arith.addi %add3A_665, %mul3A_664 : i32
        %mul3A_667 = arith.constant 4 : i32
        %mul3A_668 = arith.muli %add3A_331, %mul3A_667 : i32
        %add3A_669 = arith.constant 1048576 : i32
        %add3A_670 = arith.addi %add3A_669, %mul3A_668 : i32
        %mul3A_671 = arith.constant 4 : i32
        %mul3A_672 = arith.muli %add3A_331, %mul3A_671 : i32
        %add3A_673 = arith.constant 2097152 : i32
        %add3A_674 = arith.addi %add3A_673, %mul3A_672 : i32
        %mul3A_675 = arith.constant 4 : i32
        %mul3A_676 = arith.muli %add3A_331, %mul3A_675 : i32
        %dma_wait3A_677 = arith.constant 0 : i32
        %dma_wait3A_678 = tpu.memref_slice %arg34[%dma_wait3A_677] : memref<10752xf32, #tpu.memory_space<vmem>> -> memref<2048xf32, #tpu.memory_space<vmem>>
        %dma_wait3A_679 = tpu.memref_slice %arg12[%mul3A_662] : memref<1048576xf32, #tpu.memory_space<hbm>> -> memref<2048xf32, #tpu.memory_space<hbm>>
        %dma_wait3A_680 = tpu.memref_slice %arg12[%mul3A_662] : memref<1048576xf32, #tpu.memory_space<hbm>> -> memref<2048xf32, #tpu.memory_space<hbm>>
        %dma_wait3A_681 = arith.constant 0 : i32
        %dma_wait3A_682 = tpu.memref_slice %arg34[%dma_wait3A_681] : memref<10752xf32, #tpu.memory_space<vmem>> -> memref<2048xf32, #tpu.memory_space<vmem>>
        tpu.wait_dma2 semaphore(%arg38 : memref<!tpu.dma_semaphore, #tpu.memory_space<semaphore_mem>>) src(%dma_wait3A_682 : memref<2048xf32, #tpu.memory_space<vmem>>) dst(%dma_wait3A_680 : memref<2048xf32, #tpu.memory_space<hbm>>)
        %dma_wait3A_683 = arith.constant 2048 : i32
        %dma_wait3A_684 = tpu.memref_slice %arg34[%dma_wait3A_683] : memref<10752xf32, #tpu.memory_space<vmem>> -> memref<2048xf32, #tpu.memory_space<vmem>>
        %dma_wait3A_685 = tpu.memref_slice %arg13[%add3A_666] : memref<3145728xf32, #tpu.memory_space<hbm>> -> memref<2048xf32, #tpu.memory_space<hbm>>
        %dma_wait3A_686 = tpu.memref_slice %arg13[%add3A_666] : memref<3145728xf32, #tpu.memory_space<hbm>> -> memref<2048xf32, #tpu.memory_space<hbm>>
        %dma_wait3A_687 = arith.constant 2048 : i32
        %dma_wait3A_688 = tpu.memref_slice %arg34[%dma_wait3A_687] : memref<10752xf32, #tpu.memory_space<vmem>> -> memref<2048xf32, #tpu.memory_space<vmem>>
        tpu.wait_dma2 semaphore(%arg38 : memref<!tpu.dma_semaphore, #tpu.memory_space<semaphore_mem>>) src(%dma_wait3A_688 : memref<2048xf32, #tpu.memory_space<vmem>>) dst(%dma_wait3A_686 : memref<2048xf32, #tpu.memory_space<hbm>>)
        %dma_wait3A_689 = arith.constant 4096 : i32
        %dma_wait3A_690 = tpu.memref_slice %arg34[%dma_wait3A_689] : memref<10752xf32, #tpu.memory_space<vmem>> -> memref<2048xf32, #tpu.memory_space<vmem>>
        %dma_wait3A_691 = tpu.memref_slice %arg13[%add3A_670] : memref<3145728xf32, #tpu.memory_space<hbm>> -> memref<2048xf32, #tpu.memory_space<hbm>>
        %dma_wait3A_692 = tpu.memref_slice %arg13[%add3A_670] : memref<3145728xf32, #tpu.memory_space<hbm>> -> memref<2048xf32, #tpu.memory_space<hbm>>
        %dma_wait3A_693 = arith.constant 4096 : i32
        %dma_wait3A_694 = tpu.memref_slice %arg34[%dma_wait3A_693] : memref<10752xf32, #tpu.memory_space<vmem>> -> memref<2048xf32, #tpu.memory_space<vmem>>
        tpu.wait_dma2 semaphore(%arg38 : memref<!tpu.dma_semaphore, #tpu.memory_space<semaphore_mem>>) src(%dma_wait3A_694 : memref<2048xf32, #tpu.memory_space<vmem>>) dst(%dma_wait3A_692 : memref<2048xf32, #tpu.memory_space<hbm>>)
        %dma_wait3A_695 = arith.constant 6144 : i32
        %dma_wait3A_696 = tpu.memref_slice %arg34[%dma_wait3A_695] : memref<10752xf32, #tpu.memory_space<vmem>> -> memref<2048xf32, #tpu.memory_space<vmem>>
        %dma_wait3A_697 = tpu.memref_slice %arg13[%add3A_674] : memref<3145728xf32, #tpu.memory_space<hbm>> -> memref<2048xf32, #tpu.memory_space<hbm>>
        %dma_wait3A_698 = tpu.memref_slice %arg13[%add3A_674] : memref<3145728xf32, #tpu.memory_space<hbm>> -> memref<2048xf32, #tpu.memory_space<hbm>>
        %dma_wait3A_699 = arith.constant 6144 : i32
        %dma_wait3A_700 = tpu.memref_slice %arg34[%dma_wait3A_699] : memref<10752xf32, #tpu.memory_space<vmem>> -> memref<2048xf32, #tpu.memory_space<vmem>>
        tpu.wait_dma2 semaphore(%arg38 : memref<!tpu.dma_semaphore, #tpu.memory_space<semaphore_mem>>) src(%dma_wait3A_700 : memref<2048xf32, #tpu.memory_space<vmem>>) dst(%dma_wait3A_698 : memref<2048xf32, #tpu.memory_space<hbm>>)
        %dma_wait3A_701 = arith.constant 8192 : i32
        %dma_wait3A_702 = tpu.memref_slice %arg34[%dma_wait3A_701] : memref<10752xf32, #tpu.memory_space<vmem>> -> memref<2048xf32, #tpu.memory_space<vmem>>
        %dma_wait3A_703 = tpu.memref_slice %arg14[%mul3A_676] : memref<1048576xf32, #tpu.memory_space<hbm>> -> memref<2048xf32, #tpu.memory_space<hbm>>
        %dma_wait3A_704 = tpu.memref_slice %arg14[%mul3A_676] : memref<1048576xf32, #tpu.memory_space<hbm>> -> memref<2048xf32, #tpu.memory_space<hbm>>
        %dma_wait3A_705 = arith.constant 8192 : i32
        %dma_wait3A_706 = tpu.memref_slice %arg34[%dma_wait3A_705] : memref<10752xf32, #tpu.memory_space<vmem>> -> memref<2048xf32, #tpu.memory_space<vmem>>
        tpu.wait_dma2 semaphore(%arg38 : memref<!tpu.dma_semaphore, #tpu.memory_space<semaphore_mem>>) src(%dma_wait3A_706 : memref<2048xf32, #tpu.memory_space<vmem>>) dst(%dma_wait3A_704 : memref<2048xf32, #tpu.memory_space<hbm>>)
        %dma_wait3A_707 = arith.constant 10240 : i32
        %dma_wait3A_708 = tpu.memref_slice %arg34[%dma_wait3A_707] : memref<10752xf32, #tpu.memory_space<vmem>> -> memref<512xf32, #tpu.memory_space<vmem>>
        %dma_wait3A_709 = tpu.memref_slice %arg15[%add3A_331] : memref<262144xf32, #tpu.memory_space<hbm>> -> memref<512xf32, #tpu.memory_space<hbm>>
        %dma_wait3A_710 = tpu.memref_slice %arg15[%add3A_331] : memref<262144xf32, #tpu.memory_space<hbm>> -> memref<512xf32, #tpu.memory_space<hbm>>
        %dma_wait3A_711 = arith.constant 10240 : i32
        %dma_wait3A_712 = tpu.memref_slice %arg34[%dma_wait3A_711] : memref<10752xf32, #tpu.memory_space<vmem>> -> memref<512xf32, #tpu.memory_space<vmem>>
        tpu.wait_dma2 semaphore(%arg38 : memref<!tpu.dma_semaphore, #tpu.memory_space<semaphore_mem>>) src(%dma_wait3A_712 : memref<512xf32, #tpu.memory_space<vmem>>) dst(%dma_wait3A_710 : memref<512xf32, #tpu.memory_space<hbm>>)
      } else {
      }
      %scan3A_468 = arith.constant 0 : i32
      %scan3A_469 = arith.constant 0 : i32
      %scan3A_470 = arith.constant 16 : i32
      %scan3A_471 = arith.addi %scan3A_469, %scan3A_470 : i32
      %scan3A_472 = arith.constant 1 : i32
      scf.for %scan3A_661 = %scan3A_469 to %scan3A_471 step %scan3A_472  : i32 {
        %mul3A_662 = arith.constant 2 : i32
        %mul3A_663 = arith.muli %scan3A_661, %mul3A_662 : i32
        %add3A_664 = arith.constant 0 : i32
        %add3A_665 = arith.addi %mul3A_663, %add3A_664 : i32
        %mul3A_666 = arith.constant 16 : i32
        %mul3A_667 = arith.muli %add3A_665, %mul3A_666 : i32
        %jit3A = arith.constant 8 : i32
        %div3A = arith.divsi %add3A_665, %jit3A : i32
        %sign3A = arith.constant 0 : i32
        %sign3A_668 = arith.cmpi sgt, %add3A_665, %sign3A : i32
        %sign3A_669 = arith.extui %sign3A_668 : i1 to i32
        %sign3A_670 = arith.constant 0 : i32
        %sign3A_671 = arith.cmpi slt, %add3A_665, %sign3A_670 : i32
        %sign3A_672 = arith.extui %sign3A_671 : i1 to i32
        %sign3A_673 = arith.subi %sign3A_669, %sign3A_672 : i32
        %sign3A_674 = arith.constant 0 : i32
        %sign3A_675 = arith.cmpi sgt, %jit3A, %sign3A_674 : i32
        %sign3A_676 = arith.extui %sign3A_675 : i1 to i32
        %sign3A_677 = arith.constant 0 : i32
        %sign3A_678 = arith.cmpi slt, %jit3A, %sign3A_677 : i32
        %sign3A_679 = arith.extui %sign3A_678 : i1 to i32
        %sign3A_680 = arith.subi %sign3A_676, %sign3A_679 : i32
        %ne3A = arith.cmpi ne, %sign3A_673, %sign3A_680 : i32
        %rem3A = arith.remsi %add3A_665, %jit3A : i32
        %ne3A_681 = arith.constant 0 : i32
        %ne3A_682 = arith.cmpi ne, %rem3A, %ne3A_681 : i32
        %and3A = arith.andi %ne3A, %ne3A_682 : i1
        %sub3A = arith.constant 1 : i32
        %sub3A_683 = arith.subi %div3A, %sub3A : i32
        %select_n3A = arith.select %and3A, %sub3A_683, %div3A : i32
        %jit3A_684 = arith.constant 8 : i32
        %eq3A = arith.constant 0 : i32
        %eq3A_685 = arith.cmpi eq, %jit3A_684, %eq3A : i32
        %jit3A_686 = arith.constant 1 : i32
        %select_n3A_687 = arith.select %eq3A_685, %jit3A_686, %jit3A_684 : i32
        %rem3A_688 = arith.remsi %add3A_665, %select_n3A_687 : i32
        %ne3A_689 = arith.constant 0 : i32
        %ne3A_690 = arith.cmpi ne, %rem3A_688, %ne3A_689 : i32
        %lt3A_691 = arith.constant 0 : i32
        %lt3A_692 = arith.cmpi slt, %rem3A_688, %lt3A_691 : i32
        %lt3A_693 = arith.constant 0 : i32
        %lt3A_694 = arith.cmpi slt, %select_n3A_687, %lt3A_693 : i32
        %ne3A_695 = arith.xori %lt3A_692, %lt3A_694 : i1
        %and3A_696 = arith.andi %ne3A_695, %ne3A_690 : i1
        %add3A_697 = arith.addi %rem3A_688, %select_n3A_687 : i32
        %select_n3A_698 = arith.select %and3A_696, %add3A_697, %rem3A_688 : i32
        %mul3A_699 = arith.constant 16 : i32
        %mul3A_700 = arith.muli %select_n3A_698, %mul3A_699 : i32
        %mul3A_701 = arith.constant 512 : i32
        %mul3A_702 = arith.muli %select_n3A, %mul3A_701 : i32
        %add3A_703 = arith.addi %mul3A_702, %mul3A_700 : i32
        %mul3A_704 = arith.constant 1024 : i32
        %mul3A_705 = arith.muli %select_n3A, %mul3A_704 : i32
        %add3A_706 = arith.addi %mul3A_705, %mul3A_700 : i32
        %add3A_707 = arith.constant 0 : i32
        %add3A_708 = arith.addi %add3A_706, %add3A_707 : i32
        %get3A = arith.index_cast %add3A_708 : i32 to index
        %get3A_709 = tpu.vector_load %arg29[%get3A] {strides = array<i32>} : memref<4096xi32, #tpu.memory_space<vmem>>, vector<16xi32>,
        %add3A_710 = arith.constant 128 : i32
        %add3A_711 = arith.addi %add3A_706, %add3A_710 : i32
        %get3A_712 = arith.index_cast %add3A_711 : i32 to index
        %get3A_713 = tpu.vector_load %arg29[%get3A_712] {strides = array<i32>} : memref<4096xi32, #tpu.memory_space<vmem>>, vector<16xi32>,
        %add3A_714 = arith.constant 256 : i32
        %add3A_715 = arith.addi %add3A_706, %add3A_714 : i32
        %get3A_716 = arith.index_cast %add3A_715 : i32 to index
        %get3A_717 = tpu.vector_load %arg29[%get3A_716] {strides = array<i32>} : memref<4096xi32, #tpu.memory_space<vmem>>, vector<16xi32>,
        %add3A_718 = arith.constant 384 : i32
        %add3A_719 = arith.addi %add3A_706, %add3A_718 : i32
        %get3A_720 = arith.index_cast %add3A_719 : i32 to index
        %get3A_721 = tpu.vector_load %arg29[%get3A_720] {strides = array<i32>} : memref<4096xi32, #tpu.memory_space<vmem>>, vector<16xi32>,
        %add3A_722 = arith.constant 512 : i32
        %add3A_723 = arith.addi %add3A_706, %add3A_722 : i32
        %get3A_724 = arith.index_cast %add3A_723 : i32 to index
        %get3A_725 = tpu.vector_load %arg29[%get3A_724] {strides = array<i32>} : memref<4096xi32, #tpu.memory_space<vmem>>, vector<16xi32>,
        %add3A_726 = arith.constant 640 : i32
        %add3A_727 = arith.addi %add3A_706, %add3A_726 : i32
        %get3A_728 = arith.index_cast %add3A_727 : i32 to index
        %get3A_729 = tpu.vector_load %arg29[%get3A_728] {strides = array<i32>} : memref<4096xi32, #tpu.memory_space<vmem>>, vector<16xi32>,
        %add3A_730 = arith.constant 768 : i32
        %add3A_731 = arith.addi %add3A_706, %add3A_730 : i32
        %get3A_732 = arith.index_cast %add3A_731 : i32 to index
        %get3A_733 = tpu.vector_load %arg29[%get3A_732] {strides = array<i32>} : memref<4096xi32, #tpu.memory_space<vmem>>, vector<16xi32>,
        %add3A_734 = arith.constant 896 : i32
        %add3A_735 = arith.addi %add3A_706, %add3A_734 : i32
        %get3A_736 = arith.index_cast %add3A_735 : i32 to index
        %get3A_737 = tpu.vector_load %arg29[%get3A_736] {strides = array<i32>} : memref<4096xi32, #tpu.memory_space<vmem>>, vector<16xi32>,
        %add3A_738 = arith.constant 0 : i32
        %add3A_739 = arith.addi %add3A_706, %add3A_738 : i32
        %get3A_740 = arith.index_cast %add3A_739 : i32 to index
        %get3A_741 = tpu.vector_load %arg28[%get3A_740] {strides = array<i32>} : memref<4096xf32, #tpu.memory_space<vmem>>, vector<16xf32>,
        %add3A_742 = arith.constant 128 : i32
        %add3A_743 = arith.addi %add3A_706, %add3A_742 : i32
        %get3A_744 = arith.index_cast %add3A_743 : i32 to index
        %get3A_745 = tpu.vector_load %arg28[%get3A_744] {strides = array<i32>} : memref<4096xf32, #tpu.memory_space<vmem>>, vector<16xf32>,
        %add3A_746 = arith.constant 256 : i32
        %add3A_747 = arith.addi %add3A_706, %add3A_746 : i32
        %get3A_748 = arith.index_cast %add3A_747 : i32 to index
        %get3A_749 = tpu.vector_load %arg28[%get3A_748] {strides = array<i32>} : memref<4096xf32, #tpu.memory_space<vmem>>, vector<16xf32>,
        %add3A_750 = arith.constant 384 : i32
        %add3A_751 = arith.addi %add3A_706, %add3A_750 : i32
        %get3A_752 = arith.index_cast %add3A_751 : i32 to index
        %get3A_753 = tpu.vector_load %arg28[%get3A_752] {strides = array<i32>} : memref<4096xf32, #tpu.memory_space<vmem>>, vector<16xf32>,
        %add3A_754 = arith.constant 512 : i32
        %add3A_755 = arith.addi %add3A_706, %add3A_754 : i32
        %get3A_756 = arith.index_cast %add3A_755 : i32 to index
        %get3A_757 = tpu.vector_load %arg28[%get3A_756] {strides = array<i32>} : memref<4096xf32, #tpu.memory_space<vmem>>, vector<16xf32>,
        %add3A_758 = arith.constant 640 : i32
        %add3A_759 = arith.addi %add3A_706, %add3A_758 : i32
        %get3A_760 = arith.index_cast %add3A_759 : i32 to index
        %get3A_761 = tpu.vector_load %arg28[%get3A_760] {strides = array<i32>} : memref<4096xf32, #tpu.memory_space<vmem>>, vector<16xf32>,
        %add3A_762 = arith.constant 768 : i32
        %add3A_763 = arith.addi %add3A_706, %add3A_762 : i32
        %get3A_764 = arith.index_cast %add3A_763 : i32 to index
        %get3A_765 = tpu.vector_load %arg28[%get3A_764] {strides = array<i32>} : memref<4096xf32, #tpu.memory_space<vmem>>, vector<16xf32>,
        %add3A_766 = arith.constant 896 : i32
        %add3A_767 = arith.addi %add3A_706, %add3A_766 : i32
        %get3A_768 = arith.index_cast %add3A_767 : i32 to index
        %get3A_769 = tpu.vector_load %arg28[%get3A_768] {strides = array<i32>} : memref<4096xf32, #tpu.memory_space<vmem>>, vector<16xf32>,
        %add3A_770 = arith.addf %get3A_741, %get3A_745 : vector<16xf32>
        %add3A_771 = arith.addf %get3A_749, %get3A_753 : vector<16xf32>
        %add3A_772 = arith.addf %add3A_770, %add3A_771 : vector<16xf32>
        %add3A_773 = arith.addf %get3A_757, %get3A_761 : vector<16xf32>
        %add3A_774 = arith.addf %get3A_765, %get3A_769 : vector<16xf32>
        %add3A_775 = arith.addf %add3A_773, %add3A_774 : vector<16xf32>
        %add3A_776 = arith.addf %add3A_772, %add3A_775 : vector<16xf32>
        %add3A_777 = arith.constant 9.99999993E-9 : f32
        %add3A_778 = vector.broadcast %add3A_777 : f32 to vector<16xf32>
        %add3A_779 = arith.addf %add3A_776, %add3A_778 : vector<16xf32>
        %div3A_780 = arith.constant 1.000000e+00 : f32
        %div3A_781 = vector.broadcast %div3A_780 : f32 to vector<16xf32>
        %div3A_782 = arith.divf %div3A_781, %add3A_779 : vector<16xf32>
        %gather3A = tpu.vector_load_idx %arg17[%get3A_709] : memref<4096xf32, #tpu.memory_space<vmem>>[vector<16xi32>], vector<16xf32>,
        %gather3A_783 = tpu.vector_load_idx %arg18[%get3A_709] : memref<4096xf32, #tpu.memory_space<vmem>>[vector<16xi32>], vector<16xf32>,
        %gather3A_784 = tpu.vector_load_idx %arg19[%get3A_709] : memref<4096xf32, #tpu.memory_space<vmem>>[vector<16xi32>], vector<16xf32>,
        %gather3A_785 = tpu.vector_load_idx %arg20[%get3A_709] : memref<4096xf32, #tpu.memory_space<vmem>>[vector<16xi32>], vector<16xf32>,
        %gather3A_786 = tpu.vector_load_idx %arg17[%get3A_713] : memref<4096xf32, #tpu.memory_space<vmem>>[vector<16xi32>], vector<16xf32>,
        %gather3A_787 = tpu.vector_load_idx %arg18[%get3A_713] : memref<4096xf32, #tpu.memory_space<vmem>>[vector<16xi32>], vector<16xf32>,
        %gather3A_788 = tpu.vector_load_idx %arg19[%get3A_713] : memref<4096xf32, #tpu.memory_space<vmem>>[vector<16xi32>], vector<16xf32>,
        %gather3A_789 = tpu.vector_load_idx %arg20[%get3A_713] : memref<4096xf32, #tpu.memory_space<vmem>>[vector<16xi32>], vector<16xf32>,
        %mul3A_790 = arith.mulf %gather3A, %gather3A_786 : vector<16xf32>
        %mul3A_791 = arith.mulf %gather3A_783, %gather3A_787 : vector<16xf32>
        %add3A_792 = arith.addf %mul3A_790, %mul3A_791 : vector<16xf32>
        %mul3A_793 = arith.mulf %gather3A_784, %gather3A_788 : vector<16xf32>
        %mul3A_794 = arith.mulf %gather3A_785, %gather3A_789 : vector<16xf32>
        %add3A_795 = arith.addf %mul3A_793, %mul3A_794 : vector<16xf32>
        %add3A_796 = arith.addf %add3A_792, %add3A_795 : vector<16xf32>
        %lt3A_797 = arith.constant 0.000000e+00 : f32
        %lt3A_798 = vector.broadcast %lt3A_797 : f32 to vector<16xf32>
        %lt3A_799 = arith.cmpf olt, %add3A_796, %lt3A_798 : vector<16xf32>
        %neg3A = arith.constant 0.000000e+00 : f32
        %neg3A_800 = vector.broadcast %neg3A : f32 to vector<16xf32>
        %neg3A_801 = arith.subf %neg3A_800, %get3A_745 : vector<16xf32>
        %select_n3A_802 = arith.select %lt3A_799, %neg3A_801, %get3A_745 : vector<16xi1>, vector<16xf32>
        %mul3A_803 = arith.mulf %select_n3A_802, %gather3A_786 : vector<16xf32>
        %mul3A_804 = arith.mulf %select_n3A_802, %gather3A_787 : vector<16xf32>
        %mul3A_805 = arith.mulf %select_n3A_802, %gather3A_788 : vector<16xf32>
        %mul3A_806 = arith.mulf %select_n3A_802, %gather3A_789 : vector<16xf32>
        %gather3A_807 = tpu.vector_load_idx %arg17[%get3A_717] : memref<4096xf32, #tpu.memory_space<vmem>>[vector<16xi32>], vector<16xf32>,
        %gather3A_808 = tpu.vector_load_idx %arg18[%get3A_717] : memref<4096xf32, #tpu.memory_space<vmem>>[vector<16xi32>], vector<16xf32>,
        %gather3A_809 = tpu.vector_load_idx %arg19[%get3A_717] : memref<4096xf32, #tpu.memory_space<vmem>>[vector<16xi32>], vector<16xf32>,
        %gather3A_810 = tpu.vector_load_idx %arg20[%get3A_717] : memref<4096xf32, #tpu.memory_space<vmem>>[vector<16xi32>], vector<16xf32>,
        %mul3A_811 = arith.mulf %gather3A, %gather3A_807 : vector<16xf32>
        %mul3A_812 = arith.mulf %gather3A_783, %gather3A_808 : vector<16xf32>
        %add3A_813 = arith.addf %mul3A_811, %mul3A_812 : vector<16xf32>
        %mul3A_814 = arith.mulf %gather3A_784, %gather3A_809 : vector<16xf32>
        %mul3A_815 = arith.mulf %gather3A_785, %gather3A_810 : vector<16xf32>
        %add3A_816 = arith.addf %mul3A_814, %mul3A_815 : vector<16xf32>
        %add3A_817 = arith.addf %add3A_813, %add3A_816 : vector<16xf32>
        %lt3A_818 = arith.constant 0.000000e+00 : f32
        %lt3A_819 = vector.broadcast %lt3A_818 : f32 to vector<16xf32>
        %lt3A_820 = arith.cmpf olt, %add3A_817, %lt3A_819 : vector<16xf32>
        %neg3A_821 = arith.constant 0.000000e+00 : f32
        %neg3A_822 = vector.broadcast %neg3A_821 : f32 to vector<16xf32>
        %neg3A_823 = arith.subf %neg3A_822, %get3A_749 : vector<16xf32>
        %select_n3A_824 = arith.select %lt3A_820, %neg3A_823, %get3A_749 : vector<16xi1>, vector<16xf32>
        %mul3A_825 = arith.mulf %select_n3A_824, %gather3A_807 : vector<16xf32>
        %add3A_826 = arith.addf %mul3A_803, %mul3A_825 : vector<16xf32>
        %mul3A_827 = arith.mulf %select_n3A_824, %gather3A_808 : vector<16xf32>
        %add3A_828 = arith.addf %mul3A_804, %mul3A_827 : vector<16xf32>
        %mul3A_829 = arith.mulf %select_n3A_824, %gather3A_809 : vector<16xf32>
        %add3A_830 = arith.addf %mul3A_805, %mul3A_829 : vector<16xf32>
        %mul3A_831 = arith.mulf %select_n3A_824, %gather3A_810 : vector<16xf32>
        %add3A_832 = arith.addf %mul3A_806, %mul3A_831 : vector<16xf32>
        %gather3A_833 = tpu.vector_load_idx %arg17[%get3A_721] : memref<4096xf32, #tpu.memory_space<vmem>>[vector<16xi32>], vector<16xf32>,
        %gather3A_834 = tpu.vector_load_idx %arg18[%get3A_721] : memref<4096xf32, #tpu.memory_space<vmem>>[vector<16xi32>], vector<16xf32>,
        %gather3A_835 = tpu.vector_load_idx %arg19[%get3A_721] : memref<4096xf32, #tpu.memory_space<vmem>>[vector<16xi32>], vector<16xf32>,
        %gather3A_836 = tpu.vector_load_idx %arg20[%get3A_721] : memref<4096xf32, #tpu.memory_space<vmem>>[vector<16xi32>], vector<16xf32>,
        %mul3A_837 = arith.mulf %gather3A, %gather3A_833 : vector<16xf32>
        %mul3A_838 = arith.mulf %gather3A_783, %gather3A_834 : vector<16xf32>
        %add3A_839 = arith.addf %mul3A_837, %mul3A_838 : vector<16xf32>
        %mul3A_840 = arith.mulf %gather3A_784, %gather3A_835 : vector<16xf32>
        %mul3A_841 = arith.mulf %gather3A_785, %gather3A_836 : vector<16xf32>
        %add3A_842 = arith.addf %mul3A_840, %mul3A_841 : vector<16xf32>
        %add3A_843 = arith.addf %add3A_839, %add3A_842 : vector<16xf32>
        %lt3A_844 = arith.constant 0.000000e+00 : f32
        %lt3A_845 = vector.broadcast %lt3A_844 : f32 to vector<16xf32>
        %lt3A_846 = arith.cmpf olt, %add3A_843, %lt3A_845 : vector<16xf32>
        %neg3A_847 = arith.constant 0.000000e+00 : f32
        %neg3A_848 = vector.broadcast %neg3A_847 : f32 to vector<16xf32>
        %neg3A_849 = arith.subf %neg3A_848, %get3A_753 : vector<16xf32>
        %select_n3A_850 = arith.select %lt3A_846, %neg3A_849, %get3A_753 : vector<16xi1>, vector<16xf32>
        %mul3A_851 = arith.mulf %select_n3A_850, %gather3A_833 : vector<16xf32>
        %add3A_852 = arith.addf %add3A_826, %mul3A_851 : vector<16xf32>
        %mul3A_853 = arith.mulf %select_n3A_850, %gather3A_834 : vector<16xf32>
        %add3A_854 = arith.addf %add3A_828, %mul3A_853 : vector<16xf32>
        %mul3A_855 = arith.mulf %select_n3A_850, %gather3A_835 : vector<16xf32>
        %add3A_856 = arith.addf %add3A_830, %mul3A_855 : vector<16xf32>
        %mul3A_857 = arith.mulf %select_n3A_850, %gather3A_836 : vector<16xf32>
        %add3A_858 = arith.addf %add3A_832, %mul3A_857 : vector<16xf32>
        %gather3A_859 = tpu.vector_load_idx %arg17[%get3A_725] : memref<4096xf32, #tpu.memory_space<vmem>>[vector<16xi32>], vector<16xf32>,
        %gather3A_860 = tpu.vector_load_idx %arg18[%get3A_725] : memref<4096xf32, #tpu.memory_space<vmem>>[vector<16xi32>], vector<16xf32>,
        %gather3A_861 = tpu.vector_load_idx %arg19[%get3A_725] : memref<4096xf32, #tpu.memory_space<vmem>>[vector<16xi32>], vector<16xf32>,
        %gather3A_862 = tpu.vector_load_idx %arg20[%get3A_725] : memref<4096xf32, #tpu.memory_space<vmem>>[vector<16xi32>], vector<16xf32>,
        %mul3A_863 = arith.mulf %gather3A, %gather3A_859 : vector<16xf32>
        %mul3A_864 = arith.mulf %gather3A_783, %gather3A_860 : vector<16xf32>
        %add3A_865 = arith.addf %mul3A_863, %mul3A_864 : vector<16xf32>
        %mul3A_866 = arith.mulf %gather3A_784, %gather3A_861 : vector<16xf32>
        %mul3A_867 = arith.mulf %gather3A_785, %gather3A_862 : vector<16xf32>
        %add3A_868 = arith.addf %mul3A_866, %mul3A_867 : vector<16xf32>
        %add3A_869 = arith.addf %add3A_865, %add3A_868 : vector<16xf32>
        %lt3A_870 = arith.constant 0.000000e+00 : f32
        %lt3A_871 = vector.broadcast %lt3A_870 : f32 to vector<16xf32>
        %lt3A_872 = arith.cmpf olt, %add3A_869, %lt3A_871 : vector<16xf32>
        %neg3A_873 = arith.constant 0.000000e+00 : f32
        %neg3A_874 = vector.broadcast %neg3A_873 : f32 to vector<16xf32>
        %neg3A_875 = arith.subf %neg3A_874, %get3A_757 : vector<16xf32>
        %select_n3A_876 = arith.select %lt3A_872, %neg3A_875, %get3A_757 : vector<16xi1>, vector<16xf32>
        %mul3A_877 = arith.mulf %select_n3A_876, %gather3A_859 : vector<16xf32>
        %add3A_878 = arith.addf %add3A_852, %mul3A_877 : vector<16xf32>
        %mul3A_879 = arith.mulf %select_n3A_876, %gather3A_860 : vector<16xf32>
        %add3A_880 = arith.addf %add3A_854, %mul3A_879 : vector<16xf32>
        %mul3A_881 = arith.mulf %select_n3A_876, %gather3A_861 : vector<16xf32>
        %add3A_882 = arith.addf %add3A_856, %mul3A_881 : vector<16xf32>
        %mul3A_883 = arith.mulf %select_n3A_876, %gather3A_862 : vector<16xf32>
        %add3A_884 = arith.addf %add3A_858, %mul3A_883 : vector<16xf32>
        %gather3A_885 = tpu.vector_load_idx %arg17[%get3A_729] : memref<4096xf32, #tpu.memory_space<vmem>>[vector<16xi32>], vector<16xf32>,
        %gather3A_886 = tpu.vector_load_idx %arg18[%get3A_729] : memref<4096xf32, #tpu.memory_space<vmem>>[vector<16xi32>], vector<16xf32>,
        %gather3A_887 = tpu.vector_load_idx %arg19[%get3A_729] : memref<4096xf32, #tpu.memory_space<vmem>>[vector<16xi32>], vector<16xf32>,
        %gather3A_888 = tpu.vector_load_idx %arg20[%get3A_729] : memref<4096xf32, #tpu.memory_space<vmem>>[vector<16xi32>], vector<16xf32>,
        %mul3A_889 = arith.mulf %gather3A, %gather3A_885 : vector<16xf32>
        %mul3A_890 = arith.mulf %gather3A_783, %gather3A_886 : vector<16xf32>
        %add3A_891 = arith.addf %mul3A_889, %mul3A_890 : vector<16xf32>
        %mul3A_892 = arith.mulf %gather3A_784, %gather3A_887 : vector<16xf32>
        %mul3A_893 = arith.mulf %gather3A_785, %gather3A_888 : vector<16xf32>
        %add3A_894 = arith.addf %mul3A_892, %mul3A_893 : vector<16xf32>
        %add3A_895 = arith.addf %add3A_891, %add3A_894 : vector<16xf32>
        %lt3A_896 = arith.constant 0.000000e+00 : f32
        %lt3A_897 = vector.broadcast %lt3A_896 : f32 to vector<16xf32>
        %lt3A_898 = arith.cmpf olt, %add3A_895, %lt3A_897 : vector<16xf32>
        %neg3A_899 = arith.constant 0.000000e+00 : f32
        %neg3A_900 = vector.broadcast %neg3A_899 : f32 to vector<16xf32>
        %neg3A_901 = arith.subf %neg3A_900, %get3A_761 : vector<16xf32>
        %select_n3A_902 = arith.select %lt3A_898, %neg3A_901, %get3A_761 : vector<16xi1>, vector<16xf32>
        %mul3A_903 = arith.mulf %select_n3A_902, %gather3A_885 : vector<16xf32>
        %add3A_904 = arith.addf %add3A_878, %mul3A_903 : vector<16xf32>
        %mul3A_905 = arith.mulf %select_n3A_902, %gather3A_886 : vector<16xf32>
        %add3A_906 = arith.addf %add3A_880, %mul3A_905 : vector<16xf32>
        %mul3A_907 = arith.mulf %select_n3A_902, %gather3A_887 : vector<16xf32>
        %add3A_908 = arith.addf %add3A_882, %mul3A_907 : vector<16xf32>
        %mul3A_909 = arith.mulf %select_n3A_902, %gather3A_888 : vector<16xf32>
        %add3A_910 = arith.addf %add3A_884, %mul3A_909 : vector<16xf32>
        %gather3A_911 = tpu.vector_load_idx %arg17[%get3A_733] : memref<4096xf32, #tpu.memory_space<vmem>>[vector<16xi32>], vector<16xf32>,
        %gather3A_912 = tpu.vector_load_idx %arg18[%get3A_733] : memref<4096xf32, #tpu.memory_space<vmem>>[vector<16xi32>], vector<16xf32>,
        %gather3A_913 = tpu.vector_load_idx %arg19[%get3A_733] : memref<4096xf32, #tpu.memory_space<vmem>>[vector<16xi32>], vector<16xf32>,
        %gather3A_914 = tpu.vector_load_idx %arg20[%get3A_733] : memref<4096xf32, #tpu.memory_space<vmem>>[vector<16xi32>], vector<16xf32>,
        %mul3A_915 = arith.mulf %gather3A, %gather3A_911 : vector<16xf32>
        %mul3A_916 = arith.mulf %gather3A_783, %gather3A_912 : vector<16xf32>
        %add3A_917 = arith.addf %mul3A_915, %mul3A_916 : vector<16xf32>
        %mul3A_918 = arith.mulf %gather3A_784, %gather3A_913 : vector<16xf32>
        %mul3A_919 = arith.mulf %gather3A_785, %gather3A_914 : vector<16xf32>
        %add3A_920 = arith.addf %mul3A_918, %mul3A_919 : vector<16xf32>
        %add3A_921 = arith.addf %add3A_917, %add3A_920 : vector<16xf32>
        %lt3A_922 = arith.constant 0.000000e+00 : f32
        %lt3A_923 = vector.broadcast %lt3A_922 : f32 to vector<16xf32>
        %lt3A_924 = arith.cmpf olt, %add3A_921, %lt3A_923 : vector<16xf32>
        %neg3A_925 = arith.constant 0.000000e+00 : f32
        %neg3A_926 = vector.broadcast %neg3A_925 : f32 to vector<16xf32>
        %neg3A_927 = arith.subf %neg3A_926, %get3A_765 : vector<16xf32>
        %select_n3A_928 = arith.select %lt3A_924, %neg3A_927, %get3A_765 : vector<16xi1>, vector<16xf32>
        %mul3A_929 = arith.mulf %select_n3A_928, %gather3A_911 : vector<16xf32>
        %add3A_930 = arith.addf %add3A_904, %mul3A_929 : vector<16xf32>
        %mul3A_931 = arith.mulf %select_n3A_928, %gather3A_912 : vector<16xf32>
        %add3A_932 = arith.addf %add3A_906, %mul3A_931 : vector<16xf32>
        %mul3A_933 = arith.mulf %select_n3A_928, %gather3A_913 : vector<16xf32>
        %add3A_934 = arith.addf %add3A_908, %mul3A_933 : vector<16xf32>
        %mul3A_935 = arith.mulf %select_n3A_928, %gather3A_914 : vector<16xf32>
        %add3A_936 = arith.addf %add3A_910, %mul3A_935 : vector<16xf32>
        %gather3A_937 = tpu.vector_load_idx %arg17[%get3A_737] : memref<4096xf32, #tpu.memory_space<vmem>>[vector<16xi32>], vector<16xf32>,
        %gather3A_938 = tpu.vector_load_idx %arg18[%get3A_737] : memref<4096xf32, #tpu.memory_space<vmem>>[vector<16xi32>], vector<16xf32>,
        %gather3A_939 = tpu.vector_load_idx %arg19[%get3A_737] : memref<4096xf32, #tpu.memory_space<vmem>>[vector<16xi32>], vector<16xf32>,
        %gather3A_940 = tpu.vector_load_idx %arg20[%get3A_737] : memref<4096xf32, #tpu.memory_space<vmem>>[vector<16xi32>], vector<16xf32>,
        %mul3A_941 = arith.mulf %gather3A, %gather3A_937 : vector<16xf32>
        %mul3A_942 = arith.mulf %gather3A_783, %gather3A_938 : vector<16xf32>
        %add3A_943 = arith.addf %mul3A_941, %mul3A_942 : vector<16xf32>
        %mul3A_944 = arith.mulf %gather3A_784, %gather3A_939 : vector<16xf32>
        %mul3A_945 = arith.mulf %gather3A_785, %gather3A_940 : vector<16xf32>
        %add3A_946 = arith.addf %mul3A_944, %mul3A_945 : vector<16xf32>
        %add3A_947 = arith.addf %add3A_943, %add3A_946 : vector<16xf32>
        %lt3A_948 = arith.constant 0.000000e+00 : f32
        %lt3A_949 = vector.broadcast %lt3A_948 : f32 to vector<16xf32>
        %lt3A_950 = arith.cmpf olt, %add3A_947, %lt3A_949 : vector<16xf32>
        %neg3A_951 = arith.constant 0.000000e+00 : f32
        %neg3A_952 = vector.broadcast %neg3A_951 : f32 to vector<16xf32>
        %neg3A_953 = arith.subf %neg3A_952, %get3A_769 : vector<16xf32>
        %select_n3A_954 = arith.select %lt3A_950, %neg3A_953, %get3A_769 : vector<16xi1>, vector<16xf32>
        %mul3A_955 = arith.mulf %select_n3A_954, %gather3A_937 : vector<16xf32>
        %add3A_956 = arith.addf %add3A_930, %mul3A_955 : vector<16xf32>
        %mul3A_957 = arith.mulf %select_n3A_954, %gather3A_938 : vector<16xf32>
        %add3A_958 = arith.addf %add3A_932, %mul3A_957 : vector<16xf32>
        %mul3A_959 = arith.mulf %select_n3A_954, %gather3A_939 : vector<16xf32>
        %add3A_960 = arith.addf %add3A_934, %mul3A_959 : vector<16xf32>
        %mul3A_961 = arith.mulf %select_n3A_954, %gather3A_940 : vector<16xf32>
        %add3A_962 = arith.addf %add3A_936, %mul3A_961 : vector<16xf32>
        %mul3A_963 = arith.mulf %get3A_741, %gather3A : vector<16xf32>
        %add3A_964 = arith.addf %add3A_956, %mul3A_963 : vector<16xf32>
        %mul3A_965 = arith.mulf %get3A_741, %gather3A_783 : vector<16xf32>
        %add3A_966 = arith.addf %add3A_958, %mul3A_965 : vector<16xf32>
        %mul3A_967 = arith.mulf %get3A_741, %gather3A_784 : vector<16xf32>
        %add3A_968 = arith.addf %add3A_960, %mul3A_967 : vector<16xf32>
        %mul3A_969 = arith.mulf %get3A_741, %gather3A_785 : vector<16xf32>
        %add3A_970 = arith.addf %add3A_962, %mul3A_969 : vector<16xf32>
        %gather3A_971 = tpu.vector_load_idx %arg21[%get3A_709] : memref<4096xf32, #tpu.memory_space<vmem>>[vector<16xi32>], vector<16xf32>,
        %gather3A_972 = tpu.vector_load_idx %arg22[%get3A_709] : memref<4096xf32, #tpu.memory_space<vmem>>[vector<16xi32>], vector<16xf32>,
        %gather3A_973 = tpu.vector_load_idx %arg23[%get3A_709] : memref<4096xf32, #tpu.memory_space<vmem>>[vector<16xi32>], vector<16xf32>,
        %mul3A_974 = arith.mulf %get3A_741, %gather3A_971 : vector<16xf32>
        %mul3A_975 = arith.mulf %get3A_741, %gather3A_972 : vector<16xf32>
        %mul3A_976 = arith.mulf %get3A_741, %gather3A_973 : vector<16xf32>
        %gather3A_977 = tpu.vector_load_idx %arg21[%get3A_713] : memref<4096xf32, #tpu.memory_space<vmem>>[vector<16xi32>], vector<16xf32>,
        %gather3A_978 = tpu.vector_load_idx %arg22[%get3A_713] : memref<4096xf32, #tpu.memory_space<vmem>>[vector<16xi32>], vector<16xf32>,
        %gather3A_979 = tpu.vector_load_idx %arg23[%get3A_713] : memref<4096xf32, #tpu.memory_space<vmem>>[vector<16xi32>], vector<16xf32>,
        %mul3A_980 = arith.mulf %get3A_745, %gather3A_977 : vector<16xf32>
        %add3A_981 = arith.addf %mul3A_974, %mul3A_980 : vector<16xf32>
        %mul3A_982 = arith.mulf %get3A_745, %gather3A_978 : vector<16xf32>
        %add3A_983 = arith.addf %mul3A_975, %mul3A_982 : vector<16xf32>
        %mul3A_984 = arith.mulf %get3A_745, %gather3A_979 : vector<16xf32>
        %add3A_985 = arith.addf %mul3A_976, %mul3A_984 : vector<16xf32>
        %gather3A_986 = tpu.vector_load_idx %arg21[%get3A_717] : memref<4096xf32, #tpu.memory_space<vmem>>[vector<16xi32>], vector<16xf32>,
        %gather3A_987 = tpu.vector_load_idx %arg22[%get3A_717] : memref<4096xf32, #tpu.memory_space<vmem>>[vector<16xi32>], vector<16xf32>,
        %gather3A_988 = tpu.vector_load_idx %arg23[%get3A_717] : memref<4096xf32, #tpu.memory_space<vmem>>[vector<16xi32>], vector<16xf32>,
        %mul3A_989 = arith.mulf %get3A_749, %gather3A_986 : vector<16xf32>
        %add3A_990 = arith.addf %add3A_981, %mul3A_989 : vector<16xf32>
        %mul3A_991 = arith.mulf %get3A_749, %gather3A_987 : vector<16xf32>
        %add3A_992 = arith.addf %add3A_983, %mul3A_991 : vector<16xf32>
        %mul3A_993 = arith.mulf %get3A_749, %gather3A_988 : vector<16xf32>
        %add3A_994 = arith.addf %add3A_985, %mul3A_993 : vector<16xf32>
        %gather3A_995 = tpu.vector_load_idx %arg21[%get3A_721] : memref<4096xf32, #tpu.memory_space<vmem>>[vector<16xi32>], vector<16xf32>,
        %gather3A_996 = tpu.vector_load_idx %arg22[%get3A_721] : memref<4096xf32, #tpu.memory_space<vmem>>[vector<16xi32>], vector<16xf32>,
        %gather3A_997 = tpu.vector_load_idx %arg23[%get3A_721] : memref<4096xf32, #tpu.memory_space<vmem>>[vector<16xi32>], vector<16xf32>,
        %mul3A_998 = arith.mulf %get3A_753, %gather3A_995 : vector<16xf32>
        %add3A_999 = arith.addf %add3A_990, %mul3A_998 : vector<16xf32>
        %mul3A_1000 = arith.mulf %get3A_753, %gather3A_996 : vector<16xf32>
        %add3A_1001 = arith.addf %add3A_992, %mul3A_1000 : vector<16xf32>
        %mul3A_1002 = arith.mulf %get3A_753, %gather3A_997 : vector<16xf32>
        %add3A_1003 = arith.addf %add3A_994, %mul3A_1002 : vector<16xf32>
        %gather3A_1004 = tpu.vector_load_idx %arg21[%get3A_725] : memref<4096xf32, #tpu.memory_space<vmem>>[vector<16xi32>], vector<16xf32>,
        %gather3A_1005 = tpu.vector_load_idx %arg22[%get3A_725] : memref<4096xf32, #tpu.memory_space<vmem>>[vector<16xi32>], vector<16xf32>,
        %gather3A_1006 = tpu.vector_load_idx %arg23[%get3A_725] : memref<4096xf32, #tpu.memory_space<vmem>>[vector<16xi32>], vector<16xf32>,
        %mul3A_1007 = arith.mulf %get3A_757, %gather3A_1004 : vector<16xf32>
        %add3A_1008 = arith.addf %add3A_999, %mul3A_1007 : vector<16xf32>
        %mul3A_1009 = arith.mulf %get3A_757, %gather3A_1005 : vector<16xf32>
        %add3A_1010 = arith.addf %add3A_1001, %mul3A_1009 : vector<16xf32>
        %mul3A_1011 = arith.mulf %get3A_757, %gather3A_1006 : vector<16xf32>
        %add3A_1012 = arith.addf %add3A_1003, %mul3A_1011 : vector<16xf32>
        %gather3A_1013 = tpu.vector_load_idx %arg21[%get3A_729] : memref<4096xf32, #tpu.memory_space<vmem>>[vector<16xi32>], vector<16xf32>,
        %gather3A_1014 = tpu.vector_load_idx %arg22[%get3A_729] : memref<4096xf32, #tpu.memory_space<vmem>>[vector<16xi32>], vector<16xf32>,
        %gather3A_1015 = tpu.vector_load_idx %arg23[%get3A_729] : memref<4096xf32, #tpu.memory_space<vmem>>[vector<16xi32>], vector<16xf32>,
        %mul3A_1016 = arith.mulf %get3A_761, %gather3A_1013 : vector<16xf32>
        %add3A_1017 = arith.addf %add3A_1008, %mul3A_1016 : vector<16xf32>
        %mul3A_1018 = arith.mulf %get3A_761, %gather3A_1014 : vector<16xf32>
        %add3A_1019 = arith.addf %add3A_1010, %mul3A_1018 : vector<16xf32>
        %mul3A_1020 = arith.mulf %get3A_761, %gather3A_1015 : vector<16xf32>
        %add3A_1021 = arith.addf %add3A_1012, %mul3A_1020 : vector<16xf32>
        %gather3A_1022 = tpu.vector_load_idx %arg21[%get3A_733] : memref<4096xf32, #tpu.memory_space<vmem>>[vector<16xi32>], vector<16xf32>,
        %gather3A_1023 = tpu.vector_load_idx %arg22[%get3A_733] : memref<4096xf32, #tpu.memory_space<vmem>>[vector<16xi32>], vector<16xf32>,
        %gather3A_1024 = tpu.vector_load_idx %arg23[%get3A_733] : memref<4096xf32, #tpu.memory_space<vmem>>[vector<16xi32>], vector<16xf32>,
        %mul3A_1025 = arith.mulf %get3A_765, %gather3A_1022 : vector<16xf32>
        %add3A_1026 = arith.addf %add3A_1017, %mul3A_1025 : vector<16xf32>
        %mul3A_1027 = arith.mulf %get3A_765, %gather3A_1023 : vector<16xf32>
        %add3A_1028 = arith.addf %add3A_1019, %mul3A_1027 : vector<16xf32>
        %mul3A_1029 = arith.mulf %get3A_765, %gather3A_1024 : vector<16xf32>
        %add3A_1030 = arith.addf %add3A_1021, %mul3A_1029 : vector<16xf32>
        %gather3A_1031 = tpu.vector_load_idx %arg21[%get3A_737] : memref<4096xf32, #tpu.memory_space<vmem>>[vector<16xi32>], vector<16xf32>,
        %gather3A_1032 = tpu.vector_load_idx %arg22[%get3A_737] : memref<4096xf32, #tpu.memory_space<vmem>>[vector<16xi32>], vector<16xf32>,
        %gather3A_1033 = tpu.vector_load_idx %arg23[%get3A_737] : memref<4096xf32, #tpu.memory_space<vmem>>[vector<16xi32>], vector<16xf32>,
        %mul3A_1034 = arith.mulf %get3A_769, %gather3A_1031 : vector<16xf32>
        %add3A_1035 = arith.addf %add3A_1026, %mul3A_1034 : vector<16xf32>
        %mul3A_1036 = arith.mulf %get3A_769, %gather3A_1032 : vector<16xf32>
        %add3A_1037 = arith.addf %add3A_1028, %mul3A_1036 : vector<16xf32>
        %mul3A_1038 = arith.mulf %get3A_769, %gather3A_1033 : vector<16xf32>
        %add3A_1039 = arith.addf %add3A_1030, %mul3A_1038 : vector<16xf32>
        %mul3A_1040 = arith.mulf %add3A_1035, %div3A_782 : vector<16xf32>
        %mul3A_1041 = arith.mulf %add3A_1037, %div3A_782 : vector<16xf32>
        %mul3A_1042 = arith.mulf %add3A_1039, %div3A_782 : vector<16xf32>
        %mul3A_1043 = arith.mulf %add3A_964, %add3A_964 : vector<16xf32>
        %mul3A_1044 = arith.mulf %add3A_966, %add3A_966 : vector<16xf32>
        %add3A_1045 = arith.addf %mul3A_1043, %mul3A_1044 : vector<16xf32>
        %mul3A_1046 = arith.mulf %add3A_968, %add3A_968 : vector<16xf32>
        %mul3A_1047 = arith.mulf %add3A_970, %add3A_970 : vector<16xf32>
        %add3A_1048 = arith.addf %mul3A_1046, %mul3A_1047 : vector<16xf32>
        %add3A_1049 = arith.addf %add3A_1045, %add3A_1048 : vector<16xf32>
        %add3A_1050 = arith.constant 1.000000e-30 : f32
        %add3A_1051 = vector.broadcast %add3A_1050 : f32 to vector<16xf32>
        %add3A_1052 = arith.addf %add3A_1049, %add3A_1051 : vector<16xf32>
        %div3A_1053 = arith.constant 2.000000e+00 : f32
        %div3A_1054 = vector.broadcast %div3A_1053 : f32 to vector<16xf32>
        %div3A_1055 = arith.divf %div3A_1054, %add3A_1052 : vector<16xf32>
        %mul3A_1056 = arith.mulf %add3A_966, %div3A_1055 : vector<16xf32>
        %mul3A_1057 = arith.mulf %add3A_968, %div3A_1055 : vector<16xf32>
        %mul3A_1058 = arith.mulf %add3A_970, %div3A_1055 : vector<16xf32>
        %mul3A_1059 = arith.mulf %add3A_964, %mul3A_1056 : vector<16xf32>
        %mul3A_1060 = arith.mulf %add3A_964, %mul3A_1057 : vector<16xf32>
        %mul3A_1061 = arith.mulf %add3A_964, %mul3A_1058 : vector<16xf32>
        %mul3A_1062 = arith.mulf %add3A_966, %mul3A_1056 : vector<16xf32>
        %mul3A_1063 = arith.mulf %add3A_966, %mul3A_1057 : vector<16xf32>
        %mul3A_1064 = arith.mulf %add3A_966, %mul3A_1058 : vector<16xf32>
        %mul3A_1065 = arith.mulf %add3A_968, %mul3A_1057 : vector<16xf32>
        %mul3A_1066 = arith.mulf %add3A_968, %mul3A_1058 : vector<16xf32>
        %mul3A_1067 = arith.mulf %add3A_970, %mul3A_1058 : vector<16xf32>
        %add3A_1068 = arith.addf %mul3A_1065, %mul3A_1067 : vector<16xf32>
        %sub3A_1069 = arith.constant 1.000000e+00 : f32
        %sub3A_1070 = vector.broadcast %sub3A_1069 : f32 to vector<16xf32>
        %sub3A_1071 = arith.subf %sub3A_1070, %add3A_1068 : vector<16xf32>
        %sub3A_1072 = arith.subf %mul3A_1063, %mul3A_1061 : vector<16xf32>
        %add3A_1073 = arith.addf %mul3A_1064, %mul3A_1060 : vector<16xf32>
        %add3A_1074 = arith.addf %mul3A_1063, %mul3A_1061 : vector<16xf32>
        %add3A_1075 = arith.addf %mul3A_1062, %mul3A_1067 : vector<16xf32>
        %sub3A_1076 = arith.constant 1.000000e+00 : f32
        %sub3A_1077 = vector.broadcast %sub3A_1076 : f32 to vector<16xf32>
        %sub3A_1078 = arith.subf %sub3A_1077, %add3A_1075 : vector<16xf32>
        %sub3A_1079 = arith.subf %mul3A_1066, %mul3A_1059 : vector<16xf32>
        %sub3A_1080 = arith.subf %mul3A_1064, %mul3A_1060 : vector<16xf32>
        %add3A_1081 = arith.addf %mul3A_1066, %mul3A_1059 : vector<16xf32>
        %add3A_1082 = arith.addf %mul3A_1062, %mul3A_1065 : vector<16xf32>
        %sub3A_1083 = arith.constant 1.000000e+00 : f32
        %sub3A_1084 = vector.broadcast %sub3A_1083 : f32 to vector<16xf32>
        %sub3A_1085 = arith.subf %sub3A_1084, %add3A_1082 : vector<16xf32>
        %mul3A_1086 = arith.constant 512 : i32
        %mul3A_1087 = arith.muli %select_n3A, %mul3A_1086 : i32
        %add3A_1088 = arith.addi %mul3A_1087, %mul3A_700 : i32
        %add3A_1089 = arith.constant 0 : i32
        %add3A_1090 = arith.addi %add3A_1089, %mul3A_667 : i32
        %get3A_1091 = arith.index_cast %add3A_1090 : i32 to index
        %get3A_1092 = tpu.vector_load %arg26[%get3A_1091] {strides = array<i32>} : memref<3584xf32, #tpu.memory_space<vmem>>, vector<16xf32>,
        %add3A_1093 = arith.constant 512 : i32
        %add3A_1094 = arith.addi %add3A_1093, %mul3A_667 : i32
        %get3A_1095 = arith.index_cast %add3A_1094 : i32 to index
        %get3A_1096 = tpu.vector_load %arg26[%get3A_1095] {strides = array<i32>} : memref<3584xf32, #tpu.memory_space<vmem>>, vector<16xf32>,
        %add3A_1097 = arith.constant 1024 : i32
        %add3A_1098 = arith.addi %add3A_1097, %mul3A_667 : i32
        %get3A_1099 = arith.index_cast %add3A_1098 : i32 to index
        %get3A_1100 = tpu.vector_load %arg26[%get3A_1099] {strides = array<i32>} : memref<3584xf32, #tpu.memory_space<vmem>>, vector<16xf32>,
        %mul3A_1101 = arith.mulf %sub3A_1071, %get3A_1092 : vector<16xf32>
        %mul3A_1102 = arith.mulf %sub3A_1072, %get3A_1096 : vector<16xf32>
        %add3A_1103 = arith.addf %mul3A_1101, %mul3A_1102 : vector<16xf32>
        %mul3A_1104 = arith.mulf %add3A_1073, %get3A_1100 : vector<16xf32>
        %add3A_1105 = arith.addf %mul3A_1104, %mul3A_1040 : vector<16xf32>
        %add3A_1106 = arith.addf %add3A_1103, %add3A_1105 : vector<16xf32>
        %add3A_1107 = arith.constant 0 : i32
        %add3A_1108 = arith.addi %add3A_1088, %add3A_1107 : i32
        %swap3A = arith.index_cast %add3A_1108 : i32 to index
        %swap3A_1109 = tpu.vector_load %arg34[%swap3A] {strides = array<i32>} : memref<10752xf32, #tpu.memory_space<vmem>>, vector<16xf32>,
        tpu.vector_store %arg34[%swap3A], %add3A_1106 {strides = array<i32>} : memref<10752xf32, #tpu.memory_space<vmem>>, vector<16xf32>,
        %mul3A_1110 = arith.mulf %add3A_1074, %get3A_1092 : vector<16xf32>
        %mul3A_1111 = arith.mulf %sub3A_1078, %get3A_1096 : vector<16xf32>
        %add3A_1112 = arith.addf %mul3A_1110, %mul3A_1111 : vector<16xf32>
        %mul3A_1113 = arith.mulf %sub3A_1079, %get3A_1100 : vector<16xf32>
        %add3A_1114 = arith.addf %mul3A_1113, %mul3A_1041 : vector<16xf32>
        %add3A_1115 = arith.addf %add3A_1112, %add3A_1114 : vector<16xf32>
        %add3A_1116 = arith.constant 128 : i32
        %add3A_1117 = arith.addi %add3A_1088, %add3A_1116 : i32
        %swap3A_1118 = arith.index_cast %add3A_1117 : i32 to index
        %swap3A_1119 = tpu.vector_load %arg34[%swap3A_1118] {strides = array<i32>} : memref<10752xf32, #tpu.memory_space<vmem>>, vector<16xf32>,
        tpu.vector_store %arg34[%swap3A_1118], %add3A_1115 {strides = array<i32>} : memref<10752xf32, #tpu.memory_space<vmem>>, vector<16xf32>,
        %mul3A_1120 = arith.mulf %sub3A_1080, %get3A_1092 : vector<16xf32>
        %mul3A_1121 = arith.mulf %add3A_1081, %get3A_1096 : vector<16xf32>
        %add3A_1122 = arith.addf %mul3A_1120, %mul3A_1121 : vector<16xf32>
        %mul3A_1123 = arith.mulf %sub3A_1085, %get3A_1100 : vector<16xf32>
        %add3A_1124 = arith.addf %mul3A_1123, %mul3A_1042 : vector<16xf32>
        %add3A_1125 = arith.addf %add3A_1122, %add3A_1124 : vector<16xf32>
        %add3A_1126 = arith.constant 256 : i32
        %add3A_1127 = arith.addi %add3A_1088, %add3A_1126 : i32
        %swap3A_1128 = arith.index_cast %add3A_1127 : i32 to index
        %swap3A_1129 = tpu.vector_load %arg34[%swap3A_1128] {strides = array<i32>} : memref<10752xf32, #tpu.memory_space<vmem>>, vector<16xf32>,
        tpu.vector_store %arg34[%swap3A_1128], %add3A_1125 {strides = array<i32>} : memref<10752xf32, #tpu.memory_space<vmem>>, vector<16xf32>,
        %add3A_1130 = arith.constant 0 : i32
        %add3A_1131 = arith.addi %add3A_703, %add3A_1130 : i32
        %get3A_1132 = arith.index_cast %add3A_1131 : i32 to index
        %get3A_1133 = tpu.vector_load %arg27[%get3A_1132] {strides = array<i32>} : memref<2048xf32, #tpu.memory_space<vmem>>, vector<16xf32>,
        %add3A_1134 = arith.constant 128 : i32
        %add3A_1135 = arith.addi %add3A_703, %add3A_1134 : i32
        %get3A_1136 = arith.index_cast %add3A_1135 : i32 to index
        %get3A_1137 = tpu.vector_load %arg27[%get3A_1136] {strides = array<i32>} : memref<2048xf32, #tpu.memory_space<vmem>>, vector<16xf32>,
        %add3A_1138 = arith.constant 256 : i32
        %add3A_1139 = arith.addi %add3A_703, %add3A_1138 : i32
        %get3A_1140 = arith.index_cast %add3A_1139 : i32 to index
        %get3A_1141 = tpu.vector_load %arg27[%get3A_1140] {strides = array<i32>} : memref<2048xf32, #tpu.memory_space<vmem>>, vector<16xf32>,
        %add3A_1142 = arith.constant 384 : i32
        %add3A_1143 = arith.addi %add3A_703, %add3A_1142 : i32
        %get3A_1144 = arith.index_cast %add3A_1143 : i32 to index
        %get3A_1145 = tpu.vector_load %arg27[%get3A_1144] {strides = array<i32>} : memref<2048xf32, #tpu.memory_space<vmem>>, vector<16xf32>,
        %mul3A_1146 = arith.mulf %add3A_964, %get3A_1133 : vector<16xf32>
        %mul3A_1147 = arith.mulf %add3A_966, %get3A_1137 : vector<16xf32>
        %sub3A_1148 = arith.subf %mul3A_1146, %mul3A_1147 : vector<16xf32>
        %mul3A_1149 = arith.mulf %add3A_968, %get3A_1141 : vector<16xf32>
        %sub3A_1150 = arith.subf %sub3A_1148, %mul3A_1149 : vector<16xf32>
        %mul3A_1151 = arith.mulf %add3A_970, %get3A_1145 : vector<16xf32>
        %sub3A_1152 = arith.subf %sub3A_1150, %mul3A_1151 : vector<16xf32>
        %mul3A_1153 = arith.mulf %add3A_964, %get3A_1137 : vector<16xf32>
        %mul3A_1154 = arith.mulf %add3A_966, %get3A_1133 : vector<16xf32>
        %add3A_1155 = arith.addf %mul3A_1153, %mul3A_1154 : vector<16xf32>
        %mul3A_1156 = arith.mulf %add3A_968, %get3A_1145 : vector<16xf32>
        %add3A_1157 = arith.addf %add3A_1155, %mul3A_1156 : vector<16xf32>
        %mul3A_1158 = arith.mulf %add3A_970, %get3A_1141 : vector<16xf32>
        %sub3A_1159 = arith.subf %add3A_1157, %mul3A_1158 : vector<16xf32>
        %mul3A_1160 = arith.mulf %add3A_964, %get3A_1141 : vector<16xf32>
        %mul3A_1161 = arith.mulf %add3A_966, %get3A_1145 : vector<16xf32>
        %sub3A_1162 = arith.subf %mul3A_1160, %mul3A_1161 : vector<16xf32>
        %mul3A_1163 = arith.mulf %add3A_968, %get3A_1133 : vector<16xf32>
        %add3A_1164 = arith.addf %sub3A_1162, %mul3A_1163 : vector<16xf32>
        %mul3A_1165 = arith.mulf %add3A_970, %get3A_1137 : vector<16xf32>
        %add3A_1166 = arith.addf %add3A_1164, %mul3A_1165 : vector<16xf32>
        %mul3A_1167 = arith.mulf %add3A_964, %get3A_1145 : vector<16xf32>
        %mul3A_1168 = arith.mulf %add3A_966, %get3A_1141 : vector<16xf32>
        %add3A_1169 = arith.addf %mul3A_1167, %mul3A_1168 : vector<16xf32>
        %mul3A_1170 = arith.mulf %add3A_968, %get3A_1137 : vector<16xf32>
        %sub3A_1171 = arith.subf %add3A_1169, %mul3A_1170 : vector<16xf32>
        %mul3A_1172 = arith.mulf %add3A_970, %get3A_1133 : vector<16xf32>
        %add3A_1173 = arith.addf %sub3A_1171, %mul3A_1172 : vector<16xf32>
        %mul3A_1174 = arith.mulf %sub3A_1152, %sub3A_1152 : vector<16xf32>
        %mul3A_1175 = arith.mulf %sub3A_1159, %sub3A_1159 : vector<16xf32>
        %add3A_1176 = arith.addf %mul3A_1174, %mul3A_1175 : vector<16xf32>
        %mul3A_1177 = arith.mulf %add3A_1166, %add3A_1166 : vector<16xf32>
        %mul3A_1178 = arith.mulf %add3A_1173, %add3A_1173 : vector<16xf32>
        %add3A_1179 = arith.addf %mul3A_1177, %mul3A_1178 : vector<16xf32>
        %add3A_1180 = arith.addf %add3A_1176, %add3A_1179 : vector<16xf32>
        %add3A_1181 = arith.constant 1.000000e-30 : f32
        %add3A_1182 = vector.broadcast %add3A_1181 : f32 to vector<16xf32>
        %add3A_1183 = arith.addf %add3A_1180, %add3A_1182 : vector<16xf32>
        %div3A_1184 = arith.constant 2.000000e+00 : f32
        %div3A_1185 = vector.broadcast %div3A_1184 : f32 to vector<16xf32>
        %div3A_1186 = arith.divf %div3A_1185, %add3A_1183 : vector<16xf32>
        %mul3A_1187 = arith.mulf %sub3A_1159, %div3A_1186 : vector<16xf32>
        %mul3A_1188 = arith.mulf %add3A_1166, %div3A_1186 : vector<16xf32>
        %mul3A_1189 = arith.mulf %add3A_1173, %div3A_1186 : vector<16xf32>
        %mul3A_1190 = arith.mulf %sub3A_1152, %mul3A_1187 : vector<16xf32>
        %mul3A_1191 = arith.mulf %sub3A_1152, %mul3A_1188 : vector<16xf32>
        %mul3A_1192 = arith.mulf %sub3A_1152, %mul3A_1189 : vector<16xf32>
        %mul3A_1193 = arith.mulf %sub3A_1159, %mul3A_1187 : vector<16xf32>
        %mul3A_1194 = arith.mulf %sub3A_1159, %mul3A_1188 : vector<16xf32>
        %mul3A_1195 = arith.mulf %sub3A_1159, %mul3A_1189 : vector<16xf32>
        %mul3A_1196 = arith.mulf %add3A_1166, %mul3A_1188 : vector<16xf32>
        %mul3A_1197 = arith.mulf %add3A_1166, %mul3A_1189 : vector<16xf32>
        %mul3A_1198 = arith.mulf %add3A_1173, %mul3A_1189 : vector<16xf32>
        %add3A_1199 = arith.addf %mul3A_1196, %mul3A_1198 : vector<16xf32>
        %sub3A_1200 = arith.constant 1.000000e+00 : f32
        %sub3A_1201 = vector.broadcast %sub3A_1200 : f32 to vector<16xf32>
        %sub3A_1202 = arith.subf %sub3A_1201, %add3A_1199 : vector<16xf32>
        %sub3A_1203 = arith.subf %mul3A_1194, %mul3A_1192 : vector<16xf32>
        %add3A_1204 = arith.addf %mul3A_1195, %mul3A_1191 : vector<16xf32>
        %add3A_1205 = arith.addf %mul3A_1194, %mul3A_1192 : vector<16xf32>
        %add3A_1206 = arith.addf %mul3A_1193, %mul3A_1198 : vector<16xf32>
        %sub3A_1207 = arith.constant 1.000000e+00 : f32
        %sub3A_1208 = vector.broadcast %sub3A_1207 : f32 to vector<16xf32>
        %sub3A_1209 = arith.subf %sub3A_1208, %add3A_1206 : vector<16xf32>
        %sub3A_1210 = arith.subf %mul3A_1197, %mul3A_1190 : vector<16xf32>
        %sub3A_1211 = arith.subf %mul3A_1195, %mul3A_1191 : vector<16xf32>
        %add3A_1212 = arith.addf %mul3A_1197, %mul3A_1190 : vector<16xf32>
        %add3A_1213 = arith.addf %mul3A_1193, %mul3A_1196 : vector<16xf32>
        %sub3A_1214 = arith.constant 1.000000e+00 : f32
        %sub3A_1215 = vector.broadcast %sub3A_1214 : f32 to vector<16xf32>
        %sub3A_1216 = arith.subf %sub3A_1215, %add3A_1213 : vector<16xf32>
        %add3A_1217 = arith.constant 2048 : i32
        %add3A_1218 = arith.addi %add3A_1217, %add3A_1088 : i32
        %add3A_1219 = arith.constant 0 : i32
        %add3A_1220 = arith.addi %add3A_1218, %add3A_1219 : i32
        %swap3A_1221 = arith.index_cast %add3A_1220 : i32 to index
        %swap3A_1222 = tpu.vector_load %arg34[%swap3A_1221] {strides = array<i32>} : memref<10752xf32, #tpu.memory_space<vmem>>, vector<16xf32>,
        tpu.vector_store %arg34[%swap3A_1221], %sub3A_1202 {strides = array<i32>} : memref<10752xf32, #tpu.memory_space<vmem>>, vector<16xf32>,
        %add3A_1223 = arith.constant 128 : i32
        %add3A_1224 = arith.addi %add3A_1218, %add3A_1223 : i32
        %swap3A_1225 = arith.index_cast %add3A_1224 : i32 to index
        %swap3A_1226 = tpu.vector_load %arg34[%swap3A_1225] {strides = array<i32>} : memref<10752xf32, #tpu.memory_space<vmem>>, vector<16xf32>,
        tpu.vector_store %arg34[%swap3A_1225], %sub3A_1203 {strides = array<i32>} : memref<10752xf32, #tpu.memory_space<vmem>>, vector<16xf32>,
        %add3A_1227 = arith.constant 256 : i32
        %add3A_1228 = arith.addi %add3A_1218, %add3A_1227 : i32
        %swap3A_1229 = arith.index_cast %add3A_1228 : i32 to index
        %swap3A_1230 = tpu.vector_load %arg34[%swap3A_1229] {strides = array<i32>} : memref<10752xf32, #tpu.memory_space<vmem>>, vector<16xf32>,
        tpu.vector_store %arg34[%swap3A_1229], %add3A_1204 {strides = array<i32>} : memref<10752xf32, #tpu.memory_space<vmem>>, vector<16xf32>,
        %add3A_1231 = arith.constant 4096 : i32
        %add3A_1232 = arith.addi %add3A_1231, %add3A_1088 : i32
        %add3A_1233 = arith.constant 0 : i32
        %add3A_1234 = arith.addi %add3A_1232, %add3A_1233 : i32
        %swap3A_1235 = arith.index_cast %add3A_1234 : i32 to index
        %swap3A_1236 = tpu.vector_load %arg34[%swap3A_1235] {strides = array<i32>} : memref<10752xf32, #tpu.memory_space<vmem>>, vector<16xf32>,
        tpu.vector_store %arg34[%swap3A_1235], %add3A_1205 {strides = array<i32>} : memref<10752xf32, #tpu.memory_space<vmem>>, vector<16xf32>,
        %add3A_1237 = arith.constant 128 : i32
        %add3A_1238 = arith.addi %add3A_1232, %add3A_1237 : i32
        %swap3A_1239 = arith.index_cast %add3A_1238 : i32 to index
        %swap3A_1240 = tpu.vector_load %arg34[%swap3A_1239] {strides = array<i32>} : memref<10752xf32, #tpu.memory_space<vmem>>, vector<16xf32>,
        tpu.vector_store %arg34[%swap3A_1239], %sub3A_1209 {strides = array<i32>} : memref<10752xf32, #tpu.memory_space<vmem>>, vector<16xf32>,
        %add3A_1241 = arith.constant 256 : i32
        %add3A_1242 = arith.addi %add3A_1232, %add3A_1241 : i32
        %swap3A_1243 = arith.index_cast %add3A_1242 : i32 to index
        %swap3A_1244 = tpu.vector_load %arg34[%swap3A_1243] {strides = array<i32>} : memref<10752xf32, #tpu.memory_space<vmem>>, vector<16xf32>,
        tpu.vector_store %arg34[%swap3A_1243], %sub3A_1210 {strides = array<i32>} : memref<10752xf32, #tpu.memory_space<vmem>>, vector<16xf32>,
        %add3A_1245 = arith.constant 6144 : i32
        %add3A_1246 = arith.addi %add3A_1245, %add3A_1088 : i32
        %add3A_1247 = arith.constant 0 : i32
        %add3A_1248 = arith.addi %add3A_1246, %add3A_1247 : i32
        %swap3A_1249 = arith.index_cast %add3A_1248 : i32 to index
        %swap3A_1250 = tpu.vector_load %arg34[%swap3A_1249] {strides = array<i32>} : memref<10752xf32, #tpu.memory_space<vmem>>, vector<16xf32>,
        tpu.vector_store %arg34[%swap3A_1249], %sub3A_1211 {strides = array<i32>} : memref<10752xf32, #tpu.memory_space<vmem>>, vector<16xf32>,
        %add3A_1251 = arith.constant 128 : i32
        %add3A_1252 = arith.addi %add3A_1246, %add3A_1251 : i32
        %swap3A_1253 = arith.index_cast %add3A_1252 : i32 to index
        %swap3A_1254 = tpu.vector_load %arg34[%swap3A_1253] {strides = array<i32>} : memref<10752xf32, #tpu.memory_space<vmem>>, vector<16xf32>,
        tpu.vector_store %arg34[%swap3A_1253], %add3A_1212 {strides = array<i32>} : memref<10752xf32, #tpu.memory_space<vmem>>, vector<16xf32>,
        %add3A_1255 = arith.constant 256 : i32
        %add3A_1256 = arith.addi %add3A_1246, %add3A_1255 : i32
        %swap3A_1257 = arith.index_cast %add3A_1256 : i32 to index
        %swap3A_1258 = tpu.vector_load %arg34[%swap3A_1257] {strides = array<i32>} : memref<10752xf32, #tpu.memory_space<vmem>>, vector<16xf32>,
        tpu.vector_store %arg34[%swap3A_1257], %sub3A_1216 {strides = array<i32>} : memref<10752xf32, #tpu.memory_space<vmem>>, vector<16xf32>,
        %add3A_1259 = arith.constant 8192 : i32
        %add3A_1260 = arith.addi %add3A_1259, %add3A_1088 : i32
        %add3A_1261 = arith.constant 1536 : i32
        %add3A_1262 = arith.addi %add3A_1261, %mul3A_667 : i32
        %get3A_1263 = arith.index_cast %add3A_1262 : i32 to index
        %get3A_1264 = tpu.vector_load %arg26[%get3A_1263] {strides = array<i32>} : memref<3584xf32, #tpu.memory_space<vmem>>, vector<16xf32>,
        %exp3A = math.exp %get3A_1264 : vector<16xf32>
        %add3A_1265 = arith.constant 0 : i32
        %add3A_1266 = arith.addi %add3A_1260, %add3A_1265 : i32
        %swap3A_1267 = arith.index_cast %add3A_1266 : i32 to index
        %swap3A_1268 = tpu.vector_load %arg34[%swap3A_1267] {strides = array<i32>} : memref<10752xf32, #tpu.memory_space<vmem>>, vector<16xf32>,
        tpu.vector_store %arg34[%swap3A_1267], %exp3A {strides = array<i32>} : memref<10752xf32, #tpu.memory_space<vmem>>, vector<16xf32>,
        %add3A_1269 = arith.constant 2048 : i32
        %add3A_1270 = arith.addi %add3A_1269, %mul3A_667 : i32
        %get3A_1271 = arith.index_cast %add3A_1270 : i32 to index
        %get3A_1272 = tpu.vector_load %arg26[%get3A_1271] {strides = array<i32>} : memref<3584xf32, #tpu.memory_space<vmem>>, vector<16xf32>,
        %exp3A_1273 = math.exp %get3A_1272 : vector<16xf32>
        %add3A_1274 = arith.constant 128 : i32
        %add3A_1275 = arith.addi %add3A_1260, %add3A_1274 : i32
        %swap3A_1276 = arith.index_cast %add3A_1275 : i32 to index
        %swap3A_1277 = tpu.vector_load %arg34[%swap3A_1276] {strides = array<i32>} : memref<10752xf32, #tpu.memory_space<vmem>>, vector<16xf32>,
        tpu.vector_store %arg34[%swap3A_1276], %exp3A_1273 {strides = array<i32>} : memref<10752xf32, #tpu.memory_space<vmem>>, vector<16xf32>,
        %add3A_1278 = arith.constant 2560 : i32
        %add3A_1279 = arith.addi %add3A_1278, %mul3A_667 : i32
        %get3A_1280 = arith.index_cast %add3A_1279 : i32 to index
        %get3A_1281 = tpu.vector_load %arg26[%get3A_1280] {strides = array<i32>} : memref<3584xf32, #tpu.memory_space<vmem>>, vector<16xf32>,
        %exp3A_1282 = math.exp %get3A_1281 : vector<16xf32>
        %add3A_1283 = arith.constant 256 : i32
        %add3A_1284 = arith.addi %add3A_1260, %add3A_1283 : i32
        %swap3A_1285 = arith.index_cast %add3A_1284 : i32 to index
        %swap3A_1286 = tpu.vector_load %arg34[%swap3A_1285] {strides = array<i32>} : memref<10752xf32, #tpu.memory_space<vmem>>, vector<16xf32>,
        tpu.vector_store %arg34[%swap3A_1285], %exp3A_1282 {strides = array<i32>} : memref<10752xf32, #tpu.memory_space<vmem>>, vector<16xf32>,
        %add3A_1287 = arith.constant 3072 : i32
        %add3A_1288 = arith.addi %add3A_1287, %mul3A_667 : i32
        %get3A_1289 = arith.index_cast %add3A_1288 : i32 to index
        %get3A_1290 = tpu.vector_load %arg26[%get3A_1289] {strides = array<i32>} : memref<3584xf32, #tpu.memory_space<vmem>>, vector<16xf32>,
        %neg3A_1291 = arith.constant 0.000000e+00 : f32
        %neg3A_1292 = vector.broadcast %neg3A_1291 : f32 to vector<16xf32>
        %neg3A_1293 = arith.subf %neg3A_1292, %get3A_1290 : vector<16xf32>
        %exp3A_1294 = math.exp %neg3A_1293 : vector<16xf32>
        %add3A_1295 = arith.constant 1.000000e+00 : f32
        %add3A_1296 = vector.broadcast %add3A_1295 : f32 to vector<16xf32>
        %add3A_1297 = arith.addf %add3A_1296, %exp3A_1294 : vector<16xf32>
        %div3A_1298 = arith.constant 1.000000e+00 : f32
        %div3A_1299 = vector.broadcast %div3A_1298 : f32 to vector<16xf32>
        %div3A_1300 = arith.divf %div3A_1299, %add3A_1297 : vector<16xf32>
        %add3A_1301 = arith.constant 10240 : i32
        %add3A_1302 = arith.addi %add3A_1301, %mul3A_667 : i32
        %swap3A_1303 = arith.index_cast %add3A_1302 : i32 to index
        %swap3A_1304 = tpu.vector_load %arg34[%swap3A_1303] {strides = array<i32>} : memref<10752xf32, #tpu.memory_space<vmem>>, vector<16xf32>,
        tpu.vector_store %arg34[%swap3A_1303], %div3A_1300 {strides = array<i32>} : memref<10752xf32, #tpu.memory_space<vmem>>, vector<16xf32>,
        %mul3A_1305 = arith.constant 2 : i32
        %mul3A_1306 = arith.muli %scan3A_661, %mul3A_1305 : i32
        %add3A_1307 = arith.constant 1 : i32
        %add3A_1308 = arith.addi %mul3A_1306, %add3A_1307 : i32
        %mul3A_1309 = arith.constant 16 : i32
        %mul3A_1310 = arith.muli %add3A_1308, %mul3A_1309 : i32
        %jit3A_1311 = arith.constant 8 : i32
        %div3A_1312 = arith.divsi %add3A_1308, %jit3A_1311 : i32
        %sign3A_1313 = arith.constant 0 : i32
        %sign3A_1314 = arith.cmpi sgt, %add3A_1308, %sign3A_1313 : i32
        %sign3A_1315 = arith.extui %sign3A_1314 : i1 to i32
        %sign3A_1316 = arith.constant 0 : i32
        %sign3A_1317 = arith.cmpi slt, %add3A_1308, %sign3A_1316 : i32
        %sign3A_1318 = arith.extui %sign3A_1317 : i1 to i32
        %sign3A_1319 = arith.subi %sign3A_1315, %sign3A_1318 : i32
        %sign3A_1320 = arith.constant 0 : i32
        %sign3A_1321 = arith.cmpi sgt, %jit3A_1311, %sign3A_1320 : i32
        %sign3A_1322 = arith.extui %sign3A_1321 : i1 to i32
        %sign3A_1323 = arith.constant 0 : i32
        %sign3A_1324 = arith.cmpi slt, %jit3A_1311, %sign3A_1323 : i32
        %sign3A_1325 = arith.extui %sign3A_1324 : i1 to i32
        %sign3A_1326 = arith.subi %sign3A_1322, %sign3A_1325 : i32
        %ne3A_1327 = arith.cmpi ne, %sign3A_1319, %sign3A_1326 : i32
        %rem3A_1328 = arith.remsi %add3A_1308, %jit3A_1311 : i32
        %ne3A_1329 = arith.constant 0 : i32
        %ne3A_1330 = arith.cmpi ne, %rem3A_1328, %ne3A_1329 : i32
        %and3A_1331 = arith.andi %ne3A_1327, %ne3A_1330 : i1
        %sub3A_1332 = arith.constant 1 : i32
        %sub3A_1333 = arith.subi %div3A_1312, %sub3A_1332 : i32
        %select_n3A_1334 = arith.select %and3A_1331, %sub3A_1333, %div3A_1312 : i32
        %jit3A_1335 = arith.constant 8 : i32
        %eq3A_1336 = arith.constant 0 : i32
        %eq3A_1337 = arith.cmpi eq, %jit3A_1335, %eq3A_1336 : i32
        %jit3A_1338 = arith.constant 1 : i32
        %select_n3A_1339 = arith.select %eq3A_1337, %jit3A_1338, %jit3A_1335 : i32
        %rem3A_1340 = arith.remsi %add3A_1308, %select_n3A_1339 : i32
        %ne3A_1341 = arith.constant 0 : i32
        %ne3A_1342 = arith.cmpi ne, %rem3A_1340, %ne3A_1341 : i32
        %lt3A_1343 = arith.constant 0 : i32
        %lt3A_1344 = arith.cmpi slt, %rem3A_1340, %lt3A_1343 : i32
        %lt3A_1345 = arith.constant 0 : i32
        %lt3A_1346 = arith.cmpi slt, %select_n3A_1339, %lt3A_1345 : i32
        %ne3A_1347 = arith.xori %lt3A_1344, %lt3A_1346 : i1
        %and3A_1348 = arith.andi %ne3A_1347, %ne3A_1342 : i1
        %add3A_1349 = arith.addi %rem3A_1340, %select_n3A_1339 : i32
        %select_n3A_1350 = arith.select %and3A_1348, %add3A_1349, %rem3A_1340 : i32
        %mul3A_1351 = arith.constant 16 : i32
        %mul3A_1352 = arith.muli %select_n3A_1350, %mul3A_1351 : i32
        %mul3A_1353 = arith.constant 512 : i32
        %mul3A_1354 = arith.muli %select_n3A_1334, %mul3A_1353 : i32
        %add3A_1355 = arith.addi %mul3A_1354, %mul3A_1352 : i32
        %mul3A_1356 = arith.constant 1024 : i32
        %mul3A_1357 = arith.muli %select_n3A_1334, %mul3A_1356 : i32
        %add3A_1358 = arith.addi %mul3A_1357, %mul3A_1352 : i32
        %add3A_1359 = arith.constant 0 : i32
        %add3A_1360 = arith.addi %add3A_1358, %add3A_1359 : i32
        %get3A_1361 = arith.index_cast %add3A_1360 : i32 to index
        %get3A_1362 = tpu.vector_load %arg29[%get3A_1361] {strides = array<i32>} : memref<4096xi32, #tpu.memory_space<vmem>>, vector<16xi32>,
        %add3A_1363 = arith.constant 128 : i32
        %add3A_1364 = arith.addi %add3A_1358, %add3A_1363 : i32
        %get3A_1365 = arith.index_cast %add3A_1364 : i32 to index
        %get3A_1366 = tpu.vector_load %arg29[%get3A_1365] {strides = array<i32>} : memref<4096xi32, #tpu.memory_space<vmem>>, vector<16xi32>,
        %add3A_1367 = arith.constant 256 : i32
        %add3A_1368 = arith.addi %add3A_1358, %add3A_1367 : i32
        %get3A_1369 = arith.index_cast %add3A_1368 : i32 to index
        %get3A_1370 = tpu.vector_load %arg29[%get3A_1369] {strides = array<i32>} : memref<4096xi32, #tpu.memory_space<vmem>>, vector<16xi32>,
        %add3A_1371 = arith.constant 384 : i32
        %add3A_1372 = arith.addi %add3A_1358, %add3A_1371 : i32
        %get3A_1373 = arith.index_cast %add3A_1372 : i32 to index
        %get3A_1374 = tpu.vector_load %arg29[%get3A_1373] {strides = array<i32>} : memref<4096xi32, #tpu.memory_space<vmem>>, vector<16xi32>,
        %add3A_1375 = arith.constant 512 : i32
        %add3A_1376 = arith.addi %add3A_1358, %add3A_1375 : i32
        %get3A_1377 = arith.index_cast %add3A_1376 : i32 to index
        %get3A_1378 = tpu.vector_load %arg29[%get3A_1377] {strides = array<i32>} : memref<4096xi32, #tpu.memory_space<vmem>>, vector<16xi32>,
        %add3A_1379 = arith.constant 640 : i32
        %add3A_1380 = arith.addi %add3A_1358, %add3A_1379 : i32
        %get3A_1381 = arith.index_cast %add3A_1380 : i32 to index
        %get3A_1382 = tpu.vector_load %arg29[%get3A_1381] {strides = array<i32>} : memref<4096xi32, #tpu.memory_space<vmem>>, vector<16xi32>,
        %add3A_1383 = arith.constant 768 : i32
        %add3A_1384 = arith.addi %add3A_1358, %add3A_1383 : i32
        %get3A_1385 = arith.index_cast %add3A_1384 : i32 to index
        %get3A_1386 = tpu.vector_load %arg29[%get3A_1385] {strides = array<i32>} : memref<4096xi32, #tpu.memory_space<vmem>>, vector<16xi32>,
        %add3A_1387 = arith.constant 896 : i32
        %add3A_1388 = arith.addi %add3A_1358, %add3A_1387 : i32
        %get3A_1389 = arith.index_cast %add3A_1388 : i32 to index
        %get3A_1390 = tpu.vector_load %arg29[%get3A_1389] {strides = array<i32>} : memref<4096xi32, #tpu.memory_space<vmem>>, vector<16xi32>,
        %add3A_1391 = arith.constant 0 : i32
        %add3A_1392 = arith.addi %add3A_1358, %add3A_1391 : i32
        %get3A_1393 = arith.index_cast %add3A_1392 : i32 to index
        %get3A_1394 = tpu.vector_load %arg28[%get3A_1393] {strides = array<i32>} : memref<4096xf32, #tpu.memory_space<vmem>>, vector<16xf32>,
        %add3A_1395 = arith.constant 128 : i32
        %add3A_1396 = arith.addi %add3A_1358, %add3A_1395 : i32
        %get3A_1397 = arith.index_cast %add3A_1396 : i32 to index
        %get3A_1398 = tpu.vector_load %arg28[%get3A_1397] {strides = array<i32>} : memref<4096xf32, #tpu.memory_space<vmem>>, vector<16xf32>,
        %add3A_1399 = arith.constant 256 : i32
        %add3A_1400 = arith.addi %add3A_1358, %add3A_1399 : i32
        %get3A_1401 = arith.index_cast %add3A_1400 : i32 to index
        %get3A_1402 = tpu.vector_load %arg28[%get3A_1401] {strides = array<i32>} : memref<4096xf32, #tpu.memory_space<vmem>>, vector<16xf32>,
        %add3A_1403 = arith.constant 384 : i32
        %add3A_1404 = arith.addi %add3A_1358, %add3A_1403 : i32
        %get3A_1405 = arith.index_cast %add3A_1404 : i32 to index
        %get3A_1406 = tpu.vector_load %arg28[%get3A_1405] {strides = array<i32>} : memref<4096xf32, #tpu.memory_space<vmem>>, vector<16xf32>,
        %add3A_1407 = arith.constant 512 : i32
        %add3A_1408 = arith.addi %add3A_1358, %add3A_1407 : i32
        %get3A_1409 = arith.index_cast %add3A_1408 : i32 to index
        %get3A_1410 = tpu.vector_load %arg28[%get3A_1409] {strides = array<i32>} : memref<4096xf32, #tpu.memory_space<vmem>>, vector<16xf32>,
        %add3A_1411 = arith.constant 640 : i32
        %add3A_1412 = arith.addi %add3A_1358, %add3A_1411 : i32
        %get3A_1413 = arith.index_cast %add3A_1412 : i32 to index
        %get3A_1414 = tpu.vector_load %arg28[%get3A_1413] {strides = array<i32>} : memref<4096xf32, #tpu.memory_space<vmem>>, vector<16xf32>,
        %add3A_1415 = arith.constant 768 : i32
        %add3A_1416 = arith.addi %add3A_1358, %add3A_1415 : i32
        %get3A_1417 = arith.index_cast %add3A_1416 : i32 to index
        %get3A_1418 = tpu.vector_load %arg28[%get3A_1417] {strides = array<i32>} : memref<4096xf32, #tpu.memory_space<vmem>>, vector<16xf32>,
        %add3A_1419 = arith.constant 896 : i32
        %add3A_1420 = arith.addi %add3A_1358, %add3A_1419 : i32
        %get3A_1421 = arith.index_cast %add3A_1420 : i32 to index
        %get3A_1422 = tpu.vector_load %arg28[%get3A_1421] {strides = array<i32>} : memref<4096xf32, #tpu.memory_space<vmem>>, vector<16xf32>,
        %add3A_1423 = arith.addf %get3A_1394, %get3A_1398 : vector<16xf32>
        %add3A_1424 = arith.addf %get3A_1402, %get3A_1406 : vector<16xf32>
        %add3A_1425 = arith.addf %add3A_1423, %add3A_1424 : vector<16xf32>
        %add3A_1426 = arith.addf %get3A_1410, %get3A_1414 : vector<16xf32>
        %add3A_1427 = arith.addf %get3A_1418, %get3A_1422 : vector<16xf32>
        %add3A_1428 = arith.addf %add3A_1426, %add3A_1427 : vector<16xf32>
        %add3A_1429 = arith.addf %add3A_1425, %add3A_1428 : vector<16xf32>
        %add3A_1430 = arith.constant 9.99999993E-9 : f32
        %add3A_1431 = vector.broadcast %add3A_1430 : f32 to vector<16xf32>
        %add3A_1432 = arith.addf %add3A_1429, %add3A_1431 : vector<16xf32>
        %div3A_1433 = arith.constant 1.000000e+00 : f32
        %div3A_1434 = vector.broadcast %div3A_1433 : f32 to vector<16xf32>
        %div3A_1435 = arith.divf %div3A_1434, %add3A_1432 : vector<16xf32>
        %gather3A_1436 = tpu.vector_load_idx %arg17[%get3A_1362] : memref<4096xf32, #tpu.memory_space<vmem>>[vector<16xi32>], vector<16xf32>,
        %gather3A_1437 = tpu.vector_load_idx %arg18[%get3A_1362] : memref<4096xf32, #tpu.memory_space<vmem>>[vector<16xi32>], vector<16xf32>,
        %gather3A_1438 = tpu.vector_load_idx %arg19[%get3A_1362] : memref<4096xf32, #tpu.memory_space<vmem>>[vector<16xi32>], vector<16xf32>,
        %gather3A_1439 = tpu.vector_load_idx %arg20[%get3A_1362] : memref<4096xf32, #tpu.memory_space<vmem>>[vector<16xi32>], vector<16xf32>,
        %gather3A_1440 = tpu.vector_load_idx %arg17[%get3A_1366] : memref<4096xf32, #tpu.memory_space<vmem>>[vector<16xi32>], vector<16xf32>,
        %gather3A_1441 = tpu.vector_load_idx %arg18[%get3A_1366] : memref<4096xf32, #tpu.memory_space<vmem>>[vector<16xi32>], vector<16xf32>,
        %gather3A_1442 = tpu.vector_load_idx %arg19[%get3A_1366] : memref<4096xf32, #tpu.memory_space<vmem>>[vector<16xi32>], vector<16xf32>,
        %gather3A_1443 = tpu.vector_load_idx %arg20[%get3A_1366] : memref<4096xf32, #tpu.memory_space<vmem>>[vector<16xi32>], vector<16xf32>,
        %mul3A_1444 = arith.mulf %gather3A_1436, %gather3A_1440 : vector<16xf32>
        %mul3A_1445 = arith.mulf %gather3A_1437, %gather3A_1441 : vector<16xf32>
        %add3A_1446 = arith.addf %mul3A_1444, %mul3A_1445 : vector<16xf32>
        %mul3A_1447 = arith.mulf %gather3A_1438, %gather3A_1442 : vector<16xf32>
        %mul3A_1448 = arith.mulf %gather3A_1439, %gather3A_1443 : vector<16xf32>
        %add3A_1449 = arith.addf %mul3A_1447, %mul3A_1448 : vector<16xf32>
        %add3A_1450 = arith.addf %add3A_1446, %add3A_1449 : vector<16xf32>
        %lt3A_1451 = arith.constant 0.000000e+00 : f32
        %lt3A_1452 = vector.broadcast %lt3A_1451 : f32 to vector<16xf32>
        %lt3A_1453 = arith.cmpf olt, %add3A_1450, %lt3A_1452 : vector<16xf32>
        %neg3A_1454 = arith.constant 0.000000e+00 : f32
        %neg3A_1455 = vector.broadcast %neg3A_1454 : f32 to vector<16xf32>
        %neg3A_1456 = arith.subf %neg3A_1455, %get3A_1398 : vector<16xf32>
        %select_n3A_1457 = arith.select %lt3A_1453, %neg3A_1456, %get3A_1398 : vector<16xi1>, vector<16xf32>
        %mul3A_1458 = arith.mulf %select_n3A_1457, %gather3A_1440 : vector<16xf32>
        %mul3A_1459 = arith.mulf %select_n3A_1457, %gather3A_1441 : vector<16xf32>
        %mul3A_1460 = arith.mulf %select_n3A_1457, %gather3A_1442 : vector<16xf32>
        %mul3A_1461 = arith.mulf %select_n3A_1457, %gather3A_1443 : vector<16xf32>
        %gather3A_1462 = tpu.vector_load_idx %arg17[%get3A_1370] : memref<4096xf32, #tpu.memory_space<vmem>>[vector<16xi32>], vector<16xf32>,
        %gather3A_1463 = tpu.vector_load_idx %arg18[%get3A_1370] : memref<4096xf32, #tpu.memory_space<vmem>>[vector<16xi32>], vector<16xf32>,
        %gather3A_1464 = tpu.vector_load_idx %arg19[%get3A_1370] : memref<4096xf32, #tpu.memory_space<vmem>>[vector<16xi32>], vector<16xf32>,
        %gather3A_1465 = tpu.vector_load_idx %arg20[%get3A_1370] : memref<4096xf32, #tpu.memory_space<vmem>>[vector<16xi32>], vector<16xf32>,
        %mul3A_1466 = arith.mulf %gather3A_1436, %gather3A_1462 : vector<16xf32>
        %mul3A_1467 = arith.mulf %gather3A_1437, %gather3A_1463 : vector<16xf32>
        %add3A_1468 = arith.addf %mul3A_1466, %mul3A_1467 : vector<16xf32>
        %mul3A_1469 = arith.mulf %gather3A_1438, %gather3A_1464 : vector<16xf32>
        %mul3A_1470 = arith.mulf %gather3A_1439, %gather3A_1465 : vector<16xf32>
        %add3A_1471 = arith.addf %mul3A_1469, %mul3A_1470 : vector<16xf32>
        %add3A_1472 = arith.addf %add3A_1468, %add3A_1471 : vector<16xf32>
        %lt3A_1473 = arith.constant 0.000000e+00 : f32
        %lt3A_1474 = vector.broadcast %lt3A_1473 : f32 to vector<16xf32>
        %lt3A_1475 = arith.cmpf olt, %add3A_1472, %lt3A_1474 : vector<16xf32>
        %neg3A_1476 = arith.constant 0.000000e+00 : f32
        %neg3A_1477 = vector.broadcast %neg3A_1476 : f32 to vector<16xf32>
        %neg3A_1478 = arith.subf %neg3A_1477, %get3A_1402 : vector<16xf32>
        %select_n3A_1479 = arith.select %lt3A_1475, %neg3A_1478, %get3A_1402 : vector<16xi1>, vector<16xf32>
        %mul3A_1480 = arith.mulf %select_n3A_1479, %gather3A_1462 : vector<16xf32>
        %add3A_1481 = arith.addf %mul3A_1458, %mul3A_1480 : vector<16xf32>
        %mul3A_1482 = arith.mulf %select_n3A_1479, %gather3A_1463 : vector<16xf32>
        %add3A_1483 = arith.addf %mul3A_1459, %mul3A_1482 : vector<16xf32>
        %mul3A_1484 = arith.mulf %select_n3A_1479, %gather3A_1464 : vector<16xf32>
        %add3A_1485 = arith.addf %mul3A_1460, %mul3A_1484 : vector<16xf32>
        %mul3A_1486 = arith.mulf %select_n3A_1479, %gather3A_1465 : vector<16xf32>
        %add3A_1487 = arith.addf %mul3A_1461, %mul3A_1486 : vector<16xf32>
        %gather3A_1488 = tpu.vector_load_idx %arg17[%get3A_1374] : memref<4096xf32, #tpu.memory_space<vmem>>[vector<16xi32>], vector<16xf32>,
        %gather3A_1489 = tpu.vector_load_idx %arg18[%get3A_1374] : memref<4096xf32, #tpu.memory_space<vmem>>[vector<16xi32>], vector<16xf32>,
        %gather3A_1490 = tpu.vector_load_idx %arg19[%get3A_1374] : memref<4096xf32, #tpu.memory_space<vmem>>[vector<16xi32>], vector<16xf32>,
        %gather3A_1491 = tpu.vector_load_idx %arg20[%get3A_1374] : memref<4096xf32, #tpu.memory_space<vmem>>[vector<16xi32>], vector<16xf32>,
        %mul3A_1492 = arith.mulf %gather3A_1436, %gather3A_1488 : vector<16xf32>
        %mul3A_1493 = arith.mulf %gather3A_1437, %gather3A_1489 : vector<16xf32>
        %add3A_1494 = arith.addf %mul3A_1492, %mul3A_1493 : vector<16xf32>
        %mul3A_1495 = arith.mulf %gather3A_1438, %gather3A_1490 : vector<16xf32>
        %mul3A_1496 = arith.mulf %gather3A_1439, %gather3A_1491 : vector<16xf32>
        %add3A_1497 = arith.addf %mul3A_1495, %mul3A_1496 : vector<16xf32>
        %add3A_1498 = arith.addf %add3A_1494, %add3A_1497 : vector<16xf32>
        %lt3A_1499 = arith.constant 0.000000e+00 : f32
        %lt3A_1500 = vector.broadcast %lt3A_1499 : f32 to vector<16xf32>
        %lt3A_1501 = arith.cmpf olt, %add3A_1498, %lt3A_1500 : vector<16xf32>
        %neg3A_1502 = arith.constant 0.000000e+00 : f32
        %neg3A_1503 = vector.broadcast %neg3A_1502 : f32 to vector<16xf32>
        %neg3A_1504 = arith.subf %neg3A_1503, %get3A_1406 : vector<16xf32>
        %select_n3A_1505 = arith.select %lt3A_1501, %neg3A_1504, %get3A_1406 : vector<16xi1>, vector<16xf32>
        %mul3A_1506 = arith.mulf %select_n3A_1505, %gather3A_1488 : vector<16xf32>
        %add3A_1507 = arith.addf %add3A_1481, %mul3A_1506 : vector<16xf32>
        %mul3A_1508 = arith.mulf %select_n3A_1505, %gather3A_1489 : vector<16xf32>
        %add3A_1509 = arith.addf %add3A_1483, %mul3A_1508 : vector<16xf32>
        %mul3A_1510 = arith.mulf %select_n3A_1505, %gather3A_1490 : vector<16xf32>
        %add3A_1511 = arith.addf %add3A_1485, %mul3A_1510 : vector<16xf32>
        %mul3A_1512 = arith.mulf %select_n3A_1505, %gather3A_1491 : vector<16xf32>
        %add3A_1513 = arith.addf %add3A_1487, %mul3A_1512 : vector<16xf32>
        %gather3A_1514 = tpu.vector_load_idx %arg17[%get3A_1378] : memref<4096xf32, #tpu.memory_space<vmem>>[vector<16xi32>], vector<16xf32>,
        %gather3A_1515 = tpu.vector_load_idx %arg18[%get3A_1378] : memref<4096xf32, #tpu.memory_space<vmem>>[vector<16xi32>], vector<16xf32>,
        %gather3A_1516 = tpu.vector_load_idx %arg19[%get3A_1378] : memref<4096xf32, #tpu.memory_space<vmem>>[vector<16xi32>], vector<16xf32>,
        %gather3A_1517 = tpu.vector_load_idx %arg20[%get3A_1378] : memref<4096xf32, #tpu.memory_space<vmem>>[vector<16xi32>], vector<16xf32>,
        %mul3A_1518 = arith.mulf %gather3A_1436, %gather3A_1514 : vector<16xf32>
        %mul3A_1519 = arith.mulf %gather3A_1437, %gather3A_1515 : vector<16xf32>
        %add3A_1520 = arith.addf %mul3A_1518, %mul3A_1519 : vector<16xf32>
        %mul3A_1521 = arith.mulf %gather3A_1438, %gather3A_1516 : vector<16xf32>
        %mul3A_1522 = arith.mulf %gather3A_1439, %gather3A_1517 : vector<16xf32>
        %add3A_1523 = arith.addf %mul3A_1521, %mul3A_1522 : vector<16xf32>
        %add3A_1524 = arith.addf %add3A_1520, %add3A_1523 : vector<16xf32>
        %lt3A_1525 = arith.constant 0.000000e+00 : f32
        %lt3A_1526 = vector.broadcast %lt3A_1525 : f32 to vector<16xf32>
        %lt3A_1527 = arith.cmpf olt, %add3A_1524, %lt3A_1526 : vector<16xf32>
        %neg3A_1528 = arith.constant 0.000000e+00 : f32
        %neg3A_1529 = vector.broadcast %neg3A_1528 : f32 to vector<16xf32>
        %neg3A_1530 = arith.subf %neg3A_1529, %get3A_1410 : vector<16xf32>
        %select_n3A_1531 = arith.select %lt3A_1527, %neg3A_1530, %get3A_1410 : vector<16xi1>, vector<16xf32>
        %mul3A_1532 = arith.mulf %select_n3A_1531, %gather3A_1514 : vector<16xf32>
        %add3A_1533 = arith.addf %add3A_1507, %mul3A_1532 : vector<16xf32>
        %mul3A_1534 = arith.mulf %select_n3A_1531, %gather3A_1515 : vector<16xf32>
        %add3A_1535 = arith.addf %add3A_1509, %mul3A_1534 : vector<16xf32>
        %mul3A_1536 = arith.mulf %select_n3A_1531, %gather3A_1516 : vector<16xf32>
        %add3A_1537 = arith.addf %add3A_1511, %mul3A_1536 : vector<16xf32>
        %mul3A_1538 = arith.mulf %select_n3A_1531, %gather3A_1517 : vector<16xf32>
        %add3A_1539 = arith.addf %add3A_1513, %mul3A_1538 : vector<16xf32>
        %gather3A_1540 = tpu.vector_load_idx %arg17[%get3A_1382] : memref<4096xf32, #tpu.memory_space<vmem>>[vector<16xi32>], vector<16xf32>,
        %gather3A_1541 = tpu.vector_load_idx %arg18[%get3A_1382] : memref<4096xf32, #tpu.memory_space<vmem>>[vector<16xi32>], vector<16xf32>,
        %gather3A_1542 = tpu.vector_load_idx %arg19[%get3A_1382] : memref<4096xf32, #tpu.memory_space<vmem>>[vector<16xi32>], vector<16xf32>,
        %gather3A_1543 = tpu.vector_load_idx %arg20[%get3A_1382] : memref<4096xf32, #tpu.memory_space<vmem>>[vector<16xi32>], vector<16xf32>,
        %mul3A_1544 = arith.mulf %gather3A_1436, %gather3A_1540 : vector<16xf32>
        %mul3A_1545 = arith.mulf %gather3A_1437, %gather3A_1541 : vector<16xf32>
        %add3A_1546 = arith.addf %mul3A_1544, %mul3A_1545 : vector<16xf32>
        %mul3A_1547 = arith.mulf %gather3A_1438, %gather3A_1542 : vector<16xf32>
        %mul3A_1548 = arith.mulf %gather3A_1439, %gather3A_1543 : vector<16xf32>
        %add3A_1549 = arith.addf %mul3A_1547, %mul3A_1548 : vector<16xf32>
        %add3A_1550 = arith.addf %add3A_1546, %add3A_1549 : vector<16xf32>
        %lt3A_1551 = arith.constant 0.000000e+00 : f32
        %lt3A_1552 = vector.broadcast %lt3A_1551 : f32 to vector<16xf32>
        %lt3A_1553 = arith.cmpf olt, %add3A_1550, %lt3A_1552 : vector<16xf32>
        %neg3A_1554 = arith.constant 0.000000e+00 : f32
        %neg3A_1555 = vector.broadcast %neg3A_1554 : f32 to vector<16xf32>
        %neg3A_1556 = arith.subf %neg3A_1555, %get3A_1414 : vector<16xf32>
        %select_n3A_1557 = arith.select %lt3A_1553, %neg3A_1556, %get3A_1414 : vector<16xi1>, vector<16xf32>
        %mul3A_1558 = arith.mulf %select_n3A_1557, %gather3A_1540 : vector<16xf32>
        %add3A_1559 = arith.addf %add3A_1533, %mul3A_1558 : vector<16xf32>
        %mul3A_1560 = arith.mulf %select_n3A_1557, %gather3A_1541 : vector<16xf32>
        %add3A_1561 = arith.addf %add3A_1535, %mul3A_1560 : vector<16xf32>
        %mul3A_1562 = arith.mulf %select_n3A_1557, %gather3A_1542 : vector<16xf32>
        %add3A_1563 = arith.addf %add3A_1537, %mul3A_1562 : vector<16xf32>
        %mul3A_1564 = arith.mulf %select_n3A_1557, %gather3A_1543 : vector<16xf32>
        %add3A_1565 = arith.addf %add3A_1539, %mul3A_1564 : vector<16xf32>
        %gather3A_1566 = tpu.vector_load_idx %arg17[%get3A_1386] : memref<4096xf32, #tpu.memory_space<vmem>>[vector<16xi32>], vector<16xf32>,
        %gather3A_1567 = tpu.vector_load_idx %arg18[%get3A_1386] : memref<4096xf32, #tpu.memory_space<vmem>>[vector<16xi32>], vector<16xf32>,
        %gather3A_1568 = tpu.vector_load_idx %arg19[%get3A_1386] : memref<4096xf32, #tpu.memory_space<vmem>>[vector<16xi32>], vector<16xf32>,
        %gather3A_1569 = tpu.vector_load_idx %arg20[%get3A_1386] : memref<4096xf32, #tpu.memory_space<vmem>>[vector<16xi32>], vector<16xf32>,
        %mul3A_1570 = arith.mulf %gather3A_1436, %gather3A_1566 : vector<16xf32>
        %mul3A_1571 = arith.mulf %gather3A_1437, %gather3A_1567 : vector<16xf32>
        %add3A_1572 = arith.addf %mul3A_1570, %mul3A_1571 : vector<16xf32>
        %mul3A_1573 = arith.mulf %gather3A_1438, %gather3A_1568 : vector<16xf32>
        %mul3A_1574 = arith.mulf %gather3A_1439, %gather3A_1569 : vector<16xf32>
        %add3A_1575 = arith.addf %mul3A_1573, %mul3A_1574 : vector<16xf32>
        %add3A_1576 = arith.addf %add3A_1572, %add3A_1575 : vector<16xf32>
        %lt3A_1577 = arith.constant 0.000000e+00 : f32
        %lt3A_1578 = vector.broadcast %lt3A_1577 : f32 to vector<16xf32>
        %lt3A_1579 = arith.cmpf olt, %add3A_1576, %lt3A_1578 : vector<16xf32>
        %neg3A_1580 = arith.constant 0.000000e+00 : f32
        %neg3A_1581 = vector.broadcast %neg3A_1580 : f32 to vector<16xf32>
        %neg3A_1582 = arith.subf %neg3A_1581, %get3A_1418 : vector<16xf32>
        %select_n3A_1583 = arith.select %lt3A_1579, %neg3A_1582, %get3A_1418 : vector<16xi1>, vector<16xf32>
        %mul3A_1584 = arith.mulf %select_n3A_1583, %gather3A_1566 : vector<16xf32>
        %add3A_1585 = arith.addf %add3A_1559, %mul3A_1584 : vector<16xf32>
        %mul3A_1586 = arith.mulf %select_n3A_1583, %gather3A_1567 : vector<16xf32>
        %add3A_1587 = arith.addf %add3A_1561, %mul3A_1586 : vector<16xf32>
        %mul3A_1588 = arith.mulf %select_n3A_1583, %gather3A_1568 : vector<16xf32>
        %add3A_1589 = arith.addf %add3A_1563, %mul3A_1588 : vector<16xf32>
        %mul3A_1590 = arith.mulf %select_n3A_1583, %gather3A_1569 : vector<16xf32>
        %add3A_1591 = arith.addf %add3A_1565, %mul3A_1590 : vector<16xf32>
        %gather3A_1592 = tpu.vector_load_idx %arg17[%get3A_1390] : memref<4096xf32, #tpu.memory_space<vmem>>[vector<16xi32>], vector<16xf32>,
        %gather3A_1593 = tpu.vector_load_idx %arg18[%get3A_1390] : memref<4096xf32, #tpu.memory_space<vmem>>[vector<16xi32>], vector<16xf32>,
        %gather3A_1594 = tpu.vector_load_idx %arg19[%get3A_1390] : memref<4096xf32, #tpu.memory_space<vmem>>[vector<16xi32>], vector<16xf32>,
        %gather3A_1595 = tpu.vector_load_idx %arg20[%get3A_1390] : memref<4096xf32, #tpu.memory_space<vmem>>[vector<16xi32>], vector<16xf32>,
        %mul3A_1596 = arith.mulf %gather3A_1436, %gather3A_1592 : vector<16xf32>
        %mul3A_1597 = arith.mulf %gather3A_1437, %gather3A_1593 : vector<16xf32>
        %add3A_1598 = arith.addf %mul3A_1596, %mul3A_1597 : vector<16xf32>
        %mul3A_1599 = arith.mulf %gather3A_1438, %gather3A_1594 : vector<16xf32>
        %mul3A_1600 = arith.mulf %gather3A_1439, %gather3A_1595 : vector<16xf32>
        %add3A_1601 = arith.addf %mul3A_1599, %mul3A_1600 : vector<16xf32>
        %add3A_1602 = arith.addf %add3A_1598, %add3A_1601 : vector<16xf32>
        %lt3A_1603 = arith.constant 0.000000e+00 : f32
        %lt3A_1604 = vector.broadcast %lt3A_1603 : f32 to vector<16xf32>
        %lt3A_1605 = arith.cmpf olt, %add3A_1602, %lt3A_1604 : vector<16xf32>
        %neg3A_1606 = arith.constant 0.000000e+00 : f32
        %neg3A_1607 = vector.broadcast %neg3A_1606 : f32 to vector<16xf32>
        %neg3A_1608 = arith.subf %neg3A_1607, %get3A_1422 : vector<16xf32>
        %select_n3A_1609 = arith.select %lt3A_1605, %neg3A_1608, %get3A_1422 : vector<16xi1>, vector<16xf32>
        %mul3A_1610 = arith.mulf %select_n3A_1609, %gather3A_1592 : vector<16xf32>
        %add3A_1611 = arith.addf %add3A_1585, %mul3A_1610 : vector<16xf32>
        %mul3A_1612 = arith.mulf %select_n3A_1609, %gather3A_1593 : vector<16xf32>
        %add3A_1613 = arith.addf %add3A_1587, %mul3A_1612 : vector<16xf32>
        %mul3A_1614 = arith.mulf %select_n3A_1609, %gather3A_1594 : vector<16xf32>
        %add3A_1615 = arith.addf %add3A_1589, %mul3A_1614 : vector<16xf32>
        %mul3A_1616 = arith.mulf %select_n3A_1609, %gather3A_1595 : vector<16xf32>
        %add3A_1617 = arith.addf %add3A_1591, %mul3A_1616 : vector<16xf32>
        %mul3A_1618 = arith.mulf %get3A_1394, %gather3A_1436 : vector<16xf32>
        %add3A_1619 = arith.addf %add3A_1611, %mul3A_1618 : vector<16xf32>
        %mul3A_1620 = arith.mulf %get3A_1394, %gather3A_1437 : vector<16xf32>
        %add3A_1621 = arith.addf %add3A_1613, %mul3A_1620 : vector<16xf32>
        %mul3A_1622 = arith.mulf %get3A_1394, %gather3A_1438 : vector<16xf32>
        %add3A_1623 = arith.addf %add3A_1615, %mul3A_1622 : vector<16xf32>
        %mul3A_1624 = arith.mulf %get3A_1394, %gather3A_1439 : vector<16xf32>
        %add3A_1625 = arith.addf %add3A_1617, %mul3A_1624 : vector<16xf32>
        %gather3A_1626 = tpu.vector_load_idx %arg21[%get3A_1362] : memref<4096xf32, #tpu.memory_space<vmem>>[vector<16xi32>], vector<16xf32>,
        %gather3A_1627 = tpu.vector_load_idx %arg22[%get3A_1362] : memref<4096xf32, #tpu.memory_space<vmem>>[vector<16xi32>], vector<16xf32>,
        %gather3A_1628 = tpu.vector_load_idx %arg23[%get3A_1362] : memref<4096xf32, #tpu.memory_space<vmem>>[vector<16xi32>], vector<16xf32>,
        %mul3A_1629 = arith.mulf %get3A_1394, %gather3A_1626 : vector<16xf32>
        %mul3A_1630 = arith.mulf %get3A_1394, %gather3A_1627 : vector<16xf32>
        %mul3A_1631 = arith.mulf %get3A_1394, %gather3A_1628 : vector<16xf32>
        %gather3A_1632 = tpu.vector_load_idx %arg21[%get3A_1366] : memref<4096xf32, #tpu.memory_space<vmem>>[vector<16xi32>], vector<16xf32>,
        %gather3A_1633 = tpu.vector_load_idx %arg22[%get3A_1366] : memref<4096xf32, #tpu.memory_space<vmem>>[vector<16xi32>], vector<16xf32>,
        %gather3A_1634 = tpu.vector_load_idx %arg23[%get3A_1366] : memref<4096xf32, #tpu.memory_space<vmem>>[vector<16xi32>], vector<16xf32>,
        %mul3A_1635 = arith.mulf %get3A_1398, %gather3A_1632 : vector<16xf32>
        %add3A_1636 = arith.addf %mul3A_1629, %mul3A_1635 : vector<16xf32>
        %mul3A_1637 = arith.mulf %get3A_1398, %gather3A_1633 : vector<16xf32>
        %add3A_1638 = arith.addf %mul3A_1630, %mul3A_1637 : vector<16xf32>
        %mul3A_1639 = arith.mulf %get3A_1398, %gather3A_1634 : vector<16xf32>
        %add3A_1640 = arith.addf %mul3A_1631, %mul3A_1639 : vector<16xf32>
        %gather3A_1641 = tpu.vector_load_idx %arg21[%get3A_1370] : memref<4096xf32, #tpu.memory_space<vmem>>[vector<16xi32>], vector<16xf32>,
        %gather3A_1642 = tpu.vector_load_idx %arg22[%get3A_1370] : memref<4096xf32, #tpu.memory_space<vmem>>[vector<16xi32>], vector<16xf32>,
        %gather3A_1643 = tpu.vector_load_idx %arg23[%get3A_1370] : memref<4096xf32, #tpu.memory_space<vmem>>[vector<16xi32>], vector<16xf32>,
        %mul3A_1644 = arith.mulf %get3A_1402, %gather3A_1641 : vector<16xf32>
        %add3A_1645 = arith.addf %add3A_1636, %mul3A_1644 : vector<16xf32>
        %mul3A_1646 = arith.mulf %get3A_1402, %gather3A_1642 : vector<16xf32>
        %add3A_1647 = arith.addf %add3A_1638, %mul3A_1646 : vector<16xf32>
        %mul3A_1648 = arith.mulf %get3A_1402, %gather3A_1643 : vector<16xf32>
        %add3A_1649 = arith.addf %add3A_1640, %mul3A_1648 : vector<16xf32>
        %gather3A_1650 = tpu.vector_load_idx %arg21[%get3A_1374] : memref<4096xf32, #tpu.memory_space<vmem>>[vector<16xi32>], vector<16xf32>,
        %gather3A_1651 = tpu.vector_load_idx %arg22[%get3A_1374] : memref<4096xf32, #tpu.memory_space<vmem>>[vector<16xi32>], vector<16xf32>,
        %gather3A_1652 = tpu.vector_load_idx %arg23[%get3A_1374] : memref<4096xf32, #tpu.memory_space<vmem>>[vector<16xi32>], vector<16xf32>,
        %mul3A_1653 = arith.mulf %get3A_1406, %gather3A_1650 : vector<16xf32>
        %add3A_1654 = arith.addf %add3A_1645, %mul3A_1653 : vector<16xf32>
        %mul3A_1655 = arith.mulf %get3A_1406, %gather3A_1651 : vector<16xf32>
        %add3A_1656 = arith.addf %add3A_1647, %mul3A_1655 : vector<16xf32>
        %mul3A_1657 = arith.mulf %get3A_1406, %gather3A_1652 : vector<16xf32>
        %add3A_1658 = arith.addf %add3A_1649, %mul3A_1657 : vector<16xf32>
        %gather3A_1659 = tpu.vector_load_idx %arg21[%get3A_1378] : memref<4096xf32, #tpu.memory_space<vmem>>[vector<16xi32>], vector<16xf32>,
        %gather3A_1660 = tpu.vector_load_idx %arg22[%get3A_1378] : memref<4096xf32, #tpu.memory_space<vmem>>[vector<16xi32>], vector<16xf32>,
        %gather3A_1661 = tpu.vector_load_idx %arg23[%get3A_1378] : memref<4096xf32, #tpu.memory_space<vmem>>[vector<16xi32>], vector<16xf32>,
        %mul3A_1662 = arith.mulf %get3A_1410, %gather3A_1659 : vector<16xf32>
        %add3A_1663 = arith.addf %add3A_1654, %mul3A_1662 : vector<16xf32>
        %mul3A_1664 = arith.mulf %get3A_1410, %gather3A_1660 : vector<16xf32>
        %add3A_1665 = arith.addf %add3A_1656, %mul3A_1664 : vector<16xf32>
        %mul3A_1666 = arith.mulf %get3A_1410, %gather3A_1661 : vector<16xf32>
        %add3A_1667 = arith.addf %add3A_1658, %mul3A_1666 : vector<16xf32>
        %gather3A_1668 = tpu.vector_load_idx %arg21[%get3A_1382] : memref<4096xf32, #tpu.memory_space<vmem>>[vector<16xi32>], vector<16xf32>,
        %gather3A_1669 = tpu.vector_load_idx %arg22[%get3A_1382] : memref<4096xf32, #tpu.memory_space<vmem>>[vector<16xi32>], vector<16xf32>,
        %gather3A_1670 = tpu.vector_load_idx %arg23[%get3A_1382] : memref<4096xf32, #tpu.memory_space<vmem>>[vector<16xi32>], vector<16xf32>,
        %mul3A_1671 = arith.mulf %get3A_1414, %gather3A_1668 : vector<16xf32>
        %add3A_1672 = arith.addf %add3A_1663, %mul3A_1671 : vector<16xf32>
        %mul3A_1673 = arith.mulf %get3A_1414, %gather3A_1669 : vector<16xf32>
        %add3A_1674 = arith.addf %add3A_1665, %mul3A_1673 : vector<16xf32>
        %mul3A_1675 = arith.mulf %get3A_1414, %gather3A_1670 : vector<16xf32>
        %add3A_1676 = arith.addf %add3A_1667, %mul3A_1675 : vector<16xf32>
        %gather3A_1677 = tpu.vector_load_idx %arg21[%get3A_1386] : memref<4096xf32, #tpu.memory_space<vmem>>[vector<16xi32>], vector<16xf32>,
        %gather3A_1678 = tpu.vector_load_idx %arg22[%get3A_1386] : memref<4096xf32, #tpu.memory_space<vmem>>[vector<16xi32>], vector<16xf32>,
        %gather3A_1679 = tpu.vector_load_idx %arg23[%get3A_1386] : memref<4096xf32, #tpu.memory_space<vmem>>[vector<16xi32>], vector<16xf32>,
        %mul3A_1680 = arith.mulf %get3A_1418, %gather3A_1677 : vector<16xf32>
        %add3A_1681 = arith.addf %add3A_1672, %mul3A_1680 : vector<16xf32>
        %mul3A_1682 = arith.mulf %get3A_1418, %gather3A_1678 : vector<16xf32>
        %add3A_1683 = arith.addf %add3A_1674, %mul3A_1682 : vector<16xf32>
        %mul3A_1684 = arith.mulf %get3A_1418, %gather3A_1679 : vector<16xf32>
        %add3A_1685 = arith.addf %add3A_1676, %mul3A_1684 : vector<16xf32>
        %gather3A_1686 = tpu.vector_load_idx %arg21[%get3A_1390] : memref<4096xf32, #tpu.memory_space<vmem>>[vector<16xi32>], vector<16xf32>,
        %gather3A_1687 = tpu.vector_load_idx %arg22[%get3A_1390] : memref<4096xf32, #tpu.memory_space<vmem>>[vector<16xi32>], vector<16xf32>,
        %gather3A_1688 = tpu.vector_load_idx %arg23[%get3A_1390] : memref<4096xf32, #tpu.memory_space<vmem>>[vector<16xi32>], vector<16xf32>,
        %mul3A_1689 = arith.mulf %get3A_1422, %gather3A_1686 : vector<16xf32>
        %add3A_1690 = arith.addf %add3A_1681, %mul3A_1689 : vector<16xf32>
        %mul3A_1691 = arith.mulf %get3A_1422, %gather3A_1687 : vector<16xf32>
        %add3A_1692 = arith.addf %add3A_1683, %mul3A_1691 : vector<16xf32>
        %mul3A_1693 = arith.mulf %get3A_1422, %gather3A_1688 : vector<16xf32>
        %add3A_1694 = arith.addf %add3A_1685, %mul3A_1693 : vector<16xf32>
        %mul3A_1695 = arith.mulf %add3A_1690, %div3A_1435 : vector<16xf32>
        %mul3A_1696 = arith.mulf %add3A_1692, %div3A_1435 : vector<16xf32>
        %mul3A_1697 = arith.mulf %add3A_1694, %div3A_1435 : vector<16xf32>
        %mul3A_1698 = arith.mulf %add3A_1619, %add3A_1619 : vector<16xf32>
        %mul3A_1699 = arith.mulf %add3A_1621, %add3A_1621 : vector<16xf32>
        %add3A_1700 = arith.addf %mul3A_1698, %mul3A_1699 : vector<16xf32>
        %mul3A_1701 = arith.mulf %add3A_1623, %add3A_1623 : vector<16xf32>
        %mul3A_1702 = arith.mulf %add3A_1625, %add3A_1625 : vector<16xf32>
        %add3A_1703 = arith.addf %mul3A_1701, %mul3A_1702 : vector<16xf32>
        %add3A_1704 = arith.addf %add3A_1700, %add3A_1703 : vector<16xf32>
        %add3A_1705 = arith.constant 1.000000e-30 : f32
        %add3A_1706 = vector.broadcast %add3A_1705 : f32 to vector<16xf32>
        %add3A_1707 = arith.addf %add3A_1704, %add3A_1706 : vector<16xf32>
        %div3A_1708 = arith.constant 2.000000e+00 : f32
        %div3A_1709 = vector.broadcast %div3A_1708 : f32 to vector<16xf32>
        %div3A_1710 = arith.divf %div3A_1709, %add3A_1707 : vector<16xf32>
        %mul3A_1711 = arith.mulf %add3A_1621, %div3A_1710 : vector<16xf32>
        %mul3A_1712 = arith.mulf %add3A_1623, %div3A_1710 : vector<16xf32>
        %mul3A_1713 = arith.mulf %add3A_1625, %div3A_1710 : vector<16xf32>
        %mul3A_1714 = arith.mulf %add3A_1619, %mul3A_1711 : vector<16xf32>
        %mul3A_1715 = arith.mulf %add3A_1619, %mul3A_1712 : vector<16xf32>
        %mul3A_1716 = arith.mulf %add3A_1619, %mul3A_1713 : vector<16xf32>
        %mul3A_1717 = arith.mulf %add3A_1621, %mul3A_1711 : vector<16xf32>
        %mul3A_1718 = arith.mulf %add3A_1621, %mul3A_1712 : vector<16xf32>
        %mul3A_1719 = arith.mulf %add3A_1621, %mul3A_1713 : vector<16xf32>
        %mul3A_1720 = arith.mulf %add3A_1623, %mul3A_1712 : vector<16xf32>
        %mul3A_1721 = arith.mulf %add3A_1623, %mul3A_1713 : vector<16xf32>
        %mul3A_1722 = arith.mulf %add3A_1625, %mul3A_1713 : vector<16xf32>
        %add3A_1723 = arith.addf %mul3A_1720, %mul3A_1722 : vector<16xf32>
        %sub3A_1724 = arith.constant 1.000000e+00 : f32
        %sub3A_1725 = vector.broadcast %sub3A_1724 : f32 to vector<16xf32>
        %sub3A_1726 = arith.subf %sub3A_1725, %add3A_1723 : vector<16xf32>
        %sub3A_1727 = arith.subf %mul3A_1718, %mul3A_1716 : vector<16xf32>
        %add3A_1728 = arith.addf %mul3A_1719, %mul3A_1715 : vector<16xf32>
        %add3A_1729 = arith.addf %mul3A_1718, %mul3A_1716 : vector<16xf32>
        %add3A_1730 = arith.addf %mul3A_1717, %mul3A_1722 : vector<16xf32>
        %sub3A_1731 = arith.constant 1.000000e+00 : f32
        %sub3A_1732 = vector.broadcast %sub3A_1731 : f32 to vector<16xf32>
        %sub3A_1733 = arith.subf %sub3A_1732, %add3A_1730 : vector<16xf32>
        %sub3A_1734 = arith.subf %mul3A_1721, %mul3A_1714 : vector<16xf32>
        %sub3A_1735 = arith.subf %mul3A_1719, %mul3A_1715 : vector<16xf32>
        %add3A_1736 = arith.addf %mul3A_1721, %mul3A_1714 : vector<16xf32>
        %add3A_1737 = arith.addf %mul3A_1717, %mul3A_1720 : vector<16xf32>
        %sub3A_1738 = arith.constant 1.000000e+00 : f32
        %sub3A_1739 = vector.broadcast %sub3A_1738 : f32 to vector<16xf32>
        %sub3A_1740 = arith.subf %sub3A_1739, %add3A_1737 : vector<16xf32>
        %mul3A_1741 = arith.constant 512 : i32
        %mul3A_1742 = arith.muli %select_n3A_1334, %mul3A_1741 : i32
        %add3A_1743 = arith.addi %mul3A_1742, %mul3A_1352 : i32
        %add3A_1744 = arith.constant 0 : i32
        %add3A_1745 = arith.addi %add3A_1744, %mul3A_1310 : i32
        %get3A_1746 = arith.index_cast %add3A_1745 : i32 to index
        %get3A_1747 = tpu.vector_load %arg26[%get3A_1746] {strides = array<i32>} : memref<3584xf32, #tpu.memory_space<vmem>>, vector<16xf32>,
        %add3A_1748 = arith.constant 512 : i32
        %add3A_1749 = arith.addi %add3A_1748, %mul3A_1310 : i32
        %get3A_1750 = arith.index_cast %add3A_1749 : i32 to index
        %get3A_1751 = tpu.vector_load %arg26[%get3A_1750] {strides = array<i32>} : memref<3584xf32, #tpu.memory_space<vmem>>, vector<16xf32>,
        %add3A_1752 = arith.constant 1024 : i32
        %add3A_1753 = arith.addi %add3A_1752, %mul3A_1310 : i32
        %get3A_1754 = arith.index_cast %add3A_1753 : i32 to index
        %get3A_1755 = tpu.vector_load %arg26[%get3A_1754] {strides = array<i32>} : memref<3584xf32, #tpu.memory_space<vmem>>, vector<16xf32>,
        %mul3A_1756 = arith.mulf %sub3A_1726, %get3A_1747 : vector<16xf32>
        %mul3A_1757 = arith.mulf %sub3A_1727, %get3A_1751 : vector<16xf32>
        %add3A_1758 = arith.addf %mul3A_1756, %mul3A_1757 : vector<16xf32>
        %mul3A_1759 = arith.mulf %add3A_1728, %get3A_1755 : vector<16xf32>
        %add3A_1760 = arith.addf %mul3A_1759, %mul3A_1695 : vector<16xf32>
        %add3A_1761 = arith.addf %add3A_1758, %add3A_1760 : vector<16xf32>
        %add3A_1762 = arith.constant 0 : i32
        %add3A_1763 = arith.addi %add3A_1743, %add3A_1762 : i32
        %swap3A_1764 = arith.index_cast %add3A_1763 : i32 to index
        %swap3A_1765 = tpu.vector_load %arg34[%swap3A_1764] {strides = array<i32>} : memref<10752xf32, #tpu.memory_space<vmem>>, vector<16xf32>,
        tpu.vector_store %arg34[%swap3A_1764], %add3A_1761 {strides = array<i32>} : memref<10752xf32, #tpu.memory_space<vmem>>, vector<16xf32>,
        %mul3A_1766 = arith.mulf %add3A_1729, %get3A_1747 : vector<16xf32>
        %mul3A_1767 = arith.mulf %sub3A_1733, %get3A_1751 : vector<16xf32>
        %add3A_1768 = arith.addf %mul3A_1766, %mul3A_1767 : vector<16xf32>
        %mul3A_1769 = arith.mulf %sub3A_1734, %get3A_1755 : vector<16xf32>
        %add3A_1770 = arith.addf %mul3A_1769, %mul3A_1696 : vector<16xf32>
        %add3A_1771 = arith.addf %add3A_1768, %add3A_1770 : vector<16xf32>
        %add3A_1772 = arith.constant 128 : i32
        %add3A_1773 = arith.addi %add3A_1743, %add3A_1772 : i32
        %swap3A_1774 = arith.index_cast %add3A_1773 : i32 to index
        %swap3A_1775 = tpu.vector_load %arg34[%swap3A_1774] {strides = array<i32>} : memref<10752xf32, #tpu.memory_space<vmem>>, vector<16xf32>,
        tpu.vector_store %arg34[%swap3A_1774], %add3A_1771 {strides = array<i32>} : memref<10752xf32, #tpu.memory_space<vmem>>, vector<16xf32>,
        %mul3A_1776 = arith.mulf %sub3A_1735, %get3A_1747 : vector<16xf32>
        %mul3A_1777 = arith.mulf %add3A_1736, %get3A_1751 : vector<16xf32>
        %add3A_1778 = arith.addf %mul3A_1776, %mul3A_1777 : vector<16xf32>
        %mul3A_1779 = arith.mulf %sub3A_1740, %get3A_1755 : vector<16xf32>
        %add3A_1780 = arith.addf %mul3A_1779, %mul3A_1697 : vector<16xf32>
        %add3A_1781 = arith.addf %add3A_1778, %add3A_1780 : vector<16xf32>
        %add3A_1782 = arith.constant 256 : i32
        %add3A_1783 = arith.addi %add3A_1743, %add3A_1782 : i32
        %swap3A_1784 = arith.index_cast %add3A_1783 : i32 to index
        %swap3A_1785 = tpu.vector_load %arg34[%swap3A_1784] {strides = array<i32>} : memref<10752xf32, #tpu.memory_space<vmem>>, vector<16xf32>,
        tpu.vector_store %arg34[%swap3A_1784], %add3A_1781 {strides = array<i32>} : memref<10752xf32, #tpu.memory_space<vmem>>, vector<16xf32>,
        %add3A_1786 = arith.constant 0 : i32
        %add3A_1787 = arith.addi %add3A_1355, %add3A_1786 : i32
        %get3A_1788 = arith.index_cast %add3A_1787 : i32 to index
        %get3A_1789 = tpu.vector_load %arg27[%get3A_1788] {strides = array<i32>} : memref<2048xf32, #tpu.memory_space<vmem>>, vector<16xf32>,
        %add3A_1790 = arith.constant 128 : i32
        %add3A_1791 = arith.addi %add3A_1355, %add3A_1790 : i32
        %get3A_1792 = arith.index_cast %add3A_1791 : i32 to index
        %get3A_1793 = tpu.vector_load %arg27[%get3A_1792] {strides = array<i32>} : memref<2048xf32, #tpu.memory_space<vmem>>, vector<16xf32>,
        %add3A_1794 = arith.constant 256 : i32
        %add3A_1795 = arith.addi %add3A_1355, %add3A_1794 : i32
        %get3A_1796 = arith.index_cast %add3A_1795 : i32 to index
        %get3A_1797 = tpu.vector_load %arg27[%get3A_1796] {strides = array<i32>} : memref<2048xf32, #tpu.memory_space<vmem>>, vector<16xf32>,
        %add3A_1798 = arith.constant 384 : i32
        %add3A_1799 = arith.addi %add3A_1355, %add3A_1798 : i32
        %get3A_1800 = arith.index_cast %add3A_1799 : i32 to index
        %get3A_1801 = tpu.vector_load %arg27[%get3A_1800] {strides = array<i32>} : memref<2048xf32, #tpu.memory_space<vmem>>, vector<16xf32>,
        %mul3A_1802 = arith.mulf %add3A_1619, %get3A_1789 : vector<16xf32>
        %mul3A_1803 = arith.mulf %add3A_1621, %get3A_1793 : vector<16xf32>
        %sub3A_1804 = arith.subf %mul3A_1802, %mul3A_1803 : vector<16xf32>
        %mul3A_1805 = arith.mulf %add3A_1623, %get3A_1797 : vector<16xf32>
        %sub3A_1806 = arith.subf %sub3A_1804, %mul3A_1805 : vector<16xf32>
        %mul3A_1807 = arith.mulf %add3A_1625, %get3A_1801 : vector<16xf32>
        %sub3A_1808 = arith.subf %sub3A_1806, %mul3A_1807 : vector<16xf32>
        %mul3A_1809 = arith.mulf %add3A_1619, %get3A_1793 : vector<16xf32>
        %mul3A_1810 = arith.mulf %add3A_1621, %get3A_1789 : vector<16xf32>
        %add3A_1811 = arith.addf %mul3A_1809, %mul3A_1810 : vector<16xf32>
        %mul3A_1812 = arith.mulf %add3A_1623, %get3A_1801 : vector<16xf32>
        %add3A_1813 = arith.addf %add3A_1811, %mul3A_1812 : vector<16xf32>
        %mul3A_1814 = arith.mulf %add3A_1625, %get3A_1797 : vector<16xf32>
        %sub3A_1815 = arith.subf %add3A_1813, %mul3A_1814 : vector<16xf32>
        %mul3A_1816 = arith.mulf %add3A_1619, %get3A_1797 : vector<16xf32>
        %mul3A_1817 = arith.mulf %add3A_1621, %get3A_1801 : vector<16xf32>
        %sub3A_1818 = arith.subf %mul3A_1816, %mul3A_1817 : vector<16xf32>
        %mul3A_1819 = arith.mulf %add3A_1623, %get3A_1789 : vector<16xf32>
        %add3A_1820 = arith.addf %sub3A_1818, %mul3A_1819 : vector<16xf32>
        %mul3A_1821 = arith.mulf %add3A_1625, %get3A_1793 : vector<16xf32>
        %add3A_1822 = arith.addf %add3A_1820, %mul3A_1821 : vector<16xf32>
        %mul3A_1823 = arith.mulf %add3A_1619, %get3A_1801 : vector<16xf32>
        %mul3A_1824 = arith.mulf %add3A_1621, %get3A_1797 : vector<16xf32>
        %add3A_1825 = arith.addf %mul3A_1823, %mul3A_1824 : vector<16xf32>
        %mul3A_1826 = arith.mulf %add3A_1623, %get3A_1793 : vector<16xf32>
        %sub3A_1827 = arith.subf %add3A_1825, %mul3A_1826 : vector<16xf32>
        %mul3A_1828 = arith.mulf %add3A_1625, %get3A_1789 : vector<16xf32>
        %add3A_1829 = arith.addf %sub3A_1827, %mul3A_1828 : vector<16xf32>
        %mul3A_1830 = arith.mulf %sub3A_1808, %sub3A_1808 : vector<16xf32>
        %mul3A_1831 = arith.mulf %sub3A_1815, %sub3A_1815 : vector<16xf32>
        %add3A_1832 = arith.addf %mul3A_1830, %mul3A_1831 : vector<16xf32>
        %mul3A_1833 = arith.mulf %add3A_1822, %add3A_1822 : vector<16xf32>
        %mul3A_1834 = arith.mulf %add3A_1829, %add3A_1829 : vector<16xf32>
        %add3A_1835 = arith.addf %mul3A_1833, %mul3A_1834 : vector<16xf32>
        %add3A_1836 = arith.addf %add3A_1832, %add3A_1835 : vector<16xf32>
        %add3A_1837 = arith.constant 1.000000e-30 : f32
        %add3A_1838 = vector.broadcast %add3A_1837 : f32 to vector<16xf32>
        %add3A_1839 = arith.addf %add3A_1836, %add3A_1838 : vector<16xf32>
        %div3A_1840 = arith.constant 2.000000e+00 : f32
        %div3A_1841 = vector.broadcast %div3A_1840 : f32 to vector<16xf32>
        %div3A_1842 = arith.divf %div3A_1841, %add3A_1839 : vector<16xf32>
        %mul3A_1843 = arith.mulf %sub3A_1815, %div3A_1842 : vector<16xf32>
        %mul3A_1844 = arith.mulf %add3A_1822, %div3A_1842 : vector<16xf32>
        %mul3A_1845 = arith.mulf %add3A_1829, %div3A_1842 : vector<16xf32>
        %mul3A_1846 = arith.mulf %sub3A_1808, %mul3A_1843 : vector<16xf32>
        %mul3A_1847 = arith.mulf %sub3A_1808, %mul3A_1844 : vector<16xf32>
        %mul3A_1848 = arith.mulf %sub3A_1808, %mul3A_1845 : vector<16xf32>
        %mul3A_1849 = arith.mulf %sub3A_1815, %mul3A_1843 : vector<16xf32>
        %mul3A_1850 = arith.mulf %sub3A_1815, %mul3A_1844 : vector<16xf32>
        %mul3A_1851 = arith.mulf %sub3A_1815, %mul3A_1845 : vector<16xf32>
        %mul3A_1852 = arith.mulf %add3A_1822, %mul3A_1844 : vector<16xf32>
        %mul3A_1853 = arith.mulf %add3A_1822, %mul3A_1845 : vector<16xf32>
        %mul3A_1854 = arith.mulf %add3A_1829, %mul3A_1845 : vector<16xf32>
        %add3A_1855 = arith.addf %mul3A_1852, %mul3A_1854 : vector<16xf32>
        %sub3A_1856 = arith.constant 1.000000e+00 : f32
        %sub3A_1857 = vector.broadcast %sub3A_1856 : f32 to vector<16xf32>
        %sub3A_1858 = arith.subf %sub3A_1857, %add3A_1855 : vector<16xf32>
        %sub3A_1859 = arith.subf %mul3A_1850, %mul3A_1848 : vector<16xf32>
        %add3A_1860 = arith.addf %mul3A_1851, %mul3A_1847 : vector<16xf32>
        %add3A_1861 = arith.addf %mul3A_1850, %mul3A_1848 : vector<16xf32>
        %add3A_1862 = arith.addf %mul3A_1849, %mul3A_1854 : vector<16xf32>
        %sub3A_1863 = arith.constant 1.000000e+00 : f32
        %sub3A_1864 = vector.broadcast %sub3A_1863 : f32 to vector<16xf32>
        %sub3A_1865 = arith.subf %sub3A_1864, %add3A_1862 : vector<16xf32>
        %sub3A_1866 = arith.subf %mul3A_1853, %mul3A_1846 : vector<16xf32>
        %sub3A_1867 = arith.subf %mul3A_1851, %mul3A_1847 : vector<16xf32>
        %add3A_1868 = arith.addf %mul3A_1853, %mul3A_1846 : vector<16xf32>
        %add3A_1869 = arith.addf %mul3A_1849, %mul3A_1852 : vector<16xf32>
        %sub3A_1870 = arith.constant 1.000000e+00 : f32
        %sub3A_1871 = vector.broadcast %sub3A_1870 : f32 to vector<16xf32>
        %sub3A_1872 = arith.subf %sub3A_1871, %add3A_1869 : vector<16xf32>
        %add3A_1873 = arith.constant 2048 : i32
        %add3A_1874 = arith.addi %add3A_1873, %add3A_1743 : i32
        %add3A_1875 = arith.constant 0 : i32
        %add3A_1876 = arith.addi %add3A_1874, %add3A_1875 : i32
        %swap3A_1877 = arith.index_cast %add3A_1876 : i32 to index
        %swap3A_1878 = tpu.vector_load %arg34[%swap3A_1877] {strides = array<i32>} : memref<10752xf32, #tpu.memory_space<vmem>>, vector<16xf32>,
        tpu.vector_store %arg34[%swap3A_1877], %sub3A_1858 {strides = array<i32>} : memref<10752xf32, #tpu.memory_space<vmem>>, vector<16xf32>,
        %add3A_1879 = arith.constant 128 : i32
        %add3A_1880 = arith.addi %add3A_1874, %add3A_1879 : i32
        %swap3A_1881 = arith.index_cast %add3A_1880 : i32 to index
        %swap3A_1882 = tpu.vector_load %arg34[%swap3A_1881] {strides = array<i32>} : memref<10752xf32, #tpu.memory_space<vmem>>, vector<16xf32>,
        tpu.vector_store %arg34[%swap3A_1881], %sub3A_1859 {strides = array<i32>} : memref<10752xf32, #tpu.memory_space<vmem>>, vector<16xf32>,
        %add3A_1883 = arith.constant 256 : i32
        %add3A_1884 = arith.addi %add3A_1874, %add3A_1883 : i32
        %swap3A_1885 = arith.index_cast %add3A_1884 : i32 to index
        %swap3A_1886 = tpu.vector_load %arg34[%swap3A_1885] {strides = array<i32>} : memref<10752xf32, #tpu.memory_space<vmem>>, vector<16xf32>,
        tpu.vector_store %arg34[%swap3A_1885], %add3A_1860 {strides = array<i32>} : memref<10752xf32, #tpu.memory_space<vmem>>, vector<16xf32>,
        %add3A_1887 = arith.constant 4096 : i32
        %add3A_1888 = arith.addi %add3A_1887, %add3A_1743 : i32
        %add3A_1889 = arith.constant 0 : i32
        %add3A_1890 = arith.addi %add3A_1888, %add3A_1889 : i32
        %swap3A_1891 = arith.index_cast %add3A_1890 : i32 to index
        %swap3A_1892 = tpu.vector_load %arg34[%swap3A_1891] {strides = array<i32>} : memref<10752xf32, #tpu.memory_space<vmem>>, vector<16xf32>,
        tpu.vector_store %arg34[%swap3A_1891], %add3A_1861 {strides = array<i32>} : memref<10752xf32, #tpu.memory_space<vmem>>, vector<16xf32>,
        %add3A_1893 = arith.constant 128 : i32
        %add3A_1894 = arith.addi %add3A_1888, %add3A_1893 : i32
        %swap3A_1895 = arith.index_cast %add3A_1894 : i32 to index
        %swap3A_1896 = tpu.vector_load %arg34[%swap3A_1895] {strides = array<i32>} : memref<10752xf32, #tpu.memory_space<vmem>>, vector<16xf32>,
        tpu.vector_store %arg34[%swap3A_1895], %sub3A_1865 {strides = array<i32>} : memref<10752xf32, #tpu.memory_space<vmem>>, vector<16xf32>,
        %add3A_1897 = arith.constant 256 : i32
        %add3A_1898 = arith.addi %add3A_1888, %add3A_1897 : i32
        %swap3A_1899 = arith.index_cast %add3A_1898 : i32 to index
        %swap3A_1900 = tpu.vector_load %arg34[%swap3A_1899] {strides = array<i32>} : memref<10752xf32, #tpu.memory_space<vmem>>, vector<16xf32>,
        tpu.vector_store %arg34[%swap3A_1899], %sub3A_1866 {strides = array<i32>} : memref<10752xf32, #tpu.memory_space<vmem>>, vector<16xf32>,
        %add3A_1901 = arith.constant 6144 : i32
        %add3A_1902 = arith.addi %add3A_1901, %add3A_1743 : i32
        %add3A_1903 = arith.constant 0 : i32
        %add3A_1904 = arith.addi %add3A_1902, %add3A_1903 : i32
        %swap3A_1905 = arith.index_cast %add3A_1904 : i32 to index
        %swap3A_1906 = tpu.vector_load %arg34[%swap3A_1905] {strides = array<i32>} : memref<10752xf32, #tpu.memory_space<vmem>>, vector<16xf32>,
        tpu.vector_store %arg34[%swap3A_1905], %sub3A_1867 {strides = array<i32>} : memref<10752xf32, #tpu.memory_space<vmem>>, vector<16xf32>,
        %add3A_1907 = arith.constant 128 : i32
        %add3A_1908 = arith.addi %add3A_1902, %add3A_1907 : i32
        %swap3A_1909 = arith.index_cast %add3A_1908 : i32 to index
        %swap3A_1910 = tpu.vector_load %arg34[%swap3A_1909] {strides = array<i32>} : memref<10752xf32, #tpu.memory_space<vmem>>, vector<16xf32>,
        tpu.vector_store %arg34[%swap3A_1909], %add3A_1868 {strides = array<i32>} : memref<10752xf32, #tpu.memory_space<vmem>>, vector<16xf32>,
        %add3A_1911 = arith.constant 256 : i32
        %add3A_1912 = arith.addi %add3A_1902, %add3A_1911 : i32
        %swap3A_1913 = arith.index_cast %add3A_1912 : i32 to index
        %swap3A_1914 = tpu.vector_load %arg34[%swap3A_1913] {strides = array<i32>} : memref<10752xf32, #tpu.memory_space<vmem>>, vector<16xf32>,
        tpu.vector_store %arg34[%swap3A_1913], %sub3A_1872 {strides = array<i32>} : memref<10752xf32, #tpu.memory_space<vmem>>, vector<16xf32>,
        %add3A_1915 = arith.constant 8192 : i32
        %add3A_1916 = arith.addi %add3A_1915, %add3A_1743 : i32
        %add3A_1917 = arith.constant 1536 : i32
        %add3A_1918 = arith.addi %add3A_1917, %mul3A_1310 : i32
        %get3A_1919 = arith.index_cast %add3A_1918 : i32 to index
        %get3A_1920 = tpu.vector_load %arg26[%get3A_1919] {strides = array<i32>} : memref<3584xf32, #tpu.memory_space<vmem>>, vector<16xf32>,
        %exp3A_1921 = math.exp %get3A_1920 : vector<16xf32>
        %add3A_1922 = arith.constant 0 : i32
        %add3A_1923 = arith.addi %add3A_1916, %add3A_1922 : i32
        %swap3A_1924 = arith.index_cast %add3A_1923 : i32 to index
        %swap3A_1925 = tpu.vector_load %arg34[%swap3A_1924] {strides = array<i32>} : memref<10752xf32, #tpu.memory_space<vmem>>, vector<16xf32>,
        tpu.vector_store %arg34[%swap3A_1924], %exp3A_1921 {strides = array<i32>} : memref<10752xf32, #tpu.memory_space<vmem>>, vector<16xf32>,
        %add3A_1926 = arith.constant 2048 : i32
        %add3A_1927 = arith.addi %add3A_1926, %mul3A_1310 : i32
        %get3A_1928 = arith.index_cast %add3A_1927 : i32 to index
        %get3A_1929 = tpu.vector_load %arg26[%get3A_1928] {strides = array<i32>} : memref<3584xf32, #tpu.memory_space<vmem>>, vector<16xf32>,
        %exp3A_1930 = math.exp %get3A_1929 : vector<16xf32>
        %add3A_1931 = arith.constant 128 : i32
        %add3A_1932 = arith.addi %add3A_1916, %add3A_1931 : i32
        %swap3A_1933 = arith.index_cast %add3A_1932 : i32 to index
        %swap3A_1934 = tpu.vector_load %arg34[%swap3A_1933] {strides = array<i32>} : memref<10752xf32, #tpu.memory_space<vmem>>, vector<16xf32>,
        tpu.vector_store %arg34[%swap3A_1933], %exp3A_1930 {strides = array<i32>} : memref<10752xf32, #tpu.memory_space<vmem>>, vector<16xf32>,
        %add3A_1935 = arith.constant 2560 : i32
        %add3A_1936 = arith.addi %add3A_1935, %mul3A_1310 : i32
        %get3A_1937 = arith.index_cast %add3A_1936 : i32 to index
        %get3A_1938 = tpu.vector_load %arg26[%get3A_1937] {strides = array<i32>} : memref<3584xf32, #tpu.memory_space<vmem>>, vector<16xf32>,
        %exp3A_1939 = math.exp %get3A_1938 : vector<16xf32>
        %add3A_1940 = arith.constant 256 : i32
        %add3A_1941 = arith.addi %add3A_1916, %add3A_1940 : i32
        %swap3A_1942 = arith.index_cast %add3A_1941 : i32 to index
        %swap3A_1943 = tpu.vector_load %arg34[%swap3A_1942] {strides = array<i32>} : memref<10752xf32, #tpu.memory_space<vmem>>, vector<16xf32>,
        tpu.vector_store %arg34[%swap3A_1942], %exp3A_1939 {strides = array<i32>} : memref<10752xf32, #tpu.memory_space<vmem>>, vector<16xf32>,
        %add3A_1944 = arith.constant 3072 : i32
        %add3A_1945 = arith.addi %add3A_1944, %mul3A_1310 : i32
        %get3A_1946 = arith.index_cast %add3A_1945 : i32 to index
        %get3A_1947 = tpu.vector_load %arg26[%get3A_1946] {strides = array<i32>} : memref<3584xf32, #tpu.memory_space<vmem>>, vector<16xf32>,
        %neg3A_1948 = arith.constant 0.000000e+00 : f32
        %neg3A_1949 = vector.broadcast %neg3A_1948 : f32 to vector<16xf32>
        %neg3A_1950 = arith.subf %neg3A_1949, %get3A_1947 : vector<16xf32>
        %exp3A_1951 = math.exp %neg3A_1950 : vector<16xf32>
        %add3A_1952 = arith.constant 1.000000e+00 : f32
        %add3A_1953 = vector.broadcast %add3A_1952 : f32 to vector<16xf32>
        %add3A_1954 = arith.addf %add3A_1953, %exp3A_1951 : vector<16xf32>
        %div3A_1955 = arith.constant 1.000000e+00 : f32
        %div3A_1956 = vector.broadcast %div3A_1955 : f32 to vector<16xf32>
        %div3A_1957 = arith.divf %div3A_1956, %add3A_1954 : vector<16xf32>
        %add3A_1958 = arith.constant 10240 : i32
        %add3A_1959 = arith.addi %add3A_1958, %mul3A_1310 : i32
        %swap3A_1960 = arith.index_cast %add3A_1959 : i32 to index
        %swap3A_1961 = tpu.vector_load %arg34[%swap3A_1960] {strides = array<i32>} : memref<10752xf32, #tpu.memory_space<vmem>>, vector<16xf32>,
        tpu.vector_store %arg34[%swap3A_1960], %div3A_1957 {strides = array<i32>} : memref<10752xf32, #tpu.memory_space<vmem>>, vector<16xf32>,
      }
      %scan3A_473 = arith.constant 16 : i32
      %mul3A_474 = arith.constant 4 : i32
      %mul3A_475 = arith.muli %add3A_331, %mul3A_474 : i32
      %mul3A_476 = arith.constant 4 : i32
      %mul3A_477 = arith.muli %add3A_331, %mul3A_476 : i32
      %add3A_478 = arith.constant 0 : i32
      %add3A_479 = arith.addi %add3A_478, %mul3A_477 : i32
      %mul3A_480 = arith.constant 4 : i32
      %mul3A_481 = arith.muli %add3A_331, %mul3A_480 : i32
      %add3A_482 = arith.constant 1048576 : i32
      %add3A_483 = arith.addi %add3A_482, %mul3A_481 : i32
      %mul3A_484 = arith.constant 4 : i32
      %mul3A_485 = arith.muli %add3A_331, %mul3A_484 : i32
      %add3A_486 = arith.constant 2097152 : i32
      %add3A_487 = arith.addi %add3A_486, %mul3A_485 : i32
      %mul3A_488 = arith.constant 4 : i32
      %mul3A_489 = arith.muli %add3A_331, %mul3A_488 : i32
      %dma_start3A_490 = arith.constant 0 : i32
      %dma_start3A_491 = tpu.memref_slice %arg34[%dma_start3A_490] : memref<10752xf32, #tpu.memory_space<vmem>> -> memref<2048xf32, #tpu.memory_space<vmem>>
      %dma_start3A_492 = tpu.memref_slice %arg12[%mul3A_475] : memref<1048576xf32, #tpu.memory_space<hbm>> -> memref<2048xf32, #tpu.memory_space<hbm>>
      %dma_start3A_493 = tpu.memref_slice %arg12[%mul3A_475] : memref<1048576xf32, #tpu.memory_space<hbm>> -> memref<2048xf32, #tpu.memory_space<hbm>>
      %dma_start3A_494 = arith.constant 0 : i32
      %dma_start3A_495 = tpu.memref_slice %arg34[%dma_start3A_494] : memref<10752xf32, #tpu.memory_space<vmem>> -> memref<2048xf32, #tpu.memory_space<vmem>>
      tpu.enqueue_dma source(%dma_start3A_495 : memref<2048xf32, #tpu.memory_space<vmem>>) target(%dma_start3A_493 : memref<2048xf32, #tpu.memory_space<hbm>>) target_semaphore(%arg38 : memref<!tpu.dma_semaphore, #tpu.memory_space<semaphore_mem>>)
      %dma_start3A_496 = arith.constant 2048 : i32
      %dma_start3A_497 = tpu.memref_slice %arg34[%dma_start3A_496] : memref<10752xf32, #tpu.memory_space<vmem>> -> memref<2048xf32, #tpu.memory_space<vmem>>
      %dma_start3A_498 = tpu.memref_slice %arg13[%add3A_479] : memref<3145728xf32, #tpu.memory_space<hbm>> -> memref<2048xf32, #tpu.memory_space<hbm>>
      %dma_start3A_499 = tpu.memref_slice %arg13[%add3A_479] : memref<3145728xf32, #tpu.memory_space<hbm>> -> memref<2048xf32, #tpu.memory_space<hbm>>
      %dma_start3A_500 = arith.constant 2048 : i32
      %dma_start3A_501 = tpu.memref_slice %arg34[%dma_start3A_500] : memref<10752xf32, #tpu.memory_space<vmem>> -> memref<2048xf32, #tpu.memory_space<vmem>>
      tpu.enqueue_dma source(%dma_start3A_501 : memref<2048xf32, #tpu.memory_space<vmem>>) target(%dma_start3A_499 : memref<2048xf32, #tpu.memory_space<hbm>>) target_semaphore(%arg38 : memref<!tpu.dma_semaphore, #tpu.memory_space<semaphore_mem>>)
      %dma_start3A_502 = arith.constant 4096 : i32
      %dma_start3A_503 = tpu.memref_slice %arg34[%dma_start3A_502] : memref<10752xf32, #tpu.memory_space<vmem>> -> memref<2048xf32, #tpu.memory_space<vmem>>
      %dma_start3A_504 = tpu.memref_slice %arg13[%add3A_483] : memref<3145728xf32, #tpu.memory_space<hbm>> -> memref<2048xf32, #tpu.memory_space<hbm>>
      %dma_start3A_505 = tpu.memref_slice %arg13[%add3A_483] : memref<3145728xf32, #tpu.memory_space<hbm>> -> memref<2048xf32, #tpu.memory_space<hbm>>
      %dma_start3A_506 = arith.constant 4096 : i32
      %dma_start3A_507 = tpu.memref_slice %arg34[%dma_start3A_506] : memref<10752xf32, #tpu.memory_space<vmem>> -> memref<2048xf32, #tpu.memory_space<vmem>>
      tpu.enqueue_dma source(%dma_start3A_507 : memref<2048xf32, #tpu.memory_space<vmem>>) target(%dma_start3A_505 : memref<2048xf32, #tpu.memory_space<hbm>>) target_semaphore(%arg38 : memref<!tpu.dma_semaphore, #tpu.memory_space<semaphore_mem>>)
      %dma_start3A_508 = arith.constant 6144 : i32
      %dma_start3A_509 = tpu.memref_slice %arg34[%dma_start3A_508] : memref<10752xf32, #tpu.memory_space<vmem>> -> memref<2048xf32, #tpu.memory_space<vmem>>
      %dma_start3A_510 = tpu.memref_slice %arg13[%add3A_487] : memref<3145728xf32, #tpu.memory_space<hbm>> -> memref<2048xf32, #tpu.memory_space<hbm>>
      %dma_start3A_511 = tpu.memref_slice %arg13[%add3A_487] : memref<3145728xf32, #tpu.memory_space<hbm>> -> memref<2048xf32, #tpu.memory_space<hbm>>
      %dma_start3A_512 = arith.constant 6144 : i32
      %dma_start3A_513 = tpu.memref_slice %arg34[%dma_start3A_512] : memref<10752xf32, #tpu.memory_space<vmem>> -> memref<2048xf32, #tpu.memory_space<vmem>>
      tpu.enqueue_dma source(%dma_start3A_513 : memref<2048xf32, #tpu.memory_space<vmem>>) target(%dma_start3A_511 : memref<2048xf32, #tpu.memory_space<hbm>>) target_semaphore(%arg38 : memref<!tpu.dma_semaphore, #tpu.memory_space<semaphore_mem>>)
      %dma_start3A_514 = arith.constant 8192 : i32
      %dma_start3A_515 = tpu.memref_slice %arg34[%dma_start3A_514] : memref<10752xf32, #tpu.memory_space<vmem>> -> memref<2048xf32, #tpu.memory_space<vmem>>
      %dma_start3A_516 = tpu.memref_slice %arg14[%mul3A_489] : memref<1048576xf32, #tpu.memory_space<hbm>> -> memref<2048xf32, #tpu.memory_space<hbm>>
      %dma_start3A_517 = tpu.memref_slice %arg14[%mul3A_489] : memref<1048576xf32, #tpu.memory_space<hbm>> -> memref<2048xf32, #tpu.memory_space<hbm>>
      %dma_start3A_518 = arith.constant 8192 : i32
      %dma_start3A_519 = tpu.memref_slice %arg34[%dma_start3A_518] : memref<10752xf32, #tpu.memory_space<vmem>> -> memref<2048xf32, #tpu.memory_space<vmem>>
      tpu.enqueue_dma source(%dma_start3A_519 : memref<2048xf32, #tpu.memory_space<vmem>>) target(%dma_start3A_517 : memref<2048xf32, #tpu.memory_space<hbm>>) target_semaphore(%arg38 : memref<!tpu.dma_semaphore, #tpu.memory_space<semaphore_mem>>)
      %dma_start3A_520 = arith.constant 10240 : i32
      %dma_start3A_521 = tpu.memref_slice %arg34[%dma_start3A_520] : memref<10752xf32, #tpu.memory_space<vmem>> -> memref<512xf32, #tpu.memory_space<vmem>>
      %dma_start3A_522 = tpu.memref_slice %arg15[%add3A_331] : memref<262144xf32, #tpu.memory_space<hbm>> -> memref<512xf32, #tpu.memory_space<hbm>>
      %dma_start3A_523 = tpu.memref_slice %arg15[%add3A_331] : memref<262144xf32, #tpu.memory_space<hbm>> -> memref<512xf32, #tpu.memory_space<hbm>>
      %dma_start3A_524 = arith.constant 10240 : i32
      %dma_start3A_525 = tpu.memref_slice %arg34[%dma_start3A_524] : memref<10752xf32, #tpu.memory_space<vmem>> -> memref<512xf32, #tpu.memory_space<vmem>>
      tpu.enqueue_dma source(%dma_start3A_525 : memref<512xf32, #tpu.memory_space<vmem>>) target(%dma_start3A_523 : memref<512xf32, #tpu.memory_space<hbm>>) target_semaphore(%arg38 : memref<!tpu.dma_semaphore, #tpu.memory_space<semaphore_mem>>)
      %add3A_526 = arith.constant 1 : i32
      %add3A_527 = arith.addi %scan3A_326, %add3A_526 : i32
      %lt3A = arith.constant 8 : i32
      %lt3A_528 = arith.cmpi slt, %add3A_527, %lt3A : i32
      %convert_element_type3A_529 = arith.extui %lt3A_528 : i1 to i32
      %cond3A_530 = arith.constant 0 : i32
      %cond3A_531 = arith.cmpi ne, %convert_element_type3A_529, %cond3A_530 : i32
      scf.if %cond3A_531 {
        %add3A_661 = arith.constant 512 : i32
        %add3A_662 = arith.addi %add3A_333, %add3A_661 : i32
        %add3A_663 = arith.constant 0 : i32
        %add3A_664 = arith.addi %add3A_663, %add3A_662 : i32
        %add3A_665 = arith.constant 0 : i32
        %add3A_666 = arith.addi %add3A_665, %add3A_662 : i32
        %add3A_667 = arith.constant 262144 : i32
        %add3A_668 = arith.addi %add3A_667, %add3A_662 : i32
        %add3A_669 = arith.constant 262144 : i32
        %add3A_670 = arith.addi %add3A_669, %add3A_662 : i32
        %add3A_671 = arith.constant 524288 : i32
        %add3A_672 = arith.addi %add3A_671, %add3A_662 : i32
        %add3A_673 = arith.constant 524288 : i32
        %add3A_674 = arith.addi %add3A_673, %add3A_662 : i32
        %mul3A_675 = arith.constant 4 : i32
        %mul3A_676 = arith.muli %add3A_662, %mul3A_675 : i32
        %mul3A_677 = arith.constant 8 : i32
        %mul3A_678 = arith.muli %add3A_662, %mul3A_677 : i32
        %mul3A_679 = arith.constant 8 : i32
        %mul3A_680 = arith.muli %add3A_662, %mul3A_679 : i32
        %dma_start3A_681 = arith.constant 0 : i32
        %dma_start3A_682 = tpu.memref_slice %arg26[%dma_start3A_681] : memref<3584xf32, #tpu.memory_space<vmem>> -> memref<512xf32, #tpu.memory_space<vmem>>
        %dma_start3A_683 = tpu.memref_slice %arg2[%add3A_664] : memref<786432xf32, #tpu.memory_space<hbm>> -> memref<512xf32, #tpu.memory_space<hbm>>
        %dma_start3A_684 = arith.constant 0 : i32
        %dma_start3A_685 = tpu.memref_slice %arg26[%dma_start3A_684] : memref<3584xf32, #tpu.memory_space<vmem>> -> memref<512xf32, #tpu.memory_space<vmem>>
        %dma_start3A_686 = tpu.memref_slice %arg2[%add3A_664] : memref<786432xf32, #tpu.memory_space<hbm>> -> memref<512xf32, #tpu.memory_space<hbm>>
        tpu.enqueue_dma source(%dma_start3A_686 : memref<512xf32, #tpu.memory_space<hbm>>) target(%dma_start3A_685 : memref<512xf32, #tpu.memory_space<vmem>>) target_semaphore(%arg36 : memref<!tpu.dma_semaphore, #tpu.memory_space<semaphore_mem>>)
        %dma_start3A_687 = arith.constant 1536 : i32
        %dma_start3A_688 = tpu.memref_slice %arg26[%dma_start3A_687] : memref<3584xf32, #tpu.memory_space<vmem>> -> memref<512xf32, #tpu.memory_space<vmem>>
        %dma_start3A_689 = tpu.memref_slice %arg4[%add3A_666] : memref<786432xf32, #tpu.memory_space<hbm>> -> memref<512xf32, #tpu.memory_space<hbm>>
        %dma_start3A_690 = arith.constant 1536 : i32
        %dma_start3A_691 = tpu.memref_slice %arg26[%dma_start3A_690] : memref<3584xf32, #tpu.memory_space<vmem>> -> memref<512xf32, #tpu.memory_space<vmem>>
        %dma_start3A_692 = tpu.memref_slice %arg4[%add3A_666] : memref<786432xf32, #tpu.memory_space<hbm>> -> memref<512xf32, #tpu.memory_space<hbm>>
        tpu.enqueue_dma source(%dma_start3A_692 : memref<512xf32, #tpu.memory_space<hbm>>) target(%dma_start3A_691 : memref<512xf32, #tpu.memory_space<vmem>>) target_semaphore(%arg36 : memref<!tpu.dma_semaphore, #tpu.memory_space<semaphore_mem>>)
        %dma_start3A_693 = arith.constant 512 : i32
        %dma_start3A_694 = tpu.memref_slice %arg26[%dma_start3A_693] : memref<3584xf32, #tpu.memory_space<vmem>> -> memref<512xf32, #tpu.memory_space<vmem>>
        %dma_start3A_695 = tpu.memref_slice %arg2[%add3A_668] : memref<786432xf32, #tpu.memory_space<hbm>> -> memref<512xf32, #tpu.memory_space<hbm>>
        %dma_start3A_696 = arith.constant 512 : i32
        %dma_start3A_697 = tpu.memref_slice %arg26[%dma_start3A_696] : memref<3584xf32, #tpu.memory_space<vmem>> -> memref<512xf32, #tpu.memory_space<vmem>>
        %dma_start3A_698 = tpu.memref_slice %arg2[%add3A_668] : memref<786432xf32, #tpu.memory_space<hbm>> -> memref<512xf32, #tpu.memory_space<hbm>>
        tpu.enqueue_dma source(%dma_start3A_698 : memref<512xf32, #tpu.memory_space<hbm>>) target(%dma_start3A_697 : memref<512xf32, #tpu.memory_space<vmem>>) target_semaphore(%arg36 : memref<!tpu.dma_semaphore, #tpu.memory_space<semaphore_mem>>)
        %dma_start3A_699 = arith.constant 2048 : i32
        %dma_start3A_700 = tpu.memref_slice %arg26[%dma_start3A_699] : memref<3584xf32, #tpu.memory_space<vmem>> -> memref<512xf32, #tpu.memory_space<vmem>>
        %dma_start3A_701 = tpu.memref_slice %arg4[%add3A_670] : memref<786432xf32, #tpu.memory_space<hbm>> -> memref<512xf32, #tpu.memory_space<hbm>>
        %dma_start3A_702 = arith.constant 2048 : i32
        %dma_start3A_703 = tpu.memref_slice %arg26[%dma_start3A_702] : memref<3584xf32, #tpu.memory_space<vmem>> -> memref<512xf32, #tpu.memory_space<vmem>>
        %dma_start3A_704 = tpu.memref_slice %arg4[%add3A_670] : memref<786432xf32, #tpu.memory_space<hbm>> -> memref<512xf32, #tpu.memory_space<hbm>>
        tpu.enqueue_dma source(%dma_start3A_704 : memref<512xf32, #tpu.memory_space<hbm>>) target(%dma_start3A_703 : memref<512xf32, #tpu.memory_space<vmem>>) target_semaphore(%arg36 : memref<!tpu.dma_semaphore, #tpu.memory_space<semaphore_mem>>)
        %dma_start3A_705 = arith.constant 1024 : i32
        %dma_start3A_706 = tpu.memref_slice %arg26[%dma_start3A_705] : memref<3584xf32, #tpu.memory_space<vmem>> -> memref<512xf32, #tpu.memory_space<vmem>>
        %dma_start3A_707 = tpu.memref_slice %arg2[%add3A_672] : memref<786432xf32, #tpu.memory_space<hbm>> -> memref<512xf32, #tpu.memory_space<hbm>>
        %dma_start3A_708 = arith.constant 1024 : i32
        %dma_start3A_709 = tpu.memref_slice %arg26[%dma_start3A_708] : memref<3584xf32, #tpu.memory_space<vmem>> -> memref<512xf32, #tpu.memory_space<vmem>>
        %dma_start3A_710 = tpu.memref_slice %arg2[%add3A_672] : memref<786432xf32, #tpu.memory_space<hbm>> -> memref<512xf32, #tpu.memory_space<hbm>>
        tpu.enqueue_dma source(%dma_start3A_710 : memref<512xf32, #tpu.memory_space<hbm>>) target(%dma_start3A_709 : memref<512xf32, #tpu.memory_space<vmem>>) target_semaphore(%arg36 : memref<!tpu.dma_semaphore, #tpu.memory_space<semaphore_mem>>)
        %dma_start3A_711 = arith.constant 2560 : i32
        %dma_start3A_712 = tpu.memref_slice %arg26[%dma_start3A_711] : memref<3584xf32, #tpu.memory_space<vmem>> -> memref<512xf32, #tpu.memory_space<vmem>>
        %dma_start3A_713 = tpu.memref_slice %arg4[%add3A_674] : memref<786432xf32, #tpu.memory_space<hbm>> -> memref<512xf32, #tpu.memory_space<hbm>>
        %dma_start3A_714 = arith.constant 2560 : i32
        %dma_start3A_715 = tpu.memref_slice %arg26[%dma_start3A_714] : memref<3584xf32, #tpu.memory_space<vmem>> -> memref<512xf32, #tpu.memory_space<vmem>>
        %dma_start3A_716 = tpu.memref_slice %arg4[%add3A_674] : memref<786432xf32, #tpu.memory_space<hbm>> -> memref<512xf32, #tpu.memory_space<hbm>>
        tpu.enqueue_dma source(%dma_start3A_716 : memref<512xf32, #tpu.memory_space<hbm>>) target(%dma_start3A_715 : memref<512xf32, #tpu.memory_space<vmem>>) target_semaphore(%arg36 : memref<!tpu.dma_semaphore, #tpu.memory_space<semaphore_mem>>)
        %dma_start3A_717 = arith.constant 3072 : i32
        %dma_start3A_718 = tpu.memref_slice %arg26[%dma_start3A_717] : memref<3584xf32, #tpu.memory_space<vmem>> -> memref<512xf32, #tpu.memory_space<vmem>>
        %dma_start3A_719 = tpu.memref_slice %arg5[%add3A_662] : memref<262144xf32, #tpu.memory_space<hbm>> -> memref<512xf32, #tpu.memory_space<hbm>>
        %dma_start3A_720 = arith.constant 3072 : i32
        %dma_start3A_721 = tpu.memref_slice %arg26[%dma_start3A_720] : memref<3584xf32, #tpu.memory_space<vmem>> -> memref<512xf32, #tpu.memory_space<vmem>>
        %dma_start3A_722 = tpu.memref_slice %arg5[%add3A_662] : memref<262144xf32, #tpu.memory_space<hbm>> -> memref<512xf32, #tpu.memory_space<hbm>>
        tpu.enqueue_dma source(%dma_start3A_722 : memref<512xf32, #tpu.memory_space<hbm>>) target(%dma_start3A_721 : memref<512xf32, #tpu.memory_space<vmem>>) target_semaphore(%arg36 : memref<!tpu.dma_semaphore, #tpu.memory_space<semaphore_mem>>)
        %dma_start3A_723 = tpu.memref_slice %arg3[%mul3A_676] : memref<1048576xf32, #tpu.memory_space<hbm>> -> memref<2048xf32, #tpu.memory_space<hbm>>
        %dma_start3A_724 = tpu.memref_slice %arg3[%mul3A_676] : memref<1048576xf32, #tpu.memory_space<hbm>> -> memref<2048xf32, #tpu.memory_space<hbm>>
        tpu.enqueue_dma source(%dma_start3A_724 : memref<2048xf32, #tpu.memory_space<hbm>>) target(%arg27 : memref<2048xf32, #tpu.memory_space<vmem>>) target_semaphore(%arg36 : memref<!tpu.dma_semaphore, #tpu.memory_space<semaphore_mem>>)
        %dma_start3A_725 = tpu.memref_slice %arg7[%mul3A_678] : memref<2097152xf32, #tpu.memory_space<hbm>> -> memref<4096xf32, #tpu.memory_space<hbm>>
        %dma_start3A_726 = tpu.memref_slice %arg7[%mul3A_678] : memref<2097152xf32, #tpu.memory_space<hbm>> -> memref<4096xf32, #tpu.memory_space<hbm>>
        tpu.enqueue_dma source(%dma_start3A_726 : memref<4096xf32, #tpu.memory_space<hbm>>) target(%arg28 : memref<4096xf32, #tpu.memory_space<vmem>>) target_semaphore(%arg36 : memref<!tpu.dma_semaphore, #tpu.memory_space<semaphore_mem>>)
        %dma_start3A_727 = tpu.memref_slice %arg6[%mul3A_680] : memref<2097152xi32, #tpu.memory_space<hbm>> -> memref<4096xi32, #tpu.memory_space<hbm>>
        %dma_start3A_728 = tpu.memref_slice %arg6[%mul3A_680] : memref<2097152xi32, #tpu.memory_space<hbm>> -> memref<4096xi32, #tpu.memory_space<hbm>>
        tpu.enqueue_dma source(%dma_start3A_728 : memref<4096xi32, #tpu.memory_space<hbm>>) target(%arg29 : memref<4096xi32, #tpu.memory_space<vmem>>) target_semaphore(%arg36 : memref<!tpu.dma_semaphore, #tpu.memory_space<semaphore_mem>>)
      } else {
      }
      %add3A_532 = arith.constant 0 : i32
      %add3A_533 = arith.addi %add3A_532, %add3A_333 : i32
      %add3A_534 = arith.constant 0 : i32
      %add3A_535 = arith.addi %add3A_534, %add3A_333 : i32
      %add3A_536 = arith.constant 262144 : i32
      %add3A_537 = arith.addi %add3A_536, %add3A_333 : i32
      %add3A_538 = arith.constant 262144 : i32
      %add3A_539 = arith.addi %add3A_538, %add3A_333 : i32
      %add3A_540 = arith.constant 524288 : i32
      %add3A_541 = arith.addi %add3A_540, %add3A_333 : i32
      %add3A_542 = arith.constant 524288 : i32
      %add3A_543 = arith.addi %add3A_542, %add3A_333 : i32
      %mul3A_544 = arith.constant 4 : i32
      %mul3A_545 = arith.muli %add3A_333, %mul3A_544 : i32
      %mul3A_546 = arith.constant 8 : i32
      %mul3A_547 = arith.muli %add3A_333, %mul3A_546 : i32
      %mul3A_548 = arith.constant 8 : i32
      %mul3A_549 = arith.muli %add3A_333, %mul3A_548 : i32
      %dma_wait3A_550 = arith.constant 0 : i32
      %dma_wait3A_551 = tpu.memref_slice %arg30[%dma_wait3A_550] : memref<3584xf32, #tpu.memory_space<vmem>> -> memref<512xf32, #tpu.memory_space<vmem>>
      %dma_wait3A_552 = tpu.memref_slice %arg2[%add3A_533] : memref<786432xf32, #tpu.memory_space<hbm>> -> memref<512xf32, #tpu.memory_space<hbm>>
      %dma_wait3A_553 = arith.constant 0 : i32
      %dma_wait3A_554 = tpu.memref_slice %arg30[%dma_wait3A_553] : memref<3584xf32, #tpu.memory_space<vmem>> -> memref<512xf32, #tpu.memory_space<vmem>>
      %dma_wait3A_555 = tpu.memref_slice %arg2[%add3A_533] : memref<786432xf32, #tpu.memory_space<hbm>> -> memref<512xf32, #tpu.memory_space<hbm>>
      tpu.wait_dma2 semaphore(%arg37 : memref<!tpu.dma_semaphore, #tpu.memory_space<semaphore_mem>>) src(%dma_wait3A_555 : memref<512xf32, #tpu.memory_space<hbm>>) dst(%dma_wait3A_554 : memref<512xf32, #tpu.memory_space<vmem>>)
      %dma_wait3A_556 = arith.constant 1536 : i32
      %dma_wait3A_557 = tpu.memref_slice %arg30[%dma_wait3A_556] : memref<3584xf32, #tpu.memory_space<vmem>> -> memref<512xf32, #tpu.memory_space<vmem>>
      %dma_wait3A_558 = tpu.memref_slice %arg4[%add3A_535] : memref<786432xf32, #tpu.memory_space<hbm>> -> memref<512xf32, #tpu.memory_space<hbm>>
      %dma_wait3A_559 = arith.constant 1536 : i32
      %dma_wait3A_560 = tpu.memref_slice %arg30[%dma_wait3A_559] : memref<3584xf32, #tpu.memory_space<vmem>> -> memref<512xf32, #tpu.memory_space<vmem>>
      %dma_wait3A_561 = tpu.memref_slice %arg4[%add3A_535] : memref<786432xf32, #tpu.memory_space<hbm>> -> memref<512xf32, #tpu.memory_space<hbm>>
      tpu.wait_dma2 semaphore(%arg37 : memref<!tpu.dma_semaphore, #tpu.memory_space<semaphore_mem>>) src(%dma_wait3A_561 : memref<512xf32, #tpu.memory_space<hbm>>) dst(%dma_wait3A_560 : memref<512xf32, #tpu.memory_space<vmem>>)
      %dma_wait3A_562 = arith.constant 512 : i32
      %dma_wait3A_563 = tpu.memref_slice %arg30[%dma_wait3A_562] : memref<3584xf32, #tpu.memory_space<vmem>> -> memref<512xf32, #tpu.memory_space<vmem>>
      %dma_wait3A_564 = tpu.memref_slice %arg2[%add3A_537] : memref<786432xf32, #tpu.memory_space<hbm>> -> memref<512xf32, #tpu.memory_space<hbm>>
      %dma_wait3A_565 = arith.constant 512 : i32
      %dma_wait3A_566 = tpu.memref_slice %arg30[%dma_wait3A_565] : memref<3584xf32, #tpu.memory_space<vmem>> -> memref<512xf32, #tpu.memory_space<vmem>>
      %dma_wait3A_567 = tpu.memref_slice %arg2[%add3A_537] : memref<786432xf32, #tpu.memory_space<hbm>> -> memref<512xf32, #tpu.memory_space<hbm>>
      tpu.wait_dma2 semaphore(%arg37 : memref<!tpu.dma_semaphore, #tpu.memory_space<semaphore_mem>>) src(%dma_wait3A_567 : memref<512xf32, #tpu.memory_space<hbm>>) dst(%dma_wait3A_566 : memref<512xf32, #tpu.memory_space<vmem>>)
      %dma_wait3A_568 = arith.constant 2048 : i32
      %dma_wait3A_569 = tpu.memref_slice %arg30[%dma_wait3A_568] : memref<3584xf32, #tpu.memory_space<vmem>> -> memref<512xf32, #tpu.memory_space<vmem>>
      %dma_wait3A_570 = tpu.memref_slice %arg4[%add3A_539] : memref<786432xf32, #tpu.memory_space<hbm>> -> memref<512xf32, #tpu.memory_space<hbm>>
      %dma_wait3A_571 = arith.constant 2048 : i32
      %dma_wait3A_572 = tpu.memref_slice %arg30[%dma_wait3A_571] : memref<3584xf32, #tpu.memory_space<vmem>> -> memref<512xf32, #tpu.memory_space<vmem>>
      %dma_wait3A_573 = tpu.memref_slice %arg4[%add3A_539] : memref<786432xf32, #tpu.memory_space<hbm>> -> memref<512xf32, #tpu.memory_space<hbm>>
      tpu.wait_dma2 semaphore(%arg37 : memref<!tpu.dma_semaphore, #tpu.memory_space<semaphore_mem>>) src(%dma_wait3A_573 : memref<512xf32, #tpu.memory_space<hbm>>) dst(%dma_wait3A_572 : memref<512xf32, #tpu.memory_space<vmem>>)
      %dma_wait3A_574 = arith.constant 1024 : i32
      %dma_wait3A_575 = tpu.memref_slice %arg30[%dma_wait3A_574] : memref<3584xf32, #tpu.memory_space<vmem>> -> memref<512xf32, #tpu.memory_space<vmem>>
      %dma_wait3A_576 = tpu.memref_slice %arg2[%add3A_541] : memref<786432xf32, #tpu.memory_space<hbm>> -> memref<512xf32, #tpu.memory_space<hbm>>
      %dma_wait3A_577 = arith.constant 1024 : i32
      %dma_wait3A_578 = tpu.memref_slice %arg30[%dma_wait3A_577] : memref<3584xf32, #tpu.memory_space<vmem>> -> memref<512xf32, #tpu.memory_space<vmem>>
      %dma_wait3A_579 = tpu.memref_slice %arg2[%add3A_541] : memref<786432xf32, #tpu.memory_space<hbm>> -> memref<512xf32, #tpu.memory_space<hbm>>
      tpu.wait_dma2 semaphore(%arg37 : memref<!tpu.dma_semaphore, #tpu.memory_space<semaphore_mem>>) src(%dma_wait3A_579 : memref<512xf32, #tpu.memory_space<hbm>>) dst(%dma_wait3A_578 : memref<512xf32, #tpu.memory_space<vmem>>)
      %dma_wait3A_580 = arith.constant 2560 : i32
      %dma_wait3A_581 = tpu.memref_slice %arg30[%dma_wait3A_580] : memref<3584xf32, #tpu.memory_space<vmem>> -> memref<512xf32, #tpu.memory_space<vmem>>
      %dma_wait3A_582 = tpu.memref_slice %arg4[%add3A_543] : memref<786432xf32, #tpu.memory_space<hbm>> -> memref<512xf32, #tpu.memory_space<hbm>>
      %dma_wait3A_583 = arith.constant 2560 : i32
      %dma_wait3A_584 = tpu.memref_slice %arg30[%dma_wait3A_583] : memref<3584xf32, #tpu.memory_space<vmem>> -> memref<512xf32, #tpu.memory_space<vmem>>
      %dma_wait3A_585 = tpu.memref_slice %arg4[%add3A_543] : memref<786432xf32, #tpu.memory_space<hbm>> -> memref<512xf32, #tpu.memory_space<hbm>>
      tpu.wait_dma2 semaphore(%arg37 : memref<!tpu.dma_semaphore, #tpu.memory_space<semaphore_mem>>) src(%dma_wait3A_585 : memref<512xf32, #tpu.memory_space<hbm>>) dst(%dma_wait3A_584 : memref<512xf32, #tpu.memory_space<vmem>>)
      %dma_wait3A_586 = arith.constant 3072 : i32
      %dma_wait3A_587 = tpu.memref_slice %arg30[%dma_wait3A_586] : memref<3584xf32, #tpu.memory_space<vmem>> -> memref<512xf32, #tpu.memory_space<vmem>>
      %dma_wait3A_588 = tpu.memref_slice %arg5[%add3A_333] : memref<262144xf32, #tpu.memory_space<hbm>> -> memref<512xf32, #tpu.memory_space<hbm>>
      %dma_wait3A_589 = arith.constant 3072 : i32
      %dma_wait3A_590 = tpu.memref_slice %arg30[%dma_wait3A_589] : memref<3584xf32, #tpu.memory_space<vmem>> -> memref<512xf32, #tpu.memory_space<vmem>>
      %dma_wait3A_591 = tpu.memref_slice %arg5[%add3A_333] : memref<262144xf32, #tpu.memory_space<hbm>> -> memref<512xf32, #tpu.memory_space<hbm>>
      tpu.wait_dma2 semaphore(%arg37 : memref<!tpu.dma_semaphore, #tpu.memory_space<semaphore_mem>>) src(%dma_wait3A_591 : memref<512xf32, #tpu.memory_space<hbm>>) dst(%dma_wait3A_590 : memref<512xf32, #tpu.memory_space<vmem>>)
      %dma_wait3A_592 = tpu.memref_slice %arg3[%mul3A_545] : memref<1048576xf32, #tpu.memory_space<hbm>> -> memref<2048xf32, #tpu.memory_space<hbm>>
      %dma_wait3A_593 = tpu.memref_slice %arg3[%mul3A_545] : memref<1048576xf32, #tpu.memory_space<hbm>> -> memref<2048xf32, #tpu.memory_space<hbm>>
      tpu.wait_dma2 semaphore(%arg37 : memref<!tpu.dma_semaphore, #tpu.memory_space<semaphore_mem>>) src(%dma_wait3A_593 : memref<2048xf32, #tpu.memory_space<hbm>>) dst(%arg31 : memref<2048xf32, #tpu.memory_space<vmem>>)
      %dma_wait3A_594 = tpu.memref_slice %arg7[%mul3A_547] : memref<2097152xf32, #tpu.memory_space<hbm>> -> memref<4096xf32, #tpu.memory_space<hbm>>
      %dma_wait3A_595 = tpu.memref_slice %arg7[%mul3A_547] : memref<2097152xf32, #tpu.memory_space<hbm>> -> memref<4096xf32, #tpu.memory_space<hbm>>
      tpu.wait_dma2 semaphore(%arg37 : memref<!tpu.dma_semaphore, #tpu.memory_space<semaphore_mem>>) src(%dma_wait3A_595 : memref<4096xf32, #tpu.memory_space<hbm>>) dst(%arg32 : memref<4096xf32, #tpu.memory_space<vmem>>)
      %dma_wait3A_596 = tpu.memref_slice %arg6[%mul3A_549] : memref<2097152xi32, #tpu.memory_space<hbm>> -> memref<4096xi32, #tpu.memory_space<hbm>>
      %dma_wait3A_597 = tpu.memref_slice %arg6[%mul3A_549] : memref<2097152xi32, #tpu.memory_space<hbm>> -> memref<4096xi32, #tpu.memory_space<hbm>>
      tpu.wait_dma2 semaphore(%arg37 : memref<!tpu.dma_semaphore, #tpu.memory_space<semaphore_mem>>) src(%dma_wait3A_597 : memref<4096xi32, #tpu.memory_space<hbm>>) dst(%arg33 : memref<4096xi32, #tpu.memory_space<vmem>>)
      %gt3A_598 = arith.constant 0 : i32
      %gt3A_599 = arith.cmpi sgt, %scan3A_326, %gt3A_598 : i32
      %convert_element_type3A_600 = arith.extui %gt3A_599 : i1 to i32
      %cond3A_601 = arith.constant 0 : i32
      %cond3A_602 = arith.cmpi ne, %convert_element_type3A_600, %cond3A_601 : i32
      scf.if %cond3A_602 {
        %mul3A_661 = arith.constant 4 : i32
        %mul3A_662 = arith.muli %add3A_333, %mul3A_661 : i32
        %mul3A_663 = arith.constant 4 : i32
        %mul3A_664 = arith.muli %add3A_333, %mul3A_663 : i32
        %add3A_665 = arith.constant 0 : i32
        %add3A_666 = arith.addi %add3A_665, %mul3A_664 : i32
        %mul3A_667 = arith.constant 4 : i32
        %mul3A_668 = arith.muli %add3A_333, %mul3A_667 : i32
        %add3A_669 = arith.constant 1048576 : i32
        %add3A_670 = arith.addi %add3A_669, %mul3A_668 : i32
        %mul3A_671 = arith.constant 4 : i32
        %mul3A_672 = arith.muli %add3A_333, %mul3A_671 : i32
        %add3A_673 = arith.constant 2097152 : i32
        %add3A_674 = arith.addi %add3A_673, %mul3A_672 : i32
        %mul3A_675 = arith.constant 4 : i32
        %mul3A_676 = arith.muli %add3A_333, %mul3A_675 : i32
        %dma_wait3A_677 = arith.constant 0 : i32
        %dma_wait3A_678 = tpu.memref_slice %arg35[%dma_wait3A_677] : memref<10752xf32, #tpu.memory_space<vmem>> -> memref<2048xf32, #tpu.memory_space<vmem>>
        %dma_wait3A_679 = tpu.memref_slice %arg12[%mul3A_662] : memref<1048576xf32, #tpu.memory_space<hbm>> -> memref<2048xf32, #tpu.memory_space<hbm>>
        %dma_wait3A_680 = tpu.memref_slice %arg12[%mul3A_662] : memref<1048576xf32, #tpu.memory_space<hbm>> -> memref<2048xf32, #tpu.memory_space<hbm>>
        %dma_wait3A_681 = arith.constant 0 : i32
        %dma_wait3A_682 = tpu.memref_slice %arg35[%dma_wait3A_681] : memref<10752xf32, #tpu.memory_space<vmem>> -> memref<2048xf32, #tpu.memory_space<vmem>>
        tpu.wait_dma2 semaphore(%arg39 : memref<!tpu.dma_semaphore, #tpu.memory_space<semaphore_mem>>) src(%dma_wait3A_682 : memref<2048xf32, #tpu.memory_space<vmem>>) dst(%dma_wait3A_680 : memref<2048xf32, #tpu.memory_space<hbm>>)
        %dma_wait3A_683 = arith.constant 2048 : i32
        %dma_wait3A_684 = tpu.memref_slice %arg35[%dma_wait3A_683] : memref<10752xf32, #tpu.memory_space<vmem>> -> memref<2048xf32, #tpu.memory_space<vmem>>
        %dma_wait3A_685 = tpu.memref_slice %arg13[%add3A_666] : memref<3145728xf32, #tpu.memory_space<hbm>> -> memref<2048xf32, #tpu.memory_space<hbm>>
        %dma_wait3A_686 = tpu.memref_slice %arg13[%add3A_666] : memref<3145728xf32, #tpu.memory_space<hbm>> -> memref<2048xf32, #tpu.memory_space<hbm>>
        %dma_wait3A_687 = arith.constant 2048 : i32
        %dma_wait3A_688 = tpu.memref_slice %arg35[%dma_wait3A_687] : memref<10752xf32, #tpu.memory_space<vmem>> -> memref<2048xf32, #tpu.memory_space<vmem>>
        tpu.wait_dma2 semaphore(%arg39 : memref<!tpu.dma_semaphore, #tpu.memory_space<semaphore_mem>>) src(%dma_wait3A_688 : memref<2048xf32, #tpu.memory_space<vmem>>) dst(%dma_wait3A_686 : memref<2048xf32, #tpu.memory_space<hbm>>)
        %dma_wait3A_689 = arith.constant 4096 : i32
        %dma_wait3A_690 = tpu.memref_slice %arg35[%dma_wait3A_689] : memref<10752xf32, #tpu.memory_space<vmem>> -> memref<2048xf32, #tpu.memory_space<vmem>>
        %dma_wait3A_691 = tpu.memref_slice %arg13[%add3A_670] : memref<3145728xf32, #tpu.memory_space<hbm>> -> memref<2048xf32, #tpu.memory_space<hbm>>
        %dma_wait3A_692 = tpu.memref_slice %arg13[%add3A_670] : memref<3145728xf32, #tpu.memory_space<hbm>> -> memref<2048xf32, #tpu.memory_space<hbm>>
        %dma_wait3A_693 = arith.constant 4096 : i32
        %dma_wait3A_694 = tpu.memref_slice %arg35[%dma_wait3A_693] : memref<10752xf32, #tpu.memory_space<vmem>> -> memref<2048xf32, #tpu.memory_space<vmem>>
        tpu.wait_dma2 semaphore(%arg39 : memref<!tpu.dma_semaphore, #tpu.memory_space<semaphore_mem>>) src(%dma_wait3A_694 : memref<2048xf32, #tpu.memory_space<vmem>>) dst(%dma_wait3A_692 : memref<2048xf32, #tpu.memory_space<hbm>>)
        %dma_wait3A_695 = arith.constant 6144 : i32
        %dma_wait3A_696 = tpu.memref_slice %arg35[%dma_wait3A_695] : memref<10752xf32, #tpu.memory_space<vmem>> -> memref<2048xf32, #tpu.memory_space<vmem>>
        %dma_wait3A_697 = tpu.memref_slice %arg13[%add3A_674] : memref<3145728xf32, #tpu.memory_space<hbm>> -> memref<2048xf32, #tpu.memory_space<hbm>>
        %dma_wait3A_698 = tpu.memref_slice %arg13[%add3A_674] : memref<3145728xf32, #tpu.memory_space<hbm>> -> memref<2048xf32, #tpu.memory_space<hbm>>
        %dma_wait3A_699 = arith.constant 6144 : i32
        %dma_wait3A_700 = tpu.memref_slice %arg35[%dma_wait3A_699] : memref<10752xf32, #tpu.memory_space<vmem>> -> memref<2048xf32, #tpu.memory_space<vmem>>
        tpu.wait_dma2 semaphore(%arg39 : memref<!tpu.dma_semaphore, #tpu.memory_space<semaphore_mem>>) src(%dma_wait3A_700 : memref<2048xf32, #tpu.memory_space<vmem>>) dst(%dma_wait3A_698 : memref<2048xf32, #tpu.memory_space<hbm>>)
        %dma_wait3A_701 = arith.constant 8192 : i32
        %dma_wait3A_702 = tpu.memref_slice %arg35[%dma_wait3A_701] : memref<10752xf32, #tpu.memory_space<vmem>> -> memref<2048xf32, #tpu.memory_space<vmem>>
        %dma_wait3A_703 = tpu.memref_slice %arg14[%mul3A_676] : memref<1048576xf32, #tpu.memory_space<hbm>> -> memref<2048xf32, #tpu.memory_space<hbm>>
        %dma_wait3A_704 = tpu.memref_slice %arg14[%mul3A_676] : memref<1048576xf32, #tpu.memory_space<hbm>> -> memref<2048xf32, #tpu.memory_space<hbm>>
        %dma_wait3A_705 = arith.constant 8192 : i32
        %dma_wait3A_706 = tpu.memref_slice %arg35[%dma_wait3A_705] : memref<10752xf32, #tpu.memory_space<vmem>> -> memref<2048xf32, #tpu.memory_space<vmem>>
        tpu.wait_dma2 semaphore(%arg39 : memref<!tpu.dma_semaphore, #tpu.memory_space<semaphore_mem>>) src(%dma_wait3A_706 : memref<2048xf32, #tpu.memory_space<vmem>>) dst(%dma_wait3A_704 : memref<2048xf32, #tpu.memory_space<hbm>>)
        %dma_wait3A_707 = arith.constant 10240 : i32
        %dma_wait3A_708 = tpu.memref_slice %arg35[%dma_wait3A_707] : memref<10752xf32, #tpu.memory_space<vmem>> -> memref<512xf32, #tpu.memory_space<vmem>>
        %dma_wait3A_709 = tpu.memref_slice %arg15[%add3A_333] : memref<262144xf32, #tpu.memory_space<hbm>> -> memref<512xf32, #tpu.memory_space<hbm>>
        %dma_wait3A_710 = tpu.memref_slice %arg15[%add3A_333] : memref<262144xf32, #tpu.memory_space<hbm>> -> memref<512xf32, #tpu.memory_space<hbm>>
        %dma_wait3A_711 = arith.constant 10240 : i32
        %dma_wait3A_712 = tpu.memref_slice %arg35[%dma_wait3A_711] : memref<10752xf32, #tpu.memory_space<vmem>> -> memref<512xf32, #tpu.memory_space<vmem>>
        tpu.wait_dma2 semaphore(%arg39 : memref<!tpu.dma_semaphore, #tpu.memory_space<semaphore_mem>>) src(%dma_wait3A_712 : memref<512xf32, #tpu.memory_space<vmem>>) dst(%dma_wait3A_710 : memref<512xf32, #tpu.memory_space<hbm>>)
      } else {
      }
      %scan3A_603 = arith.constant 0 : i32
      %scan3A_604 = arith.constant 0 : i32
      %scan3A_605 = arith.constant 16 : i32
      %scan3A_606 = arith.addi %scan3A_604, %scan3A_605 : i32
      %scan3A_607 = arith.constant 1 : i32
      scf.for %scan3A_661 = %scan3A_604 to %scan3A_606 step %scan3A_607  : i32 {
        %mul3A_662 = arith.constant 2 : i32
        %mul3A_663 = arith.muli %scan3A_661, %mul3A_662 : i32
        %add3A_664 = arith.constant 0 : i32
        %add3A_665 = arith.addi %mul3A_663, %add3A_664 : i32
        %mul3A_666 = arith.constant 16 : i32
        %mul3A_667 = arith.muli %add3A_665, %mul3A_666 : i32
        %jit3A = arith.constant 8 : i32
        %div3A = arith.divsi %add3A_665, %jit3A : i32
        %sign3A = arith.constant 0 : i32
        %sign3A_668 = arith.cmpi sgt, %add3A_665, %sign3A : i32
        %sign3A_669 = arith.extui %sign3A_668 : i1 to i32
        %sign3A_670 = arith.constant 0 : i32
        %sign3A_671 = arith.cmpi slt, %add3A_665, %sign3A_670 : i32
        %sign3A_672 = arith.extui %sign3A_671 : i1 to i32
        %sign3A_673 = arith.subi %sign3A_669, %sign3A_672 : i32
        %sign3A_674 = arith.constant 0 : i32
        %sign3A_675 = arith.cmpi sgt, %jit3A, %sign3A_674 : i32
        %sign3A_676 = arith.extui %sign3A_675 : i1 to i32
        %sign3A_677 = arith.constant 0 : i32
        %sign3A_678 = arith.cmpi slt, %jit3A, %sign3A_677 : i32
        %sign3A_679 = arith.extui %sign3A_678 : i1 to i32
        %sign3A_680 = arith.subi %sign3A_676, %sign3A_679 : i32
        %ne3A = arith.cmpi ne, %sign3A_673, %sign3A_680 : i32
        %rem3A = arith.remsi %add3A_665, %jit3A : i32
        %ne3A_681 = arith.constant 0 : i32
        %ne3A_682 = arith.cmpi ne, %rem3A, %ne3A_681 : i32
        %and3A = arith.andi %ne3A, %ne3A_682 : i1
        %sub3A = arith.constant 1 : i32
        %sub3A_683 = arith.subi %div3A, %sub3A : i32
        %select_n3A = arith.select %and3A, %sub3A_683, %div3A : i32
        %jit3A_684 = arith.constant 8 : i32
        %eq3A = arith.constant 0 : i32
        %eq3A_685 = arith.cmpi eq, %jit3A_684, %eq3A : i32
        %jit3A_686 = arith.constant 1 : i32
        %select_n3A_687 = arith.select %eq3A_685, %jit3A_686, %jit3A_684 : i32
        %rem3A_688 = arith.remsi %add3A_665, %select_n3A_687 : i32
        %ne3A_689 = arith.constant 0 : i32
        %ne3A_690 = arith.cmpi ne, %rem3A_688, %ne3A_689 : i32
        %lt3A_691 = arith.constant 0 : i32
        %lt3A_692 = arith.cmpi slt, %rem3A_688, %lt3A_691 : i32
        %lt3A_693 = arith.constant 0 : i32
        %lt3A_694 = arith.cmpi slt, %select_n3A_687, %lt3A_693 : i32
        %ne3A_695 = arith.xori %lt3A_692, %lt3A_694 : i1
        %and3A_696 = arith.andi %ne3A_695, %ne3A_690 : i1
        %add3A_697 = arith.addi %rem3A_688, %select_n3A_687 : i32
        %select_n3A_698 = arith.select %and3A_696, %add3A_697, %rem3A_688 : i32
        %mul3A_699 = arith.constant 16 : i32
        %mul3A_700 = arith.muli %select_n3A_698, %mul3A_699 : i32
        %mul3A_701 = arith.constant 512 : i32
        %mul3A_702 = arith.muli %select_n3A, %mul3A_701 : i32
        %add3A_703 = arith.addi %mul3A_702, %mul3A_700 : i32
        %mul3A_704 = arith.constant 1024 : i32
        %mul3A_705 = arith.muli %select_n3A, %mul3A_704 : i32
        %add3A_706 = arith.addi %mul3A_705, %mul3A_700 : i32
        %add3A_707 = arith.constant 0 : i32
        %add3A_708 = arith.addi %add3A_706, %add3A_707 : i32
        %get3A = arith.index_cast %add3A_708 : i32 to index
        %get3A_709 = tpu.vector_load %arg33[%get3A] {strides = array<i32>} : memref<4096xi32, #tpu.memory_space<vmem>>, vector<16xi32>,
        %add3A_710 = arith.constant 128 : i32
        %add3A_711 = arith.addi %add3A_706, %add3A_710 : i32
        %get3A_712 = arith.index_cast %add3A_711 : i32 to index
        %get3A_713 = tpu.vector_load %arg33[%get3A_712] {strides = array<i32>} : memref<4096xi32, #tpu.memory_space<vmem>>, vector<16xi32>,
        %add3A_714 = arith.constant 256 : i32
        %add3A_715 = arith.addi %add3A_706, %add3A_714 : i32
        %get3A_716 = arith.index_cast %add3A_715 : i32 to index
        %get3A_717 = tpu.vector_load %arg33[%get3A_716] {strides = array<i32>} : memref<4096xi32, #tpu.memory_space<vmem>>, vector<16xi32>,
        %add3A_718 = arith.constant 384 : i32
        %add3A_719 = arith.addi %add3A_706, %add3A_718 : i32
        %get3A_720 = arith.index_cast %add3A_719 : i32 to index
        %get3A_721 = tpu.vector_load %arg33[%get3A_720] {strides = array<i32>} : memref<4096xi32, #tpu.memory_space<vmem>>, vector<16xi32>,
        %add3A_722 = arith.constant 512 : i32
        %add3A_723 = arith.addi %add3A_706, %add3A_722 : i32
        %get3A_724 = arith.index_cast %add3A_723 : i32 to index
        %get3A_725 = tpu.vector_load %arg33[%get3A_724] {strides = array<i32>} : memref<4096xi32, #tpu.memory_space<vmem>>, vector<16xi32>,
        %add3A_726 = arith.constant 640 : i32
        %add3A_727 = arith.addi %add3A_706, %add3A_726 : i32
        %get3A_728 = arith.index_cast %add3A_727 : i32 to index
        %get3A_729 = tpu.vector_load %arg33[%get3A_728] {strides = array<i32>} : memref<4096xi32, #tpu.memory_space<vmem>>, vector<16xi32>,
        %add3A_730 = arith.constant 768 : i32
        %add3A_731 = arith.addi %add3A_706, %add3A_730 : i32
        %get3A_732 = arith.index_cast %add3A_731 : i32 to index
        %get3A_733 = tpu.vector_load %arg33[%get3A_732] {strides = array<i32>} : memref<4096xi32, #tpu.memory_space<vmem>>, vector<16xi32>,
        %add3A_734 = arith.constant 896 : i32
        %add3A_735 = arith.addi %add3A_706, %add3A_734 : i32
        %get3A_736 = arith.index_cast %add3A_735 : i32 to index
        %get3A_737 = tpu.vector_load %arg33[%get3A_736] {strides = array<i32>} : memref<4096xi32, #tpu.memory_space<vmem>>, vector<16xi32>,
        %add3A_738 = arith.constant 0 : i32
        %add3A_739 = arith.addi %add3A_706, %add3A_738 : i32
        %get3A_740 = arith.index_cast %add3A_739 : i32 to index
        %get3A_741 = tpu.vector_load %arg32[%get3A_740] {strides = array<i32>} : memref<4096xf32, #tpu.memory_space<vmem>>, vector<16xf32>,
        %add3A_742 = arith.constant 128 : i32
        %add3A_743 = arith.addi %add3A_706, %add3A_742 : i32
        %get3A_744 = arith.index_cast %add3A_743 : i32 to index
        %get3A_745 = tpu.vector_load %arg32[%get3A_744] {strides = array<i32>} : memref<4096xf32, #tpu.memory_space<vmem>>, vector<16xf32>,
        %add3A_746 = arith.constant 256 : i32
        %add3A_747 = arith.addi %add3A_706, %add3A_746 : i32
        %get3A_748 = arith.index_cast %add3A_747 : i32 to index
        %get3A_749 = tpu.vector_load %arg32[%get3A_748] {strides = array<i32>} : memref<4096xf32, #tpu.memory_space<vmem>>, vector<16xf32>,
        %add3A_750 = arith.constant 384 : i32
        %add3A_751 = arith.addi %add3A_706, %add3A_750 : i32
        %get3A_752 = arith.index_cast %add3A_751 : i32 to index
        %get3A_753 = tpu.vector_load %arg32[%get3A_752] {strides = array<i32>} : memref<4096xf32, #tpu.memory_space<vmem>>, vector<16xf32>,
        %add3A_754 = arith.constant 512 : i32
        %add3A_755 = arith.addi %add3A_706, %add3A_754 : i32
        %get3A_756 = arith.index_cast %add3A_755 : i32 to index
        %get3A_757 = tpu.vector_load %arg32[%get3A_756] {strides = array<i32>} : memref<4096xf32, #tpu.memory_space<vmem>>, vector<16xf32>,
        %add3A_758 = arith.constant 640 : i32
        %add3A_759 = arith.addi %add3A_706, %add3A_758 : i32
        %get3A_760 = arith.index_cast %add3A_759 : i32 to index
        %get3A_761 = tpu.vector_load %arg32[%get3A_760] {strides = array<i32>} : memref<4096xf32, #tpu.memory_space<vmem>>, vector<16xf32>,
        %add3A_762 = arith.constant 768 : i32
        %add3A_763 = arith.addi %add3A_706, %add3A_762 : i32
        %get3A_764 = arith.index_cast %add3A_763 : i32 to index
        %get3A_765 = tpu.vector_load %arg32[%get3A_764] {strides = array<i32>} : memref<4096xf32, #tpu.memory_space<vmem>>, vector<16xf32>,
        %add3A_766 = arith.constant 896 : i32
        %add3A_767 = arith.addi %add3A_706, %add3A_766 : i32
        %get3A_768 = arith.index_cast %add3A_767 : i32 to index
        %get3A_769 = tpu.vector_load %arg32[%get3A_768] {strides = array<i32>} : memref<4096xf32, #tpu.memory_space<vmem>>, vector<16xf32>,
        %add3A_770 = arith.addf %get3A_741, %get3A_745 : vector<16xf32>
        %add3A_771 = arith.addf %get3A_749, %get3A_753 : vector<16xf32>
        %add3A_772 = arith.addf %add3A_770, %add3A_771 : vector<16xf32>
        %add3A_773 = arith.addf %get3A_757, %get3A_761 : vector<16xf32>
        %add3A_774 = arith.addf %get3A_765, %get3A_769 : vector<16xf32>
        %add3A_775 = arith.addf %add3A_773, %add3A_774 : vector<16xf32>
        %add3A_776 = arith.addf %add3A_772, %add3A_775 : vector<16xf32>
        %add3A_777 = arith.constant 9.99999993E-9 : f32
        %add3A_778 = vector.broadcast %add3A_777 : f32 to vector<16xf32>
        %add3A_779 = arith.addf %add3A_776, %add3A_778 : vector<16xf32>
        %div3A_780 = arith.constant 1.000000e+00 : f32
        %div3A_781 = vector.broadcast %div3A_780 : f32 to vector<16xf32>
        %div3A_782 = arith.divf %div3A_781, %add3A_779 : vector<16xf32>
        %gather3A = tpu.vector_load_idx %arg17[%get3A_709] : memref<4096xf32, #tpu.memory_space<vmem>>[vector<16xi32>], vector<16xf32>,
        %gather3A_783 = tpu.vector_load_idx %arg18[%get3A_709] : memref<4096xf32, #tpu.memory_space<vmem>>[vector<16xi32>], vector<16xf32>,
        %gather3A_784 = tpu.vector_load_idx %arg19[%get3A_709] : memref<4096xf32, #tpu.memory_space<vmem>>[vector<16xi32>], vector<16xf32>,
        %gather3A_785 = tpu.vector_load_idx %arg20[%get3A_709] : memref<4096xf32, #tpu.memory_space<vmem>>[vector<16xi32>], vector<16xf32>,
        %gather3A_786 = tpu.vector_load_idx %arg17[%get3A_713] : memref<4096xf32, #tpu.memory_space<vmem>>[vector<16xi32>], vector<16xf32>,
        %gather3A_787 = tpu.vector_load_idx %arg18[%get3A_713] : memref<4096xf32, #tpu.memory_space<vmem>>[vector<16xi32>], vector<16xf32>,
        %gather3A_788 = tpu.vector_load_idx %arg19[%get3A_713] : memref<4096xf32, #tpu.memory_space<vmem>>[vector<16xi32>], vector<16xf32>,
        %gather3A_789 = tpu.vector_load_idx %arg20[%get3A_713] : memref<4096xf32, #tpu.memory_space<vmem>>[vector<16xi32>], vector<16xf32>,
        %mul3A_790 = arith.mulf %gather3A, %gather3A_786 : vector<16xf32>
        %mul3A_791 = arith.mulf %gather3A_783, %gather3A_787 : vector<16xf32>
        %add3A_792 = arith.addf %mul3A_790, %mul3A_791 : vector<16xf32>
        %mul3A_793 = arith.mulf %gather3A_784, %gather3A_788 : vector<16xf32>
        %mul3A_794 = arith.mulf %gather3A_785, %gather3A_789 : vector<16xf32>
        %add3A_795 = arith.addf %mul3A_793, %mul3A_794 : vector<16xf32>
        %add3A_796 = arith.addf %add3A_792, %add3A_795 : vector<16xf32>
        %lt3A_797 = arith.constant 0.000000e+00 : f32
        %lt3A_798 = vector.broadcast %lt3A_797 : f32 to vector<16xf32>
        %lt3A_799 = arith.cmpf olt, %add3A_796, %lt3A_798 : vector<16xf32>
        %neg3A = arith.constant 0.000000e+00 : f32
        %neg3A_800 = vector.broadcast %neg3A : f32 to vector<16xf32>
        %neg3A_801 = arith.subf %neg3A_800, %get3A_745 : vector<16xf32>
        %select_n3A_802 = arith.select %lt3A_799, %neg3A_801, %get3A_745 : vector<16xi1>, vector<16xf32>
        %mul3A_803 = arith.mulf %select_n3A_802, %gather3A_786 : vector<16xf32>
        %mul3A_804 = arith.mulf %select_n3A_802, %gather3A_787 : vector<16xf32>
        %mul3A_805 = arith.mulf %select_n3A_802, %gather3A_788 : vector<16xf32>
        %mul3A_806 = arith.mulf %select_n3A_802, %gather3A_789 : vector<16xf32>
        %gather3A_807 = tpu.vector_load_idx %arg17[%get3A_717] : memref<4096xf32, #tpu.memory_space<vmem>>[vector<16xi32>], vector<16xf32>,
        %gather3A_808 = tpu.vector_load_idx %arg18[%get3A_717] : memref<4096xf32, #tpu.memory_space<vmem>>[vector<16xi32>], vector<16xf32>,
        %gather3A_809 = tpu.vector_load_idx %arg19[%get3A_717] : memref<4096xf32, #tpu.memory_space<vmem>>[vector<16xi32>], vector<16xf32>,
        %gather3A_810 = tpu.vector_load_idx %arg20[%get3A_717] : memref<4096xf32, #tpu.memory_space<vmem>>[vector<16xi32>], vector<16xf32>,
        %mul3A_811 = arith.mulf %gather3A, %gather3A_807 : vector<16xf32>
        %mul3A_812 = arith.mulf %gather3A_783, %gather3A_808 : vector<16xf32>
        %add3A_813 = arith.addf %mul3A_811, %mul3A_812 : vector<16xf32>
        %mul3A_814 = arith.mulf %gather3A_784, %gather3A_809 : vector<16xf32>
        %mul3A_815 = arith.mulf %gather3A_785, %gather3A_810 : vector<16xf32>
        %add3A_816 = arith.addf %mul3A_814, %mul3A_815 : vector<16xf32>
        %add3A_817 = arith.addf %add3A_813, %add3A_816 : vector<16xf32>
        %lt3A_818 = arith.constant 0.000000e+00 : f32
        %lt3A_819 = vector.broadcast %lt3A_818 : f32 to vector<16xf32>
        %lt3A_820 = arith.cmpf olt, %add3A_817, %lt3A_819 : vector<16xf32>
        %neg3A_821 = arith.constant 0.000000e+00 : f32
        %neg3A_822 = vector.broadcast %neg3A_821 : f32 to vector<16xf32>
        %neg3A_823 = arith.subf %neg3A_822, %get3A_749 : vector<16xf32>
        %select_n3A_824 = arith.select %lt3A_820, %neg3A_823, %get3A_749 : vector<16xi1>, vector<16xf32>
        %mul3A_825 = arith.mulf %select_n3A_824, %gather3A_807 : vector<16xf32>
        %add3A_826 = arith.addf %mul3A_803, %mul3A_825 : vector<16xf32>
        %mul3A_827 = arith.mulf %select_n3A_824, %gather3A_808 : vector<16xf32>
        %add3A_828 = arith.addf %mul3A_804, %mul3A_827 : vector<16xf32>
        %mul3A_829 = arith.mulf %select_n3A_824, %gather3A_809 : vector<16xf32>
        %add3A_830 = arith.addf %mul3A_805, %mul3A_829 : vector<16xf32>
        %mul3A_831 = arith.mulf %select_n3A_824, %gather3A_810 : vector<16xf32>
        %add3A_832 = arith.addf %mul3A_806, %mul3A_831 : vector<16xf32>
        %gather3A_833 = tpu.vector_load_idx %arg17[%get3A_721] : memref<4096xf32, #tpu.memory_space<vmem>>[vector<16xi32>], vector<16xf32>,
        %gather3A_834 = tpu.vector_load_idx %arg18[%get3A_721] : memref<4096xf32, #tpu.memory_space<vmem>>[vector<16xi32>], vector<16xf32>,
        %gather3A_835 = tpu.vector_load_idx %arg19[%get3A_721] : memref<4096xf32, #tpu.memory_space<vmem>>[vector<16xi32>], vector<16xf32>,
        %gather3A_836 = tpu.vector_load_idx %arg20[%get3A_721] : memref<4096xf32, #tpu.memory_space<vmem>>[vector<16xi32>], vector<16xf32>,
        %mul3A_837 = arith.mulf %gather3A, %gather3A_833 : vector<16xf32>
        %mul3A_838 = arith.mulf %gather3A_783, %gather3A_834 : vector<16xf32>
        %add3A_839 = arith.addf %mul3A_837, %mul3A_838 : vector<16xf32>
        %mul3A_840 = arith.mulf %gather3A_784, %gather3A_835 : vector<16xf32>
        %mul3A_841 = arith.mulf %gather3A_785, %gather3A_836 : vector<16xf32>
        %add3A_842 = arith.addf %mul3A_840, %mul3A_841 : vector<16xf32>
        %add3A_843 = arith.addf %add3A_839, %add3A_842 : vector<16xf32>
        %lt3A_844 = arith.constant 0.000000e+00 : f32
        %lt3A_845 = vector.broadcast %lt3A_844 : f32 to vector<16xf32>
        %lt3A_846 = arith.cmpf olt, %add3A_843, %lt3A_845 : vector<16xf32>
        %neg3A_847 = arith.constant 0.000000e+00 : f32
        %neg3A_848 = vector.broadcast %neg3A_847 : f32 to vector<16xf32>
        %neg3A_849 = arith.subf %neg3A_848, %get3A_753 : vector<16xf32>
        %select_n3A_850 = arith.select %lt3A_846, %neg3A_849, %get3A_753 : vector<16xi1>, vector<16xf32>
        %mul3A_851 = arith.mulf %select_n3A_850, %gather3A_833 : vector<16xf32>
        %add3A_852 = arith.addf %add3A_826, %mul3A_851 : vector<16xf32>
        %mul3A_853 = arith.mulf %select_n3A_850, %gather3A_834 : vector<16xf32>
        %add3A_854 = arith.addf %add3A_828, %mul3A_853 : vector<16xf32>
        %mul3A_855 = arith.mulf %select_n3A_850, %gather3A_835 : vector<16xf32>
        %add3A_856 = arith.addf %add3A_830, %mul3A_855 : vector<16xf32>
        %mul3A_857 = arith.mulf %select_n3A_850, %gather3A_836 : vector<16xf32>
        %add3A_858 = arith.addf %add3A_832, %mul3A_857 : vector<16xf32>
        %gather3A_859 = tpu.vector_load_idx %arg17[%get3A_725] : memref<4096xf32, #tpu.memory_space<vmem>>[vector<16xi32>], vector<16xf32>,
        %gather3A_860 = tpu.vector_load_idx %arg18[%get3A_725] : memref<4096xf32, #tpu.memory_space<vmem>>[vector<16xi32>], vector<16xf32>,
        %gather3A_861 = tpu.vector_load_idx %arg19[%get3A_725] : memref<4096xf32, #tpu.memory_space<vmem>>[vector<16xi32>], vector<16xf32>,
        %gather3A_862 = tpu.vector_load_idx %arg20[%get3A_725] : memref<4096xf32, #tpu.memory_space<vmem>>[vector<16xi32>], vector<16xf32>,
        %mul3A_863 = arith.mulf %gather3A, %gather3A_859 : vector<16xf32>
        %mul3A_864 = arith.mulf %gather3A_783, %gather3A_860 : vector<16xf32>
        %add3A_865 = arith.addf %mul3A_863, %mul3A_864 : vector<16xf32>
        %mul3A_866 = arith.mulf %gather3A_784, %gather3A_861 : vector<16xf32>
        %mul3A_867 = arith.mulf %gather3A_785, %gather3A_862 : vector<16xf32>
        %add3A_868 = arith.addf %mul3A_866, %mul3A_867 : vector<16xf32>
        %add3A_869 = arith.addf %add3A_865, %add3A_868 : vector<16xf32>
        %lt3A_870 = arith.constant 0.000000e+00 : f32
        %lt3A_871 = vector.broadcast %lt3A_870 : f32 to vector<16xf32>
        %lt3A_872 = arith.cmpf olt, %add3A_869, %lt3A_871 : vector<16xf32>
        %neg3A_873 = arith.constant 0.000000e+00 : f32
        %neg3A_874 = vector.broadcast %neg3A_873 : f32 to vector<16xf32>
        %neg3A_875 = arith.subf %neg3A_874, %get3A_757 : vector<16xf32>
        %select_n3A_876 = arith.select %lt3A_872, %neg3A_875, %get3A_757 : vector<16xi1>, vector<16xf32>
        %mul3A_877 = arith.mulf %select_n3A_876, %gather3A_859 : vector<16xf32>
        %add3A_878 = arith.addf %add3A_852, %mul3A_877 : vector<16xf32>
        %mul3A_879 = arith.mulf %select_n3A_876, %gather3A_860 : vector<16xf32>
        %add3A_880 = arith.addf %add3A_854, %mul3A_879 : vector<16xf32>
        %mul3A_881 = arith.mulf %select_n3A_876, %gather3A_861 : vector<16xf32>
        %add3A_882 = arith.addf %add3A_856, %mul3A_881 : vector<16xf32>
        %mul3A_883 = arith.mulf %select_n3A_876, %gather3A_862 : vector<16xf32>
        %add3A_884 = arith.addf %add3A_858, %mul3A_883 : vector<16xf32>
        %gather3A_885 = tpu.vector_load_idx %arg17[%get3A_729] : memref<4096xf32, #tpu.memory_space<vmem>>[vector<16xi32>], vector<16xf32>,
        %gather3A_886 = tpu.vector_load_idx %arg18[%get3A_729] : memref<4096xf32, #tpu.memory_space<vmem>>[vector<16xi32>], vector<16xf32>,
        %gather3A_887 = tpu.vector_load_idx %arg19[%get3A_729] : memref<4096xf32, #tpu.memory_space<vmem>>[vector<16xi32>], vector<16xf32>,
        %gather3A_888 = tpu.vector_load_idx %arg20[%get3A_729] : memref<4096xf32, #tpu.memory_space<vmem>>[vector<16xi32>], vector<16xf32>,
        %mul3A_889 = arith.mulf %gather3A, %gather3A_885 : vector<16xf32>
        %mul3A_890 = arith.mulf %gather3A_783, %gather3A_886 : vector<16xf32>
        %add3A_891 = arith.addf %mul3A_889, %mul3A_890 : vector<16xf32>
        %mul3A_892 = arith.mulf %gather3A_784, %gather3A_887 : vector<16xf32>
        %mul3A_893 = arith.mulf %gather3A_785, %gather3A_888 : vector<16xf32>
        %add3A_894 = arith.addf %mul3A_892, %mul3A_893 : vector<16xf32>
        %add3A_895 = arith.addf %add3A_891, %add3A_894 : vector<16xf32>
        %lt3A_896 = arith.constant 0.000000e+00 : f32
        %lt3A_897 = vector.broadcast %lt3A_896 : f32 to vector<16xf32>
        %lt3A_898 = arith.cmpf olt, %add3A_895, %lt3A_897 : vector<16xf32>
        %neg3A_899 = arith.constant 0.000000e+00 : f32
        %neg3A_900 = vector.broadcast %neg3A_899 : f32 to vector<16xf32>
        %neg3A_901 = arith.subf %neg3A_900, %get3A_761 : vector<16xf32>
        %select_n3A_902 = arith.select %lt3A_898, %neg3A_901, %get3A_761 : vector<16xi1>, vector<16xf32>
        %mul3A_903 = arith.mulf %select_n3A_902, %gather3A_885 : vector<16xf32>
        %add3A_904 = arith.addf %add3A_878, %mul3A_903 : vector<16xf32>
        %mul3A_905 = arith.mulf %select_n3A_902, %gather3A_886 : vector<16xf32>
        %add3A_906 = arith.addf %add3A_880, %mul3A_905 : vector<16xf32>
        %mul3A_907 = arith.mulf %select_n3A_902, %gather3A_887 : vector<16xf32>
        %add3A_908 = arith.addf %add3A_882, %mul3A_907 : vector<16xf32>
        %mul3A_909 = arith.mulf %select_n3A_902, %gather3A_888 : vector<16xf32>
        %add3A_910 = arith.addf %add3A_884, %mul3A_909 : vector<16xf32>
        %gather3A_911 = tpu.vector_load_idx %arg17[%get3A_733] : memref<4096xf32, #tpu.memory_space<vmem>>[vector<16xi32>], vector<16xf32>,
        %gather3A_912 = tpu.vector_load_idx %arg18[%get3A_733] : memref<4096xf32, #tpu.memory_space<vmem>>[vector<16xi32>], vector<16xf32>,
        %gather3A_913 = tpu.vector_load_idx %arg19[%get3A_733] : memref<4096xf32, #tpu.memory_space<vmem>>[vector<16xi32>], vector<16xf32>,
        %gather3A_914 = tpu.vector_load_idx %arg20[%get3A_733] : memref<4096xf32, #tpu.memory_space<vmem>>[vector<16xi32>], vector<16xf32>,
        %mul3A_915 = arith.mulf %gather3A, %gather3A_911 : vector<16xf32>
        %mul3A_916 = arith.mulf %gather3A_783, %gather3A_912 : vector<16xf32>
        %add3A_917 = arith.addf %mul3A_915, %mul3A_916 : vector<16xf32>
        %mul3A_918 = arith.mulf %gather3A_784, %gather3A_913 : vector<16xf32>
        %mul3A_919 = arith.mulf %gather3A_785, %gather3A_914 : vector<16xf32>
        %add3A_920 = arith.addf %mul3A_918, %mul3A_919 : vector<16xf32>
        %add3A_921 = arith.addf %add3A_917, %add3A_920 : vector<16xf32>
        %lt3A_922 = arith.constant 0.000000e+00 : f32
        %lt3A_923 = vector.broadcast %lt3A_922 : f32 to vector<16xf32>
        %lt3A_924 = arith.cmpf olt, %add3A_921, %lt3A_923 : vector<16xf32>
        %neg3A_925 = arith.constant 0.000000e+00 : f32
        %neg3A_926 = vector.broadcast %neg3A_925 : f32 to vector<16xf32>
        %neg3A_927 = arith.subf %neg3A_926, %get3A_765 : vector<16xf32>
        %select_n3A_928 = arith.select %lt3A_924, %neg3A_927, %get3A_765 : vector<16xi1>, vector<16xf32>
        %mul3A_929 = arith.mulf %select_n3A_928, %gather3A_911 : vector<16xf32>
        %add3A_930 = arith.addf %add3A_904, %mul3A_929 : vector<16xf32>
        %mul3A_931 = arith.mulf %select_n3A_928, %gather3A_912 : vector<16xf32>
        %add3A_932 = arith.addf %add3A_906, %mul3A_931 : vector<16xf32>
        %mul3A_933 = arith.mulf %select_n3A_928, %gather3A_913 : vector<16xf32>
        %add3A_934 = arith.addf %add3A_908, %mul3A_933 : vector<16xf32>
        %mul3A_935 = arith.mulf %select_n3A_928, %gather3A_914 : vector<16xf32>
        %add3A_936 = arith.addf %add3A_910, %mul3A_935 : vector<16xf32>
        %gather3A_937 = tpu.vector_load_idx %arg17[%get3A_737] : memref<4096xf32, #tpu.memory_space<vmem>>[vector<16xi32>], vector<16xf32>,
        %gather3A_938 = tpu.vector_load_idx %arg18[%get3A_737] : memref<4096xf32, #tpu.memory_space<vmem>>[vector<16xi32>], vector<16xf32>,
        %gather3A_939 = tpu.vector_load_idx %arg19[%get3A_737] : memref<4096xf32, #tpu.memory_space<vmem>>[vector<16xi32>], vector<16xf32>,
        %gather3A_940 = tpu.vector_load_idx %arg20[%get3A_737] : memref<4096xf32, #tpu.memory_space<vmem>>[vector<16xi32>], vector<16xf32>,
        %mul3A_941 = arith.mulf %gather3A, %gather3A_937 : vector<16xf32>
        %mul3A_942 = arith.mulf %gather3A_783, %gather3A_938 : vector<16xf32>
        %add3A_943 = arith.addf %mul3A_941, %mul3A_942 : vector<16xf32>
        %mul3A_944 = arith.mulf %gather3A_784, %gather3A_939 : vector<16xf32>
        %mul3A_945 = arith.mulf %gather3A_785, %gather3A_940 : vector<16xf32>
        %add3A_946 = arith.addf %mul3A_944, %mul3A_945 : vector<16xf32>
        %add3A_947 = arith.addf %add3A_943, %add3A_946 : vector<16xf32>
        %lt3A_948 = arith.constant 0.000000e+00 : f32
        %lt3A_949 = vector.broadcast %lt3A_948 : f32 to vector<16xf32>
        %lt3A_950 = arith.cmpf olt, %add3A_947, %lt3A_949 : vector<16xf32>
        %neg3A_951 = arith.constant 0.000000e+00 : f32
        %neg3A_952 = vector.broadcast %neg3A_951 : f32 to vector<16xf32>
        %neg3A_953 = arith.subf %neg3A_952, %get3A_769 : vector<16xf32>
        %select_n3A_954 = arith.select %lt3A_950, %neg3A_953, %get3A_769 : vector<16xi1>, vector<16xf32>
        %mul3A_955 = arith.mulf %select_n3A_954, %gather3A_937 : vector<16xf32>
        %add3A_956 = arith.addf %add3A_930, %mul3A_955 : vector<16xf32>
        %mul3A_957 = arith.mulf %select_n3A_954, %gather3A_938 : vector<16xf32>
        %add3A_958 = arith.addf %add3A_932, %mul3A_957 : vector<16xf32>
        %mul3A_959 = arith.mulf %select_n3A_954, %gather3A_939 : vector<16xf32>
        %add3A_960 = arith.addf %add3A_934, %mul3A_959 : vector<16xf32>
        %mul3A_961 = arith.mulf %select_n3A_954, %gather3A_940 : vector<16xf32>
        %add3A_962 = arith.addf %add3A_936, %mul3A_961 : vector<16xf32>
        %mul3A_963 = arith.mulf %get3A_741, %gather3A : vector<16xf32>
        %add3A_964 = arith.addf %add3A_956, %mul3A_963 : vector<16xf32>
        %mul3A_965 = arith.mulf %get3A_741, %gather3A_783 : vector<16xf32>
        %add3A_966 = arith.addf %add3A_958, %mul3A_965 : vector<16xf32>
        %mul3A_967 = arith.mulf %get3A_741, %gather3A_784 : vector<16xf32>
        %add3A_968 = arith.addf %add3A_960, %mul3A_967 : vector<16xf32>
        %mul3A_969 = arith.mulf %get3A_741, %gather3A_785 : vector<16xf32>
        %add3A_970 = arith.addf %add3A_962, %mul3A_969 : vector<16xf32>
        %gather3A_971 = tpu.vector_load_idx %arg21[%get3A_709] : memref<4096xf32, #tpu.memory_space<vmem>>[vector<16xi32>], vector<16xf32>,
        %gather3A_972 = tpu.vector_load_idx %arg22[%get3A_709] : memref<4096xf32, #tpu.memory_space<vmem>>[vector<16xi32>], vector<16xf32>,
        %gather3A_973 = tpu.vector_load_idx %arg23[%get3A_709] : memref<4096xf32, #tpu.memory_space<vmem>>[vector<16xi32>], vector<16xf32>,
        %mul3A_974 = arith.mulf %get3A_741, %gather3A_971 : vector<16xf32>
        %mul3A_975 = arith.mulf %get3A_741, %gather3A_972 : vector<16xf32>
        %mul3A_976 = arith.mulf %get3A_741, %gather3A_973 : vector<16xf32>
        %gather3A_977 = tpu.vector_load_idx %arg21[%get3A_713] : memref<4096xf32, #tpu.memory_space<vmem>>[vector<16xi32>], vector<16xf32>,
        %gather3A_978 = tpu.vector_load_idx %arg22[%get3A_713] : memref<4096xf32, #tpu.memory_space<vmem>>[vector<16xi32>], vector<16xf32>,
        %gather3A_979 = tpu.vector_load_idx %arg23[%get3A_713] : memref<4096xf32, #tpu.memory_space<vmem>>[vector<16xi32>], vector<16xf32>,
        %mul3A_980 = arith.mulf %get3A_745, %gather3A_977 : vector<16xf32>
        %add3A_981 = arith.addf %mul3A_974, %mul3A_980 : vector<16xf32>
        %mul3A_982 = arith.mulf %get3A_745, %gather3A_978 : vector<16xf32>
        %add3A_983 = arith.addf %mul3A_975, %mul3A_982 : vector<16xf32>
        %mul3A_984 = arith.mulf %get3A_745, %gather3A_979 : vector<16xf32>
        %add3A_985 = arith.addf %mul3A_976, %mul3A_984 : vector<16xf32>
        %gather3A_986 = tpu.vector_load_idx %arg21[%get3A_717] : memref<4096xf32, #tpu.memory_space<vmem>>[vector<16xi32>], vector<16xf32>,
        %gather3A_987 = tpu.vector_load_idx %arg22[%get3A_717] : memref<4096xf32, #tpu.memory_space<vmem>>[vector<16xi32>], vector<16xf32>,
        %gather3A_988 = tpu.vector_load_idx %arg23[%get3A_717] : memref<4096xf32, #tpu.memory_space<vmem>>[vector<16xi32>], vector<16xf32>,
        %mul3A_989 = arith.mulf %get3A_749, %gather3A_986 : vector<16xf32>
        %add3A_990 = arith.addf %add3A_981, %mul3A_989 : vector<16xf32>
        %mul3A_991 = arith.mulf %get3A_749, %gather3A_987 : vector<16xf32>
        %add3A_992 = arith.addf %add3A_983, %mul3A_991 : vector<16xf32>
        %mul3A_993 = arith.mulf %get3A_749, %gather3A_988 : vector<16xf32>
        %add3A_994 = arith.addf %add3A_985, %mul3A_993 : vector<16xf32>
        %gather3A_995 = tpu.vector_load_idx %arg21[%get3A_721] : memref<4096xf32, #tpu.memory_space<vmem>>[vector<16xi32>], vector<16xf32>,
        %gather3A_996 = tpu.vector_load_idx %arg22[%get3A_721] : memref<4096xf32, #tpu.memory_space<vmem>>[vector<16xi32>], vector<16xf32>,
        %gather3A_997 = tpu.vector_load_idx %arg23[%get3A_721] : memref<4096xf32, #tpu.memory_space<vmem>>[vector<16xi32>], vector<16xf32>,
        %mul3A_998 = arith.mulf %get3A_753, %gather3A_995 : vector<16xf32>
        %add3A_999 = arith.addf %add3A_990, %mul3A_998 : vector<16xf32>
        %mul3A_1000 = arith.mulf %get3A_753, %gather3A_996 : vector<16xf32>
        %add3A_1001 = arith.addf %add3A_992, %mul3A_1000 : vector<16xf32>
        %mul3A_1002 = arith.mulf %get3A_753, %gather3A_997 : vector<16xf32>
        %add3A_1003 = arith.addf %add3A_994, %mul3A_1002 : vector<16xf32>
        %gather3A_1004 = tpu.vector_load_idx %arg21[%get3A_725] : memref<4096xf32, #tpu.memory_space<vmem>>[vector<16xi32>], vector<16xf32>,
        %gather3A_1005 = tpu.vector_load_idx %arg22[%get3A_725] : memref<4096xf32, #tpu.memory_space<vmem>>[vector<16xi32>], vector<16xf32>,
        %gather3A_1006 = tpu.vector_load_idx %arg23[%get3A_725] : memref<4096xf32, #tpu.memory_space<vmem>>[vector<16xi32>], vector<16xf32>,
        %mul3A_1007 = arith.mulf %get3A_757, %gather3A_1004 : vector<16xf32>
        %add3A_1008 = arith.addf %add3A_999, %mul3A_1007 : vector<16xf32>
        %mul3A_1009 = arith.mulf %get3A_757, %gather3A_1005 : vector<16xf32>
        %add3A_1010 = arith.addf %add3A_1001, %mul3A_1009 : vector<16xf32>
        %mul3A_1011 = arith.mulf %get3A_757, %gather3A_1006 : vector<16xf32>
        %add3A_1012 = arith.addf %add3A_1003, %mul3A_1011 : vector<16xf32>
        %gather3A_1013 = tpu.vector_load_idx %arg21[%get3A_729] : memref<4096xf32, #tpu.memory_space<vmem>>[vector<16xi32>], vector<16xf32>,
        %gather3A_1014 = tpu.vector_load_idx %arg22[%get3A_729] : memref<4096xf32, #tpu.memory_space<vmem>>[vector<16xi32>], vector<16xf32>,
        %gather3A_1015 = tpu.vector_load_idx %arg23[%get3A_729] : memref<4096xf32, #tpu.memory_space<vmem>>[vector<16xi32>], vector<16xf32>,
        %mul3A_1016 = arith.mulf %get3A_761, %gather3A_1013 : vector<16xf32>
        %add3A_1017 = arith.addf %add3A_1008, %mul3A_1016 : vector<16xf32>
        %mul3A_1018 = arith.mulf %get3A_761, %gather3A_1014 : vector<16xf32>
        %add3A_1019 = arith.addf %add3A_1010, %mul3A_1018 : vector<16xf32>
        %mul3A_1020 = arith.mulf %get3A_761, %gather3A_1015 : vector<16xf32>
        %add3A_1021 = arith.addf %add3A_1012, %mul3A_1020 : vector<16xf32>
        %gather3A_1022 = tpu.vector_load_idx %arg21[%get3A_733] : memref<4096xf32, #tpu.memory_space<vmem>>[vector<16xi32>], vector<16xf32>,
        %gather3A_1023 = tpu.vector_load_idx %arg22[%get3A_733] : memref<4096xf32, #tpu.memory_space<vmem>>[vector<16xi32>], vector<16xf32>,
        %gather3A_1024 = tpu.vector_load_idx %arg23[%get3A_733] : memref<4096xf32, #tpu.memory_space<vmem>>[vector<16xi32>], vector<16xf32>,
        %mul3A_1025 = arith.mulf %get3A_765, %gather3A_1022 : vector<16xf32>
        %add3A_1026 = arith.addf %add3A_1017, %mul3A_1025 : vector<16xf32>
        %mul3A_1027 = arith.mulf %get3A_765, %gather3A_1023 : vector<16xf32>
        %add3A_1028 = arith.addf %add3A_1019, %mul3A_1027 : vector<16xf32>
        %mul3A_1029 = arith.mulf %get3A_765, %gather3A_1024 : vector<16xf32>
        %add3A_1030 = arith.addf %add3A_1021, %mul3A_1029 : vector<16xf32>
        %gather3A_1031 = tpu.vector_load_idx %arg21[%get3A_737] : memref<4096xf32, #tpu.memory_space<vmem>>[vector<16xi32>], vector<16xf32>,
        %gather3A_1032 = tpu.vector_load_idx %arg22[%get3A_737] : memref<4096xf32, #tpu.memory_space<vmem>>[vector<16xi32>], vector<16xf32>,
        %gather3A_1033 = tpu.vector_load_idx %arg23[%get3A_737] : memref<4096xf32, #tpu.memory_space<vmem>>[vector<16xi32>], vector<16xf32>,
        %mul3A_1034 = arith.mulf %get3A_769, %gather3A_1031 : vector<16xf32>
        %add3A_1035 = arith.addf %add3A_1026, %mul3A_1034 : vector<16xf32>
        %mul3A_1036 = arith.mulf %get3A_769, %gather3A_1032 : vector<16xf32>
        %add3A_1037 = arith.addf %add3A_1028, %mul3A_1036 : vector<16xf32>
        %mul3A_1038 = arith.mulf %get3A_769, %gather3A_1033 : vector<16xf32>
        %add3A_1039 = arith.addf %add3A_1030, %mul3A_1038 : vector<16xf32>
        %mul3A_1040 = arith.mulf %add3A_1035, %div3A_782 : vector<16xf32>
        %mul3A_1041 = arith.mulf %add3A_1037, %div3A_782 : vector<16xf32>
        %mul3A_1042 = arith.mulf %add3A_1039, %div3A_782 : vector<16xf32>
        %mul3A_1043 = arith.mulf %add3A_964, %add3A_964 : vector<16xf32>
        %mul3A_1044 = arith.mulf %add3A_966, %add3A_966 : vector<16xf32>
        %add3A_1045 = arith.addf %mul3A_1043, %mul3A_1044 : vector<16xf32>
        %mul3A_1046 = arith.mulf %add3A_968, %add3A_968 : vector<16xf32>
        %mul3A_1047 = arith.mulf %add3A_970, %add3A_970 : vector<16xf32>
        %add3A_1048 = arith.addf %mul3A_1046, %mul3A_1047 : vector<16xf32>
        %add3A_1049 = arith.addf %add3A_1045, %add3A_1048 : vector<16xf32>
        %add3A_1050 = arith.constant 1.000000e-30 : f32
        %add3A_1051 = vector.broadcast %add3A_1050 : f32 to vector<16xf32>
        %add3A_1052 = arith.addf %add3A_1049, %add3A_1051 : vector<16xf32>
        %div3A_1053 = arith.constant 2.000000e+00 : f32
        %div3A_1054 = vector.broadcast %div3A_1053 : f32 to vector<16xf32>
        %div3A_1055 = arith.divf %div3A_1054, %add3A_1052 : vector<16xf32>
        %mul3A_1056 = arith.mulf %add3A_966, %div3A_1055 : vector<16xf32>
        %mul3A_1057 = arith.mulf %add3A_968, %div3A_1055 : vector<16xf32>
        %mul3A_1058 = arith.mulf %add3A_970, %div3A_1055 : vector<16xf32>
        %mul3A_1059 = arith.mulf %add3A_964, %mul3A_1056 : vector<16xf32>
        %mul3A_1060 = arith.mulf %add3A_964, %mul3A_1057 : vector<16xf32>
        %mul3A_1061 = arith.mulf %add3A_964, %mul3A_1058 : vector<16xf32>
        %mul3A_1062 = arith.mulf %add3A_966, %mul3A_1056 : vector<16xf32>
        %mul3A_1063 = arith.mulf %add3A_966, %mul3A_1057 : vector<16xf32>
        %mul3A_1064 = arith.mulf %add3A_966, %mul3A_1058 : vector<16xf32>
        %mul3A_1065 = arith.mulf %add3A_968, %mul3A_1057 : vector<16xf32>
        %mul3A_1066 = arith.mulf %add3A_968, %mul3A_1058 : vector<16xf32>
        %mul3A_1067 = arith.mulf %add3A_970, %mul3A_1058 : vector<16xf32>
        %add3A_1068 = arith.addf %mul3A_1065, %mul3A_1067 : vector<16xf32>
        %sub3A_1069 = arith.constant 1.000000e+00 : f32
        %sub3A_1070 = vector.broadcast %sub3A_1069 : f32 to vector<16xf32>
        %sub3A_1071 = arith.subf %sub3A_1070, %add3A_1068 : vector<16xf32>
        %sub3A_1072 = arith.subf %mul3A_1063, %mul3A_1061 : vector<16xf32>
        %add3A_1073 = arith.addf %mul3A_1064, %mul3A_1060 : vector<16xf32>
        %add3A_1074 = arith.addf %mul3A_1063, %mul3A_1061 : vector<16xf32>
        %add3A_1075 = arith.addf %mul3A_1062, %mul3A_1067 : vector<16xf32>
        %sub3A_1076 = arith.constant 1.000000e+00 : f32
        %sub3A_1077 = vector.broadcast %sub3A_1076 : f32 to vector<16xf32>
        %sub3A_1078 = arith.subf %sub3A_1077, %add3A_1075 : vector<16xf32>
        %sub3A_1079 = arith.subf %mul3A_1066, %mul3A_1059 : vector<16xf32>
        %sub3A_1080 = arith.subf %mul3A_1064, %mul3A_1060 : vector<16xf32>
        %add3A_1081 = arith.addf %mul3A_1066, %mul3A_1059 : vector<16xf32>
        %add3A_1082 = arith.addf %mul3A_1062, %mul3A_1065 : vector<16xf32>
        %sub3A_1083 = arith.constant 1.000000e+00 : f32
        %sub3A_1084 = vector.broadcast %sub3A_1083 : f32 to vector<16xf32>
        %sub3A_1085 = arith.subf %sub3A_1084, %add3A_1082 : vector<16xf32>
        %mul3A_1086 = arith.constant 512 : i32
        %mul3A_1087 = arith.muli %select_n3A, %mul3A_1086 : i32
        %add3A_1088 = arith.addi %mul3A_1087, %mul3A_700 : i32
        %add3A_1089 = arith.constant 0 : i32
        %add3A_1090 = arith.addi %add3A_1089, %mul3A_667 : i32
        %get3A_1091 = arith.index_cast %add3A_1090 : i32 to index
        %get3A_1092 = tpu.vector_load %arg30[%get3A_1091] {strides = array<i32>} : memref<3584xf32, #tpu.memory_space<vmem>>, vector<16xf32>,
        %add3A_1093 = arith.constant 512 : i32
        %add3A_1094 = arith.addi %add3A_1093, %mul3A_667 : i32
        %get3A_1095 = arith.index_cast %add3A_1094 : i32 to index
        %get3A_1096 = tpu.vector_load %arg30[%get3A_1095] {strides = array<i32>} : memref<3584xf32, #tpu.memory_space<vmem>>, vector<16xf32>,
        %add3A_1097 = arith.constant 1024 : i32
        %add3A_1098 = arith.addi %add3A_1097, %mul3A_667 : i32
        %get3A_1099 = arith.index_cast %add3A_1098 : i32 to index
        %get3A_1100 = tpu.vector_load %arg30[%get3A_1099] {strides = array<i32>} : memref<3584xf32, #tpu.memory_space<vmem>>, vector<16xf32>,
        %mul3A_1101 = arith.mulf %sub3A_1071, %get3A_1092 : vector<16xf32>
        %mul3A_1102 = arith.mulf %sub3A_1072, %get3A_1096 : vector<16xf32>
        %add3A_1103 = arith.addf %mul3A_1101, %mul3A_1102 : vector<16xf32>
        %mul3A_1104 = arith.mulf %add3A_1073, %get3A_1100 : vector<16xf32>
        %add3A_1105 = arith.addf %mul3A_1104, %mul3A_1040 : vector<16xf32>
        %add3A_1106 = arith.addf %add3A_1103, %add3A_1105 : vector<16xf32>
        %add3A_1107 = arith.constant 0 : i32
        %add3A_1108 = arith.addi %add3A_1088, %add3A_1107 : i32
        %swap3A = arith.index_cast %add3A_1108 : i32 to index
        %swap3A_1109 = tpu.vector_load %arg35[%swap3A] {strides = array<i32>} : memref<10752xf32, #tpu.memory_space<vmem>>, vector<16xf32>,
        tpu.vector_store %arg35[%swap3A], %add3A_1106 {strides = array<i32>} : memref<10752xf32, #tpu.memory_space<vmem>>, vector<16xf32>,
        %mul3A_1110 = arith.mulf %add3A_1074, %get3A_1092 : vector<16xf32>
        %mul3A_1111 = arith.mulf %sub3A_1078, %get3A_1096 : vector<16xf32>
        %add3A_1112 = arith.addf %mul3A_1110, %mul3A_1111 : vector<16xf32>
        %mul3A_1113 = arith.mulf %sub3A_1079, %get3A_1100 : vector<16xf32>
        %add3A_1114 = arith.addf %mul3A_1113, %mul3A_1041 : vector<16xf32>
        %add3A_1115 = arith.addf %add3A_1112, %add3A_1114 : vector<16xf32>
        %add3A_1116 = arith.constant 128 : i32
        %add3A_1117 = arith.addi %add3A_1088, %add3A_1116 : i32
        %swap3A_1118 = arith.index_cast %add3A_1117 : i32 to index
        %swap3A_1119 = tpu.vector_load %arg35[%swap3A_1118] {strides = array<i32>} : memref<10752xf32, #tpu.memory_space<vmem>>, vector<16xf32>,
        tpu.vector_store %arg35[%swap3A_1118], %add3A_1115 {strides = array<i32>} : memref<10752xf32, #tpu.memory_space<vmem>>, vector<16xf32>,
        %mul3A_1120 = arith.mulf %sub3A_1080, %get3A_1092 : vector<16xf32>
        %mul3A_1121 = arith.mulf %add3A_1081, %get3A_1096 : vector<16xf32>
        %add3A_1122 = arith.addf %mul3A_1120, %mul3A_1121 : vector<16xf32>
        %mul3A_1123 = arith.mulf %sub3A_1085, %get3A_1100 : vector<16xf32>
        %add3A_1124 = arith.addf %mul3A_1123, %mul3A_1042 : vector<16xf32>
        %add3A_1125 = arith.addf %add3A_1122, %add3A_1124 : vector<16xf32>
        %add3A_1126 = arith.constant 256 : i32
        %add3A_1127 = arith.addi %add3A_1088, %add3A_1126 : i32
        %swap3A_1128 = arith.index_cast %add3A_1127 : i32 to index
        %swap3A_1129 = tpu.vector_load %arg35[%swap3A_1128] {strides = array<i32>} : memref<10752xf32, #tpu.memory_space<vmem>>, vector<16xf32>,
        tpu.vector_store %arg35[%swap3A_1128], %add3A_1125 {strides = array<i32>} : memref<10752xf32, #tpu.memory_space<vmem>>, vector<16xf32>,
        %add3A_1130 = arith.constant 0 : i32
        %add3A_1131 = arith.addi %add3A_703, %add3A_1130 : i32
        %get3A_1132 = arith.index_cast %add3A_1131 : i32 to index
        %get3A_1133 = tpu.vector_load %arg31[%get3A_1132] {strides = array<i32>} : memref<2048xf32, #tpu.memory_space<vmem>>, vector<16xf32>,
        %add3A_1134 = arith.constant 128 : i32
        %add3A_1135 = arith.addi %add3A_703, %add3A_1134 : i32
        %get3A_1136 = arith.index_cast %add3A_1135 : i32 to index
        %get3A_1137 = tpu.vector_load %arg31[%get3A_1136] {strides = array<i32>} : memref<2048xf32, #tpu.memory_space<vmem>>, vector<16xf32>,
        %add3A_1138 = arith.constant 256 : i32
        %add3A_1139 = arith.addi %add3A_703, %add3A_1138 : i32
        %get3A_1140 = arith.index_cast %add3A_1139 : i32 to index
        %get3A_1141 = tpu.vector_load %arg31[%get3A_1140] {strides = array<i32>} : memref<2048xf32, #tpu.memory_space<vmem>>, vector<16xf32>,
        %add3A_1142 = arith.constant 384 : i32
        %add3A_1143 = arith.addi %add3A_703, %add3A_1142 : i32
        %get3A_1144 = arith.index_cast %add3A_1143 : i32 to index
        %get3A_1145 = tpu.vector_load %arg31[%get3A_1144] {strides = array<i32>} : memref<2048xf32, #tpu.memory_space<vmem>>, vector<16xf32>,
        %mul3A_1146 = arith.mulf %add3A_964, %get3A_1133 : vector<16xf32>
        %mul3A_1147 = arith.mulf %add3A_966, %get3A_1137 : vector<16xf32>
        %sub3A_1148 = arith.subf %mul3A_1146, %mul3A_1147 : vector<16xf32>
        %mul3A_1149 = arith.mulf %add3A_968, %get3A_1141 : vector<16xf32>
        %sub3A_1150 = arith.subf %sub3A_1148, %mul3A_1149 : vector<16xf32>
        %mul3A_1151 = arith.mulf %add3A_970, %get3A_1145 : vector<16xf32>
        %sub3A_1152 = arith.subf %sub3A_1150, %mul3A_1151 : vector<16xf32>
        %mul3A_1153 = arith.mulf %add3A_964, %get3A_1137 : vector<16xf32>
        %mul3A_1154 = arith.mulf %add3A_966, %get3A_1133 : vector<16xf32>
        %add3A_1155 = arith.addf %mul3A_1153, %mul3A_1154 : vector<16xf32>
        %mul3A_1156 = arith.mulf %add3A_968, %get3A_1145 : vector<16xf32>
        %add3A_1157 = arith.addf %add3A_1155, %mul3A_1156 : vector<16xf32>
        %mul3A_1158 = arith.mulf %add3A_970, %get3A_1141 : vector<16xf32>
        %sub3A_1159 = arith.subf %add3A_1157, %mul3A_1158 : vector<16xf32>
        %mul3A_1160 = arith.mulf %add3A_964, %get3A_1141 : vector<16xf32>
        %mul3A_1161 = arith.mulf %add3A_966, %get3A_1145 : vector<16xf32>
        %sub3A_1162 = arith.subf %mul3A_1160, %mul3A_1161 : vector<16xf32>
        %mul3A_1163 = arith.mulf %add3A_968, %get3A_1133 : vector<16xf32>
        %add3A_1164 = arith.addf %sub3A_1162, %mul3A_1163 : vector<16xf32>
        %mul3A_1165 = arith.mulf %add3A_970, %get3A_1137 : vector<16xf32>
        %add3A_1166 = arith.addf %add3A_1164, %mul3A_1165 : vector<16xf32>
        %mul3A_1167 = arith.mulf %add3A_964, %get3A_1145 : vector<16xf32>
        %mul3A_1168 = arith.mulf %add3A_966, %get3A_1141 : vector<16xf32>
        %add3A_1169 = arith.addf %mul3A_1167, %mul3A_1168 : vector<16xf32>
        %mul3A_1170 = arith.mulf %add3A_968, %get3A_1137 : vector<16xf32>
        %sub3A_1171 = arith.subf %add3A_1169, %mul3A_1170 : vector<16xf32>
        %mul3A_1172 = arith.mulf %add3A_970, %get3A_1133 : vector<16xf32>
        %add3A_1173 = arith.addf %sub3A_1171, %mul3A_1172 : vector<16xf32>
        %mul3A_1174 = arith.mulf %sub3A_1152, %sub3A_1152 : vector<16xf32>
        %mul3A_1175 = arith.mulf %sub3A_1159, %sub3A_1159 : vector<16xf32>
        %add3A_1176 = arith.addf %mul3A_1174, %mul3A_1175 : vector<16xf32>
        %mul3A_1177 = arith.mulf %add3A_1166, %add3A_1166 : vector<16xf32>
        %mul3A_1178 = arith.mulf %add3A_1173, %add3A_1173 : vector<16xf32>
        %add3A_1179 = arith.addf %mul3A_1177, %mul3A_1178 : vector<16xf32>
        %add3A_1180 = arith.addf %add3A_1176, %add3A_1179 : vector<16xf32>
        %add3A_1181 = arith.constant 1.000000e-30 : f32
        %add3A_1182 = vector.broadcast %add3A_1181 : f32 to vector<16xf32>
        %add3A_1183 = arith.addf %add3A_1180, %add3A_1182 : vector<16xf32>
        %div3A_1184 = arith.constant 2.000000e+00 : f32
        %div3A_1185 = vector.broadcast %div3A_1184 : f32 to vector<16xf32>
        %div3A_1186 = arith.divf %div3A_1185, %add3A_1183 : vector<16xf32>
        %mul3A_1187 = arith.mulf %sub3A_1159, %div3A_1186 : vector<16xf32>
        %mul3A_1188 = arith.mulf %add3A_1166, %div3A_1186 : vector<16xf32>
        %mul3A_1189 = arith.mulf %add3A_1173, %div3A_1186 : vector<16xf32>
        %mul3A_1190 = arith.mulf %sub3A_1152, %mul3A_1187 : vector<16xf32>
        %mul3A_1191 = arith.mulf %sub3A_1152, %mul3A_1188 : vector<16xf32>
        %mul3A_1192 = arith.mulf %sub3A_1152, %mul3A_1189 : vector<16xf32>
        %mul3A_1193 = arith.mulf %sub3A_1159, %mul3A_1187 : vector<16xf32>
        %mul3A_1194 = arith.mulf %sub3A_1159, %mul3A_1188 : vector<16xf32>
        %mul3A_1195 = arith.mulf %sub3A_1159, %mul3A_1189 : vector<16xf32>
        %mul3A_1196 = arith.mulf %add3A_1166, %mul3A_1188 : vector<16xf32>
        %mul3A_1197 = arith.mulf %add3A_1166, %mul3A_1189 : vector<16xf32>
        %mul3A_1198 = arith.mulf %add3A_1173, %mul3A_1189 : vector<16xf32>
        %add3A_1199 = arith.addf %mul3A_1196, %mul3A_1198 : vector<16xf32>
        %sub3A_1200 = arith.constant 1.000000e+00 : f32
        %sub3A_1201 = vector.broadcast %sub3A_1200 : f32 to vector<16xf32>
        %sub3A_1202 = arith.subf %sub3A_1201, %add3A_1199 : vector<16xf32>
        %sub3A_1203 = arith.subf %mul3A_1194, %mul3A_1192 : vector<16xf32>
        %add3A_1204 = arith.addf %mul3A_1195, %mul3A_1191 : vector<16xf32>
        %add3A_1205 = arith.addf %mul3A_1194, %mul3A_1192 : vector<16xf32>
        %add3A_1206 = arith.addf %mul3A_1193, %mul3A_1198 : vector<16xf32>
        %sub3A_1207 = arith.constant 1.000000e+00 : f32
        %sub3A_1208 = vector.broadcast %sub3A_1207 : f32 to vector<16xf32>
        %sub3A_1209 = arith.subf %sub3A_1208, %add3A_1206 : vector<16xf32>
        %sub3A_1210 = arith.subf %mul3A_1197, %mul3A_1190 : vector<16xf32>
        %sub3A_1211 = arith.subf %mul3A_1195, %mul3A_1191 : vector<16xf32>
        %add3A_1212 = arith.addf %mul3A_1197, %mul3A_1190 : vector<16xf32>
        %add3A_1213 = arith.addf %mul3A_1193, %mul3A_1196 : vector<16xf32>
        %sub3A_1214 = arith.constant 1.000000e+00 : f32
        %sub3A_1215 = vector.broadcast %sub3A_1214 : f32 to vector<16xf32>
        %sub3A_1216 = arith.subf %sub3A_1215, %add3A_1213 : vector<16xf32>
        %add3A_1217 = arith.constant 2048 : i32
        %add3A_1218 = arith.addi %add3A_1217, %add3A_1088 : i32
        %add3A_1219 = arith.constant 0 : i32
        %add3A_1220 = arith.addi %add3A_1218, %add3A_1219 : i32
        %swap3A_1221 = arith.index_cast %add3A_1220 : i32 to index
        %swap3A_1222 = tpu.vector_load %arg35[%swap3A_1221] {strides = array<i32>} : memref<10752xf32, #tpu.memory_space<vmem>>, vector<16xf32>,
        tpu.vector_store %arg35[%swap3A_1221], %sub3A_1202 {strides = array<i32>} : memref<10752xf32, #tpu.memory_space<vmem>>, vector<16xf32>,
        %add3A_1223 = arith.constant 128 : i32
        %add3A_1224 = arith.addi %add3A_1218, %add3A_1223 : i32
        %swap3A_1225 = arith.index_cast %add3A_1224 : i32 to index
        %swap3A_1226 = tpu.vector_load %arg35[%swap3A_1225] {strides = array<i32>} : memref<10752xf32, #tpu.memory_space<vmem>>, vector<16xf32>,
        tpu.vector_store %arg35[%swap3A_1225], %sub3A_1203 {strides = array<i32>} : memref<10752xf32, #tpu.memory_space<vmem>>, vector<16xf32>,
        %add3A_1227 = arith.constant 256 : i32
        %add3A_1228 = arith.addi %add3A_1218, %add3A_1227 : i32
        %swap3A_1229 = arith.index_cast %add3A_1228 : i32 to index
        %swap3A_1230 = tpu.vector_load %arg35[%swap3A_1229] {strides = array<i32>} : memref<10752xf32, #tpu.memory_space<vmem>>, vector<16xf32>,
        tpu.vector_store %arg35[%swap3A_1229], %add3A_1204 {strides = array<i32>} : memref<10752xf32, #tpu.memory_space<vmem>>, vector<16xf32>,
        %add3A_1231 = arith.constant 4096 : i32
        %add3A_1232 = arith.addi %add3A_1231, %add3A_1088 : i32
        %add3A_1233 = arith.constant 0 : i32
        %add3A_1234 = arith.addi %add3A_1232, %add3A_1233 : i32
        %swap3A_1235 = arith.index_cast %add3A_1234 : i32 to index
        %swap3A_1236 = tpu.vector_load %arg35[%swap3A_1235] {strides = array<i32>} : memref<10752xf32, #tpu.memory_space<vmem>>, vector<16xf32>,
        tpu.vector_store %arg35[%swap3A_1235], %add3A_1205 {strides = array<i32>} : memref<10752xf32, #tpu.memory_space<vmem>>, vector<16xf32>,
        %add3A_1237 = arith.constant 128 : i32
        %add3A_1238 = arith.addi %add3A_1232, %add3A_1237 : i32
        %swap3A_1239 = arith.index_cast %add3A_1238 : i32 to index
        %swap3A_1240 = tpu.vector_load %arg35[%swap3A_1239] {strides = array<i32>} : memref<10752xf32, #tpu.memory_space<vmem>>, vector<16xf32>,
        tpu.vector_store %arg35[%swap3A_1239], %sub3A_1209 {strides = array<i32>} : memref<10752xf32, #tpu.memory_space<vmem>>, vector<16xf32>,
        %add3A_1241 = arith.constant 256 : i32
        %add3A_1242 = arith.addi %add3A_1232, %add3A_1241 : i32
        %swap3A_1243 = arith.index_cast %add3A_1242 : i32 to index
        %swap3A_1244 = tpu.vector_load %arg35[%swap3A_1243] {strides = array<i32>} : memref<10752xf32, #tpu.memory_space<vmem>>, vector<16xf32>,
        tpu.vector_store %arg35[%swap3A_1243], %sub3A_1210 {strides = array<i32>} : memref<10752xf32, #tpu.memory_space<vmem>>, vector<16xf32>,
        %add3A_1245 = arith.constant 6144 : i32
        %add3A_1246 = arith.addi %add3A_1245, %add3A_1088 : i32
        %add3A_1247 = arith.constant 0 : i32
        %add3A_1248 = arith.addi %add3A_1246, %add3A_1247 : i32
        %swap3A_1249 = arith.index_cast %add3A_1248 : i32 to index
        %swap3A_1250 = tpu.vector_load %arg35[%swap3A_1249] {strides = array<i32>} : memref<10752xf32, #tpu.memory_space<vmem>>, vector<16xf32>,
        tpu.vector_store %arg35[%swap3A_1249], %sub3A_1211 {strides = array<i32>} : memref<10752xf32, #tpu.memory_space<vmem>>, vector<16xf32>,
        %add3A_1251 = arith.constant 128 : i32
        %add3A_1252 = arith.addi %add3A_1246, %add3A_1251 : i32
        %swap3A_1253 = arith.index_cast %add3A_1252 : i32 to index
        %swap3A_1254 = tpu.vector_load %arg35[%swap3A_1253] {strides = array<i32>} : memref<10752xf32, #tpu.memory_space<vmem>>, vector<16xf32>,
        tpu.vector_store %arg35[%swap3A_1253], %add3A_1212 {strides = array<i32>} : memref<10752xf32, #tpu.memory_space<vmem>>, vector<16xf32>,
        %add3A_1255 = arith.constant 256 : i32
        %add3A_1256 = arith.addi %add3A_1246, %add3A_1255 : i32
        %swap3A_1257 = arith.index_cast %add3A_1256 : i32 to index
        %swap3A_1258 = tpu.vector_load %arg35[%swap3A_1257] {strides = array<i32>} : memref<10752xf32, #tpu.memory_space<vmem>>, vector<16xf32>,
        tpu.vector_store %arg35[%swap3A_1257], %sub3A_1216 {strides = array<i32>} : memref<10752xf32, #tpu.memory_space<vmem>>, vector<16xf32>,
        %add3A_1259 = arith.constant 8192 : i32
        %add3A_1260 = arith.addi %add3A_1259, %add3A_1088 : i32
        %add3A_1261 = arith.constant 1536 : i32
        %add3A_1262 = arith.addi %add3A_1261, %mul3A_667 : i32
        %get3A_1263 = arith.index_cast %add3A_1262 : i32 to index
        %get3A_1264 = tpu.vector_load %arg30[%get3A_1263] {strides = array<i32>} : memref<3584xf32, #tpu.memory_space<vmem>>, vector<16xf32>,
        %exp3A = math.exp %get3A_1264 : vector<16xf32>
        %add3A_1265 = arith.constant 0 : i32
        %add3A_1266 = arith.addi %add3A_1260, %add3A_1265 : i32
        %swap3A_1267 = arith.index_cast %add3A_1266 : i32 to index
        %swap3A_1268 = tpu.vector_load %arg35[%swap3A_1267] {strides = array<i32>} : memref<10752xf32, #tpu.memory_space<vmem>>, vector<16xf32>,
        tpu.vector_store %arg35[%swap3A_1267], %exp3A {strides = array<i32>} : memref<10752xf32, #tpu.memory_space<vmem>>, vector<16xf32>,
        %add3A_1269 = arith.constant 2048 : i32
        %add3A_1270 = arith.addi %add3A_1269, %mul3A_667 : i32
        %get3A_1271 = arith.index_cast %add3A_1270 : i32 to index
        %get3A_1272 = tpu.vector_load %arg30[%get3A_1271] {strides = array<i32>} : memref<3584xf32, #tpu.memory_space<vmem>>, vector<16xf32>,
        %exp3A_1273 = math.exp %get3A_1272 : vector<16xf32>
        %add3A_1274 = arith.constant 128 : i32
        %add3A_1275 = arith.addi %add3A_1260, %add3A_1274 : i32
        %swap3A_1276 = arith.index_cast %add3A_1275 : i32 to index
        %swap3A_1277 = tpu.vector_load %arg35[%swap3A_1276] {strides = array<i32>} : memref<10752xf32, #tpu.memory_space<vmem>>, vector<16xf32>,
        tpu.vector_store %arg35[%swap3A_1276], %exp3A_1273 {strides = array<i32>} : memref<10752xf32, #tpu.memory_space<vmem>>, vector<16xf32>,
        %add3A_1278 = arith.constant 2560 : i32
        %add3A_1279 = arith.addi %add3A_1278, %mul3A_667 : i32
        %get3A_1280 = arith.index_cast %add3A_1279 : i32 to index
        %get3A_1281 = tpu.vector_load %arg30[%get3A_1280] {strides = array<i32>} : memref<3584xf32, #tpu.memory_space<vmem>>, vector<16xf32>,
        %exp3A_1282 = math.exp %get3A_1281 : vector<16xf32>
        %add3A_1283 = arith.constant 256 : i32
        %add3A_1284 = arith.addi %add3A_1260, %add3A_1283 : i32
        %swap3A_1285 = arith.index_cast %add3A_1284 : i32 to index
        %swap3A_1286 = tpu.vector_load %arg35[%swap3A_1285] {strides = array<i32>} : memref<10752xf32, #tpu.memory_space<vmem>>, vector<16xf32>,
        tpu.vector_store %arg35[%swap3A_1285], %exp3A_1282 {strides = array<i32>} : memref<10752xf32, #tpu.memory_space<vmem>>, vector<16xf32>,
        %add3A_1287 = arith.constant 3072 : i32
        %add3A_1288 = arith.addi %add3A_1287, %mul3A_667 : i32
        %get3A_1289 = arith.index_cast %add3A_1288 : i32 to index
        %get3A_1290 = tpu.vector_load %arg30[%get3A_1289] {strides = array<i32>} : memref<3584xf32, #tpu.memory_space<vmem>>, vector<16xf32>,
        %neg3A_1291 = arith.constant 0.000000e+00 : f32
        %neg3A_1292 = vector.broadcast %neg3A_1291 : f32 to vector<16xf32>
        %neg3A_1293 = arith.subf %neg3A_1292, %get3A_1290 : vector<16xf32>
        %exp3A_1294 = math.exp %neg3A_1293 : vector<16xf32>
        %add3A_1295 = arith.constant 1.000000e+00 : f32
        %add3A_1296 = vector.broadcast %add3A_1295 : f32 to vector<16xf32>
        %add3A_1297 = arith.addf %add3A_1296, %exp3A_1294 : vector<16xf32>
        %div3A_1298 = arith.constant 1.000000e+00 : f32
        %div3A_1299 = vector.broadcast %div3A_1298 : f32 to vector<16xf32>
        %div3A_1300 = arith.divf %div3A_1299, %add3A_1297 : vector<16xf32>
        %add3A_1301 = arith.constant 10240 : i32
        %add3A_1302 = arith.addi %add3A_1301, %mul3A_667 : i32
        %swap3A_1303 = arith.index_cast %add3A_1302 : i32 to index
        %swap3A_1304 = tpu.vector_load %arg35[%swap3A_1303] {strides = array<i32>} : memref<10752xf32, #tpu.memory_space<vmem>>, vector<16xf32>,
        tpu.vector_store %arg35[%swap3A_1303], %div3A_1300 {strides = array<i32>} : memref<10752xf32, #tpu.memory_space<vmem>>, vector<16xf32>,
        %mul3A_1305 = arith.constant 2 : i32
        %mul3A_1306 = arith.muli %scan3A_661, %mul3A_1305 : i32
        %add3A_1307 = arith.constant 1 : i32
        %add3A_1308 = arith.addi %mul3A_1306, %add3A_1307 : i32
        %mul3A_1309 = arith.constant 16 : i32
        %mul3A_1310 = arith.muli %add3A_1308, %mul3A_1309 : i32
        %jit3A_1311 = arith.constant 8 : i32
        %div3A_1312 = arith.divsi %add3A_1308, %jit3A_1311 : i32
        %sign3A_1313 = arith.constant 0 : i32
        %sign3A_1314 = arith.cmpi sgt, %add3A_1308, %sign3A_1313 : i32
        %sign3A_1315 = arith.extui %sign3A_1314 : i1 to i32
        %sign3A_1316 = arith.constant 0 : i32
        %sign3A_1317 = arith.cmpi slt, %add3A_1308, %sign3A_1316 : i32
        %sign3A_1318 = arith.extui %sign3A_1317 : i1 to i32
        %sign3A_1319 = arith.subi %sign3A_1315, %sign3A_1318 : i32
        %sign3A_1320 = arith.constant 0 : i32
        %sign3A_1321 = arith.cmpi sgt, %jit3A_1311, %sign3A_1320 : i32
        %sign3A_1322 = arith.extui %sign3A_1321 : i1 to i32
        %sign3A_1323 = arith.constant 0 : i32
        %sign3A_1324 = arith.cmpi slt, %jit3A_1311, %sign3A_1323 : i32
        %sign3A_1325 = arith.extui %sign3A_1324 : i1 to i32
        %sign3A_1326 = arith.subi %sign3A_1322, %sign3A_1325 : i32
        %ne3A_1327 = arith.cmpi ne, %sign3A_1319, %sign3A_1326 : i32
        %rem3A_1328 = arith.remsi %add3A_1308, %jit3A_1311 : i32
        %ne3A_1329 = arith.constant 0 : i32
        %ne3A_1330 = arith.cmpi ne, %rem3A_1328, %ne3A_1329 : i32
        %and3A_1331 = arith.andi %ne3A_1327, %ne3A_1330 : i1
        %sub3A_1332 = arith.constant 1 : i32
        %sub3A_1333 = arith.subi %div3A_1312, %sub3A_1332 : i32
        %select_n3A_1334 = arith.select %and3A_1331, %sub3A_1333, %div3A_1312 : i32
        %jit3A_1335 = arith.constant 8 : i32
        %eq3A_1336 = arith.constant 0 : i32
        %eq3A_1337 = arith.cmpi eq, %jit3A_1335, %eq3A_1336 : i32
        %jit3A_1338 = arith.constant 1 : i32
        %select_n3A_1339 = arith.select %eq3A_1337, %jit3A_1338, %jit3A_1335 : i32
        %rem3A_1340 = arith.remsi %add3A_1308, %select_n3A_1339 : i32
        %ne3A_1341 = arith.constant 0 : i32
        %ne3A_1342 = arith.cmpi ne, %rem3A_1340, %ne3A_1341 : i32
        %lt3A_1343 = arith.constant 0 : i32
        %lt3A_1344 = arith.cmpi slt, %rem3A_1340, %lt3A_1343 : i32
        %lt3A_1345 = arith.constant 0 : i32
        %lt3A_1346 = arith.cmpi slt, %select_n3A_1339, %lt3A_1345 : i32
        %ne3A_1347 = arith.xori %lt3A_1344, %lt3A_1346 : i1
        %and3A_1348 = arith.andi %ne3A_1347, %ne3A_1342 : i1
        %add3A_1349 = arith.addi %rem3A_1340, %select_n3A_1339 : i32
        %select_n3A_1350 = arith.select %and3A_1348, %add3A_1349, %rem3A_1340 : i32
        %mul3A_1351 = arith.constant 16 : i32
        %mul3A_1352 = arith.muli %select_n3A_1350, %mul3A_1351 : i32
        %mul3A_1353 = arith.constant 512 : i32
        %mul3A_1354 = arith.muli %select_n3A_1334, %mul3A_1353 : i32
        %add3A_1355 = arith.addi %mul3A_1354, %mul3A_1352 : i32
        %mul3A_1356 = arith.constant 1024 : i32
        %mul3A_1357 = arith.muli %select_n3A_1334, %mul3A_1356 : i32
        %add3A_1358 = arith.addi %mul3A_1357, %mul3A_1352 : i32
        %add3A_1359 = arith.constant 0 : i32
        %add3A_1360 = arith.addi %add3A_1358, %add3A_1359 : i32
        %get3A_1361 = arith.index_cast %add3A_1360 : i32 to index
        %get3A_1362 = tpu.vector_load %arg33[%get3A_1361] {strides = array<i32>} : memref<4096xi32, #tpu.memory_space<vmem>>, vector<16xi32>,
        %add3A_1363 = arith.constant 128 : i32
        %add3A_1364 = arith.addi %add3A_1358, %add3A_1363 : i32
        %get3A_1365 = arith.index_cast %add3A_1364 : i32 to index
        %get3A_1366 = tpu.vector_load %arg33[%get3A_1365] {strides = array<i32>} : memref<4096xi32, #tpu.memory_space<vmem>>, vector<16xi32>,
        %add3A_1367 = arith.constant 256 : i32
        %add3A_1368 = arith.addi %add3A_1358, %add3A_1367 : i32
        %get3A_1369 = arith.index_cast %add3A_1368 : i32 to index
        %get3A_1370 = tpu.vector_load %arg33[%get3A_1369] {strides = array<i32>} : memref<4096xi32, #tpu.memory_space<vmem>>, vector<16xi32>,
        %add3A_1371 = arith.constant 384 : i32
        %add3A_1372 = arith.addi %add3A_1358, %add3A_1371 : i32
        %get3A_1373 = arith.index_cast %add3A_1372 : i32 to index
        %get3A_1374 = tpu.vector_load %arg33[%get3A_1373] {strides = array<i32>} : memref<4096xi32, #tpu.memory_space<vmem>>, vector<16xi32>,
        %add3A_1375 = arith.constant 512 : i32
        %add3A_1376 = arith.addi %add3A_1358, %add3A_1375 : i32
        %get3A_1377 = arith.index_cast %add3A_1376 : i32 to index
        %get3A_1378 = tpu.vector_load %arg33[%get3A_1377] {strides = array<i32>} : memref<4096xi32, #tpu.memory_space<vmem>>, vector<16xi32>,
        %add3A_1379 = arith.constant 640 : i32
        %add3A_1380 = arith.addi %add3A_1358, %add3A_1379 : i32
        %get3A_1381 = arith.index_cast %add3A_1380 : i32 to index
        %get3A_1382 = tpu.vector_load %arg33[%get3A_1381] {strides = array<i32>} : memref<4096xi32, #tpu.memory_space<vmem>>, vector<16xi32>,
        %add3A_1383 = arith.constant 768 : i32
        %add3A_1384 = arith.addi %add3A_1358, %add3A_1383 : i32
        %get3A_1385 = arith.index_cast %add3A_1384 : i32 to index
        %get3A_1386 = tpu.vector_load %arg33[%get3A_1385] {strides = array<i32>} : memref<4096xi32, #tpu.memory_space<vmem>>, vector<16xi32>,
        %add3A_1387 = arith.constant 896 : i32
        %add3A_1388 = arith.addi %add3A_1358, %add3A_1387 : i32
        %get3A_1389 = arith.index_cast %add3A_1388 : i32 to index
        %get3A_1390 = tpu.vector_load %arg33[%get3A_1389] {strides = array<i32>} : memref<4096xi32, #tpu.memory_space<vmem>>, vector<16xi32>,
        %add3A_1391 = arith.constant 0 : i32
        %add3A_1392 = arith.addi %add3A_1358, %add3A_1391 : i32
        %get3A_1393 = arith.index_cast %add3A_1392 : i32 to index
        %get3A_1394 = tpu.vector_load %arg32[%get3A_1393] {strides = array<i32>} : memref<4096xf32, #tpu.memory_space<vmem>>, vector<16xf32>,
        %add3A_1395 = arith.constant 128 : i32
        %add3A_1396 = arith.addi %add3A_1358, %add3A_1395 : i32
        %get3A_1397 = arith.index_cast %add3A_1396 : i32 to index
        %get3A_1398 = tpu.vector_load %arg32[%get3A_1397] {strides = array<i32>} : memref<4096xf32, #tpu.memory_space<vmem>>, vector<16xf32>,
        %add3A_1399 = arith.constant 256 : i32
        %add3A_1400 = arith.addi %add3A_1358, %add3A_1399 : i32
        %get3A_1401 = arith.index_cast %add3A_1400 : i32 to index
        %get3A_1402 = tpu.vector_load %arg32[%get3A_1401] {strides = array<i32>} : memref<4096xf32, #tpu.memory_space<vmem>>, vector<16xf32>,
        %add3A_1403 = arith.constant 384 : i32
        %add3A_1404 = arith.addi %add3A_1358, %add3A_1403 : i32
        %get3A_1405 = arith.index_cast %add3A_1404 : i32 to index
        %get3A_1406 = tpu.vector_load %arg32[%get3A_1405] {strides = array<i32>} : memref<4096xf32, #tpu.memory_space<vmem>>, vector<16xf32>,
        %add3A_1407 = arith.constant 512 : i32
        %add3A_1408 = arith.addi %add3A_1358, %add3A_1407 : i32
        %get3A_1409 = arith.index_cast %add3A_1408 : i32 to index
        %get3A_1410 = tpu.vector_load %arg32[%get3A_1409] {strides = array<i32>} : memref<4096xf32, #tpu.memory_space<vmem>>, vector<16xf32>,
        %add3A_1411 = arith.constant 640 : i32
        %add3A_1412 = arith.addi %add3A_1358, %add3A_1411 : i32
        %get3A_1413 = arith.index_cast %add3A_1412 : i32 to index
        %get3A_1414 = tpu.vector_load %arg32[%get3A_1413] {strides = array<i32>} : memref<4096xf32, #tpu.memory_space<vmem>>, vector<16xf32>,
        %add3A_1415 = arith.constant 768 : i32
        %add3A_1416 = arith.addi %add3A_1358, %add3A_1415 : i32
        %get3A_1417 = arith.index_cast %add3A_1416 : i32 to index
        %get3A_1418 = tpu.vector_load %arg32[%get3A_1417] {strides = array<i32>} : memref<4096xf32, #tpu.memory_space<vmem>>, vector<16xf32>,
        %add3A_1419 = arith.constant 896 : i32
        %add3A_1420 = arith.addi %add3A_1358, %add3A_1419 : i32
        %get3A_1421 = arith.index_cast %add3A_1420 : i32 to index
        %get3A_1422 = tpu.vector_load %arg32[%get3A_1421] {strides = array<i32>} : memref<4096xf32, #tpu.memory_space<vmem>>, vector<16xf32>,
        %add3A_1423 = arith.addf %get3A_1394, %get3A_1398 : vector<16xf32>
        %add3A_1424 = arith.addf %get3A_1402, %get3A_1406 : vector<16xf32>
        %add3A_1425 = arith.addf %add3A_1423, %add3A_1424 : vector<16xf32>
        %add3A_1426 = arith.addf %get3A_1410, %get3A_1414 : vector<16xf32>
        %add3A_1427 = arith.addf %get3A_1418, %get3A_1422 : vector<16xf32>
        %add3A_1428 = arith.addf %add3A_1426, %add3A_1427 : vector<16xf32>
        %add3A_1429 = arith.addf %add3A_1425, %add3A_1428 : vector<16xf32>
        %add3A_1430 = arith.constant 9.99999993E-9 : f32
        %add3A_1431 = vector.broadcast %add3A_1430 : f32 to vector<16xf32>
        %add3A_1432 = arith.addf %add3A_1429, %add3A_1431 : vector<16xf32>
        %div3A_1433 = arith.constant 1.000000e+00 : f32
        %div3A_1434 = vector.broadcast %div3A_1433 : f32 to vector<16xf32>
        %div3A_1435 = arith.divf %div3A_1434, %add3A_1432 : vector<16xf32>
        %gather3A_1436 = tpu.vector_load_idx %arg17[%get3A_1362] : memref<4096xf32, #tpu.memory_space<vmem>>[vector<16xi32>], vector<16xf32>,
        %gather3A_1437 = tpu.vector_load_idx %arg18[%get3A_1362] : memref<4096xf32, #tpu.memory_space<vmem>>[vector<16xi32>], vector<16xf32>,
        %gather3A_1438 = tpu.vector_load_idx %arg19[%get3A_1362] : memref<4096xf32, #tpu.memory_space<vmem>>[vector<16xi32>], vector<16xf32>,
        %gather3A_1439 = tpu.vector_load_idx %arg20[%get3A_1362] : memref<4096xf32, #tpu.memory_space<vmem>>[vector<16xi32>], vector<16xf32>,
        %gather3A_1440 = tpu.vector_load_idx %arg17[%get3A_1366] : memref<4096xf32, #tpu.memory_space<vmem>>[vector<16xi32>], vector<16xf32>,
        %gather3A_1441 = tpu.vector_load_idx %arg18[%get3A_1366] : memref<4096xf32, #tpu.memory_space<vmem>>[vector<16xi32>], vector<16xf32>,
        %gather3A_1442 = tpu.vector_load_idx %arg19[%get3A_1366] : memref<4096xf32, #tpu.memory_space<vmem>>[vector<16xi32>], vector<16xf32>,
        %gather3A_1443 = tpu.vector_load_idx %arg20[%get3A_1366] : memref<4096xf32, #tpu.memory_space<vmem>>[vector<16xi32>], vector<16xf32>,
        %mul3A_1444 = arith.mulf %gather3A_1436, %gather3A_1440 : vector<16xf32>
        %mul3A_1445 = arith.mulf %gather3A_1437, %gather3A_1441 : vector<16xf32>
        %add3A_1446 = arith.addf %mul3A_1444, %mul3A_1445 : vector<16xf32>
        %mul3A_1447 = arith.mulf %gather3A_1438, %gather3A_1442 : vector<16xf32>
        %mul3A_1448 = arith.mulf %gather3A_1439, %gather3A_1443 : vector<16xf32>
        %add3A_1449 = arith.addf %mul3A_1447, %mul3A_1448 : vector<16xf32>
        %add3A_1450 = arith.addf %add3A_1446, %add3A_1449 : vector<16xf32>
        %lt3A_1451 = arith.constant 0.000000e+00 : f32
        %lt3A_1452 = vector.broadcast %lt3A_1451 : f32 to vector<16xf32>
        %lt3A_1453 = arith.cmpf olt, %add3A_1450, %lt3A_1452 : vector<16xf32>
        %neg3A_1454 = arith.constant 0.000000e+00 : f32
        %neg3A_1455 = vector.broadcast %neg3A_1454 : f32 to vector<16xf32>
        %neg3A_1456 = arith.subf %neg3A_1455, %get3A_1398 : vector<16xf32>
        %select_n3A_1457 = arith.select %lt3A_1453, %neg3A_1456, %get3A_1398 : vector<16xi1>, vector<16xf32>
        %mul3A_1458 = arith.mulf %select_n3A_1457, %gather3A_1440 : vector<16xf32>
        %mul3A_1459 = arith.mulf %select_n3A_1457, %gather3A_1441 : vector<16xf32>
        %mul3A_1460 = arith.mulf %select_n3A_1457, %gather3A_1442 : vector<16xf32>
        %mul3A_1461 = arith.mulf %select_n3A_1457, %gather3A_1443 : vector<16xf32>
        %gather3A_1462 = tpu.vector_load_idx %arg17[%get3A_1370] : memref<4096xf32, #tpu.memory_space<vmem>>[vector<16xi32>], vector<16xf32>,
        %gather3A_1463 = tpu.vector_load_idx %arg18[%get3A_1370] : memref<4096xf32, #tpu.memory_space<vmem>>[vector<16xi32>], vector<16xf32>,
        %gather3A_1464 = tpu.vector_load_idx %arg19[%get3A_1370] : memref<4096xf32, #tpu.memory_space<vmem>>[vector<16xi32>], vector<16xf32>,
        %gather3A_1465 = tpu.vector_load_idx %arg20[%get3A_1370] : memref<4096xf32, #tpu.memory_space<vmem>>[vector<16xi32>], vector<16xf32>,
        %mul3A_1466 = arith.mulf %gather3A_1436, %gather3A_1462 : vector<16xf32>
        %mul3A_1467 = arith.mulf %gather3A_1437, %gather3A_1463 : vector<16xf32>
        %add3A_1468 = arith.addf %mul3A_1466, %mul3A_1467 : vector<16xf32>
        %mul3A_1469 = arith.mulf %gather3A_1438, %gather3A_1464 : vector<16xf32>
        %mul3A_1470 = arith.mulf %gather3A_1439, %gather3A_1465 : vector<16xf32>
        %add3A_1471 = arith.addf %mul3A_1469, %mul3A_1470 : vector<16xf32>
        %add3A_1472 = arith.addf %add3A_1468, %add3A_1471 : vector<16xf32>
        %lt3A_1473 = arith.constant 0.000000e+00 : f32
        %lt3A_1474 = vector.broadcast %lt3A_1473 : f32 to vector<16xf32>
        %lt3A_1475 = arith.cmpf olt, %add3A_1472, %lt3A_1474 : vector<16xf32>
        %neg3A_1476 = arith.constant 0.000000e+00 : f32
        %neg3A_1477 = vector.broadcast %neg3A_1476 : f32 to vector<16xf32>
        %neg3A_1478 = arith.subf %neg3A_1477, %get3A_1402 : vector<16xf32>
        %select_n3A_1479 = arith.select %lt3A_1475, %neg3A_1478, %get3A_1402 : vector<16xi1>, vector<16xf32>
        %mul3A_1480 = arith.mulf %select_n3A_1479, %gather3A_1462 : vector<16xf32>
        %add3A_1481 = arith.addf %mul3A_1458, %mul3A_1480 : vector<16xf32>
        %mul3A_1482 = arith.mulf %select_n3A_1479, %gather3A_1463 : vector<16xf32>
        %add3A_1483 = arith.addf %mul3A_1459, %mul3A_1482 : vector<16xf32>
        %mul3A_1484 = arith.mulf %select_n3A_1479, %gather3A_1464 : vector<16xf32>
        %add3A_1485 = arith.addf %mul3A_1460, %mul3A_1484 : vector<16xf32>
        %mul3A_1486 = arith.mulf %select_n3A_1479, %gather3A_1465 : vector<16xf32>
        %add3A_1487 = arith.addf %mul3A_1461, %mul3A_1486 : vector<16xf32>
        %gather3A_1488 = tpu.vector_load_idx %arg17[%get3A_1374] : memref<4096xf32, #tpu.memory_space<vmem>>[vector<16xi32>], vector<16xf32>,
        %gather3A_1489 = tpu.vector_load_idx %arg18[%get3A_1374] : memref<4096xf32, #tpu.memory_space<vmem>>[vector<16xi32>], vector<16xf32>,
        %gather3A_1490 = tpu.vector_load_idx %arg19[%get3A_1374] : memref<4096xf32, #tpu.memory_space<vmem>>[vector<16xi32>], vector<16xf32>,
        %gather3A_1491 = tpu.vector_load_idx %arg20[%get3A_1374] : memref<4096xf32, #tpu.memory_space<vmem>>[vector<16xi32>], vector<16xf32>,
        %mul3A_1492 = arith.mulf %gather3A_1436, %gather3A_1488 : vector<16xf32>
        %mul3A_1493 = arith.mulf %gather3A_1437, %gather3A_1489 : vector<16xf32>
        %add3A_1494 = arith.addf %mul3A_1492, %mul3A_1493 : vector<16xf32>
        %mul3A_1495 = arith.mulf %gather3A_1438, %gather3A_1490 : vector<16xf32>
        %mul3A_1496 = arith.mulf %gather3A_1439, %gather3A_1491 : vector<16xf32>
        %add3A_1497 = arith.addf %mul3A_1495, %mul3A_1496 : vector<16xf32>
        %add3A_1498 = arith.addf %add3A_1494, %add3A_1497 : vector<16xf32>
        %lt3A_1499 = arith.constant 0.000000e+00 : f32
        %lt3A_1500 = vector.broadcast %lt3A_1499 : f32 to vector<16xf32>
        %lt3A_1501 = arith.cmpf olt, %add3A_1498, %lt3A_1500 : vector<16xf32>
        %neg3A_1502 = arith.constant 0.000000e+00 : f32
        %neg3A_1503 = vector.broadcast %neg3A_1502 : f32 to vector<16xf32>
        %neg3A_1504 = arith.subf %neg3A_1503, %get3A_1406 : vector<16xf32>
        %select_n3A_1505 = arith.select %lt3A_1501, %neg3A_1504, %get3A_1406 : vector<16xi1>, vector<16xf32>
        %mul3A_1506 = arith.mulf %select_n3A_1505, %gather3A_1488 : vector<16xf32>
        %add3A_1507 = arith.addf %add3A_1481, %mul3A_1506 : vector<16xf32>
        %mul3A_1508 = arith.mulf %select_n3A_1505, %gather3A_1489 : vector<16xf32>
        %add3A_1509 = arith.addf %add3A_1483, %mul3A_1508 : vector<16xf32>
        %mul3A_1510 = arith.mulf %select_n3A_1505, %gather3A_1490 : vector<16xf32>
        %add3A_1511 = arith.addf %add3A_1485, %mul3A_1510 : vector<16xf32>
        %mul3A_1512 = arith.mulf %select_n3A_1505, %gather3A_1491 : vector<16xf32>
        %add3A_1513 = arith.addf %add3A_1487, %mul3A_1512 : vector<16xf32>
        %gather3A_1514 = tpu.vector_load_idx %arg17[%get3A_1378] : memref<4096xf32, #tpu.memory_space<vmem>>[vector<16xi32>], vector<16xf32>,
        %gather3A_1515 = tpu.vector_load_idx %arg18[%get3A_1378] : memref<4096xf32, #tpu.memory_space<vmem>>[vector<16xi32>], vector<16xf32>,
        %gather3A_1516 = tpu.vector_load_idx %arg19[%get3A_1378] : memref<4096xf32, #tpu.memory_space<vmem>>[vector<16xi32>], vector<16xf32>,
        %gather3A_1517 = tpu.vector_load_idx %arg20[%get3A_1378] : memref<4096xf32, #tpu.memory_space<vmem>>[vector<16xi32>], vector<16xf32>,
        %mul3A_1518 = arith.mulf %gather3A_1436, %gather3A_1514 : vector<16xf32>
        %mul3A_1519 = arith.mulf %gather3A_1437, %gather3A_1515 : vector<16xf32>
        %add3A_1520 = arith.addf %mul3A_1518, %mul3A_1519 : vector<16xf32>
        %mul3A_1521 = arith.mulf %gather3A_1438, %gather3A_1516 : vector<16xf32>
        %mul3A_1522 = arith.mulf %gather3A_1439, %gather3A_1517 : vector<16xf32>
        %add3A_1523 = arith.addf %mul3A_1521, %mul3A_1522 : vector<16xf32>
        %add3A_1524 = arith.addf %add3A_1520, %add3A_1523 : vector<16xf32>
        %lt3A_1525 = arith.constant 0.000000e+00 : f32
        %lt3A_1526 = vector.broadcast %lt3A_1525 : f32 to vector<16xf32>
        %lt3A_1527 = arith.cmpf olt, %add3A_1524, %lt3A_1526 : vector<16xf32>
        %neg3A_1528 = arith.constant 0.000000e+00 : f32
        %neg3A_1529 = vector.broadcast %neg3A_1528 : f32 to vector<16xf32>
        %neg3A_1530 = arith.subf %neg3A_1529, %get3A_1410 : vector<16xf32>
        %select_n3A_1531 = arith.select %lt3A_1527, %neg3A_1530, %get3A_1410 : vector<16xi1>, vector<16xf32>
        %mul3A_1532 = arith.mulf %select_n3A_1531, %gather3A_1514 : vector<16xf32>
        %add3A_1533 = arith.addf %add3A_1507, %mul3A_1532 : vector<16xf32>
        %mul3A_1534 = arith.mulf %select_n3A_1531, %gather3A_1515 : vector<16xf32>
        %add3A_1535 = arith.addf %add3A_1509, %mul3A_1534 : vector<16xf32>
        %mul3A_1536 = arith.mulf %select_n3A_1531, %gather3A_1516 : vector<16xf32>
        %add3A_1537 = arith.addf %add3A_1511, %mul3A_1536 : vector<16xf32>
        %mul3A_1538 = arith.mulf %select_n3A_1531, %gather3A_1517 : vector<16xf32>
        %add3A_1539 = arith.addf %add3A_1513, %mul3A_1538 : vector<16xf32>
        %gather3A_1540 = tpu.vector_load_idx %arg17[%get3A_1382] : memref<4096xf32, #tpu.memory_space<vmem>>[vector<16xi32>], vector<16xf32>,
        %gather3A_1541 = tpu.vector_load_idx %arg18[%get3A_1382] : memref<4096xf32, #tpu.memory_space<vmem>>[vector<16xi32>], vector<16xf32>,
        %gather3A_1542 = tpu.vector_load_idx %arg19[%get3A_1382] : memref<4096xf32, #tpu.memory_space<vmem>>[vector<16xi32>], vector<16xf32>,
        %gather3A_1543 = tpu.vector_load_idx %arg20[%get3A_1382] : memref<4096xf32, #tpu.memory_space<vmem>>[vector<16xi32>], vector<16xf32>,
        %mul3A_1544 = arith.mulf %gather3A_1436, %gather3A_1540 : vector<16xf32>
        %mul3A_1545 = arith.mulf %gather3A_1437, %gather3A_1541 : vector<16xf32>
        %add3A_1546 = arith.addf %mul3A_1544, %mul3A_1545 : vector<16xf32>
        %mul3A_1547 = arith.mulf %gather3A_1438, %gather3A_1542 : vector<16xf32>
        %mul3A_1548 = arith.mulf %gather3A_1439, %gather3A_1543 : vector<16xf32>
        %add3A_1549 = arith.addf %mul3A_1547, %mul3A_1548 : vector<16xf32>
        %add3A_1550 = arith.addf %add3A_1546, %add3A_1549 : vector<16xf32>
        %lt3A_1551 = arith.constant 0.000000e+00 : f32
        %lt3A_1552 = vector.broadcast %lt3A_1551 : f32 to vector<16xf32>
        %lt3A_1553 = arith.cmpf olt, %add3A_1550, %lt3A_1552 : vector<16xf32>
        %neg3A_1554 = arith.constant 0.000000e+00 : f32
        %neg3A_1555 = vector.broadcast %neg3A_1554 : f32 to vector<16xf32>
        %neg3A_1556 = arith.subf %neg3A_1555, %get3A_1414 : vector<16xf32>
        %select_n3A_1557 = arith.select %lt3A_1553, %neg3A_1556, %get3A_1414 : vector<16xi1>, vector<16xf32>
        %mul3A_1558 = arith.mulf %select_n3A_1557, %gather3A_1540 : vector<16xf32>
        %add3A_1559 = arith.addf %add3A_1533, %mul3A_1558 : vector<16xf32>
        %mul3A_1560 = arith.mulf %select_n3A_1557, %gather3A_1541 : vector<16xf32>
        %add3A_1561 = arith.addf %add3A_1535, %mul3A_1560 : vector<16xf32>
        %mul3A_1562 = arith.mulf %select_n3A_1557, %gather3A_1542 : vector<16xf32>
        %add3A_1563 = arith.addf %add3A_1537, %mul3A_1562 : vector<16xf32>
        %mul3A_1564 = arith.mulf %select_n3A_1557, %gather3A_1543 : vector<16xf32>
        %add3A_1565 = arith.addf %add3A_1539, %mul3A_1564 : vector<16xf32>
        %gather3A_1566 = tpu.vector_load_idx %arg17[%get3A_1386] : memref<4096xf32, #tpu.memory_space<vmem>>[vector<16xi32>], vector<16xf32>,
        %gather3A_1567 = tpu.vector_load_idx %arg18[%get3A_1386] : memref<4096xf32, #tpu.memory_space<vmem>>[vector<16xi32>], vector<16xf32>,
        %gather3A_1568 = tpu.vector_load_idx %arg19[%get3A_1386] : memref<4096xf32, #tpu.memory_space<vmem>>[vector<16xi32>], vector<16xf32>,
        %gather3A_1569 = tpu.vector_load_idx %arg20[%get3A_1386] : memref<4096xf32, #tpu.memory_space<vmem>>[vector<16xi32>], vector<16xf32>,
        %mul3A_1570 = arith.mulf %gather3A_1436, %gather3A_1566 : vector<16xf32>
        %mul3A_1571 = arith.mulf %gather3A_1437, %gather3A_1567 : vector<16xf32>
        %add3A_1572 = arith.addf %mul3A_1570, %mul3A_1571 : vector<16xf32>
        %mul3A_1573 = arith.mulf %gather3A_1438, %gather3A_1568 : vector<16xf32>
        %mul3A_1574 = arith.mulf %gather3A_1439, %gather3A_1569 : vector<16xf32>
        %add3A_1575 = arith.addf %mul3A_1573, %mul3A_1574 : vector<16xf32>
        %add3A_1576 = arith.addf %add3A_1572, %add3A_1575 : vector<16xf32>
        %lt3A_1577 = arith.constant 0.000000e+00 : f32
        %lt3A_1578 = vector.broadcast %lt3A_1577 : f32 to vector<16xf32>
        %lt3A_1579 = arith.cmpf olt, %add3A_1576, %lt3A_1578 : vector<16xf32>
        %neg3A_1580 = arith.constant 0.000000e+00 : f32
        %neg3A_1581 = vector.broadcast %neg3A_1580 : f32 to vector<16xf32>
        %neg3A_1582 = arith.subf %neg3A_1581, %get3A_1418 : vector<16xf32>
        %select_n3A_1583 = arith.select %lt3A_1579, %neg3A_1582, %get3A_1418 : vector<16xi1>, vector<16xf32>
        %mul3A_1584 = arith.mulf %select_n3A_1583, %gather3A_1566 : vector<16xf32>
        %add3A_1585 = arith.addf %add3A_1559, %mul3A_1584 : vector<16xf32>
        %mul3A_1586 = arith.mulf %select_n3A_1583, %gather3A_1567 : vector<16xf32>
        %add3A_1587 = arith.addf %add3A_1561, %mul3A_1586 : vector<16xf32>
        %mul3A_1588 = arith.mulf %select_n3A_1583, %gather3A_1568 : vector<16xf32>
        %add3A_1589 = arith.addf %add3A_1563, %mul3A_1588 : vector<16xf32>
        %mul3A_1590 = arith.mulf %select_n3A_1583, %gather3A_1569 : vector<16xf32>
        %add3A_1591 = arith.addf %add3A_1565, %mul3A_1590 : vector<16xf32>
        %gather3A_1592 = tpu.vector_load_idx %arg17[%get3A_1390] : memref<4096xf32, #tpu.memory_space<vmem>>[vector<16xi32>], vector<16xf32>,
        %gather3A_1593 = tpu.vector_load_idx %arg18[%get3A_1390] : memref<4096xf32, #tpu.memory_space<vmem>>[vector<16xi32>], vector<16xf32>,
        %gather3A_1594 = tpu.vector_load_idx %arg19[%get3A_1390] : memref<4096xf32, #tpu.memory_space<vmem>>[vector<16xi32>], vector<16xf32>,
        %gather3A_1595 = tpu.vector_load_idx %arg20[%get3A_1390] : memref<4096xf32, #tpu.memory_space<vmem>>[vector<16xi32>], vector<16xf32>,
        %mul3A_1596 = arith.mulf %gather3A_1436, %gather3A_1592 : vector<16xf32>
        %mul3A_1597 = arith.mulf %gather3A_1437, %gather3A_1593 : vector<16xf32>
        %add3A_1598 = arith.addf %mul3A_1596, %mul3A_1597 : vector<16xf32>
        %mul3A_1599 = arith.mulf %gather3A_1438, %gather3A_1594 : vector<16xf32>
        %mul3A_1600 = arith.mulf %gather3A_1439, %gather3A_1595 : vector<16xf32>
        %add3A_1601 = arith.addf %mul3A_1599, %mul3A_1600 : vector<16xf32>
        %add3A_1602 = arith.addf %add3A_1598, %add3A_1601 : vector<16xf32>
        %lt3A_1603 = arith.constant 0.000000e+00 : f32
        %lt3A_1604 = vector.broadcast %lt3A_1603 : f32 to vector<16xf32>
        %lt3A_1605 = arith.cmpf olt, %add3A_1602, %lt3A_1604 : vector<16xf32>
        %neg3A_1606 = arith.constant 0.000000e+00 : f32
        %neg3A_1607 = vector.broadcast %neg3A_1606 : f32 to vector<16xf32>
        %neg3A_1608 = arith.subf %neg3A_1607, %get3A_1422 : vector<16xf32>
        %select_n3A_1609 = arith.select %lt3A_1605, %neg3A_1608, %get3A_1422 : vector<16xi1>, vector<16xf32>
        %mul3A_1610 = arith.mulf %select_n3A_1609, %gather3A_1592 : vector<16xf32>
        %add3A_1611 = arith.addf %add3A_1585, %mul3A_1610 : vector<16xf32>
        %mul3A_1612 = arith.mulf %select_n3A_1609, %gather3A_1593 : vector<16xf32>
        %add3A_1613 = arith.addf %add3A_1587, %mul3A_1612 : vector<16xf32>
        %mul3A_1614 = arith.mulf %select_n3A_1609, %gather3A_1594 : vector<16xf32>
        %add3A_1615 = arith.addf %add3A_1589, %mul3A_1614 : vector<16xf32>
        %mul3A_1616 = arith.mulf %select_n3A_1609, %gather3A_1595 : vector<16xf32>
        %add3A_1617 = arith.addf %add3A_1591, %mul3A_1616 : vector<16xf32>
        %mul3A_1618 = arith.mulf %get3A_1394, %gather3A_1436 : vector<16xf32>
        %add3A_1619 = arith.addf %add3A_1611, %mul3A_1618 : vector<16xf32>
        %mul3A_1620 = arith.mulf %get3A_1394, %gather3A_1437 : vector<16xf32>
        %add3A_1621 = arith.addf %add3A_1613, %mul3A_1620 : vector<16xf32>
        %mul3A_1622 = arith.mulf %get3A_1394, %gather3A_1438 : vector<16xf32>
        %add3A_1623 = arith.addf %add3A_1615, %mul3A_1622 : vector<16xf32>
        %mul3A_1624 = arith.mulf %get3A_1394, %gather3A_1439 : vector<16xf32>
        %add3A_1625 = arith.addf %add3A_1617, %mul3A_1624 : vector<16xf32>
        %gather3A_1626 = tpu.vector_load_idx %arg21[%get3A_1362] : memref<4096xf32, #tpu.memory_space<vmem>>[vector<16xi32>], vector<16xf32>,
        %gather3A_1627 = tpu.vector_load_idx %arg22[%get3A_1362] : memref<4096xf32, #tpu.memory_space<vmem>>[vector<16xi32>], vector<16xf32>,
        %gather3A_1628 = tpu.vector_load_idx %arg23[%get3A_1362] : memref<4096xf32, #tpu.memory_space<vmem>>[vector<16xi32>], vector<16xf32>,
        %mul3A_1629 = arith.mulf %get3A_1394, %gather3A_1626 : vector<16xf32>
        %mul3A_1630 = arith.mulf %get3A_1394, %gather3A_1627 : vector<16xf32>
        %mul3A_1631 = arith.mulf %get3A_1394, %gather3A_1628 : vector<16xf32>
        %gather3A_1632 = tpu.vector_load_idx %arg21[%get3A_1366] : memref<4096xf32, #tpu.memory_space<vmem>>[vector<16xi32>], vector<16xf32>,
        %gather3A_1633 = tpu.vector_load_idx %arg22[%get3A_1366] : memref<4096xf32, #tpu.memory_space<vmem>>[vector<16xi32>], vector<16xf32>,
        %gather3A_1634 = tpu.vector_load_idx %arg23[%get3A_1366] : memref<4096xf32, #tpu.memory_space<vmem>>[vector<16xi32>], vector<16xf32>,
        %mul3A_1635 = arith.mulf %get3A_1398, %gather3A_1632 : vector<16xf32>
        %add3A_1636 = arith.addf %mul3A_1629, %mul3A_1635 : vector<16xf32>
        %mul3A_1637 = arith.mulf %get3A_1398, %gather3A_1633 : vector<16xf32>
        %add3A_1638 = arith.addf %mul3A_1630, %mul3A_1637 : vector<16xf32>
        %mul3A_1639 = arith.mulf %get3A_1398, %gather3A_1634 : vector<16xf32>
        %add3A_1640 = arith.addf %mul3A_1631, %mul3A_1639 : vector<16xf32>
        %gather3A_1641 = tpu.vector_load_idx %arg21[%get3A_1370] : memref<4096xf32, #tpu.memory_space<vmem>>[vector<16xi32>], vector<16xf32>,
        %gather3A_1642 = tpu.vector_load_idx %arg22[%get3A_1370] : memref<4096xf32, #tpu.memory_space<vmem>>[vector<16xi32>], vector<16xf32>,
        %gather3A_1643 = tpu.vector_load_idx %arg23[%get3A_1370] : memref<4096xf32, #tpu.memory_space<vmem>>[vector<16xi32>], vector<16xf32>,
        %mul3A_1644 = arith.mulf %get3A_1402, %gather3A_1641 : vector<16xf32>
        %add3A_1645 = arith.addf %add3A_1636, %mul3A_1644 : vector<16xf32>
        %mul3A_1646 = arith.mulf %get3A_1402, %gather3A_1642 : vector<16xf32>
        %add3A_1647 = arith.addf %add3A_1638, %mul3A_1646 : vector<16xf32>
        %mul3A_1648 = arith.mulf %get3A_1402, %gather3A_1643 : vector<16xf32>
        %add3A_1649 = arith.addf %add3A_1640, %mul3A_1648 : vector<16xf32>
        %gather3A_1650 = tpu.vector_load_idx %arg21[%get3A_1374] : memref<4096xf32, #tpu.memory_space<vmem>>[vector<16xi32>], vector<16xf32>,
        %gather3A_1651 = tpu.vector_load_idx %arg22[%get3A_1374] : memref<4096xf32, #tpu.memory_space<vmem>>[vector<16xi32>], vector<16xf32>,
        %gather3A_1652 = tpu.vector_load_idx %arg23[%get3A_1374] : memref<4096xf32, #tpu.memory_space<vmem>>[vector<16xi32>], vector<16xf32>,
        %mul3A_1653 = arith.mulf %get3A_1406, %gather3A_1650 : vector<16xf32>
        %add3A_1654 = arith.addf %add3A_1645, %mul3A_1653 : vector<16xf32>
        %mul3A_1655 = arith.mulf %get3A_1406, %gather3A_1651 : vector<16xf32>
        %add3A_1656 = arith.addf %add3A_1647, %mul3A_1655 : vector<16xf32>
        %mul3A_1657 = arith.mulf %get3A_1406, %gather3A_1652 : vector<16xf32>
        %add3A_1658 = arith.addf %add3A_1649, %mul3A_1657 : vector<16xf32>
        %gather3A_1659 = tpu.vector_load_idx %arg21[%get3A_1378] : memref<4096xf32, #tpu.memory_space<vmem>>[vector<16xi32>], vector<16xf32>,
        %gather3A_1660 = tpu.vector_load_idx %arg22[%get3A_1378] : memref<4096xf32, #tpu.memory_space<vmem>>[vector<16xi32>], vector<16xf32>,
        %gather3A_1661 = tpu.vector_load_idx %arg23[%get3A_1378] : memref<4096xf32, #tpu.memory_space<vmem>>[vector<16xi32>], vector<16xf32>,
        %mul3A_1662 = arith.mulf %get3A_1410, %gather3A_1659 : vector<16xf32>
        %add3A_1663 = arith.addf %add3A_1654, %mul3A_1662 : vector<16xf32>
        %mul3A_1664 = arith.mulf %get3A_1410, %gather3A_1660 : vector<16xf32>
        %add3A_1665 = arith.addf %add3A_1656, %mul3A_1664 : vector<16xf32>
        %mul3A_1666 = arith.mulf %get3A_1410, %gather3A_1661 : vector<16xf32>
        %add3A_1667 = arith.addf %add3A_1658, %mul3A_1666 : vector<16xf32>
        %gather3A_1668 = tpu.vector_load_idx %arg21[%get3A_1382] : memref<4096xf32, #tpu.memory_space<vmem>>[vector<16xi32>], vector<16xf32>,
        %gather3A_1669 = tpu.vector_load_idx %arg22[%get3A_1382] : memref<4096xf32, #tpu.memory_space<vmem>>[vector<16xi32>], vector<16xf32>,
        %gather3A_1670 = tpu.vector_load_idx %arg23[%get3A_1382] : memref<4096xf32, #tpu.memory_space<vmem>>[vector<16xi32>], vector<16xf32>,
        %mul3A_1671 = arith.mulf %get3A_1414, %gather3A_1668 : vector<16xf32>
        %add3A_1672 = arith.addf %add3A_1663, %mul3A_1671 : vector<16xf32>
        %mul3A_1673 = arith.mulf %get3A_1414, %gather3A_1669 : vector<16xf32>
        %add3A_1674 = arith.addf %add3A_1665, %mul3A_1673 : vector<16xf32>
        %mul3A_1675 = arith.mulf %get3A_1414, %gather3A_1670 : vector<16xf32>
        %add3A_1676 = arith.addf %add3A_1667, %mul3A_1675 : vector<16xf32>
        %gather3A_1677 = tpu.vector_load_idx %arg21[%get3A_1386] : memref<4096xf32, #tpu.memory_space<vmem>>[vector<16xi32>], vector<16xf32>,
        %gather3A_1678 = tpu.vector_load_idx %arg22[%get3A_1386] : memref<4096xf32, #tpu.memory_space<vmem>>[vector<16xi32>], vector<16xf32>,
        %gather3A_1679 = tpu.vector_load_idx %arg23[%get3A_1386] : memref<4096xf32, #tpu.memory_space<vmem>>[vector<16xi32>], vector<16xf32>,
        %mul3A_1680 = arith.mulf %get3A_1418, %gather3A_1677 : vector<16xf32>
        %add3A_1681 = arith.addf %add3A_1672, %mul3A_1680 : vector<16xf32>
        %mul3A_1682 = arith.mulf %get3A_1418, %gather3A_1678 : vector<16xf32>
        %add3A_1683 = arith.addf %add3A_1674, %mul3A_1682 : vector<16xf32>
        %mul3A_1684 = arith.mulf %get3A_1418, %gather3A_1679 : vector<16xf32>
        %add3A_1685 = arith.addf %add3A_1676, %mul3A_1684 : vector<16xf32>
        %gather3A_1686 = tpu.vector_load_idx %arg21[%get3A_1390] : memref<4096xf32, #tpu.memory_space<vmem>>[vector<16xi32>], vector<16xf32>,
        %gather3A_1687 = tpu.vector_load_idx %arg22[%get3A_1390] : memref<4096xf32, #tpu.memory_space<vmem>>[vector<16xi32>], vector<16xf32>,
        %gather3A_1688 = tpu.vector_load_idx %arg23[%get3A_1390] : memref<4096xf32, #tpu.memory_space<vmem>>[vector<16xi32>], vector<16xf32>,
        %mul3A_1689 = arith.mulf %get3A_1422, %gather3A_1686 : vector<16xf32>
        %add3A_1690 = arith.addf %add3A_1681, %mul3A_1689 : vector<16xf32>
        %mul3A_1691 = arith.mulf %get3A_1422, %gather3A_1687 : vector<16xf32>
        %add3A_1692 = arith.addf %add3A_1683, %mul3A_1691 : vector<16xf32>
        %mul3A_1693 = arith.mulf %get3A_1422, %gather3A_1688 : vector<16xf32>
        %add3A_1694 = arith.addf %add3A_1685, %mul3A_1693 : vector<16xf32>
        %mul3A_1695 = arith.mulf %add3A_1690, %div3A_1435 : vector<16xf32>
        %mul3A_1696 = arith.mulf %add3A_1692, %div3A_1435 : vector<16xf32>
        %mul3A_1697 = arith.mulf %add3A_1694, %div3A_1435 : vector<16xf32>
        %mul3A_1698 = arith.mulf %add3A_1619, %add3A_1619 : vector<16xf32>
        %mul3A_1699 = arith.mulf %add3A_1621, %add3A_1621 : vector<16xf32>
        %add3A_1700 = arith.addf %mul3A_1698, %mul3A_1699 : vector<16xf32>
        %mul3A_1701 = arith.mulf %add3A_1623, %add3A_1623 : vector<16xf32>
        %mul3A_1702 = arith.mulf %add3A_1625, %add3A_1625 : vector<16xf32>
        %add3A_1703 = arith.addf %mul3A_1701, %mul3A_1702 : vector<16xf32>
        %add3A_1704 = arith.addf %add3A_1700, %add3A_1703 : vector<16xf32>
        %add3A_1705 = arith.constant 1.000000e-30 : f32
        %add3A_1706 = vector.broadcast %add3A_1705 : f32 to vector<16xf32>
        %add3A_1707 = arith.addf %add3A_1704, %add3A_1706 : vector<16xf32>
        %div3A_1708 = arith.constant 2.000000e+00 : f32
        %div3A_1709 = vector.broadcast %div3A_1708 : f32 to vector<16xf32>
        %div3A_1710 = arith.divf %div3A_1709, %add3A_1707 : vector<16xf32>
        %mul3A_1711 = arith.mulf %add3A_1621, %div3A_1710 : vector<16xf32>
        %mul3A_1712 = arith.mulf %add3A_1623, %div3A_1710 : vector<16xf32>
        %mul3A_1713 = arith.mulf %add3A_1625, %div3A_1710 : vector<16xf32>
        %mul3A_1714 = arith.mulf %add3A_1619, %mul3A_1711 : vector<16xf32>
        %mul3A_1715 = arith.mulf %add3A_1619, %mul3A_1712 : vector<16xf32>
        %mul3A_1716 = arith.mulf %add3A_1619, %mul3A_1713 : vector<16xf32>
        %mul3A_1717 = arith.mulf %add3A_1621, %mul3A_1711 : vector<16xf32>
        %mul3A_1718 = arith.mulf %add3A_1621, %mul3A_1712 : vector<16xf32>
        %mul3A_1719 = arith.mulf %add3A_1621, %mul3A_1713 : vector<16xf32>
        %mul3A_1720 = arith.mulf %add3A_1623, %mul3A_1712 : vector<16xf32>
        %mul3A_1721 = arith.mulf %add3A_1623, %mul3A_1713 : vector<16xf32>
        %mul3A_1722 = arith.mulf %add3A_1625, %mul3A_1713 : vector<16xf32>
        %add3A_1723 = arith.addf %mul3A_1720, %mul3A_1722 : vector<16xf32>
        %sub3A_1724 = arith.constant 1.000000e+00 : f32
        %sub3A_1725 = vector.broadcast %sub3A_1724 : f32 to vector<16xf32>
        %sub3A_1726 = arith.subf %sub3A_1725, %add3A_1723 : vector<16xf32>
        %sub3A_1727 = arith.subf %mul3A_1718, %mul3A_1716 : vector<16xf32>
        %add3A_1728 = arith.addf %mul3A_1719, %mul3A_1715 : vector<16xf32>
        %add3A_1729 = arith.addf %mul3A_1718, %mul3A_1716 : vector<16xf32>
        %add3A_1730 = arith.addf %mul3A_1717, %mul3A_1722 : vector<16xf32>
        %sub3A_1731 = arith.constant 1.000000e+00 : f32
        %sub3A_1732 = vector.broadcast %sub3A_1731 : f32 to vector<16xf32>
        %sub3A_1733 = arith.subf %sub3A_1732, %add3A_1730 : vector<16xf32>
        %sub3A_1734 = arith.subf %mul3A_1721, %mul3A_1714 : vector<16xf32>
        %sub3A_1735 = arith.subf %mul3A_1719, %mul3A_1715 : vector<16xf32>
        %add3A_1736 = arith.addf %mul3A_1721, %mul3A_1714 : vector<16xf32>
        %add3A_1737 = arith.addf %mul3A_1717, %mul3A_1720 : vector<16xf32>
        %sub3A_1738 = arith.constant 1.000000e+00 : f32
        %sub3A_1739 = vector.broadcast %sub3A_1738 : f32 to vector<16xf32>
        %sub3A_1740 = arith.subf %sub3A_1739, %add3A_1737 : vector<16xf32>
        %mul3A_1741 = arith.constant 512 : i32
        %mul3A_1742 = arith.muli %select_n3A_1334, %mul3A_1741 : i32
        %add3A_1743 = arith.addi %mul3A_1742, %mul3A_1352 : i32
        %add3A_1744 = arith.constant 0 : i32
        %add3A_1745 = arith.addi %add3A_1744, %mul3A_1310 : i32
        %get3A_1746 = arith.index_cast %add3A_1745 : i32 to index
        %get3A_1747 = tpu.vector_load %arg30[%get3A_1746] {strides = array<i32>} : memref<3584xf32, #tpu.memory_space<vmem>>, vector<16xf32>,
        %add3A_1748 = arith.constant 512 : i32
        %add3A_1749 = arith.addi %add3A_1748, %mul3A_1310 : i32
        %get3A_1750 = arith.index_cast %add3A_1749 : i32 to index
        %get3A_1751 = tpu.vector_load %arg30[%get3A_1750] {strides = array<i32>} : memref<3584xf32, #tpu.memory_space<vmem>>, vector<16xf32>,
        %add3A_1752 = arith.constant 1024 : i32
        %add3A_1753 = arith.addi %add3A_1752, %mul3A_1310 : i32
        %get3A_1754 = arith.index_cast %add3A_1753 : i32 to index
        %get3A_1755 = tpu.vector_load %arg30[%get3A_1754] {strides = array<i32>} : memref<3584xf32, #tpu.memory_space<vmem>>, vector<16xf32>,
        %mul3A_1756 = arith.mulf %sub3A_1726, %get3A_1747 : vector<16xf32>
        %mul3A_1757 = arith.mulf %sub3A_1727, %get3A_1751 : vector<16xf32>
        %add3A_1758 = arith.addf %mul3A_1756, %mul3A_1757 : vector<16xf32>
        %mul3A_1759 = arith.mulf %add3A_1728, %get3A_1755 : vector<16xf32>
        %add3A_1760 = arith.addf %mul3A_1759, %mul3A_1695 : vector<16xf32>
        %add3A_1761 = arith.addf %add3A_1758, %add3A_1760 : vector<16xf32>
        %add3A_1762 = arith.constant 0 : i32
        %add3A_1763 = arith.addi %add3A_1743, %add3A_1762 : i32
        %swap3A_1764 = arith.index_cast %add3A_1763 : i32 to index
        %swap3A_1765 = tpu.vector_load %arg35[%swap3A_1764] {strides = array<i32>} : memref<10752xf32, #tpu.memory_space<vmem>>, vector<16xf32>,
        tpu.vector_store %arg35[%swap3A_1764], %add3A_1761 {strides = array<i32>} : memref<10752xf32, #tpu.memory_space<vmem>>, vector<16xf32>,
        %mul3A_1766 = arith.mulf %add3A_1729, %get3A_1747 : vector<16xf32>
        %mul3A_1767 = arith.mulf %sub3A_1733, %get3A_1751 : vector<16xf32>
        %add3A_1768 = arith.addf %mul3A_1766, %mul3A_1767 : vector<16xf32>
        %mul3A_1769 = arith.mulf %sub3A_1734, %get3A_1755 : vector<16xf32>
        %add3A_1770 = arith.addf %mul3A_1769, %mul3A_1696 : vector<16xf32>
        %add3A_1771 = arith.addf %add3A_1768, %add3A_1770 : vector<16xf32>
        %add3A_1772 = arith.constant 128 : i32
        %add3A_1773 = arith.addi %add3A_1743, %add3A_1772 : i32
        %swap3A_1774 = arith.index_cast %add3A_1773 : i32 to index
        %swap3A_1775 = tpu.vector_load %arg35[%swap3A_1774] {strides = array<i32>} : memref<10752xf32, #tpu.memory_space<vmem>>, vector<16xf32>,
        tpu.vector_store %arg35[%swap3A_1774], %add3A_1771 {strides = array<i32>} : memref<10752xf32, #tpu.memory_space<vmem>>, vector<16xf32>,
        %mul3A_1776 = arith.mulf %sub3A_1735, %get3A_1747 : vector<16xf32>
        %mul3A_1777 = arith.mulf %add3A_1736, %get3A_1751 : vector<16xf32>
        %add3A_1778 = arith.addf %mul3A_1776, %mul3A_1777 : vector<16xf32>
        %mul3A_1779 = arith.mulf %sub3A_1740, %get3A_1755 : vector<16xf32>
        %add3A_1780 = arith.addf %mul3A_1779, %mul3A_1697 : vector<16xf32>
        %add3A_1781 = arith.addf %add3A_1778, %add3A_1780 : vector<16xf32>
        %add3A_1782 = arith.constant 256 : i32
        %add3A_1783 = arith.addi %add3A_1743, %add3A_1782 : i32
        %swap3A_1784 = arith.index_cast %add3A_1783 : i32 to index
        %swap3A_1785 = tpu.vector_load %arg35[%swap3A_1784] {strides = array<i32>} : memref<10752xf32, #tpu.memory_space<vmem>>, vector<16xf32>,
        tpu.vector_store %arg35[%swap3A_1784], %add3A_1781 {strides = array<i32>} : memref<10752xf32, #tpu.memory_space<vmem>>, vector<16xf32>,
        %add3A_1786 = arith.constant 0 : i32
        %add3A_1787 = arith.addi %add3A_1355, %add3A_1786 : i32
        %get3A_1788 = arith.index_cast %add3A_1787 : i32 to index
        %get3A_1789 = tpu.vector_load %arg31[%get3A_1788] {strides = array<i32>} : memref<2048xf32, #tpu.memory_space<vmem>>, vector<16xf32>,
        %add3A_1790 = arith.constant 128 : i32
        %add3A_1791 = arith.addi %add3A_1355, %add3A_1790 : i32
        %get3A_1792 = arith.index_cast %add3A_1791 : i32 to index
        %get3A_1793 = tpu.vector_load %arg31[%get3A_1792] {strides = array<i32>} : memref<2048xf32, #tpu.memory_space<vmem>>, vector<16xf32>,
        %add3A_1794 = arith.constant 256 : i32
        %add3A_1795 = arith.addi %add3A_1355, %add3A_1794 : i32
        %get3A_1796 = arith.index_cast %add3A_1795 : i32 to index
        %get3A_1797 = tpu.vector_load %arg31[%get3A_1796] {strides = array<i32>} : memref<2048xf32, #tpu.memory_space<vmem>>, vector<16xf32>,
        %add3A_1798 = arith.constant 384 : i32
        %add3A_1799 = arith.addi %add3A_1355, %add3A_1798 : i32
        %get3A_1800 = arith.index_cast %add3A_1799 : i32 to index
        %get3A_1801 = tpu.vector_load %arg31[%get3A_1800] {strides = array<i32>} : memref<2048xf32, #tpu.memory_space<vmem>>, vector<16xf32>,
        %mul3A_1802 = arith.mulf %add3A_1619, %get3A_1789 : vector<16xf32>
        %mul3A_1803 = arith.mulf %add3A_1621, %get3A_1793 : vector<16xf32>
        %sub3A_1804 = arith.subf %mul3A_1802, %mul3A_1803 : vector<16xf32>
        %mul3A_1805 = arith.mulf %add3A_1623, %get3A_1797 : vector<16xf32>
        %sub3A_1806 = arith.subf %sub3A_1804, %mul3A_1805 : vector<16xf32>
        %mul3A_1807 = arith.mulf %add3A_1625, %get3A_1801 : vector<16xf32>
        %sub3A_1808 = arith.subf %sub3A_1806, %mul3A_1807 : vector<16xf32>
        %mul3A_1809 = arith.mulf %add3A_1619, %get3A_1793 : vector<16xf32>
        %mul3A_1810 = arith.mulf %add3A_1621, %get3A_1789 : vector<16xf32>
        %add3A_1811 = arith.addf %mul3A_1809, %mul3A_1810 : vector<16xf32>
        %mul3A_1812 = arith.mulf %add3A_1623, %get3A_1801 : vector<16xf32>
        %add3A_1813 = arith.addf %add3A_1811, %mul3A_1812 : vector<16xf32>
        %mul3A_1814 = arith.mulf %add3A_1625, %get3A_1797 : vector<16xf32>
        %sub3A_1815 = arith.subf %add3A_1813, %mul3A_1814 : vector<16xf32>
        %mul3A_1816 = arith.mulf %add3A_1619, %get3A_1797 : vector<16xf32>
        %mul3A_1817 = arith.mulf %add3A_1621, %get3A_1801 : vector<16xf32>
        %sub3A_1818 = arith.subf %mul3A_1816, %mul3A_1817 : vector<16xf32>
        %mul3A_1819 = arith.mulf %add3A_1623, %get3A_1789 : vector<16xf32>
        %add3A_1820 = arith.addf %sub3A_1818, %mul3A_1819 : vector<16xf32>
        %mul3A_1821 = arith.mulf %add3A_1625, %get3A_1793 : vector<16xf32>
        %add3A_1822 = arith.addf %add3A_1820, %mul3A_1821 : vector<16xf32>
        %mul3A_1823 = arith.mulf %add3A_1619, %get3A_1801 : vector<16xf32>
        %mul3A_1824 = arith.mulf %add3A_1621, %get3A_1797 : vector<16xf32>
        %add3A_1825 = arith.addf %mul3A_1823, %mul3A_1824 : vector<16xf32>
        %mul3A_1826 = arith.mulf %add3A_1623, %get3A_1793 : vector<16xf32>
        %sub3A_1827 = arith.subf %add3A_1825, %mul3A_1826 : vector<16xf32>
        %mul3A_1828 = arith.mulf %add3A_1625, %get3A_1789 : vector<16xf32>
        %add3A_1829 = arith.addf %sub3A_1827, %mul3A_1828 : vector<16xf32>
        %mul3A_1830 = arith.mulf %sub3A_1808, %sub3A_1808 : vector<16xf32>
        %mul3A_1831 = arith.mulf %sub3A_1815, %sub3A_1815 : vector<16xf32>
        %add3A_1832 = arith.addf %mul3A_1830, %mul3A_1831 : vector<16xf32>
        %mul3A_1833 = arith.mulf %add3A_1822, %add3A_1822 : vector<16xf32>
        %mul3A_1834 = arith.mulf %add3A_1829, %add3A_1829 : vector<16xf32>
        %add3A_1835 = arith.addf %mul3A_1833, %mul3A_1834 : vector<16xf32>
        %add3A_1836 = arith.addf %add3A_1832, %add3A_1835 : vector<16xf32>
        %add3A_1837 = arith.constant 1.000000e-30 : f32
        %add3A_1838 = vector.broadcast %add3A_1837 : f32 to vector<16xf32>
        %add3A_1839 = arith.addf %add3A_1836, %add3A_1838 : vector<16xf32>
        %div3A_1840 = arith.constant 2.000000e+00 : f32
        %div3A_1841 = vector.broadcast %div3A_1840 : f32 to vector<16xf32>
        %div3A_1842 = arith.divf %div3A_1841, %add3A_1839 : vector<16xf32>
        %mul3A_1843 = arith.mulf %sub3A_1815, %div3A_1842 : vector<16xf32>
        %mul3A_1844 = arith.mulf %add3A_1822, %div3A_1842 : vector<16xf32>
        %mul3A_1845 = arith.mulf %add3A_1829, %div3A_1842 : vector<16xf32>
        %mul3A_1846 = arith.mulf %sub3A_1808, %mul3A_1843 : vector<16xf32>
        %mul3A_1847 = arith.mulf %sub3A_1808, %mul3A_1844 : vector<16xf32>
        %mul3A_1848 = arith.mulf %sub3A_1808, %mul3A_1845 : vector<16xf32>
        %mul3A_1849 = arith.mulf %sub3A_1815, %mul3A_1843 : vector<16xf32>
        %mul3A_1850 = arith.mulf %sub3A_1815, %mul3A_1844 : vector<16xf32>
        %mul3A_1851 = arith.mulf %sub3A_1815, %mul3A_1845 : vector<16xf32>
        %mul3A_1852 = arith.mulf %add3A_1822, %mul3A_1844 : vector<16xf32>
        %mul3A_1853 = arith.mulf %add3A_1822, %mul3A_1845 : vector<16xf32>
        %mul3A_1854 = arith.mulf %add3A_1829, %mul3A_1845 : vector<16xf32>
        %add3A_1855 = arith.addf %mul3A_1852, %mul3A_1854 : vector<16xf32>
        %sub3A_1856 = arith.constant 1.000000e+00 : f32
        %sub3A_1857 = vector.broadcast %sub3A_1856 : f32 to vector<16xf32>
        %sub3A_1858 = arith.subf %sub3A_1857, %add3A_1855 : vector<16xf32>
        %sub3A_1859 = arith.subf %mul3A_1850, %mul3A_1848 : vector<16xf32>
        %add3A_1860 = arith.addf %mul3A_1851, %mul3A_1847 : vector<16xf32>
        %add3A_1861 = arith.addf %mul3A_1850, %mul3A_1848 : vector<16xf32>
        %add3A_1862 = arith.addf %mul3A_1849, %mul3A_1854 : vector<16xf32>
        %sub3A_1863 = arith.constant 1.000000e+00 : f32
        %sub3A_1864 = vector.broadcast %sub3A_1863 : f32 to vector<16xf32>
        %sub3A_1865 = arith.subf %sub3A_1864, %add3A_1862 : vector<16xf32>
        %sub3A_1866 = arith.subf %mul3A_1853, %mul3A_1846 : vector<16xf32>
        %sub3A_1867 = arith.subf %mul3A_1851, %mul3A_1847 : vector<16xf32>
        %add3A_1868 = arith.addf %mul3A_1853, %mul3A_1846 : vector<16xf32>
        %add3A_1869 = arith.addf %mul3A_1849, %mul3A_1852 : vector<16xf32>
        %sub3A_1870 = arith.constant 1.000000e+00 : f32
        %sub3A_1871 = vector.broadcast %sub3A_1870 : f32 to vector<16xf32>
        %sub3A_1872 = arith.subf %sub3A_1871, %add3A_1869 : vector<16xf32>
        %add3A_1873 = arith.constant 2048 : i32
        %add3A_1874 = arith.addi %add3A_1873, %add3A_1743 : i32
        %add3A_1875 = arith.constant 0 : i32
        %add3A_1876 = arith.addi %add3A_1874, %add3A_1875 : i32
        %swap3A_1877 = arith.index_cast %add3A_1876 : i32 to index
        %swap3A_1878 = tpu.vector_load %arg35[%swap3A_1877] {strides = array<i32>} : memref<10752xf32, #tpu.memory_space<vmem>>, vector<16xf32>,
        tpu.vector_store %arg35[%swap3A_1877], %sub3A_1858 {strides = array<i32>} : memref<10752xf32, #tpu.memory_space<vmem>>, vector<16xf32>,
        %add3A_1879 = arith.constant 128 : i32
        %add3A_1880 = arith.addi %add3A_1874, %add3A_1879 : i32
        %swap3A_1881 = arith.index_cast %add3A_1880 : i32 to index
        %swap3A_1882 = tpu.vector_load %arg35[%swap3A_1881] {strides = array<i32>} : memref<10752xf32, #tpu.memory_space<vmem>>, vector<16xf32>,
        tpu.vector_store %arg35[%swap3A_1881], %sub3A_1859 {strides = array<i32>} : memref<10752xf32, #tpu.memory_space<vmem>>, vector<16xf32>,
        %add3A_1883 = arith.constant 256 : i32
        %add3A_1884 = arith.addi %add3A_1874, %add3A_1883 : i32
        %swap3A_1885 = arith.index_cast %add3A_1884 : i32 to index
        %swap3A_1886 = tpu.vector_load %arg35[%swap3A_1885] {strides = array<i32>} : memref<10752xf32, #tpu.memory_space<vmem>>, vector<16xf32>,
        tpu.vector_store %arg35[%swap3A_1885], %add3A_1860 {strides = array<i32>} : memref<10752xf32, #tpu.memory_space<vmem>>, vector<16xf32>,
        %add3A_1887 = arith.constant 4096 : i32
        %add3A_1888 = arith.addi %add3A_1887, %add3A_1743 : i32
        %add3A_1889 = arith.constant 0 : i32
        %add3A_1890 = arith.addi %add3A_1888, %add3A_1889 : i32
        %swap3A_1891 = arith.index_cast %add3A_1890 : i32 to index
        %swap3A_1892 = tpu.vector_load %arg35[%swap3A_1891] {strides = array<i32>} : memref<10752xf32, #tpu.memory_space<vmem>>, vector<16xf32>,
        tpu.vector_store %arg35[%swap3A_1891], %add3A_1861 {strides = array<i32>} : memref<10752xf32, #tpu.memory_space<vmem>>, vector<16xf32>,
        %add3A_1893 = arith.constant 128 : i32
        %add3A_1894 = arith.addi %add3A_1888, %add3A_1893 : i32
        %swap3A_1895 = arith.index_cast %add3A_1894 : i32 to index
        %swap3A_1896 = tpu.vector_load %arg35[%swap3A_1895] {strides = array<i32>} : memref<10752xf32, #tpu.memory_space<vmem>>, vector<16xf32>,
        tpu.vector_store %arg35[%swap3A_1895], %sub3A_1865 {strides = array<i32>} : memref<10752xf32, #tpu.memory_space<vmem>>, vector<16xf32>,
        %add3A_1897 = arith.constant 256 : i32
        %add3A_1898 = arith.addi %add3A_1888, %add3A_1897 : i32
        %swap3A_1899 = arith.index_cast %add3A_1898 : i32 to index
        %swap3A_1900 = tpu.vector_load %arg35[%swap3A_1899] {strides = array<i32>} : memref<10752xf32, #tpu.memory_space<vmem>>, vector<16xf32>,
        tpu.vector_store %arg35[%swap3A_1899], %sub3A_1866 {strides = array<i32>} : memref<10752xf32, #tpu.memory_space<vmem>>, vector<16xf32>,
        %add3A_1901 = arith.constant 6144 : i32
        %add3A_1902 = arith.addi %add3A_1901, %add3A_1743 : i32
        %add3A_1903 = arith.constant 0 : i32
        %add3A_1904 = arith.addi %add3A_1902, %add3A_1903 : i32
        %swap3A_1905 = arith.index_cast %add3A_1904 : i32 to index
        %swap3A_1906 = tpu.vector_load %arg35[%swap3A_1905] {strides = array<i32>} : memref<10752xf32, #tpu.memory_space<vmem>>, vector<16xf32>,
        tpu.vector_store %arg35[%swap3A_1905], %sub3A_1867 {strides = array<i32>} : memref<10752xf32, #tpu.memory_space<vmem>>, vector<16xf32>,
        %add3A_1907 = arith.constant 128 : i32
        %add3A_1908 = arith.addi %add3A_1902, %add3A_1907 : i32
        %swap3A_1909 = arith.index_cast %add3A_1908 : i32 to index
        %swap3A_1910 = tpu.vector_load %arg35[%swap3A_1909] {strides = array<i32>} : memref<10752xf32, #tpu.memory_space<vmem>>, vector<16xf32>,
        tpu.vector_store %arg35[%swap3A_1909], %add3A_1868 {strides = array<i32>} : memref<10752xf32, #tpu.memory_space<vmem>>, vector<16xf32>,
        %add3A_1911 = arith.constant 256 : i32
        %add3A_1912 = arith.addi %add3A_1902, %add3A_1911 : i32
        %swap3A_1913 = arith.index_cast %add3A_1912 : i32 to index
        %swap3A_1914 = tpu.vector_load %arg35[%swap3A_1913] {strides = array<i32>} : memref<10752xf32, #tpu.memory_space<vmem>>, vector<16xf32>,
        tpu.vector_store %arg35[%swap3A_1913], %sub3A_1872 {strides = array<i32>} : memref<10752xf32, #tpu.memory_space<vmem>>, vector<16xf32>,
        %add3A_1915 = arith.constant 8192 : i32
        %add3A_1916 = arith.addi %add3A_1915, %add3A_1743 : i32
        %add3A_1917 = arith.constant 1536 : i32
        %add3A_1918 = arith.addi %add3A_1917, %mul3A_1310 : i32
        %get3A_1919 = arith.index_cast %add3A_1918 : i32 to index
        %get3A_1920 = tpu.vector_load %arg30[%get3A_1919] {strides = array<i32>} : memref<3584xf32, #tpu.memory_space<vmem>>, vector<16xf32>,
        %exp3A_1921 = math.exp %get3A_1920 : vector<16xf32>
        %add3A_1922 = arith.constant 0 : i32
        %add3A_1923 = arith.addi %add3A_1916, %add3A_1922 : i32
        %swap3A_1924 = arith.index_cast %add3A_1923 : i32 to index
        %swap3A_1925 = tpu.vector_load %arg35[%swap3A_1924] {strides = array<i32>} : memref<10752xf32, #tpu.memory_space<vmem>>, vector<16xf32>,
        tpu.vector_store %arg35[%swap3A_1924], %exp3A_1921 {strides = array<i32>} : memref<10752xf32, #tpu.memory_space<vmem>>, vector<16xf32>,
        %add3A_1926 = arith.constant 2048 : i32
        %add3A_1927 = arith.addi %add3A_1926, %mul3A_1310 : i32
        %get3A_1928 = arith.index_cast %add3A_1927 : i32 to index
        %get3A_1929 = tpu.vector_load %arg30[%get3A_1928] {strides = array<i32>} : memref<3584xf32, #tpu.memory_space<vmem>>, vector<16xf32>,
        %exp3A_1930 = math.exp %get3A_1929 : vector<16xf32>
        %add3A_1931 = arith.constant 128 : i32
        %add3A_1932 = arith.addi %add3A_1916, %add3A_1931 : i32
        %swap3A_1933 = arith.index_cast %add3A_1932 : i32 to index
        %swap3A_1934 = tpu.vector_load %arg35[%swap3A_1933] {strides = array<i32>} : memref<10752xf32, #tpu.memory_space<vmem>>, vector<16xf32>,
        tpu.vector_store %arg35[%swap3A_1933], %exp3A_1930 {strides = array<i32>} : memref<10752xf32, #tpu.memory_space<vmem>>, vector<16xf32>,
        %add3A_1935 = arith.constant 2560 : i32
        %add3A_1936 = arith.addi %add3A_1935, %mul3A_1310 : i32
        %get3A_1937 = arith.index_cast %add3A_1936 : i32 to index
        %get3A_1938 = tpu.vector_load %arg30[%get3A_1937] {strides = array<i32>} : memref<3584xf32, #tpu.memory_space<vmem>>, vector<16xf32>,
        %exp3A_1939 = math.exp %get3A_1938 : vector<16xf32>
        %add3A_1940 = arith.constant 256 : i32
        %add3A_1941 = arith.addi %add3A_1916, %add3A_1940 : i32
        %swap3A_1942 = arith.index_cast %add3A_1941 : i32 to index
        %swap3A_1943 = tpu.vector_load %arg35[%swap3A_1942] {strides = array<i32>} : memref<10752xf32, #tpu.memory_space<vmem>>, vector<16xf32>,
        tpu.vector_store %arg35[%swap3A_1942], %exp3A_1939 {strides = array<i32>} : memref<10752xf32, #tpu.memory_space<vmem>>, vector<16xf32>,
        %add3A_1944 = arith.constant 3072 : i32
        %add3A_1945 = arith.addi %add3A_1944, %mul3A_1310 : i32
        %get3A_1946 = arith.index_cast %add3A_1945 : i32 to index
        %get3A_1947 = tpu.vector_load %arg30[%get3A_1946] {strides = array<i32>} : memref<3584xf32, #tpu.memory_space<vmem>>, vector<16xf32>,
        %neg3A_1948 = arith.constant 0.000000e+00 : f32
        %neg3A_1949 = vector.broadcast %neg3A_1948 : f32 to vector<16xf32>
        %neg3A_1950 = arith.subf %neg3A_1949, %get3A_1947 : vector<16xf32>
        %exp3A_1951 = math.exp %neg3A_1950 : vector<16xf32>
        %add3A_1952 = arith.constant 1.000000e+00 : f32
        %add3A_1953 = vector.broadcast %add3A_1952 : f32 to vector<16xf32>
        %add3A_1954 = arith.addf %add3A_1953, %exp3A_1951 : vector<16xf32>
        %div3A_1955 = arith.constant 1.000000e+00 : f32
        %div3A_1956 = vector.broadcast %div3A_1955 : f32 to vector<16xf32>
        %div3A_1957 = arith.divf %div3A_1956, %add3A_1954 : vector<16xf32>
        %add3A_1958 = arith.constant 10240 : i32
        %add3A_1959 = arith.addi %add3A_1958, %mul3A_1310 : i32
        %swap3A_1960 = arith.index_cast %add3A_1959 : i32 to index
        %swap3A_1961 = tpu.vector_load %arg35[%swap3A_1960] {strides = array<i32>} : memref<10752xf32, #tpu.memory_space<vmem>>, vector<16xf32>,
        tpu.vector_store %arg35[%swap3A_1960], %div3A_1957 {strides = array<i32>} : memref<10752xf32, #tpu.memory_space<vmem>>, vector<16xf32>,
      }
      %scan3A_608 = arith.constant 16 : i32
      %mul3A_609 = arith.constant 4 : i32
      %mul3A_610 = arith.muli %add3A_333, %mul3A_609 : i32
      %mul3A_611 = arith.constant 4 : i32
      %mul3A_612 = arith.muli %add3A_333, %mul3A_611 : i32
      %add3A_613 = arith.constant 0 : i32
      %add3A_614 = arith.addi %add3A_613, %mul3A_612 : i32
      %mul3A_615 = arith.constant 4 : i32
      %mul3A_616 = arith.muli %add3A_333, %mul3A_615 : i32
      %add3A_617 = arith.constant 1048576 : i32
      %add3A_618 = arith.addi %add3A_617, %mul3A_616 : i32
      %mul3A_619 = arith.constant 4 : i32
      %mul3A_620 = arith.muli %add3A_333, %mul3A_619 : i32
      %add3A_621 = arith.constant 2097152 : i32
      %add3A_622 = arith.addi %add3A_621, %mul3A_620 : i32
      %mul3A_623 = arith.constant 4 : i32
      %mul3A_624 = arith.muli %add3A_333, %mul3A_623 : i32
      %dma_start3A_625 = arith.constant 0 : i32
      %dma_start3A_626 = tpu.memref_slice %arg35[%dma_start3A_625] : memref<10752xf32, #tpu.memory_space<vmem>> -> memref<2048xf32, #tpu.memory_space<vmem>>
      %dma_start3A_627 = tpu.memref_slice %arg12[%mul3A_610] : memref<1048576xf32, #tpu.memory_space<hbm>> -> memref<2048xf32, #tpu.memory_space<hbm>>
      %dma_start3A_628 = tpu.memref_slice %arg12[%mul3A_610] : memref<1048576xf32, #tpu.memory_space<hbm>> -> memref<2048xf32, #tpu.memory_space<hbm>>
      %dma_start3A_629 = arith.constant 0 : i32
      %dma_start3A_630 = tpu.memref_slice %arg35[%dma_start3A_629] : memref<10752xf32, #tpu.memory_space<vmem>> -> memref<2048xf32, #tpu.memory_space<vmem>>
      tpu.enqueue_dma source(%dma_start3A_630 : memref<2048xf32, #tpu.memory_space<vmem>>) target(%dma_start3A_628 : memref<2048xf32, #tpu.memory_space<hbm>>) target_semaphore(%arg39 : memref<!tpu.dma_semaphore, #tpu.memory_space<semaphore_mem>>)
      %dma_start3A_631 = arith.constant 2048 : i32
      %dma_start3A_632 = tpu.memref_slice %arg35[%dma_start3A_631] : memref<10752xf32, #tpu.memory_space<vmem>> -> memref<2048xf32, #tpu.memory_space<vmem>>
      %dma_start3A_633 = tpu.memref_slice %arg13[%add3A_614] : memref<3145728xf32, #tpu.memory_space<hbm>> -> memref<2048xf32, #tpu.memory_space<hbm>>
      %dma_start3A_634 = tpu.memref_slice %arg13[%add3A_614] : memref<3145728xf32, #tpu.memory_space<hbm>> -> memref<2048xf32, #tpu.memory_space<hbm>>
      %dma_start3A_635 = arith.constant 2048 : i32
      %dma_start3A_636 = tpu.memref_slice %arg35[%dma_start3A_635] : memref<10752xf32, #tpu.memory_space<vmem>> -> memref<2048xf32, #tpu.memory_space<vmem>>
      tpu.enqueue_dma source(%dma_start3A_636 : memref<2048xf32, #tpu.memory_space<vmem>>) target(%dma_start3A_634 : memref<2048xf32, #tpu.memory_space<hbm>>) target_semaphore(%arg39 : memref<!tpu.dma_semaphore, #tpu.memory_space<semaphore_mem>>)
      %dma_start3A_637 = arith.constant 4096 : i32
      %dma_start3A_638 = tpu.memref_slice %arg35[%dma_start3A_637] : memref<10752xf32, #tpu.memory_space<vmem>> -> memref<2048xf32, #tpu.memory_space<vmem>>
      %dma_start3A_639 = tpu.memref_slice %arg13[%add3A_618] : memref<3145728xf32, #tpu.memory_space<hbm>> -> memref<2048xf32, #tpu.memory_space<hbm>>
      %dma_start3A_640 = tpu.memref_slice %arg13[%add3A_618] : memref<3145728xf32, #tpu.memory_space<hbm>> -> memref<2048xf32, #tpu.memory_space<hbm>>
      %dma_start3A_641 = arith.constant 4096 : i32
      %dma_start3A_642 = tpu.memref_slice %arg35[%dma_start3A_641] : memref<10752xf32, #tpu.memory_space<vmem>> -> memref<2048xf32, #tpu.memory_space<vmem>>
      tpu.enqueue_dma source(%dma_start3A_642 : memref<2048xf32, #tpu.memory_space<vmem>>) target(%dma_start3A_640 : memref<2048xf32, #tpu.memory_space<hbm>>) target_semaphore(%arg39 : memref<!tpu.dma_semaphore, #tpu.memory_space<semaphore_mem>>)
      %dma_start3A_643 = arith.constant 6144 : i32
      %dma_start3A_644 = tpu.memref_slice %arg35[%dma_start3A_643] : memref<10752xf32, #tpu.memory_space<vmem>> -> memref<2048xf32, #tpu.memory_space<vmem>>
      %dma_start3A_645 = tpu.memref_slice %arg13[%add3A_622] : memref<3145728xf32, #tpu.memory_space<hbm>> -> memref<2048xf32, #tpu.memory_space<hbm>>
      %dma_start3A_646 = tpu.memref_slice %arg13[%add3A_622] : memref<3145728xf32, #tpu.memory_space<hbm>> -> memref<2048xf32, #tpu.memory_space<hbm>>
      %dma_start3A_647 = arith.constant 6144 : i32
      %dma_start3A_648 = tpu.memref_slice %arg35[%dma_start3A_647] : memref<10752xf32, #tpu.memory_space<vmem>> -> memref<2048xf32, #tpu.memory_space<vmem>>
      tpu.enqueue_dma source(%dma_start3A_648 : memref<2048xf32, #tpu.memory_space<vmem>>) target(%dma_start3A_646 : memref<2048xf32, #tpu.memory_space<hbm>>) target_semaphore(%arg39 : memref<!tpu.dma_semaphore, #tpu.memory_space<semaphore_mem>>)
      %dma_start3A_649 = arith.constant 8192 : i32
      %dma_start3A_650 = tpu.memref_slice %arg35[%dma_start3A_649] : memref<10752xf32, #tpu.memory_space<vmem>> -> memref<2048xf32, #tpu.memory_space<vmem>>
      %dma_start3A_651 = tpu.memref_slice %arg14[%mul3A_624] : memref<1048576xf32, #tpu.memory_space<hbm>> -> memref<2048xf32, #tpu.memory_space<hbm>>
      %dma_start3A_652 = tpu.memref_slice %arg14[%mul3A_624] : memref<1048576xf32, #tpu.memory_space<hbm>> -> memref<2048xf32, #tpu.memory_space<hbm>>
      %dma_start3A_653 = arith.constant 8192 : i32
      %dma_start3A_654 = tpu.memref_slice %arg35[%dma_start3A_653] : memref<10752xf32, #tpu.memory_space<vmem>> -> memref<2048xf32, #tpu.memory_space<vmem>>
      tpu.enqueue_dma source(%dma_start3A_654 : memref<2048xf32, #tpu.memory_space<vmem>>) target(%dma_start3A_652 : memref<2048xf32, #tpu.memory_space<hbm>>) target_semaphore(%arg39 : memref<!tpu.dma_semaphore, #tpu.memory_space<semaphore_mem>>)
      %dma_start3A_655 = arith.constant 10240 : i32
      %dma_start3A_656 = tpu.memref_slice %arg35[%dma_start3A_655] : memref<10752xf32, #tpu.memory_space<vmem>> -> memref<512xf32, #tpu.memory_space<vmem>>
      %dma_start3A_657 = tpu.memref_slice %arg15[%add3A_333] : memref<262144xf32, #tpu.memory_space<hbm>> -> memref<512xf32, #tpu.memory_space<hbm>>
      %dma_start3A_658 = tpu.memref_slice %arg15[%add3A_333] : memref<262144xf32, #tpu.memory_space<hbm>> -> memref<512xf32, #tpu.memory_space<hbm>>
      %dma_start3A_659 = arith.constant 10240 : i32
      %dma_start3A_660 = tpu.memref_slice %arg35[%dma_start3A_659] : memref<10752xf32, #tpu.memory_space<vmem>> -> memref<512xf32, #tpu.memory_space<vmem>>
      tpu.enqueue_dma source(%dma_start3A_660 : memref<512xf32, #tpu.memory_space<vmem>>) target(%dma_start3A_658 : memref<512xf32, #tpu.memory_space<hbm>>) target_semaphore(%arg39 : memref<!tpu.dma_semaphore, #tpu.memory_space<semaphore_mem>>)
    }
    %scan3A_221 = arith.constant 8 : i32
    %mul3A_222 = arith.constant 4 : i32
    %mul3A_223 = arith.muli %mul3A_215, %mul3A_222 : i32
    %mul3A_224 = arith.constant 4 : i32
    %mul3A_225 = arith.muli %mul3A_215, %mul3A_224 : i32
    %add3A_226 = arith.constant 0 : i32
    %add3A_227 = arith.addi %add3A_226, %mul3A_225 : i32
    %mul3A_228 = arith.constant 4 : i32
    %mul3A_229 = arith.muli %mul3A_215, %mul3A_228 : i32
    %add3A_230 = arith.constant 1048576 : i32
    %add3A_231 = arith.addi %add3A_230, %mul3A_229 : i32
    %mul3A_232 = arith.constant 4 : i32
    %mul3A_233 = arith.muli %mul3A_215, %mul3A_232 : i32
    %add3A_234 = arith.constant 2097152 : i32
    %add3A_235 = arith.addi %add3A_234, %mul3A_233 : i32
    %mul3A_236 = arith.constant 4 : i32
    %mul3A_237 = arith.muli %mul3A_215, %mul3A_236 : i32
    %dma_wait3A_238 = arith.constant 0 : i32
    %dma_wait3A_239 = tpu.memref_slice %arg34[%dma_wait3A_238] : memref<10752xf32, #tpu.memory_space<vmem>> -> memref<2048xf32, #tpu.memory_space<vmem>>
    %dma_wait3A_240 = tpu.memref_slice %arg12[%mul3A_223] : memref<1048576xf32, #tpu.memory_space<hbm>> -> memref<2048xf32, #tpu.memory_space<hbm>>
    %dma_wait3A_241 = tpu.memref_slice %arg12[%mul3A_223] : memref<1048576xf32, #tpu.memory_space<hbm>> -> memref<2048xf32, #tpu.memory_space<hbm>>
    %dma_wait3A_242 = arith.constant 0 : i32
    %dma_wait3A_243 = tpu.memref_slice %arg34[%dma_wait3A_242] : memref<10752xf32, #tpu.memory_space<vmem>> -> memref<2048xf32, #tpu.memory_space<vmem>>
    tpu.wait_dma2 semaphore(%arg38 : memref<!tpu.dma_semaphore, #tpu.memory_space<semaphore_mem>>) src(%dma_wait3A_243 : memref<2048xf32, #tpu.memory_space<vmem>>) dst(%dma_wait3A_241 : memref<2048xf32, #tpu.memory_space<hbm>>)
    %dma_wait3A_244 = arith.constant 2048 : i32
    %dma_wait3A_245 = tpu.memref_slice %arg34[%dma_wait3A_244] : memref<10752xf32, #tpu.memory_space<vmem>> -> memref<2048xf32, #tpu.memory_space<vmem>>
    %dma_wait3A_246 = tpu.memref_slice %arg13[%add3A_227] : memref<3145728xf32, #tpu.memory_space<hbm>> -> memref<2048xf32, #tpu.memory_space<hbm>>
    %dma_wait3A_247 = tpu.memref_slice %arg13[%add3A_227] : memref<3145728xf32, #tpu.memory_space<hbm>> -> memref<2048xf32, #tpu.memory_space<hbm>>
    %dma_wait3A_248 = arith.constant 2048 : i32
    %dma_wait3A_249 = tpu.memref_slice %arg34[%dma_wait3A_248] : memref<10752xf32, #tpu.memory_space<vmem>> -> memref<2048xf32, #tpu.memory_space<vmem>>
    tpu.wait_dma2 semaphore(%arg38 : memref<!tpu.dma_semaphore, #tpu.memory_space<semaphore_mem>>) src(%dma_wait3A_249 : memref<2048xf32, #tpu.memory_space<vmem>>) dst(%dma_wait3A_247 : memref<2048xf32, #tpu.memory_space<hbm>>)
    %dma_wait3A_250 = arith.constant 4096 : i32
    %dma_wait3A_251 = tpu.memref_slice %arg34[%dma_wait3A_250] : memref<10752xf32, #tpu.memory_space<vmem>> -> memref<2048xf32, #tpu.memory_space<vmem>>
    %dma_wait3A_252 = tpu.memref_slice %arg13[%add3A_231] : memref<3145728xf32, #tpu.memory_space<hbm>> -> memref<2048xf32, #tpu.memory_space<hbm>>
    %dma_wait3A_253 = tpu.memref_slice %arg13[%add3A_231] : memref<3145728xf32, #tpu.memory_space<hbm>> -> memref<2048xf32, #tpu.memory_space<hbm>>
    %dma_wait3A_254 = arith.constant 4096 : i32
    %dma_wait3A_255 = tpu.memref_slice %arg34[%dma_wait3A_254] : memref<10752xf32, #tpu.memory_space<vmem>> -> memref<2048xf32, #tpu.memory_space<vmem>>
    tpu.wait_dma2 semaphore(%arg38 : memref<!tpu.dma_semaphore, #tpu.memory_space<semaphore_mem>>) src(%dma_wait3A_255 : memref<2048xf32, #tpu.memory_space<vmem>>) dst(%dma_wait3A_253 : memref<2048xf32, #tpu.memory_space<hbm>>)
    %dma_wait3A_256 = arith.constant 6144 : i32
    %dma_wait3A_257 = tpu.memref_slice %arg34[%dma_wait3A_256] : memref<10752xf32, #tpu.memory_space<vmem>> -> memref<2048xf32, #tpu.memory_space<vmem>>
    %dma_wait3A_258 = tpu.memref_slice %arg13[%add3A_235] : memref<3145728xf32, #tpu.memory_space<hbm>> -> memref<2048xf32, #tpu.memory_space<hbm>>
    %dma_wait3A_259 = tpu.memref_slice %arg13[%add3A_235] : memref<3145728xf32, #tpu.memory_space<hbm>> -> memref<2048xf32, #tpu.memory_space<hbm>>
    %dma_wait3A_260 = arith.constant 6144 : i32
    %dma_wait3A_261 = tpu.memref_slice %arg34[%dma_wait3A_260] : memref<10752xf32, #tpu.memory_space<vmem>> -> memref<2048xf32, #tpu.memory_space<vmem>>
    tpu.wait_dma2 semaphore(%arg38 : memref<!tpu.dma_semaphore, #tpu.memory_space<semaphore_mem>>) src(%dma_wait3A_261 : memref<2048xf32, #tpu.memory_space<vmem>>) dst(%dma_wait3A_259 : memref<2048xf32, #tpu.memory_space<hbm>>)
    %dma_wait3A_262 = arith.constant 8192 : i32
    %dma_wait3A_263 = tpu.memref_slice %arg34[%dma_wait3A_262] : memref<10752xf32, #tpu.memory_space<vmem>> -> memref<2048xf32, #tpu.memory_space<vmem>>
    %dma_wait3A_264 = tpu.memref_slice %arg14[%mul3A_237] : memref<1048576xf32, #tpu.memory_space<hbm>> -> memref<2048xf32, #tpu.memory_space<hbm>>
    %dma_wait3A_265 = tpu.memref_slice %arg14[%mul3A_237] : memref<1048576xf32, #tpu.memory_space<hbm>> -> memref<2048xf32, #tpu.memory_space<hbm>>
    %dma_wait3A_266 = arith.constant 8192 : i32
    %dma_wait3A_267 = tpu.memref_slice %arg34[%dma_wait3A_266] : memref<10752xf32, #tpu.memory_space<vmem>> -> memref<2048xf32, #tpu.memory_space<vmem>>
    tpu.wait_dma2 semaphore(%arg38 : memref<!tpu.dma_semaphore, #tpu.memory_space<semaphore_mem>>) src(%dma_wait3A_267 : memref<2048xf32, #tpu.memory_space<vmem>>) dst(%dma_wait3A_265 : memref<2048xf32, #tpu.memory_space<hbm>>)
    %dma_wait3A_268 = arith.constant 10240 : i32
    %dma_wait3A_269 = tpu.memref_slice %arg34[%dma_wait3A_268] : memref<10752xf32, #tpu.memory_space<vmem>> -> memref<512xf32, #tpu.memory_space<vmem>>
    %dma_wait3A_270 = tpu.memref_slice %arg15[%mul3A_215] : memref<262144xf32, #tpu.memory_space<hbm>> -> memref<512xf32, #tpu.memory_space<hbm>>
    %dma_wait3A_271 = tpu.memref_slice %arg15[%mul3A_215] : memref<262144xf32, #tpu.memory_space<hbm>> -> memref<512xf32, #tpu.memory_space<hbm>>
    %dma_wait3A_272 = arith.constant 10240 : i32
    %dma_wait3A_273 = tpu.memref_slice %arg34[%dma_wait3A_272] : memref<10752xf32, #tpu.memory_space<vmem>> -> memref<512xf32, #tpu.memory_space<vmem>>
    tpu.wait_dma2 semaphore(%arg38 : memref<!tpu.dma_semaphore, #tpu.memory_space<semaphore_mem>>) src(%dma_wait3A_273 : memref<512xf32, #tpu.memory_space<vmem>>) dst(%dma_wait3A_271 : memref<512xf32, #tpu.memory_space<hbm>>)
    %mul3A_274 = arith.constant 4 : i32
    %mul3A_275 = arith.muli %mul3A_215, %mul3A_274 : i32
    %mul3A_276 = arith.constant 4 : i32
    %mul3A_277 = arith.muli %mul3A_215, %mul3A_276 : i32
    %add3A_278 = arith.constant 0 : i32
    %add3A_279 = arith.addi %add3A_278, %mul3A_277 : i32
    %mul3A_280 = arith.constant 4 : i32
    %mul3A_281 = arith.muli %mul3A_215, %mul3A_280 : i32
    %add3A_282 = arith.constant 1048576 : i32
    %add3A_283 = arith.addi %add3A_282, %mul3A_281 : i32
    %mul3A_284 = arith.constant 4 : i32
    %mul3A_285 = arith.muli %mul3A_215, %mul3A_284 : i32
    %add3A_286 = arith.constant 2097152 : i32
    %add3A_287 = arith.addi %add3A_286, %mul3A_285 : i32
    %mul3A_288 = arith.constant 4 : i32
    %mul3A_289 = arith.muli %mul3A_215, %mul3A_288 : i32
    %dma_wait3A_290 = arith.constant 0 : i32
    %dma_wait3A_291 = tpu.memref_slice %arg35[%dma_wait3A_290] : memref<10752xf32, #tpu.memory_space<vmem>> -> memref<2048xf32, #tpu.memory_space<vmem>>
    %dma_wait3A_292 = tpu.memref_slice %arg12[%mul3A_275] : memref<1048576xf32, #tpu.memory_space<hbm>> -> memref<2048xf32, #tpu.memory_space<hbm>>
    %dma_wait3A_293 = tpu.memref_slice %arg12[%mul3A_275] : memref<1048576xf32, #tpu.memory_space<hbm>> -> memref<2048xf32, #tpu.memory_space<hbm>>
    %dma_wait3A_294 = arith.constant 0 : i32
    %dma_wait3A_295 = tpu.memref_slice %arg35[%dma_wait3A_294] : memref<10752xf32, #tpu.memory_space<vmem>> -> memref<2048xf32, #tpu.memory_space<vmem>>
    tpu.wait_dma2 semaphore(%arg39 : memref<!tpu.dma_semaphore, #tpu.memory_space<semaphore_mem>>) src(%dma_wait3A_295 : memref<2048xf32, #tpu.memory_space<vmem>>) dst(%dma_wait3A_293 : memref<2048xf32, #tpu.memory_space<hbm>>)
    %dma_wait3A_296 = arith.constant 2048 : i32
    %dma_wait3A_297 = tpu.memref_slice %arg35[%dma_wait3A_296] : memref<10752xf32, #tpu.memory_space<vmem>> -> memref<2048xf32, #tpu.memory_space<vmem>>
    %dma_wait3A_298 = tpu.memref_slice %arg13[%add3A_279] : memref<3145728xf32, #tpu.memory_space<hbm>> -> memref<2048xf32, #tpu.memory_space<hbm>>
    %dma_wait3A_299 = tpu.memref_slice %arg13[%add3A_279] : memref<3145728xf32, #tpu.memory_space<hbm>> -> memref<2048xf32, #tpu.memory_space<hbm>>
    %dma_wait3A_300 = arith.constant 2048 : i32
    %dma_wait3A_301 = tpu.memref_slice %arg35[%dma_wait3A_300] : memref<10752xf32, #tpu.memory_space<vmem>> -> memref<2048xf32, #tpu.memory_space<vmem>>
    tpu.wait_dma2 semaphore(%arg39 : memref<!tpu.dma_semaphore, #tpu.memory_space<semaphore_mem>>) src(%dma_wait3A_301 : memref<2048xf32, #tpu.memory_space<vmem>>) dst(%dma_wait3A_299 : memref<2048xf32, #tpu.memory_space<hbm>>)
    %dma_wait3A_302 = arith.constant 4096 : i32
    %dma_wait3A_303 = tpu.memref_slice %arg35[%dma_wait3A_302] : memref<10752xf32, #tpu.memory_space<vmem>> -> memref<2048xf32, #tpu.memory_space<vmem>>
    %dma_wait3A_304 = tpu.memref_slice %arg13[%add3A_283] : memref<3145728xf32, #tpu.memory_space<hbm>> -> memref<2048xf32, #tpu.memory_space<hbm>>
    %dma_wait3A_305 = tpu.memref_slice %arg13[%add3A_283] : memref<3145728xf32, #tpu.memory_space<hbm>> -> memref<2048xf32, #tpu.memory_space<hbm>>
    %dma_wait3A_306 = arith.constant 4096 : i32
    %dma_wait3A_307 = tpu.memref_slice %arg35[%dma_wait3A_306] : memref<10752xf32, #tpu.memory_space<vmem>> -> memref<2048xf32, #tpu.memory_space<vmem>>
    tpu.wait_dma2 semaphore(%arg39 : memref<!tpu.dma_semaphore, #tpu.memory_space<semaphore_mem>>) src(%dma_wait3A_307 : memref<2048xf32, #tpu.memory_space<vmem>>) dst(%dma_wait3A_305 : memref<2048xf32, #tpu.memory_space<hbm>>)
    %dma_wait3A_308 = arith.constant 6144 : i32
    %dma_wait3A_309 = tpu.memref_slice %arg35[%dma_wait3A_308] : memref<10752xf32, #tpu.memory_space<vmem>> -> memref<2048xf32, #tpu.memory_space<vmem>>
    %dma_wait3A_310 = tpu.memref_slice %arg13[%add3A_287] : memref<3145728xf32, #tpu.memory_space<hbm>> -> memref<2048xf32, #tpu.memory_space<hbm>>
    %dma_wait3A_311 = tpu.memref_slice %arg13[%add3A_287] : memref<3145728xf32, #tpu.memory_space<hbm>> -> memref<2048xf32, #tpu.memory_space<hbm>>
    %dma_wait3A_312 = arith.constant 6144 : i32
    %dma_wait3A_313 = tpu.memref_slice %arg35[%dma_wait3A_312] : memref<10752xf32, #tpu.memory_space<vmem>> -> memref<2048xf32, #tpu.memory_space<vmem>>
    tpu.wait_dma2 semaphore(%arg39 : memref<!tpu.dma_semaphore, #tpu.memory_space<semaphore_mem>>) src(%dma_wait3A_313 : memref<2048xf32, #tpu.memory_space<vmem>>) dst(%dma_wait3A_311 : memref<2048xf32, #tpu.memory_space<hbm>>)
    %dma_wait3A_314 = arith.constant 8192 : i32
    %dma_wait3A_315 = tpu.memref_slice %arg35[%dma_wait3A_314] : memref<10752xf32, #tpu.memory_space<vmem>> -> memref<2048xf32, #tpu.memory_space<vmem>>
    %dma_wait3A_316 = tpu.memref_slice %arg14[%mul3A_289] : memref<1048576xf32, #tpu.memory_space<hbm>> -> memref<2048xf32, #tpu.memory_space<hbm>>
    %dma_wait3A_317 = tpu.memref_slice %arg14[%mul3A_289] : memref<1048576xf32, #tpu.memory_space<hbm>> -> memref<2048xf32, #tpu.memory_space<hbm>>
    %dma_wait3A_318 = arith.constant 8192 : i32
    %dma_wait3A_319 = tpu.memref_slice %arg35[%dma_wait3A_318] : memref<10752xf32, #tpu.memory_space<vmem>> -> memref<2048xf32, #tpu.memory_space<vmem>>
    tpu.wait_dma2 semaphore(%arg39 : memref<!tpu.dma_semaphore, #tpu.memory_space<semaphore_mem>>) src(%dma_wait3A_319 : memref<2048xf32, #tpu.memory_space<vmem>>) dst(%dma_wait3A_317 : memref<2048xf32, #tpu.memory_space<hbm>>)
    %dma_wait3A_320 = arith.constant 10240 : i32
    %dma_wait3A_321 = tpu.memref_slice %arg35[%dma_wait3A_320] : memref<10752xf32, #tpu.memory_space<vmem>> -> memref<512xf32, #tpu.memory_space<vmem>>
    %dma_wait3A_322 = tpu.memref_slice %arg15[%mul3A_215] : memref<262144xf32, #tpu.memory_space<hbm>> -> memref<512xf32, #tpu.memory_space<hbm>>
    %dma_wait3A_323 = tpu.memref_slice %arg15[%mul3A_215] : memref<262144xf32, #tpu.memory_space<hbm>> -> memref<512xf32, #tpu.memory_space<hbm>>
    %dma_wait3A_324 = arith.constant 10240 : i32
    %dma_wait3A_325 = tpu.memref_slice %arg35[%dma_wait3A_324] : memref<10752xf32, #tpu.memory_space<vmem>> -> memref<512xf32, #tpu.memory_space<vmem>>
    tpu.wait_dma2 semaphore(%arg39 : memref<!tpu.dma_semaphore, #tpu.memory_space<semaphore_mem>>) src(%dma_wait3A_325 : memref<512xf32, #tpu.memory_space<vmem>>) dst(%dma_wait3A_323 : memref<512xf32, #tpu.memory_space<hbm>>)
    return
  }
}

</mosaic_0001>

<sc_bundles>
// kernel: kernel.3.cloned.1.call-start
scs
__scs_entry_jumppad:
0x0: {  	(pc) =	sbr.rel $0x88, $3  }
0x1: {  	(tag) =	ssettag $0x0;
	lr =	simm.s32 $0x1  }
0x2: {  	[smem:$0x3F96] =	sst lr;
	_ =	strace $0xD0000000  }
0x3: {  	_ = 	snop  }
0x4: {  	_ = 	snop  }
0x5: {  	_ = 	snop  }
0x6: {  	_ = 	snop  }
0x7: {  	_ = 	snop  }
__scs_overlays_trampoline_lowered:
0x8: {  	[smem:$0x3FA5] =	sst s0  }
0x9: {  	[smem:$0x3FA6] =	sst s1  }
0xa: {  	[smem:$0x3FA7] =	sst s2  }
0xb: {  	[smem:$0x3FA8] =	sst s3  }
0xc: {  	[smem:$0x3FA9] =	sst s4  }
0xd: {  	[smem:$0x3FAA] =	sst s5  }
0xe: {  	[smem:$0x3FAB] =	sst s6  }
0xf: {  	[smem:$0x3FAC] =	sst s7  }
0x10: {  	[smem:$0x3FAD] =	sst s8  }
0x11: {  	[smem:$0x3FAE] =	sst s9;
	s0 =	simm.s32 @!p0 $0x0  }
0x12: {  	s1 =	sld [smem:$0x3F94];
	s0 =	simm.s32 @p0 $0x1  }
0x13: {  	[smem:$0x3FAF] =	sst s0;
	s0 =	simm.s32 @!p1 $0x0  }
0x14: {  	s2 =	sld [smem:$0x3F93];
	s0 =	simm.s32 @p1 $0x1  }
0x15: {  	[smem:$0x3FB0] =	sst s0;
	s0 =	simm.s32 @!p2 $0x0  }
0x16: {  	s3 =	sld [smem:$0x3FDB];
	s0 =	simm.s32 @p2 $0x1  }
0x17: {  	s4 =	simm.s32 $0x1BF5;
	[smem:$0x3FB2] =	sst s0  }
0x18: {  	s0 =	sld [smem:$0x3F95];
	_ =	swait.ge [sflag:s4], $0x0  }
0x19: {  	s7 =	sld [smem:$0x3F96]  }
0x1a: {  	s8 =	sadd.s32 $0xFFFFE003, lr  }
0x1b: {  	s9 =	sadd.s32 $0xFFFFFEF7, lr;
	s5 =	simm.s32 $0xFFFFFFFF;
	p2 =	slt.u32 s8, $0xFFFFF086  }
0x1c: {  	p1 =	slt.u32 s9, $0xF7A;
	s5 =	simm.s32 @!p2 $0x0  }
0x1d: {  	s5 =	simm.s32 @p1 $0x1;
	p0 =	seq.s32 s7, s2  }
0x1e: {  	s7 =	smul.u32 @!p0 $0xF7A, s2;
	p2 =	seq.s32 @!p0 s5, $0x0  }
0x1f: {  	s9 =	smul.u32 $0xF7A, s1;
	s8 =	simm.s32 @!p0 $0x1BF5;
	p2 =	por !p2, p0  }
0x20: {  	[sflag:s8] =	ssyncset.s32 @!p0 $0xFFFFF086;
	s6 =	sadd.s32 @!p0 s3, s7;
	s7 =	simm.s32 @!p0 $0x108  }
0x21: {  	s3 =	sadd.s32 s3, s9;
	s6 =	sadd.s32 @!p0 $0x88, s6;
	s7 =	simm.s32 @p2 $0x1082  }
0x22: {  	[simem:s7], [sflag:s8] =	dma.local @!p0 [hbm:s6], $0xF7A  }
0x23: {  	s9 =	sor.u32 $0xD0000000, s2;
	s6 =	simm.s32 $0x108;
	_ =	swait.ge @!p0 [sflag:s8], $0x0  }
0x24: {  	s3 =	sadd.s32 $0x88, s3;
	s6 =	simm.s32 @!p1 $0x1082;
	[sflag:s4] =	ssyncset.s32 $0xFFFFF086  }
0x25: {  	[simem:s6], [sflag:s4] =	dma.local [hbm:s3], $0xF7A  }
0x26: {  	[smem:$0x3F96] =	sst s1;
	(tag) =	ssettag s2;
	_ =	strace s9  }
0x27: {  	s1 =	sld [smem:$0x3FA6]  }
0x28: {  	s2 =	sld [smem:$0x3FA7]  }
0x29: {  	s4 =	sld [smem:$0x3FA9]  }
0x2a: {  	p0 =	seq.s32 s5, $0x0;
	s5 =	sld [smem:$0x3FAA]  }
0x2b: {  	s6 =	sld [smem:$0x3FAB]  }
0x2c: {  	s7 =	sld [smem:$0x3FAC]  }
0x2d: {  	s3 =	simm.s32 $0x108;
	s8 =	sld [smem:$0x3FAD]  }
0x2e: {  	s3 =	simm.s32 @!p0 $0x1082;
	s9 =	sld [smem:$0x3FAE]  }
0x2f: {  	lr =	sadd.s32 s0, s3;
	s0 =	sld [smem:$0x3FA5]  }
0x30: {  	s3 =	sld [smem:$0x3FA8]  }
0x31: {  	[smem:$0x3FB1] =	sst s10  }
0x32: {  	s10 =	sld [smem:$0x3FAF];
	_ =	sdelay $0x3  }
0x33: {  	p0 =	seq.s32 s10, $0x1;
	s10 =	sld [smem:$0x3FB1];
	_ =	sdelay $0x3  }
0x34: {  	[smem:$0x3FB1] =	sst s10  }
0x35: {  	s10 =	sld [smem:$0x3FB0];
	_ =	sdelay $0x3  }
0x36: {  	p1 =	seq.s32 s10, $0x1;
	s10 =	sld [smem:$0x3FB1];
	_ =	sdelay $0x3  }
0x37: {  	[smem:$0x3FB1] =	sst s10  }
0x38: {  	s10 =	sld [smem:$0x3FB2]  }
0x39: {  	_ = 	snop;
	(pc) =	sbr.ind lr, $3  }
0x3a: {  	_ = 	snop  }
0x3b: {  	_ = 	snop  }
0x3c: {  	p2 =	seq.s32 s10, $0x1;
	s10 =	sld [smem:$0x3FB1]  }
0x3d: {  	_ =	shalt  }
0x3e: {  	_ =	shalt  }
0x3f: {  	_ =	shalt  }
0x40: {  	_ =	shalt  }
0x41: {  	_ =	shalt  }
0x42: {  	_ =	shalt  }
0x43: {  	_ =	shalt  }
0x44: {  	_ =	shalt  }
0x45: {  	_ =	shalt  }
0x46: {  	_ =	shalt  }
0x47: {  	_ =	shalt  }
0x48: {  	_ =	shalt  }
0x49: {  	_ =	shalt  }
0x4a: {  	_ =	shalt  }
0x4b: {  	_ =	shalt  }
0x4c: {  	_ =	shalt  }
0x4d: {  	_ =	shalt  }
0x4e: {  	_ =	shalt  }
0x4f: {  	_ =	shalt  }
0x50: {  	_ =	shalt  }
0x51: {  	_ =	shalt  }
0x52: {  	_ =	shalt  }
0x53: {  	_ =	shalt  }
0x54: {  	_ =	shalt  }
0x55: {  	_ =	shalt  }
0x56: {  	_ =	shalt  }
0x57: {  	_ =	shalt  }
0x58: {  	_ =	shalt  }
0x59: {  	_ =	shalt  }
0x5a: {  	_ =	shalt  }
0x5b: {  	_ =	shalt  }
0x5c: {  	_ =	shalt  }
0x5d: {  	_ =	shalt  }
0x5e: {  	_ =	shalt  }
0x5f: {  	_ =	shalt  }
0x60: {  	_ =	shalt  }
0x61: {  	_ =	shalt  }
0x62: {  	_ =	shalt  }
0x63: {  	_ =	shalt  }
0x64: {  	_ =	shalt  }
0x65: {  	_ =	shalt  }
0x66: {  	_ =	shalt  }
0x67: {  	_ =	shalt  }
0x68: {  	_ =	shalt  }
0x69: {  	_ =	shalt  }
0x6a: {  	_ =	shalt  }
0x6b: {  	_ =	shalt  }
0x6c: {  	_ =	shalt  }
0x6d: {  	_ =	shalt  }
0x6e: {  	_ =	shalt  }
0x6f: {  	_ =	shalt  }
0x70: {  	_ =	shalt  }
0x71: {  	_ =	shalt  }
0x72: {  	_ =	shalt  }
0x73: {  	_ =	shalt  }
0x74: {  	_ =	shalt  }
0x75: {  	_ =	shalt  }
0x76: {  	_ =	shalt  }
0x77: {  	_ =	shalt  }
0x78: {  	_ =	shalt  }
0x79: {  	_ =	shalt  }
0x7a: {  	_ =	shalt  }
0x7b: {  	_ =	shalt  }
0x7c: {  	_ =	shalt  }
0x7d: {  	_ =	shalt  }
0x7e: {  	_ =	shalt  }
0x7f: {  	_ =	shalt  }
0x80: {  	_ =	shalt  }
0x81: {  	_ =	shalt  }
0x82: {  	_ =	shalt  }
0x83: {  	_ =	shalt  }
0x84: {  	_ =	shalt  }
0x85: {  	_ =	shalt  }
0x86: {  	_ =	shalt  }
0x87: {  	_ =	shalt  }
.Lfunc_end0:
.L_simem_size_0:
called_computation_lowered:
.L_overlay_start_0:
0x88: {  	s2 =	sld [smem:$0x3FD9]  }
0x89: {  	s3 =	sld [smem:$0x3FFE];
	_ =	sdelay $0x1  }
0x8a: {  	s1 =	srdreg.scid  }
0x8b: {  	s0 =	sand.u32 $0x1, s1  }
0x8c: {  	s28 =	sshll.u32 s0, $0xA;
	s2 =	sadd.s32 s3, s2  }
0x8d: {  	s2 =	sadd.s32 s2, s28  }
0x8e: {  	[smem:$0x3FBD] =	sst s2  }
0x8f: {  	_ = 	snop  }
0x90: {  	s6 =	sld [smem:$0x3FC8]  }
0x91: {  	s2 =	sld [smem:$0x3FC6]  }
0x92: {  	s29 =	sld [smem:$0x3FC4]  }
0x93: {  	s8 =	sld [smem:$0x3FD0]  }
0x94: {  	s7 =	sld [smem:$0x3FC3]  }
0x95: {  	s4 =	sld [smem:$0x3FC1]  }
0x96: {  	s9 =	simm.s32 $0xA;
	s10 =	simm.s32 $0x10;
	s5 =	sld [smem:$0x3FBF]  }
0x97: {  	[smem:s10], [sflag:s9] =	dma.local [hbm:s8], $0x1  }
0x98: {  	_ =	swait.eq [sflag:s9], $0x1  }
0x99: {  	s30 =	sld [smem:$0x10]  }
0x9a: {  	s31 =	sld [smem:$0x11]  }
0x9b: {  	s11 =	sld [smem:$0x12];
	[sflag:s9] =	ssyncset.done $0x0  }
0x9c: {  	s12 =	sld [smem:$0x13];
	[sflag:s9] =	ssyncadd.s32 $0xFFFFFFFF  }
0x9d: {  	s18 =	sld [smem:$0x14];
	(tm) =	ssettm $0x1  }
0x9e: {  	s13 =	sld [smem:$0x3FFB];
	_ =	sdelay $0x3  }
0x9f: {  	_ =	strace s13  }
0xa0: {  	s13 =	sld [smem:$0x3FFC];
	_ =	sdelay $0x3  }
0xa1: {  	_ =	strace s13  }
0xa2: {  	s13 =	sld [smem:$0x3FFD];
	_ =	sdelay $0x3  }
0xa3: {  	_ =	strace s13  }
0xa4: {  	_ =	strace $0x8FFFFFFF  }
0xa5: {  	s19 =	sld [smem:$0x3FDB];
	_ =	sdelay $0x1  }
0xa6: {  	s14 =	simm.s32 $_scs_section_size  }
0xa7: {  	s15 =	simm.s32 $_size__tile_overlayer_lowered;
	s16 =	simm.s32 $_tile_overlayer_lowered  }
0xa8: {  	s22 =	simm.s32 $0x1BFF;
	s21 =	sshll.u32 s16, $0x1;
	s13 =	sadd.s32 s14, s19  }
0xa9: {  	s17 =	simm.s32 $0x0;
	s20 =	sshll.u32 s15, $0x1;
	s15 =	sadd.s32 s21, s13  }
0xaa: {  	[timem:s17], [sflag:s22] =	dma.local [hbm:s15], s20  }
0xab: {  	_ =	swait.ge [sflag:s22], s20  }
0xac: {  	s14 =	ssub.s32 $0x0, s20;
	[sflag:s22] =	ssyncset.done $0x0  }
0xad: {  	[sflag:s22] =	ssyncadd.s32 s14;
	_ =	sdelay $0x1  }
0xae: {  	s23 =	simm.s32 $0x1B8B  }
0xaf: {  	_ =	swait.ge [sflag:s23], $0x1  }
0xb0: {  	[sflag:s23] =	ssyncset.done $0x0  }
0xb1: {  	s25 =	simm.s32 $0x1B8E;
	s24 =	sld [smem:$0x3FFE];
	[sflag:s23] =	ssyncadd.s32 $0xFFFFFFFF  }
0xb2: {  	s26 =	simm.s32 $execute0_lowered;
	[smem:$0x3FD2] =	sst s25  }
0xb3: {  	s15 =	sshll.u32 s26, $0x1;
	_ =	strace $0x80000046;
	[dreg:$0x1] =	wrdreg $0xFFFFFFFF  }
0xb4: {  	s28 =	simm.s32 $_size_execute0_lowered;
	s13 =	sadd.s32 s13, s15;
	[dreg:$0x0] =	wrdreg $0x0  }
0xb5: {  	s15 =	sshll.u32 s28, $0x1;
	[dreg:$0x2] =	wrdreg s13  }
0xb6: {  	[dreg:$0x3] =	wrdreg s15  }
0xb7: {  	[dreg:$0x4] =	wrdreg $0xC0  }
0xb8: {  	_ =	task [dreg:s17], $0x5FFFF  }
0xb9: {  	[dreg:$0x1] =	wrdreg $0xFFFFFFFF  }
0xba: {  	[dreg:$0x0] =	wrdreg $0x60  }
0xbb: {  	[dreg:$0x2] =	wrdreg s11  }
0xbc: {  	[dreg:$0x3] =	wrdreg s6  }
0xbd: {  	[dreg:$0x4] =	wrdreg s31  }
0xbe: {  	[dreg:$0x5] =	wrdreg s2  }
0xbf: {  	[dreg:$0x6] =	wrdreg s29  }
0xc0: {  	[dreg:$0x7] =	wrdreg s7  }
0xc1: {  	[dreg:$0x8] =	wrdreg s24  }
0xc2: {  	[dreg:$0x9] =	wrdreg s4  }
0xc3: {  	[dreg:$0xa] =	wrdreg s5  }
0xc4: {  	[dreg:$0xb] =	wrdreg s30  }
0xc5: {  	[dreg:$0xc] =	wrdreg s18  }
0xc6: {  	[dreg:$0xd] =	wrdreg s12  }
0xc7: {  	[dreg:$0xe] =	wrdreg $0x0  }
0xc8: {  	[dreg:$0xf] =	wrdreg $0x9  }
0xc9: {  	_ =	task.clear_ibuf [dreg:s17], $0x10FFFF;
	_ =	strace $0x90000046  }
0xca: {  	s29 =	simm.s32 $0x9;
	_ =	strace $0x80000048  }
0xcb: {  	_ =	swait.ge [sflag:s29], $0x1  }
0xcc: {  	[sflag:s29] =	ssyncadd.s32 $0xFFFFFFFF  }
0xcd: {  	_ =	strace $0x90000048  }
0xce: {  	_ =	sfence  }
0xcf: {  	s30 =	sld [smem:$0x0];
	_ =	sdelay $0x2  }
0xd0: {  	s31 =	sshll.u32 s1, $0xD;
	s1 =	sshrl.u32 s1, $0x2  }
0xd1: {  	s3 =	sand.u32 $0x4000, s31;
	s1 =	sadd.s32 s1, s30  }
0xd2: {  	s0 =	sor.u32 s3, s0;
	s1 =	sshll.u32 s1, $0x11  }
0xd3: {  	s0 =	sor.u32 s1, s0  }
0xd4: {  	s0 =	sadd.s32 $0x8F2B, s0  }
0xd5: {  	[sflag:s0] =	ssyncadd.remote.s32 $0x1  }
0xd6: {  	_ =	sfence.sel $0xFFFF  }
0xd7: {  	[dreg:$0x0] =	wrdreg $0xFFFFFFFF;
	(pc) =	sbr.abs _section_cstart, $3  }
0xd8: {  	[dreg:$0x1] =	wrdreg $0xFFFFFFFF  }
0xd9: {  	_ =	task.clear_ibuf [dreg:s17], $0x2FFFF;
	_ =	strace $0x9FFFFFFF  }
0xda: {  	(tm) =	ssettm $0x7FFFFFFF  }
0xdb: {  	_ =	shalt  }
tec
execute0_lowered:
.L_overlay_start_1:
0x0: {  	(tag) =	ssettag $0x1  }
0x1: {  	s0 =	rddreg [dreg:$0x0]  }
0x2: {  	s28 =	rddreg [dreg:$0x1]  }
0x3: {  	s2 =	rddreg [dreg:$0x2]  }
0x4: {  	s16 =	rddreg [dreg:$0x3]  }
0x5: {  	s17 =	rddreg [dreg:$0x4]  }
0x6: {  	s18 =	rddreg [dreg:$0x5]  }
0x7: {  	s1 =	rddreg [dreg:$0x6]  }
0x8: {  	s3 =	rddreg [dreg:$0x7]  }
0x9: {  	s4 =	rddreg [dreg:$0x8]  }
0xa: {  	s7 =	rddreg [dreg:$0xa]  }
0xb: {  	s5 =	srdreg.scid;
	s21 =	rddreg [dreg:$0xb];
	s9 =	simm.s32 $0x0  }
0xc: {  	s19 =	stileid.u32;
	s5 =	sand.u32 $0x1, s5;
	[smem:$0x7FF] =	sst s9  }
0xd: {  	s6 =	sadd.s32 $0x2E00, s1;
	s10 =	sadd.s32 $0x3400, s1;
	s12 =	sshll.u32 s19, $0x8  }
0xe: {  	s22 =	sshll.u32 s19, $0x5;
	s26 =	sshll.u32 s19, $0x7;
	s8 =	ssub.s32 $0x2, s5  }
0xf: {  	s13 =	sor.u32 $0x1000, s12;
	s14 =	sadd.s32 s6, s22;
	s3 =	sadd.s32 s3, s26  }
0x10: {  	s11 =	sshrl.u32 s8, $0x1;
	[dreg:$0xe] =	wrdreg s14;
	s23 =	sshrl.u32 s13, $0x3  }
0x11: {  	[dreg:$0x14] =	wrdreg s3;
	s8 =	ssub.s32 s8, s11;
	s11 =	sadd.s32 s10, s22  }
0x12: {  	s15 =	sor.u32 $0x2000, s12;
	s24 =	sadd.s32 s6, s23;
	[dreg:$0xf] =	wrdreg s11  }
0x13: {  	s25 =	sshrl.u32 s15, $0x3;
	s14 =	sadd.s32 s10, s23;
	[dreg:$0x10] =	wrdreg s24  }
0x14: {  	s6 =	sadd.s32 s6, s25;
	[dreg:$0x11] =	wrdreg s14  }
0x15: {  	s10 =	sadd.s32 s10, s25;
	[dreg:$0x12] =	wrdreg s6  }
0x16: {  	s20 =	sshll.u32 s19, $0x1;
	[dreg:$0x13] =	wrdreg s10  }
0x17: {  	s5 =	sor.u32 s5, s20;
	s10 =	rddreg [dreg:$0xc];
	s11 =	sadd.s32 s4, s26  }
0x18: {  	s1 =	sadd.s32 $0x3A00, s1;
	s14 =	sshll.u32 s5, $0xA;
	[dreg:$0x15] =	wrdreg s11  }
0x19: {  	s26 =	sadd.s32 s0, s14;
	_ =	strace $0x80000047;
	[dreg:$0x16] =	wrdreg s1  }
0x1a: {  	s6 =	sadd.s32 s2, s14;
	[dreg:$0x1c] =	wrdreg s26  }
0x1b: {  	s24 =	sshll.u32 s5, $0xD;
	s3 =	sadd.s32 s16, s14;
	[dreg:$0x1d] =	wrdreg s6  }
0x1c: {  	s11 =	sadd.s32 s12, s10;
	s12 =	sadd.s32 s13, s10;
	[dreg:$0x1e] =	wrdreg s3  }
0x1d: {  	s19 =	sor.u32 $0x8000, s14;
	s13 =	sadd.s32 s15, s10;
	[smem:$0x7EE] =	sst s12  }
0x1e: {  	s22 =	sor.u32 $0x10000, s14;
	s14 =	smax.u32 s8, $0x1;
	[smem:$0x7EF] =	sst s13  }
0x1f: {  	s15 =	sadd.s32 s18, s24;
	[smem:$0x7F0] =	sst s14  }
0x20: {  	[smem:$0x7F1] =	sst s15  }
0x21: {  	s16 =	sadd.s32 s17, s24;
	[dreg:$0x1b] =	wrdreg s24  }
0x22: {  	[smem:$0x7F2] =	sst s16  }
0x23: {  	s20 =	sadd.s32 s0, s19;
	[smem:$0x7F6] =	sst s11  }
0x24: {  	s1 =	sadd.s32 s2, s19;
	[dreg:$0x17] =	wrdreg s20  }
0x25: {  	s23 =	sadd.s32 s0, s22;
	[dreg:$0x18] =	wrdreg s1  }
0x26: {  	s17 =	sadd.s32 $0x3000, s11;
	[dreg:$0x19] =	wrdreg s23  }
0x27: {  	s29 =	simm.s32 $0x7700;
	s18 =	sadd.s32 $0x4000, s11;
	[smem:$0x7F3] =	sst s17  }
0x28: {  	s30 =	simm.s32 $0x1;
	s19 =	sadd.s32 $0x5000, s11;
	[smem:$0x7F4] =	sst s18  }
0x29: {  	s31 =	simm.s32 $0x8500;
	s24 =	sadd.s32 $0x4000, s10;
	[smem:$0x7F5] =	sst s19  }
0x2a: {  	s25 =	sshll.u32 s5, $0xC;
	s26 =	sadd.s32 $0x6000, s10;
	[smem:$0x7FB] =	sst s24  }
0x2b: {  	s4 =	simm.s32 $0x0;
	s1 =	sadd.s32 s2, s22;
	[smem:$0x7FD] =	sst s26  }
0x2c: {  	s12 =	simm.s32 $0x2700;
	s20 =	sadd.s32 $0x1000, s10;
	[dreg:$0x1a] =	wrdreg s1  }
0x2d: {  	s13 =	simm.s32 $0x3700;
	s22 =	sadd.s32 $0x2000, s10;
	[smem:$0x7F8] =	sst s20  }
0x2e: {  	s14 =	simm.s32 $0x4700;
	s23 =	sadd.s32 $0x3000, s10;
	[smem:$0x7F9] =	sst s22  }
0x2f: {  	s16 =	simm.s32 $0x5700;
	s1 =	sadd.s32 s28, s25;
	[smem:$0x7FA] =	sst s23  }
0x30: {  	s19 =	simm.s32 $0x700;
	s25 =	sadd.s32 $0x5000, s10;
	[dreg:$0x1f] =	wrdreg s1  }
0x31: {  	s17 =	simm.s32 $0x6700;
	s1 =	sadd.s32 $0x6000, s11;
	[smem:$0x7FC] =	sst s25  }
0x32: {  	v0 =	vlaneseq.u32;
	s18 =	simm.s32 $0x2;
	s11 =	simm.s32 $0x1700;
	[smem:$0x7F7] =	sst s1  }
.LBB2_1:
0x33: {  	[smem:$0x7ED] =	sst s4  }
0x34: {  	s1 =	rddreg [dreg:$0xe]  }
0x35: {  	s8 =	rddreg [dreg:$0xf]  }
0x36: {  	[tilespmem:s29], [sflag:$0x1] =	stream.linear.gather [hbm4b:s1+s9], $0x100, $0x38;
	[tilespmem:$0x14C00] =	vst v63  }
0x37: {  	s3 =	simm.s32 $0x7A00;
	s10 =	rddreg [dreg:$0x10]  }
0x38: {  	[tilespmem:s3], [sflag:$0x1] =	stream.linear.gather [hbm4b:s8+s9], $0x100, $0x38;
	[tilespmem:$0x14C00] =	vst v63  }
0x39: {  	s15 =	simm.s32 $0x7800;
	s20 =	rddreg [dreg:$0x11]  }
0x3a: {  	[tilespmem:s15], [sflag:$0x1] =	stream.linear.gather [hbm4b:s10+s9], $0x100, $0x38;
	[tilespmem:$0x14C00] =	vst v63  }
0x3b: {  	s22 =	simm.s32 $0x7B00;
	s23 =	rddreg [dreg:$0x12]  }
0x3c: {  	[tilespmem:s22], [sflag:$0x1] =	stream.linear.gather [hbm4b:s20+s9], $0x100, $0x38;
	[tilespmem:$0x14C00] =	vst v63  }
0x3d: {  	s24 =	simm.s32 $0x7900;
	s25 =	rddreg [dreg:$0x13]  }
0x3e: {  	[tilespmem:s24], [sflag:$0x1] =	stream.linear.gather [hbm4b:s23+s9], $0x100, $0x38;
	[tilespmem:$0x14C00] =	vst v63  }
0x3f: {  	s26 =	simm.s32 $0x7C00;
	s4 =	rddreg [dreg:$0x14]  }
0x40: {  	[tilespmem:s26], [sflag:$0x1] =	stream.linear.gather [hbm4b:s25+s9], $0x100, $0x38;
	[tilespmem:$0x14C00] =	vst v63  }
0x41: {  	s5 =	simm.s32 $0x7D00;
	s6 =	rddreg [dreg:$0x15]  }
0x42: {  	[tilespmem:s5], [sflag:$0x1] =	stream.linear.gather [hbm4b:s4+s9], $0x400, $0x38;
	[tilespmem:$0x14C00] =	vst v63  }
0x43: {  	s8 =	simm.s32 $0x8100;
	s10 =	rddreg [dreg:$0x1c]  }
0x44: {  	[tilespmem:s8], [sflag:$0x1] =	stream.linear.gather [hbm4b:s6+s9], $0x400, $0x38;
	[tilespmem:$0x14C00] =	vst v63  }
0x45: {  	s15 =	simm.s32 $0x8C00;
	s20 =	rddreg [dreg:$0x1d]  }
0x46: {  	[tilespmem:s15], [sflag:$0x1] =	stream.linear.gather [hbm4b:s10+s9], $0x200, $0x38;
	[tilespmem:$0x14C00] =	vst v63  }
0x47: {  	s22 =	simm.s32 $0x9200;
	s23 =	rddreg [dreg:$0x17]  }
0x48: {  	[tilespmem:s22], [sflag:$0x1] =	stream.linear.gather [hbm4b:s20+s9], $0x200, $0x38;
	[tilespmem:$0x14C00] =	vst v63  }
0x49: {  	s24 =	simm.s32 $0x8E00;
	s25 =	rddreg [dreg:$0x18]  }
0x4a: {  	[tilespmem:s24], [sflag:$0x1] =	stream.linear.gather [hbm4b:s23+s9], $0x200, $0x38;
	[tilespmem:$0x14C00] =	vst v63  }
0x4b: {  	s26 =	simm.s32 $0x9400;
	s4 =	rddreg [dreg:$0x19]  }
0x4c: {  	[tilespmem:s26], [sflag:$0x1] =	stream.linear.gather [hbm4b:s25+s9], $0x200, $0x38;
	[tilespmem:$0x14C00] =	vst v63  }
0x4d: {  	s5 =	simm.s32 $0x9000;
	s6 =	rddreg [dreg:$0x1a]  }
0x4e: {  	[tilespmem:s5], [sflag:$0x1] =	stream.linear.gather [hbm4b:s4+s9], $0x200, $0x38;
	[tilespmem:$0x14C00] =	vst v63  }
0x4f: {  	s8 =	simm.s32 $0x9600;
	s10 =	rddreg [dreg:$0x1e]  }
0x50: {  	[tilespmem:s8], [sflag:$0x1] =	stream.linear.gather [hbm4b:s6+s9], $0x200, $0x38;
	[tilespmem:$0x14C00] =	vst v63  }
0x51: {  	s15 =	simm.s32 $0x9800;
	s20 =	rddreg [dreg:$0x1f]  }
0x52: {  	[tilespmem:s15], [sflag:$0x1] =	stream.linear.gather [hbm4b:s10+s9], $0x200, $0x38;
	[tilespmem:$0x14C00] =	vst v63  }
0x53: {  	s22 =	simm.s32 $0x9A00;
	s23 =	sld [smem:$0x7F1]  }
0x54: {  	[tilespmem:s22], [sflag:$0x1] =	stream.linear.gather [hbm4b:s20+s9], $0x800, $0x38;
	[tilespmem:$0x14C00] =	vst v63  }
0x55: {  	s24 =	simm.s32 $0xA200;
	s25 =	sld [smem:$0x7F2]  }
0x56: {  	[tilespmem:s24], [sflag:$0x1] =	stream.linear.gather [hbm4b:s23+s9], $0x1000, $0x38;
	[tilespmem:$0x14C00] =	vst v63  }
0x57: {  	s26 =	simm.s32 $0xB200  }
0x58: {  	[tilespmem:s26], [sflag:$0x1] =	stream.linear.gather [hbm4b:s25+s9], $0x1000, $0x38;
	[tilespmem:$0x14C00] =	vst v63  }
0x59: {  	_ =	swait.ge [sflag:s30], $0x100  }
0x5a: {  	[sflag:s30] =	ssyncset.done $0x0  }
0x5b: {  	[sflag:s30] =	ssyncadd.s32 $0xFFFFFF00  }
0x5c: {  	_ =	swait.ge [sflag:s30], $0x100  }
0x5d: {  	[sflag:s30] =	ssyncset.done $0x0  }
0x5e: {  	[sflag:s30] =	ssyncadd.s32 $0xFFFFFF00  }
0x5f: {  	_ =	swait.ge [sflag:s30], $0x100  }
0x60: {  	[sflag:s30] =	ssyncset.done $0x0  }
0x61: {  	[sflag:s30] =	ssyncadd.s32 $0xFFFFFF00  }
0x62: {  	_ =	swait.ge [sflag:s30], $0x100  }
0x63: {  	[sflag:s30] =	ssyncset.done $0x0  }
0x64: {  	[sflag:s30] =	ssyncadd.s32 $0xFFFFFF00  }
0x65: {  	_ =	swait.ge [sflag:s30], $0x100  }
0x66: {  	[sflag:s30] =	ssyncset.done $0x0  }
0x67: {  	[sflag:s30] =	ssyncadd.s32 $0xFFFFFF00  }
0x68: {  	_ =	swait.ge [sflag:s30], $0x100  }
0x69: {  	s3 =	sand.u32 $0x70, s9;
	s4 =	sand.u32 $0x200, s9;
	[sflag:s30] =	ssyncset.done $0x0  }
0x6a: {  	s1 =	sor.u32 s3, s4;
	[sflag:s30] =	ssyncadd.s32 $0xFFFFFF00  }
0x6b: {  	s3 =	sadd.s32 $0x600, s1;
	_ =	swait.ge [sflag:s30], $0x400  }
0x6c: {  	s5 =	sadd.s32 $0xB80, s1;
	v1 =	vor.u32 s3, v0;
	[sflag:s30] =	ssyncset.done $0x0  }
0x6d: {  	s6 =	sadd.s32 $0xB00, s1;
	v2 =	vor.u32 s5, v0;
	[sflag:s30] =	ssyncadd.s32 $0xFFFFFC00  }
0x6e: {  	s8 =	sadd.s32 $0x680, s1;
	v3 =	vor.u32 s6, v0;
	_ =	swait.ge [sflag:s30], $0x400  }
0x6f: {  	v4 =	vor.u32 s8, v0;
	s10 =	sadd.s32 $0x700, s1;
	[sflag:s30] =	ssyncset.done $0x0  }
0x70: {  	s15 =	sadd.s32 $0x780, s1;
	v5 =	vor.u32 s10, v0;
	[sflag:s30] =	ssyncadd.s32 $0xFFFFFC00  }
0x71: {  	v6 =	vor.u32 s15, v0;
	s20 =	sadd.s32 $0xA80, s1;
	v1 =	vld.idx.msk [tilespmem:v1+s29+$0x0], $0xffff  }
0x72: {  	s1 =	sadd.s32 $0xA00, s1;
	v7 =	vor.u32 s20, v0;
	v2 =	vld.idx.msk [tilespmem:v2+s29+$0x0], $0xffff  }
0x73: {  	v8 =	vor.u32 s1, v0;
	v3 =	vld.idx.msk [tilespmem:v3+s29+$0x0], $0xffff  }
0x74: {  	v4 =	vld.idx.msk [tilespmem:v4+s29+$0x0], $0xffff  }
0x75: {  	v5 =	vld.idx.msk [tilespmem:v5+s29+$0x0], $0xffff  }
0x76: {  	v6 =	vld.idx.msk [tilespmem:v6+s29+$0x0], $0xffff  }
0x77: {  	v7 =	vld.idx.msk [tilespmem:v7+s29+$0x0], $0xffff  }
0x78: {  	v8 =	vld.idx.msk [tilespmem:v8+s29+$0x0], $0xffff;
	_ =	sdelay $0x1  }
0x79: {  	v9 =	vmul.f32 v1, v1;
	v10 =	vmul.f32 v4, v4  }
0x7a: {  	v11 =	vmul.f32 v5, v5;
	v12 =	vmul.f32 v6, v6  }
0x7b: {  	v13 =	vmul.f32 v3, v3;
	v14 =	vmul.f32 v2, v2;
	v9 =	vadd.f32 v10, v9  }
0x7c: {  	v10 =	vadd.f32 v12, v11;
	v11 =	vmul.f32 v8, v8;
	v12 =	vmul.f32 v7, v7  }
0x7d: {  	v13 =	vadd.f32 v14, v13  }
0x7e: {  	v9 =	vadd.f32 v10, v9;
	v10 =	vadd.f32 v12, v11;
	_ =	sdelay $0x1  }
0x7f: {  	v11 =	vmax.f32 v9, $1.000000000e-30;
	v10 =	vadd.f32 v13, v10  }
0x80: {  	v12 =	vshra.s32 v11, $0x1;
	v11 =	vmul.f32 $5.000000000e-01, v11  }
0x81: {  	v12 =	vsub.s32 $0x5F3759DF, v12;
	v13 =	vmax.f32 v10, $1.000000000e-30  }
0x82: {  	v14 =	vmul.f32 v12, v11;
	v15 =	vshra.s32 v13, $0x1;
	v13 =	vmul.f32 $5.000000000e-01, v13  }
0x83: {  	v15 =	vsub.s32 $0x5F3759DF, v15  }
0x84: {  	v14 =	vmul.f32 v12, v14;
	v16 =	vmul.f32 v15, v13;
	_ =	sdelay $0x1  }
0x85: {  	v14 =	vsub.f32 $1.500000000e+00, v14;
	v16 =	vmul.f32 v15, v16;
	_ =	sdelay $0x1  }
0x86: {  	v12 =	vmul.f32 v12, v14;
	v14 =	vsub.f32 $1.500000000e+00, v16;
	_ =	sdelay $0x1  }
0x87: {  	v16 =	vmul.f32 v12, v11;
	v14 =	vmul.f32 v15, v14;
	_ =	sdelay $0x1  }
0x88: {  	v15 =	vmul.f32 v16, v12;
	v16 =	vmul.f32 v14, v13;
	_ =	sdelay $0x1  }
0x89: {  	v15 =	vsub.f32 $1.500000000e+00, v15;
	v16 =	vmul.f32 v16, v14;
	_ =	sdelay $0x1  }
0x8a: {  	v12 =	vmul.f32 v15, v12;
	v15 =	vsub.f32 $1.500000000e+00, v16;
	_ =	sdelay $0x1  }
0x8b: {  	v11 =	vmul.f32 v12, v11;
	v14 =	vmul.f32 v15, v14;
	_ =	sdelay $0x1  }
0x8c: {  	v11 =	vmul.f32 v11, v12;
	v13 =	vmul.f32 v14, v13;
	_ =	sdelay $0x1  }
0x8d: {  	v11 =	vsub.f32 $1.500000000e+00, v11;
	v13 =	vmul.f32 v13, v14;
	_ =	sdelay $0x1  }
0x8e: {  	v11 =	vmul.f32 v11, v12;
	v12 =	vsub.f32 $1.500000000e+00, v13;
	_ =	sdelay $0x1  }
0x8f: {  	v9 =	vmul.f32 v11, v9;
	v11 =	vmul.f32 v12, v14;
	_ =	sdelay $0x1  }
0x90: {  	v9 =	vadd.f32 $9.999999930e-09, v9;
	v10 =	vmul.f32 v11, v10;
	_ =	sdelay $0x1  }
0x91: {  	v10 =	vadd.f32 $9.999999930e-09, v10;
	(erf) = vrcp.f32 v9;
	_ =	sdelay $0x1  }
0x92: {  	(erf) = vrcp.f32 v10;
	_ =	sdelay $0x5  }
0x93: {  	v5 =	vsub.f32 $0.0e+00, v5;
	v6 =	vsub.f32 $0.0e+00, v6  }
0x94: {  	v4 =	vsub.f32 $0.0e+00, v4;
	v9 =	vpop (erf)  }
0x95: {  	v5 =	vmul.f32 v9, v5;
	v6 =	vmul.f32 v9, v6  }
0x96: {  	v1 =	vmul.f32 v9, v1;
	v4 =	vmul.f32 v9, v4;
	v9 =	vpop (erf)  }
0x97: {  	v8 =	vmul.f32 v9, v8  }
0x98: {  	v7 =	vmul.f32 v9, v7;
	v3 =	vmul.f32 v9, v3  }
0x99: {  	v2 =	vmul.f32 v9, v2;
	v9 =	vmul.f32 v8, v1  }
0x9a: {  	v10 =	vmul.f32 v7, v4;
	v11 =	vmul.f32 v8, v4  }
0x9b: {  	v12 =	vmul.f32 v7, v1;
	v13 =	vmul.f32 v3, v5  }
0x9c: {  	v14 =	vmul.f32 v8, v5;
	v15 =	vmul.f32 v7, v6  }
0x9d: {  	v8 =	vmul.f32 v8, v6;
	v7 =	vmul.f32 v7, v5  }
0x9e: {  	v5 =	vmul.f32 v2, v5;
	v9 =	vsub.f32 v9, v10;
	v11 =	vadd.f32 v12, v11  }
0x9f: {  	v10 =	vmul.f32 v3, v6;
	v12 =	vsub.f32 v14, v15;
	v7 =	vadd.f32 v7, v8  }
0xa0: {  	v9 =	vsub.f32 v9, v13;
	v13 =	vmul.f32 v3, v4;
	v3 =	vmul.f32 v3, v1  }
0xa1: {  	v6 =	vmul.f32 v2, v6;
	v8 =	vadd.f32 v11, v10;
	v4 =	vmul.f32 v2, v4  }
0xa2: {  	v1 =	vmul.f32 v2, v1;
	v2 =	vadd.f32 v12, v3;
	v3 =	vsub.f32 v7, v13  }
0xa3: {  	v11 =	vsub.f32 v9, v6;
	v9 =	vsub.f32 v8, v5  }
0xa4: {  	v17 =	vadd.f32 v2, v4;
	v10 =	vadd.f32 v3, v1  }
0xa5: {  	v1 =	vmul.f32 v9, v9;
	v2 =	vmul.f32 v11, v11  }
0xa6: {  	v3 =	vmul.f32 v17, v17;
	v4 =	vmul.f32 v10, v10;
	_ =	sdelay $0x1  }
0xa7: {  	v1 =	vadd.f32 v1, v2;
	v2 =	vadd.f32 v4, v3;
	_ =	sdelay $0x1  }
0xa8: {  	v1 =	vadd.f32 v2, v1;
	_ =	sdelay $0x1  }
0xa9: {  	v1 =	vadd.f32 $1.000000000e-30, v1;
	_ =	sdelay $0x1  }
0xaa: {  	(erf) = vrcp.f32 v1  }
0xab: {  	s26 =	simm.s32 $0x100  }
0xac: {  	s24 =	simm.s32 $0x300;
	v15 =	vor.u32 s26, v0  }
0xad: {  	s25 =	simm.s32 $0x200;
	v12 =	vor.u32 s24, v0  }
0xae: {  	s23 =	simm.s32 $0x400;
	v13 =	vor.u32 s25, v0  }
0xaf: {  	s22 =	simm.s32 $0x500;
	v2 =	vor.u32 s23, v0  }
0xb0: {  	v1 =	vor.u32 s22, v0  }
0xb1: {  	v14 =	vor.u32 s9, v0;
	v7 =	vld.idx.msk [tilespmem:v15+s29+$0x0], $0xffff  }
0xb2: {  	v5 =	vld.idx.msk [tilespmem:v12+s29+$0x0], $0xffff  }
0xb3: {  	v6 =	vld.idx.msk [tilespmem:v13+s29+$0x0], $0xffff;
	v8 =	vpop (erf)  }
0xb4: {  	v4 =	vld.idx.msk [tilespmem:v2+s29+$0x0], $0xffff;
	v16 =	vadd.f32 v8, v8  }
0xb5: {  	v3 =	vld.idx.msk [tilespmem:v1+s29+$0x0], $0xffff  }
0xb6: {  	v8 =	vld.idx.msk [tilespmem:v14+s29+$0x0], $0xffff;
	[tilespmem:v14+s31+$0x0] =	vst.idx.msk $0xffff, v11;
	v19 =	vmul.f32 v16, v17  }
0xb7: {  	[tilespmem:v15+s31+$0x0] =	vst.idx.msk $0xffff, v9;
	v14 =	vmul.f32 v16, v10  }
0xb8: {  	v15 =	vmul.f32 v16, v9;
	[tilespmem:v13+s31+$0x0] =	vst.idx.msk $0xffff, v17;
	v16 =	vmul.f32 v19, v17  }
0xb9: {  	[tilespmem:v12+s31+$0x0] =	vst.idx.msk $0xffff, v10;
	v20 =	vmul.f32 v14, v10;
	v10 =	vmul.f32 v14, v11  }
0xba: {  	v18 =	vmul.f32 v15, v9;
	v13 =	vmul.f32 v15, v11  }
0xbb: {  	v12 =	vmul.f32 v19, v9;
	v11 =	vmul.f32 v19, v11  }
0xbc: {  	s4 =	simm.s32 $0x0;
	s3 =	simm.s32 $0x10;
	s1 =	simm.s32 $0x0;
	v17 =	vmul.f32 v14, v17;
	v15 =	vadd.f32 v20, v16;
	v19 =	vadd.f32 v20, v18  }
.LBB2_2:
0xbd: {  	p0 =	sne.s32 s3, $0xF0  }
0xbe: {  	v9 =	vmul.f32 v14, v9;
	v14 =	vadd.f32 v10, v12;
	v16 =	vadd.f32 v16, v18;
	s4 =	sadd.s32 $0x40, s4;
	s5 =	smov.u32 s3;
	s3 =	sadd.s32 $0x10, s3  }
0xbf: {  	v18 =	vsub.f32 $1.000000000e+00, v19;
	v19 =	vsub.f32 v17, v13  }
0xc0: {  	v20 =	vsub.f32 v9, v11;
	v16 =	vsub.f32 $1.000000000e+00, v16;
	v14 =	vmul.f32 v14, v8  }
0xc1: {  	v13 =	vadd.f32 v13, v17;
	v17 =	vmul.f32 v18, v7;
	v18 =	vmul.f32 v19, v6  }
0xc2: {  	v15 =	vsub.f32 $1.000000000e+00, v15;
	v10 =	vsub.f32 v12, v10;
	v12 =	vmul.f32 v16, v6  }
0xc3: {  	v13 =	vmul.f32 v13, v7;
	v16 =	vmul.f32 v20, v8;
	v14 =	vadd.f32 v17, v14  }
0xc4: {  	v9 =	vadd.f32 v11, v9;
	v7 =	vmul.f32 v10, v7;
	v8 =	vmul.f32 v15, v8  }
0xc5: {  	v11 =	vadd.f32 v13, v16;
	v10 =	vadd.f32 v14, v18  }
0xc6: {  	v6 =	vmul.f32 v9, v6;
	v7 =	vadd.f32 v8, v7  }
0xc7: {  	v8 =	vadd.f32 v12, v11  }
0xc8: {  	s1 =	sadd.s32 $0x600, s1;
	s6 =	sand.u32 $0x70, s5;
	s8 =	sand.u32 $0x200, s4;
	v6 =	vadd.f32 v7, v6  }
0xc9: {  	s6 =	sor.u32 s6, s8;
	v7 =	vor.u32 s1, v0;
	s1 =	smov.u32 s5  }
0xca: {  	s8 =	sadd.s32 $0x680, s6;
	s10 =	sadd.s32 $0xB80, s6;
	s5 =	sadd.s32 $0x600, s6;
	v4 =	vsub.f32 v4, v10;
	v5 =	vsub.f32 v5, v6  }
0xcb: {  	s15 =	sadd.s32 $0xB00, s6;
	v9 =	vor.u32 s8, v0;
	s8 =	sadd.s32 $0x780, s6;
	v6 =	vor.u32 s5, v0;
	s5 =	sadd.s32 $0x700, s6;
	v3 =	vsub.f32 v3, v8  }
0xcc: {  	v11 =	vor.u32 s10, v0;
	v10 =	vor.u32 s8, v0;
	v8 =	vor.u32 s5, v0;
	s5 =	sadd.s32 $0xA00, s6;
	s6 =	sadd.s32 $0xA80, s6;
	[tilespmem:v2+s31+$0x0] =	vst.idx.msk $0xffff, v5  }
0xcd: {  	v13 =	vor.u32 s15, v0;
	v12 =	vor.u32 s6, v0;
	v5 =	vor.u32 s5, v0;
	[tilespmem:v1+s31+$0x0] =	vst.idx.msk $0xffff, v4  }
0xce: {  	[tilespmem:v7+s31+$0x0] =	vst.idx.msk $0xffff, v3;
	_ =	sdelay $0x1  }
0xcf: {  	v2 =	vld.idx.msk [tilespmem:v6+s29+$0x0], $0xffff  }
0xd0: {  	v3 =	vld.idx.msk [tilespmem:v11+s29+$0x0], $0xffff  }
0xd1: {  	v4 =	vld.idx.msk [tilespmem:v13+s29+$0x0], $0xffff  }
0xd2: {  	v1 =	vld.idx.msk [tilespmem:v9+s29+$0x0], $0xffff  }
0xd3: {  	v6 =	vld.idx.msk [tilespmem:v8+s29+$0x0], $0xffff  }
0xd4: {  	v7 =	vld.idx.msk [tilespmem:v10+s29+$0x0], $0xffff  }
0xd5: {  	v9 =	vmul.f32 v2, v2;
	v8 =	vld.idx.msk [tilespmem:v12+s29+$0x0], $0xffff  }
0xd6: {  	v5 =	vld.idx.msk [tilespmem:v5+s29+$0x0], $0xffff  }
0xd7: {  	v10 =	vmul.f32 v4, v4  }
0xd8: {  	v12 =	vmul.f32 v3, v3;
	v11 =	vmul.f32 v1, v1  }
0xd9: {  	v13 =	vmul.f32 v6, v6  }
0xda: {  	v10 =	vadd.f32 v12, v10;
	v9 =	vadd.f32 v11, v9;
	v11 =	vmul.f32 v7, v7;
	_ =	sdelay $0x1  }
0xdb: {  	v11 =	vadd.f32 v11, v13;
	v12 =	vmul.f32 v5, v5;
	v13 =	vmul.f32 v8, v8;
	_ =	sdelay $0x1  }
0xdc: {  	v9 =	vadd.f32 v11, v9;
	v11 =	vadd.f32 v13, v12;
	_ =	sdelay $0x1  }
0xdd: {  	v12 =	vmax.f32 v9, $1.000000000e-30;
	v10 =	vadd.f32 v10, v11  }
0xde: {  	v11 =	vshra.s32 v12, $0x1;
	v12 =	vmul.f32 $5.000000000e-01, v12  }
0xdf: {  	v11 =	vsub.s32 $0x5F3759DF, v11;
	v13 =	vmax.f32 v10, $1.000000000e-30  }
0xe0: {  	v14 =	vmul.f32 v11, v12;
	v15 =	vshra.s32 v13, $0x1;
	v13 =	vmul.f32 $5.000000000e-01, v13  }
0xe1: {  	v15 =	vsub.s32 $0x5F3759DF, v15  }
0xe2: {  	v14 =	vmul.f32 v11, v14;
	v16 =	vmul.f32 v15, v13;
	_ =	sdelay $0x1  }
0xe3: {  	v14 =	vsub.f32 $1.500000000e+00, v14;
	v16 =	vmul.f32 v15, v16;
	_ =	sdelay $0x1  }
0xe4: {  	v11 =	vmul.f32 v11, v14;
	v14 =	vsub.f32 $1.500000000e+00, v16;
	_ =	sdelay $0x1  }
0xe5: {  	v16 =	vmul.f32 v11, v12;
	v14 =	vmul.f32 v15, v14;
	_ =	sdelay $0x1  }
0xe6: {  	v15 =	vmul.f32 v16, v11;
	v16 =	vmul.f32 v14, v13;
	_ =	sdelay $0x1  }
0xe7: {  	v15 =	vsub.f32 $1.500000000e+00, v15;
	v16 =	vmul.f32 v16, v14;
	_ =	sdelay $0x1  }
0xe8: {  	v11 =	vmul.f32 v15, v11;
	v15 =	vsub.f32 $1.500000000e+00, v16;
	_ =	sdelay $0x1  }
0xe9: {  	v12 =	vmul.f32 v11, v12;
	v14 =	vmul.f32 v15, v14;
	_ =	sdelay $0x1  }
0xea: {  	v12 =	vmul.f32 v12, v11;
	v13 =	vmul.f32 v14, v13;
	_ =	sdelay $0x1  }
0xeb: {  	v12 =	vsub.f32 $1.500000000e+00, v12;
	v13 =	vmul.f32 v13, v14;
	_ =	sdelay $0x1  }
0xec: {  	v11 =	vmul.f32 v12, v11;
	v12 =	vsub.f32 $1.500000000e+00, v13;
	_ =	sdelay $0x1  }
0xed: {  	v9 =	vmul.f32 v11, v9;
	v11 =	vmul.f32 v12, v14;
	_ =	sdelay $0x1  }
0xee: {  	v9 =	vadd.f32 $9.999999930e-09, v9;
	v10 =	vmul.f32 v11, v10;
	_ =	sdelay $0x1  }
0xef: {  	v10 =	vadd.f32 $9.999999930e-09, v10;
	(erf) = vrcp.f32 v9;
	_ =	sdelay $0x1  }
0xf0: {  	(erf) = vrcp.f32 v10;
	_ =	sdelay $0x5  }
0xf1: {  	v7 =	vsub.f32 $0.0e+00, v7;
	v14 =	vsub.f32 $0.0e+00, v6  }
0xf2: {  	v9 =	vsub.f32 $0.0e+00, v1;
	v10 =	vpop (erf)  }
0xf3: {  	s5 =	sadd.s32 $0x500, s1;
	v11 =	vor.u32 s1, v0;
	v12 =	vmul.f32 v10, v14;
	v7 =	vmul.f32 v10, v7  }
0xf4: {  	s6 =	sadd.s32 $0x400, s1;
	v1 =	vor.u32 s5, v0;
	v13 =	vmul.f32 v10, v2;
	v10 =	vmul.f32 v10, v9;
	v6 =	vpop (erf)  }
0xf5: {  	s5 =	sadd.s32 $0x300, s1;
	v2 =	vor.u32 s6, v0;
	v9 =	vmul.f32 v6, v5;
	v8 =	vmul.f32 v6, v8  }
0xf6: {  	s6 =	sadd.s32 $0x200, s1;
	v14 =	vor.u32 s5, v0;
	v15 =	vmul.f32 v6, v4;
	v16 =	vmul.f32 v6, v3  }
0xf7: {  	s5 =	sadd.s32 $0x100, s1;
	v17 =	vor.u32 s6, v0;
	v4 =	vmul.f32 v9, v13;
	v5 =	vmul.f32 v8, v10  }
0xf8: {  	v18 =	vor.u32 s5, v0;
	v6 =	vmul.f32 v9, v10;
	v19 =	vmul.f32 v8, v13  }
0xf9: {  	v21 =	vmul.f32 v15, v12;
	v22 =	vmul.f32 v9, v12;
	v3 =	vld.idx.msk [tilespmem:v1+s29+$0x0], $0xffff;
	v20 =	vsub.f32 v4, v5  }
0xfa: {  	v23 =	vmul.f32 v15, v7;
	v24 =	vmul.f32 v16, v12;
	v19 =	vadd.f32 v19, v6;
	v4 =	vld.idx.msk [tilespmem:v2+s29+$0x0], $0xffff  }
0xfb: {  	v25 =	vmul.f32 v8, v7;
	v5 =	vld.idx.msk [tilespmem:v14+s29+$0x0], $0xffff;
	v20 =	vsub.f32 v20, v21;
	v21 =	vmul.f32 v16, v7  }
0xfc: {  	v12 =	vmul.f32 v8, v12;
	v19 =	vadd.f32 v19, v23;
	v23 =	vmul.f32 v9, v7;
	v6 =	vld.idx.msk [tilespmem:v17+s29+$0x0], $0xffff  }
0xfd: {  	v7 =	vld.idx.msk [tilespmem:v18+s29+$0x0], $0xffff;
	v20 =	vsub.f32 v20, v21;
	v21 =	vsub.f32 v22, v25;
	v22 =	vmul.f32 v15, v10  }
0xfe: {  	v9 =	vsub.f32 v19, v24;
	v15 =	vmul.f32 v15, v13;
	v12 =	vadd.f32 v12, v23;
	v8 =	vld.idx.msk [tilespmem:v11+s29+$0x0], $0xffff  }
0xff: {  	v10 =	vmul.f32 v16, v10;
	v13 =	vmul.f32 v16, v13;
	[tilespmem:v11+s31+$0x0] =	vst.idx.msk $0xffff, v20  }
0x100: {  	v11 =	vadd.f32 v21, v15;
	v12 =	vsub.f32 v12, v22;
	v15 =	vmul.f32 v9, v9  }
0x101: {  	v16 =	vmul.f32 v20, v20;
	[tilespmem:v18+s31+$0x0] =	vst.idx.msk $0xffff, v9  }
0x102: {  	v19 =	vadd.f32 v11, v10;
	v10 =	vadd.f32 v12, v13  }
0x103: {  	v11 =	vadd.f32 v15, v16  }
0x104: {  	v12 =	vmul.f32 v19, v19;
	v13 =	vmul.f32 v10, v10;
	[tilespmem:v17+s31+$0x0] =	vst.idx.msk $0xffff, v19  }
0x105: {  	[tilespmem:v14+s31+$0x0] =	vst.idx.msk $0xffff, v10  }
0x106: {  	v12 =	vadd.f32 v13, v12;
	_ =	sdelay $0x1  }
0x107: {  	v11 =	vadd.f32 v12, v11;
	_ =	sdelay $0x1  }
0x108: {  	v11 =	vadd.f32 $1.000000000e-30, v11;
	_ =	sdelay $0x1  }
0x109: {  	(erf) = vrcp.f32 v11;
	_ =	sdelay $0x8  }
0x10a: {  	v11 =	vpop (erf)  }
0x10b: {  	v11 =	vadd.f32 v11, v11;
	_ =	sdelay $0x1  }
0x10c: {  	v17 =	vmul.f32 v11, v19;
	v14 =	vmul.f32 v11, v10  }
.Ltmp0:
0x10d: {  	v11 =	vmul.f32 v11, v9;
	(pc) =	sbr.rel @p0 .LBB2_2-.Ltmp0, $4  }
0x10e: {  	v16 =	vmul.f32 v17, v19;
	v21 =	vmul.f32 v14, v10  }
0x10f: {  	v10 =	vmul.f32 v14, v20;
	v18 =	vmul.f32 v11, v9  }
0x110: {  	v13 =	vmul.f32 v11, v20;
	v12 =	vmul.f32 v17, v9;
	v15 =	vadd.f32 v21, v16  }
0x111: {  	v11 =	vmul.f32 v17, v20;
	v17 =	vmul.f32 v14, v19;
	v19 =	vadd.f32 v21, v18  }
0x112: {  	v20 =	vadd.f32 v10, v12;
	v16 =	vadd.f32 v16, v18  }
0x113: {  	v9 =	vmul.f32 v14, v9;
	v15 =	vsub.f32 $1.000000000e+00, v15;
	v50 =	vsub.f32 v12, v10  }
0x114: {  	v48 =	vsub.f32 $1.000000000e+00, v19;
	v49 =	vsub.f32 v17, v13  }
0x115: {  	v53 =	vadd.f32 v13, v17;
	v51 =	vsub.f32 v9, v11;
	v52 =	vmul.f32 v20, v8  }
0x116: {  	v9 =	vadd.f32 v11, v9;
	v54 =	vmul.f32 v15, v8;
	v10 =	vmul.f32 v50, v7  }
0x117: {  	v55 =	vsub.f32 $1.000000000e+00, v16;
	v14 =	vmul.f32 v48, v7;
	v57 =	vmul.f32 v53, v7  }
0x118: {  	v56 =	vmul.f32 v51, v8;
	v10 =	vadd.f32 v54, v10;
	v9 =	vmul.f32 v9, v6  }
0x119: {  	v58 =	vmul.f32 v49, v6;
	v59 =	vadd.f32 v14, v52  }
0x11a: {  	s1 =	sadd.s32 $0x600, s1;
	v60 =	vmul.f32 v55, v6;
	v7 =	vadd.f32 v57, v56;
	v61 =	vadd.f32 v10, v9  }
0x11b: {  	v63 =	vor.u32 s1, v0;
	v62 =	vadd.f32 v59, v58  }
0x11c: {  	v6 =	vadd.f32 v60, v7;
	v5 =	vsub.f32 v5, v61  }
0x11d: {  	v4 =	vsub.f32 v4, v62  }
0x11e: {  	s10 =	sld [smem:$0x7F6];
	v3 =	vsub.f32 v3, v6;
	[tilespmem:v2+s31+$0x0] =	vst.idx.msk $0xffff, v5  }
0x11f: {  	[tilespmem:v1+s31+$0x0] =	vst.idx.msk $0xffff, v4  }
0x120: {  	s3 =	simm.s32 $0x5;
	[tilespmem:v63+s31+$0x0] =	vst.idx.msk $0xffff, v3  }
0x121: {  	[spmem:s10] =	stream.linear.scatter [tilespmem:s31], [sflag:$0x5], $0x100, $0x38;
	[tilespmem:$0x14C00] =	vst v63  }
0x122: {  	_ =	swait.ge [sflag:s3], $0x100  }
0x123: {  	s15 =	sld [smem:$0x7EE]  }
0x124: {  	[sflag:s3] =	ssyncset.done $0x0  }
0x125: {  	s4 =	simm.s32 $0x8600;
	[sflag:s3] =	ssyncadd.s32 $0xFFFFFF00  }
0x126: {  	[spmem:s15] =	stream.linear.scatter [tilespmem:s4], [sflag:$0x5], $0x100, $0x38;
	[tilespmem:$0x14C00] =	vst v63  }
0x127: {  	_ =	swait.ge [sflag:s3], $0x100  }
0x128: {  	s20 =	sld [smem:$0x7EF]  }
0x129: {  	[sflag:s3] =	ssyncset.done $0x0  }
0x12a: {  	s22 =	simm.s32 $0x8700;
	[sflag:s3] =	ssyncadd.s32 $0xFFFFFF00  }
0x12b: {  	[spmem:s20] =	stream.linear.scatter [tilespmem:s22], [sflag:$0x5], $0x100, $0x38;
	[tilespmem:$0x14C00] =	vst v63  }
0x12c: {  	_ =	swait.ge [sflag:s3], $0x100  }
0x12d: {  	s23 =	sld [smem:$0x7F3]  }
0x12e: {  	[sflag:s3] =	ssyncset.done $0x0  }
0x12f: {  	s24 =	simm.s32 $0x8800;
	[sflag:s3] =	ssyncadd.s32 $0xFFFFFF00  }
0x130: {  	[spmem:s23] =	stream.linear.scatter [tilespmem:s24], [sflag:$0x5], $0x100, $0x38;
	[tilespmem:$0x14C00] =	vst v63  }
0x131: {  	_ =	swait.ge [sflag:s3], $0x100  }
0x132: {  	s25 =	sld [smem:$0x7F4]  }
0x133: {  	[sflag:s3] =	ssyncset.done $0x0  }
0x134: {  	s26 =	simm.s32 $0x8900;
	[sflag:s3] =	ssyncadd.s32 $0xFFFFFF00  }
0x135: {  	[spmem:s25] =	stream.linear.scatter [tilespmem:s26], [sflag:$0x5], $0x100, $0x38;
	[tilespmem:$0x14C00] =	vst v63  }
0x136: {  	_ =	swait.ge [sflag:s3], $0x100  }
0x137: {  	s5 =	sld [smem:$0x7F5]  }
0x138: {  	[sflag:s3] =	ssyncset.done $0x0  }
0x139: {  	s6 =	simm.s32 $0x8A00;
	[sflag:s3] =	ssyncadd.s32 $0xFFFFFF00  }
0x13a: {  	[spmem:s5] =	stream.linear.scatter [tilespmem:s6], [sflag:$0x5], $0x100, $0x38;
	[tilespmem:$0x14C00] =	vst v63  }
0x13b: {  	_ =	swait.ge [sflag:s3], $0x100  }
0x13c: {  	s8 =	sld [smem:$0x7F7]  }
0x13d: {  	[sflag:s3] =	ssyncset.done $0x0  }
0x13e: {  	s10 =	simm.s32 $0x8B00;
	[sflag:s3] =	ssyncadd.s32 $0xFFFFFF00  }
0x13f: {  	[spmem:s8] =	stream.linear.scatter [tilespmem:s10], [sflag:$0x5], $0x100, $0x38;
	[tilespmem:$0x14C00] =	vst v63  }
0x140: {  	_ =	swait.ge [sflag:s3], $0x100  }
0x141: {  	[sflag:s3] =	ssyncset.done $0x0  }
0x142: {  	[sflag:s3] =	ssyncadd.s32 $0xFFFFFF00  }
0x143: {  	[bflag:$0x0] =	sbarrier.arrive $0xFFFF  }
0x144: {  	s15 =	rddreg [dreg:$0xc]  }
0x145: {  	[tilespmem:s19], [sflag:$0x5] =	stream.linear.gather [spmem:s15], $0x1000, $0x38;
	[tilespmem:$0x14C00] =	vst v63  }
0x146: {  	_ =	swait.ge [sflag:s3], $0x1000  }
0x147: {  	s20 =	sld [smem:$0x7F8]  }
0x148: {  	[sflag:s3] =	ssyncset.done $0x0  }
0x149: {  	[sflag:s3] =	ssyncadd.s32 $0xFFFFF000  }
0x14a: {  	[tilespmem:s11], [sflag:$0x5] =	stream.linear.gather [spmem:s20], $0x1000, $0x38;
	[tilespmem:$0x14C00] =	vst v63  }
0x14b: {  	_ =	swait.ge [sflag:s3], $0x1000  }
0x14c: {  	s22 =	sld [smem:$0x7F9]  }
0x14d: {  	[sflag:s3] =	ssyncset.done $0x0  }
0x14e: {  	[sflag:s3] =	ssyncadd.s32 $0xFFFFF000  }
0x14f: {  	[tilespmem:s12], [sflag:$0x5] =	stream.linear.gather [spmem:s22], $0x1000, $0x38;
	[tilespmem:$0x14C00] =	vst v63  }
0x150: {  	_ =	swait.ge [sflag:s3], $0x1000  }
0x151: {  	s23 =	sld [smem:$0x7FA]  }
0x152: {  	[sflag:s3] =	ssyncset.done $0x0  }
0x153: {  	[sflag:s3] =	ssyncadd.s32 $0xFFFFF000  }
0x154: {  	[tilespmem:s13], [sflag:$0x5] =	stream.linear.gather [spmem:s23], $0x1000, $0x38;
	[tilespmem:$0x14C00] =	vst v63  }
0x155: {  	_ =	swait.ge [sflag:s3], $0x1000  }
0x156: {  	s24 =	sld [smem:$0x7FB]  }
0x157: {  	[sflag:s3] =	ssyncset.done $0x0  }
0x158: {  	[sflag:s3] =	ssyncadd.s32 $0xFFFFF000  }
0x159: {  	[tilespmem:s14], [sflag:$0x5] =	stream.linear.gather [spmem:s24], $0x1000, $0x38;
	[tilespmem:$0x14C00] =	vst v63  }
0x15a: {  	_ =	swait.ge [sflag:s3], $0x1000  }
0x15b: {  	s25 =	sld [smem:$0x7FC]  }
0x15c: {  	[sflag:s3] =	ssyncset.done $0x0  }
0x15d: {  	[sflag:s3] =	ssyncadd.s32 $0xFFFFF000  }
0x15e: {  	[tilespmem:s16], [sflag:$0x5] =	stream.linear.gather [spmem:s25], $0x1000, $0x38;
	[tilespmem:$0x14C00] =	vst v63  }
0x15f: {  	_ =	swait.ge [sflag:s3], $0x1000  }
0x160: {  	s26 =	sld [smem:$0x7FD]  }
0x161: {  	[sflag:s3] =	ssyncset.done $0x0  }
0x162: {  	[sflag:s3] =	ssyncadd.s32 $0xFFFFF000  }
0x163: {  	[tilespmem:s17], [sflag:$0x5] =	stream.linear.gather [spmem:s26], $0x1000, $0x38;
	[tilespmem:$0x14C00] =	vst v63  }
0x164: {  	_ =	swait.ge [sflag:s3], $0x1000  }
0x165: {  	[sflag:s3] =	ssyncset.done $0x0  }
0x166: {  	s23 =	simm.s32 $0x0;
	[sflag:s3] =	ssyncadd.s32 $0xFFFFF000  }
.LBB2_4:
0x167: {  	s1 =	sshll.u32 s23, $0xA;
	s3 =	rddreg [dreg:$0x1b]  }
0x168: {  	s24 =	sadd.s32 s3, s1  }
0x169: {  	s1 =	sor.u32 $0x200, s24  }
0x16a: {  	s15 =	sshrl.u32 s1, $0x3  }
0x16b: {  	s4 =	simm.s32 $0xC200;
	s25 =	sshrl.u32 s24, $0x3;
	s8 =	sadd.s32 s0, s15  }
0x16c: {  	[tilespmem:s4], [sflag:$0x2] =	stream.linear.gather [hbm4b:s8+s9], $0x200, $0x38;
	[tilespmem:$0x14C00] =	vst v63  }
0x16d: {  	s20 =	simm.s32 $0xC800;
	s22 =	sor.u32 $0x8040, s25;
	s10 =	sadd.s32 s2, s15  }
0x16e: {  	[tilespmem:s20], [sflag:$0x2] =	stream.linear.gather [hbm4b:s10+s9], $0x200, $0x38;
	[tilespmem:$0x14C00] =	vst v63  }
0x16f: {  	s5 =	simm.s32 $0xC400;
	s26 =	sadd.s32 s0, s22  }
0x170: {  	[tilespmem:s5], [sflag:$0x2] =	stream.linear.gather [hbm4b:s26+s9], $0x200, $0x38;
	[tilespmem:$0x14C00] =	vst v63  }
0x171: {  	s6 =	sor.u32 $0x10040, s25;
	s3 =	sadd.s32 s2, s22;
	s5 =	simm.s32 $0xCA00  }
0x172: {  	[tilespmem:s5], [sflag:$0x2] =	stream.linear.gather [hbm4b:s3+s9], $0x200, $0x38;
	[tilespmem:$0x14C00] =	vst v63  }
0x173: {  	s8 =	sadd.s32 s0, s6;
	s10 =	simm.s32 $0xC600  }
0x174: {  	[tilespmem:s10], [sflag:$0x2] =	stream.linear.gather [hbm4b:s8+s9], $0x200, $0x38;
	[tilespmem:$0x14C00] =	vst v63  }
0x175: {  	s22 =	rddreg [dreg:$0x3];
	s20 =	simm.s32 $0xCC00;
	s3 =	sadd.s32 s2, s6  }
0x176: {  	[tilespmem:s20], [sflag:$0x2] =	stream.linear.gather [hbm4b:s3+s9], $0x200, $0x38;
	[tilespmem:$0x14C00] =	vst v63  }
0x177: {  	s26 =	simm.s32 $0xCE00;
	s3 =	sadd.s32 s22, s15;
	s20 =	sshrl.u32 s1, $0x1  }
0x178: {  	[tilespmem:s26], [sflag:$0x2] =	stream.linear.gather [hbm4b:s3+s9], $0x200, $0x38;
	[tilespmem:$0x14C00] =	vst v63  }
0x179: {  	s5 =	simm.s32 $0xD000;
	s6 =	rddreg [dreg:$0x5];
	s4 =	sadd.s32 s28, s20  }
0x17a: {  	[tilespmem:s5], [sflag:$0x2] =	stream.linear.gather [hbm4b:s4+s9], $0x800, $0x38;
	[tilespmem:$0x14C00] =	vst v63  }
0x17b: {  	s8 =	simm.s32 $0xD800;
	s10 =	rddreg [dreg:$0x4];
	s3 =	sadd.s32 s6, s1  }
0x17c: {  	[tilespmem:s8], [sflag:$0x2] =	stream.linear.gather [hbm4b:s3+s9], $0x1000, $0x38;
	[tilespmem:$0x14C00] =	vst v63  }
0x17d: {  	s22 =	simm.s32 $0xE800;
	s3 =	sadd.s32 s10, s1  }
0x17e: {  	[tilespmem:s22], [sflag:$0x2] =	stream.linear.gather [hbm4b:s3+s9], $0x1000, $0x38;
	[tilespmem:$0x14C00] =	vst v63  }
0x17f: {  	_ =	swait.ge [sflag:s30], $0x200  }
0x180: {  	[sflag:s30] =	ssyncset.done $0x0  }
0x181: {  	[sflag:s30] =	ssyncadd.s32 $0xFFFFFE00  }
0x182: {  	_ =	swait.ge [sflag:s30], $0x200  }
0x183: {  	[sflag:s30] =	ssyncset.done $0x0  }
0x184: {  	[sflag:s30] =	ssyncadd.s32 $0xFFFFFE00  }
0x185: {  	_ =	swait.ge [sflag:s30], $0x200  }
0x186: {  	[sflag:s30] =	ssyncset.done $0x0  }
0x187: {  	[sflag:s30] =	ssyncadd.s32 $0xFFFFFE00  }
0x188: {  	_ =	swait.ge [sflag:s30], $0x200  }
0x189: {  	[sflag:s30] =	ssyncset.done $0x0  }
0x18a: {  	[sflag:s30] =	ssyncadd.s32 $0xFFFFFE00  }
0x18b: {  	_ =	swait.ge [sflag:s30], $0x200  }
0x18c: {  	[sflag:s30] =	ssyncset.done $0x0  }
0x18d: {  	[sflag:s30] =	ssyncadd.s32 $0xFFFFFE00  }
0x18e: {  	_ =	swait.ge [sflag:s30], $0x200  }
0x18f: {  	[sflag:s30] =	ssyncset.done $0x0  }
0x190: {  	[sflag:s30] =	ssyncadd.s32 $0xFFFFFE00  }
0x191: {  	_ =	swait.ge [sflag:s30], $0x200  }
0x192: {  	[sflag:s30] =	ssyncset.done $0x0  }
0x193: {  	[sflag:s30] =	ssyncadd.s32 $0xFFFFFE00  }
0x194: {  	_ =	swait.ge [sflag:s30], $0x800  }
0x195: {  	[sflag:s30] =	ssyncset.done $0x0  }
0x196: {  	[sflag:s30] =	ssyncadd.s32 $0xFFFFF800  }
0x197: {  	_ =	swait.ge [sflag:s30], $0x1000  }
0x198: {  	[sflag:s30] =	ssyncset.done $0x0  }
0x199: {  	[sflag:s30] =	ssyncadd.s32 $0xFFFFF000  }
0x19a: {  	_ =	swait.ge [sflag:s30], $0x1000  }
0x19b: {  	p0 =	seq.s32 s23, $0x0;
	[sflag:s30] =	ssyncset.done $0x0  }
0x19c: {  	s3 =	simm.s32 @!p0 $0x3;
	[sflag:s30] =	ssyncadd.s32 $0xFFFFF000  }
0x19d: {  	_ =	swait.ge @!p0 [sflag:s3], $0x800  }
0x19e: {  	[sflag:s3] =	ssyncset.done @!p0 $0x0  }
0x19f: {  	[sflag:s3] =	ssyncadd.s32 @!p0 $0xFFFFF800  }
0x1a0: {  	_ =	swait.ge @!p0 [sflag:s3], $0x800  }
0x1a1: {  	[sflag:s3] =	ssyncset.done @!p0 $0x0  }
0x1a2: {  	[sflag:s3] =	ssyncadd.s32 @!p0 $0xFFFFF800  }
0x1a3: {  	_ =	swait.ge @!p0 [sflag:s3], $0x800  }
0x1a4: {  	[sflag:s3] =	ssyncset.done @!p0 $0x0  }
0x1a5: {  	[sflag:s3] =	ssyncadd.s32 @!p0 $0xFFFFF800  }
0x1a6: {  	_ =	swait.ge @!p0 [sflag:s3], $0x800  }
0x1a7: {  	[sflag:s3] =	ssyncset.done @!p0 $0x0  }
0x1a8: {  	[sflag:s3] =	ssyncadd.s32 @!p0 $0xFFFFF800  }
0x1a9: {  	_ =	swait.ge @!p0 [sflag:s3], $0x800  }
0x1aa: {  	[sflag:s3] =	ssyncset.done @!p0 $0x0  }
0x1ab: {  	[sflag:s3] =	ssyncadd.s32 @!p0 $0xFFFFF800  }
0x1ac: {  	s26 =	smov.u32 s28;
	s28 =	simm.s32 $0x12010;
	_ =	swait.ge @!p0 [sflag:s3], $0x200  }
0x1ad: {  	s10 =	simm.s32 $0x9210;
	s22 =	sshll.u32 s1, $0x2;
	[sflag:s3] =	ssyncset.done @!p0 $0x0  }
0x1ae: {  	s1 =	simm.s32 $0x0;
	[sflag:s3] =	ssyncadd.s32 @!p0 $0xFFFFFE00;
	s3 =	simm.s32 $0x0  }
.LBB2_5:
0x1af: {  	s4 =	sshrl.u32 s3, $0x2  }
0x1b0: {  	s6 =	sand.u32 $0x60, s1;
	s5 =	sshll.u32 s4, $0xA  }
0x1b1: {  	s8 =	sor.u32 s6, s5  }
0x1b2: {  	v20 =	vld [tilespmem:s8+$0xB200]  }
0x1b3: {  	v18 =	vld [tilespmem:s8+$0xB280]  }
0x1b4: {  	v14 =	vld [tilespmem:s8+$0xB300]  }
0x1b5: {  	v11 =	vld [tilespmem:s8+$0xB380]  }
0x1b6: {  	v7 =	vld [tilespmem:s8+$0xB400]  }
0x1b7: {  	v12 =	vld [tilespmem:s8+$0xA200]  }
0x1b8: {  	v13 =	vld [tilespmem:s8+$0xA280]  }
0x1b9: {  	v10 =	vld [tilespmem:s8+$0xA300]  }
0x1ba: {  	v6 =	vld [tilespmem:s8+$0xA380]  }
0x1bb: {  	v4 =	vld [tilespmem:s8+$0xA400]  }
0x1bc: {  	v3 =	vld [tilespmem:s8+$0xA480]  }
0x1bd: {  	v2 =	vld [tilespmem:s8+$0xA500]  }
0x1be: {  	v1 =	vld [tilespmem:s8+$0xA580]  }
0x1bf: {  	v19 =	vld.idx.msk [tilespmem:v20+s19+$0x0], $0xffff  }
0x1c0: {  	v17 =	vld.idx.msk [tilespmem:v20+s11+$0x0], $0xffff  }
0x1c1: {  	v15 =	vld.idx.msk [tilespmem:v20+s12+$0x0], $0xffff  }
0x1c2: {  	v16 =	vld.idx.msk [tilespmem:v20+s13+$0x0], $0xffff  }
0x1c3: {  	v5 =	vld.idx.msk [tilespmem:v18+s19+$0x0], $0xffff  }
0x1c4: {  	v9 =	vld.idx.msk [tilespmem:v18+s11+$0x0], $0xffff  }
0x1c5: {  	v22 =	vld.idx.msk [tilespmem:v18+s12+$0x0], $0xffff  }
0x1c6: {  	v23 =	vld.idx.msk [tilespmem:v18+s13+$0x0], $0xffff  }
0x1c7: {  	v21 =	vld.idx.msk [tilespmem:v14+s19+$0x0], $0xffff  }
0x1c8: {  	v24 =	vld.idx.msk [tilespmem:v14+s11+$0x0], $0xffff  }
0x1c9: {  	v25 =	vld.idx.msk [tilespmem:v14+s12+$0x0], $0xffff  }
0x1ca: {  	v30 =	vadd.f32 v13, v12;
	v26 =	vld.idx.msk [tilespmem:v14+s13+$0x0], $0xffff  }
0x1cb: {  	v32 =	vadd.f32 v6, v10;
	v54 =	vsub.f32 $0.0e+00, v13;
	v31 =	vld.idx.msk [tilespmem:v11+s19+$0x0], $0xffff  }
0x1cc: {  	v56 =	vadd.f32 v3, v4;
	v35 =	vld.idx.msk [tilespmem:v11+s11+$0x0], $0xffff;
	v8 =	vmul.f32 v5, v19;
	v27 =	vmul.f32 v9, v17  }
0x1cd: {  	v37 =	vadd.f32 v1, v2;
	v36 =	vld.idx.msk [tilespmem:v11+s12+$0x0], $0xffff;
	v28 =	vmul.f32 v22, v15;
	v29 =	vmul.f32 v23, v16  }
0x1ce: {  	v58 =	vsub.f32 $0.0e+00, v10;
	v45 =	vsub.f32 $0.0e+00, v6;
	v38 =	vld.idx.msk [tilespmem:v7+s11+$0x0], $0xffff;
	v33 =	vmul.f32 v25, v15  }
0x1cf: {  	v41 =	vld.idx.msk [tilespmem:v7+s12+$0x0], $0xffff;
	v34 =	vmul.f32 v26, v16;
	v8 =	vadd.f32 v27, v8;
	v51 =	vadd.f32 v29, v28  }
0x1d0: {  	v30 =	vadd.f32 v32, v30;
	v43 =	vld.idx.msk [tilespmem:v7+s13+$0x0], $0xffff;
	v52 =	vmul.f32 v21, v19;
	v53 =	vmul.f32 v24, v17  }
0x1d1: {  	v55 =	vadd.f32 v34, v33;
	v33 =	vld.idx.msk [tilespmem:v11+s13+$0x0], $0xffff;
	v8 =	vadd.f32 v51, v8  }
0x1d2: {  	v57 =	vadd.f32 v37, v56;
	v59 =	vmul.f32 v31, v19;
	v28 =	vadd.f32 v53, v52;
	v34 =	vld.idx.msk [tilespmem:v7+s19+$0x0], $0xffff  }
0x1d3: {  	v60 =	vmul.f32 v35, v17;
	v39 =	vmul.f32 v36, v15;
	vm0 =	vlt.f32 v8, $0.0e+00;
	v8 =	vld [tilespmem:s8+$0xB480]  }
0x1d4: {  	v47 =	vmul.f32 v38, v17;
	v48 =	vmul.f32 v41, v15;
	v28 =	vadd.f32 v55, v28  }
0x1d5: {  	v49 =	vmul.f32 v43, v16;
	v29 =	vadd.f32 v57, v30;
	v53 =	vsub.f32 $0.0e+00, v4  }
0x1d6: {  	vm15 =	vlt.f32 v28, $0.0e+00;
	v27 =	vsel vm0, v54, v13;
	v40 =	vmul.f32 v33, v16  }
0x1d7: {  	v32 =	vsel vm15, v58, v10;
	v46 =	vmul.f32 v34, v19;
	v61 =	vmul.f32 v27, v9;
	v9 =	vld [tilespmem:s8+$0xB500]  }
0x1d8: {  	v28 =	vadd.f32 v60, v59;
	v5 =	vmul.f32 v27, v5;
	v42 =	vmul.f32 v32, v21  }
0x1d9: {  	v24 =	vmul.f32 v32, v24;
	v21 =	vadd.f32 $9.999999930e-09, v29;
	v22 =	vmul.f32 v27, v22  }
0x1da: {  	v23 =	vmul.f32 v27, v23;
	v62 =	vadd.f32 v40, v39;
	v63 =	vadd.f32 v42, v5;
	v5 =	vld [tilespmem:s8+$0xB580]  }
0x1db: {  	v25 =	vmul.f32 v32, v25;
	v27 =	vadd.f32 v49, v48;
	v30 =	vadd.f32 v47, v46;
	v39 =	vld.idx.msk [tilespmem:v8+s19+$0x0], $0xffff  }
0x1dc: {  	v26 =	vmul.f32 v32, v26;
	v48 =	vsub.f32 $0.0e+00, v3;
	v44 =	vadd.f32 v62, v28;
	v42 =	vld.idx.msk [tilespmem:v8+s11+$0x0], $0xffff  }
0x1dd: {  	v24 =	vadd.f32 v24, v61;
	v27 =	vadd.f32 v27, v30;
	v32 =	vld.idx.msk [tilespmem:v8+s12+$0x0], $0xffff  }
0x1de: {  	v22 =	vadd.f32 v25, v22;
	v23 =	vadd.f32 v26, v23;
	vm4 =	vlt.f32 v44, $0.0e+00;
	v37 =	vld.idx.msk [tilespmem:v8+s13+$0x0], $0xffff  }
0x1df: {  	(erf) = vrcp.f32 v21;
	vm5 =	vlt.f32 v27, $0.0e+00;
	v28 =	vsel vm4, v45, v6;
	v40 =	vld.idx.msk [tilespmem:v9+s11+$0x0], $0xffff  }
0x1e0: {  	v29 =	vsel vm5, v53, v4;
	v31 =	vmul.f32 v28, v31;
	v58 =	vmul.f32 v28, v33;
	v33 =	vld.idx.msk [tilespmem:v9+s12+$0x0], $0xffff  }
0x1e1: {  	v45 =	vsub.f32 $0.0e+00, v1;
	v50 =	vmul.f32 v28, v35;
	v52 =	vmul.f32 v28, v36;
	v35 =	vld.idx.msk [tilespmem:v9+s13+$0x0], $0xffff  }
0x1e2: {  	v59 =	vmul.f32 v29, v34;
	v60 =	vmul.f32 v29, v38;
	v51 =	vadd.f32 v31, v63;
	v31 =	vld.idx.msk [tilespmem:v9+s19+$0x0], $0xffff  }
0x1e3: {  	v24 =	vadd.f32 v50, v24;
	v22 =	vadd.f32 v52, v22;
	v63 =	vmul.f32 v29, v41;
	v26 =	vld.idx.msk [tilespmem:v5+s19+$0x0], $0xffff  }
0x1e4: {  	v23 =	vadd.f32 v58, v23;
	v29 =	vmul.f32 v29, v43;
	v28 =	vld.idx.msk [tilespmem:v5+s11+$0x0], $0xffff;
	v54 =	vmul.f32 v39, v19  }
0x1e5: {  	v36 =	vld.idx.msk [tilespmem:v5+s12+$0x0], $0xffff;
	v55 =	vmul.f32 v42, v17;
	v56 =	vmul.f32 v32, v15;
	v62 =	vadd.f32 v59, v51  }
0x1e6: {  	v57 =	vmul.f32 v37, v16;
	v24 =	vadd.f32 v60, v24;
	v22 =	vadd.f32 v63, v22  }
0x1e7: {  	v51 =	vld.idx.msk [tilespmem:v5+s13+$0x0], $0xffff;
	v23 =	vadd.f32 v29, v23;
	v27 =	vadd.f32 v55, v54;
	v50 =	vmul.f32 v40, v17  }
0x1e8: {  	v61 =	vadd.f32 v57, v56;
	v52 =	vmul.f32 v33, v15;
	v44 =	vmul.f32 v35, v16  }
0x1e9: {  	v59 =	vsub.f32 $0.0e+00, v2;
	v49 =	vmul.f32 v31, v19;
	v55 =	vmul.f32 v26, v19  }
0x1ea: {  	v27 =	vadd.f32 v61, v27;
	v56 =	vmul.f32 v28, v17;
	v57 =	vmul.f32 v36, v15  }
0x1eb: {  	v54 =	vadd.f32 v44, v52;
	v19 =	vmul.f32 v19, v12;
	v17 =	vmul.f32 v17, v12  }
0x1ec: {  	v47 =	vld.idx.msk [tilespmem:v18+s14+$0x0], $0xffff;
	v58 =	vmul.f32 v51, v16;
	vm6 =	vlt.f32 v27, $0.0e+00;
	v27 =	vadd.f32 v50, v49  }
0x1ed: {  	v43 =	vld.idx.msk [tilespmem:v20+s16+$0x0], $0xffff;
	v60 =	vadd.f32 v56, v55;
	v55 =	vmul.f32 v15, v12;
	v34 =	vsel vm6, v48, v3  }
0x1ee: {  	v52 =	vld.idx.msk [tilespmem:v14+s14+$0x0], $0xffff;
	v53 =	vmul.f32 v34, v39;
	v27 =	vadd.f32 v54, v27;
	v42 =	vmul.f32 v34, v42  }
0x1ef: {  	v49 =	vld.idx.msk [tilespmem:v18+s16+$0x0], $0xffff;
	v56 =	vmul.f32 v16, v12;
	v61 =	vadd.f32 v58, v57;
	v32 =	vmul.f32 v34, v32  }
0x1f0: {  	v18 =	vld.idx.msk [tilespmem:v18+s17+$0x0], $0xffff;
	v25 =	vadd.f32 v53, v62;
	vm7 =	vlt.f32 v27, $0.0e+00;
	v24 =	vadd.f32 v42, v24  }
0x1f1: {  	v57 =	vld.idx.msk [tilespmem:v11+s14+$0x0], $0xffff;
	v62 =	vmul.f32 v34, v37;
	v22 =	vadd.f32 v32, v22;
	v27 =	vadd.f32 v61, v60  }
0x1f2: {  	v42 =	vld.idx.msk [tilespmem:v20+s14+$0x0], $0xffff;
	v61 =	vmul.f32 v47, v13;
	v63 =	vsel vm7, v59, v2;
	v59 =	vmul.f32 v43, v12  }
0x1f3: {  	v20 =	vld.idx.msk [tilespmem:v20+s17+$0x0], $0xffff;
	v31 =	vmul.f32 v63, v31;
	v23 =	vadd.f32 v62, v23;
	v44 =	vmul.f32 v63, v40  }
0x1f4: {  	v53 =	vld.idx.msk [tilespmem:v14+s16+$0x0], $0xffff;
	v46 =	vmul.f32 v63, v33;
	vm8 =	vlt.f32 v27, $0.0e+00;
	v48 =	vmul.f32 v63, v35  }
0x1f5: {  	v54 =	vld.idx.msk [tilespmem:v14+s17+$0x0], $0xffff;
	v62 =	vmul.f32 v49, v13;
	v13 =	vmul.f32 v18, v13;
	v32 =	vsel vm8, v45, v1  }
0x1f6: {  	v60 =	vld.idx.msk [tilespmem:v11+s16+$0x0], $0xffff;
	v33 =	vmul.f32 v52, v10;
	v25 =	vadd.f32 v31, v25;
	v26 =	vmul.f32 v32, v26  }
0x1f7: {  	v11 =	vld.idx.msk [tilespmem:v11+s17+$0x0], $0xffff;
	v24 =	vadd.f32 v44, v24;
	v28 =	vmul.f32 v32, v28;
	v50 =	vmul.f32 v32, v36  }
0x1f8: {  	v34 =	vld.idx.msk [tilespmem:v7+s16+$0x0], $0xffff;
	v22 =	vadd.f32 v46, v22;
	v51 =	vmul.f32 v32, v51;
	v58 =	vmul.f32 v42, v12  }
0x1f9: {  	s4 =	sshll.u32 s4, $0x9;
	v63 =	vld.idx.msk [tilespmem:v7+s14+$0x0], $0xffff;
	v23 =	vadd.f32 v48, v23;
	v12 =	vmul.f32 v20, v12;
	v35 =	vmul.f32 v53, v10  }
0x1fa: {  	s6 =	sor.u32 s6, s4;
	v7 =	vld.idx.msk [tilespmem:v7+s17+$0x0], $0xffff;
	v31 =	vadd.f32 v62, v59;
	v10 =	vmul.f32 v54, v10;
	v42 =	vmul.f32 v57, v6  }
0x1fb: {  	v41 =	vld [tilespmem:s6+$0x9A00];
	v43 =	vmul.f32 v60, v6;
	v25 =	vadd.f32 v26, v25;
	v24 =	vadd.f32 v28, v24  }
0x1fc: {  	v47 =	vld [tilespmem:s6+$0x9B00];
	v6 =	vmul.f32 v11, v6;
	v22 =	vadd.f32 v50, v22;
	v23 =	vadd.f32 v51, v23  }
0x1fd: {  	v44 =	vld [tilespmem:s6+$0x9A80];
	v49 =	vmul.f32 v34, v4;
	v12 =	vadd.f32 v13, v12;
	v14 =	vadd.f32 v25, v19  }
0x1fe: {  	v46 =	vmul.f32 v63, v4;
	v15 =	vadd.f32 v24, v17;
	v16 =	vadd.f32 v22, v55  }
0x1ff: {  	v4 =	vmul.f32 v7, v4;
	v23 =	vadd.f32 v23, v56;
	v37 =	vmul.f32 v14, v14  }
0x200: {  	v13 =	vadd.f32 v35, v31;
	v38 =	vmul.f32 v15, v15;
	v39 =	vmul.f32 v16, v16  }
0x201: {  	v17 =	vadd.f32 v61, v58;
	v40 =	vmul.f32 v23, v23;
	v51 =	vmul.f32 v41, v14  }
0x202: {  	v50 =	vld [tilespmem:s6+$0x9B80];
	v10 =	vadd.f32 v10, v12;
	v52 =	vmul.f32 v44, v15;
	v55 =	vmul.f32 v47, v16  }
0x203: {  	v13 =	vadd.f32 v43, v13;
	v56 =	vmul.f32 v44, v14;
	v57 =	vmul.f32 v41, v15  }
0x204: {  	v17 =	vadd.f32 v33, v17;
	v58 =	vmul.f32 v47, v14;
	v61 =	vmul.f32 v47, v15  }
0x205: {  	v26 =	vmul.f32 v41, v16;
	v24 =	vadd.f32 v38, v37;
	v19 =	vadd.f32 v40, v39  }
0x206: {  	v28 =	vmul.f32 v44, v16;
	v18 =	vmul.f32 v47, v23;
	v6 =	vadd.f32 v6, v10  }
0x207: {  	v31 =	vmul.f32 v44, v23;
	v60 =	vmul.f32 v50, v14;
	v48 =	vadd.f32 v19, v24  }
0x208: {  	v36 =	vld.idx.msk [tilespmem:v8+s14+$0x0], $0xffff;
	v59 =	vmul.f32 v50, v15;
	v4 =	vadd.f32 v4, v6;
	v6 =	vadd.f32 v56, v57  }
0x209: {  	v45 =	vld.idx.msk [tilespmem:v8+s16+$0x0], $0xffff;
	v63 =	vmul.f32 v50, v16;
	v20 =	vadd.f32 v60, v61;
	v10 =	vadd.f32 $1.000000000e-30, v48  }
0x20a: {  	v32 =	vmul.f32 v41, v23;
	v54 =	vsub.f32 v51, v52;
	v19 =	vsub.f32 v58, v59  }
0x20b: {  	v30 =	vld.idx.msk [tilespmem:v9+s16+$0x0], $0xffff;
	v6 =	vadd.f32 v63, v6;
	v20 =	vsub.f32 v20, v28;
	(erf) = vrcp.f32 v10  }
0x20c: {  	v8 =	vld.idx.msk [tilespmem:v8+s17+$0x0], $0xffff;
	v7 =	vmul.f32 v50, v23;
	v19 =	vadd.f32 v19, v26;
	v10 =	vsub.f32 v54, v55  }
0x20d: {  	v62 =	vld.idx.msk [tilespmem:v9+s14+$0x0], $0xffff;
	v53 =	vmul.f32 v36, v3;
	v6 =	vsub.f32 v6, v18;
	v36 =	vadd.f32 v20, v32  }
0x20e: {  	v35 =	vld.idx.msk [tilespmem:v5+s14+$0x0], $0xffff;
	v11 =	vmul.f32 v45, v3;
	v18 =	vadd.f32 v19, v31;
	v7 =	vsub.f32 v10, v7  }
0x20f: {  	v33 =	vld.idx.msk [tilespmem:v9+s17+$0x0], $0xffff;
	v13 =	vadd.f32 v49, v13;
	v39 =	vmul.f32 v6, v6;
	v41 =	vmul.f32 v36, v36  }
0x210: {  	v37 =	vld.idx.msk [tilespmem:v5+s16+$0x0], $0xffff;
	v40 =	vmul.f32 v18, v18;
	v38 =	vmul.f32 v7, v7  }
0x211: {  	v3 =	vmul.f32 v8, v3;
	v12 =	vadd.f32 v42, v17;
	v5 =	vld.idx.msk [tilespmem:v5+s17+$0x0], $0xffff;
	v11 =	vadd.f32 v11, v13  }
0x212: {  	v44 =	vmul.f32 v30, v2;
	v13 =	vadd.f32 v41, v40;
	v20 =	vadd.f32 v39, v38  }
0x213: {  	v42 =	vpop (erf);
	v12 =	vadd.f32 v46, v12;
	v3 =	vadd.f32 v3, v4  }
0x214: {  	v34 =	vmul.f32 v62, v2;
	v9 =	vadd.f32 v44, v11;
	v48 =	vadd.f32 v13, v20;
	v45 =	vpop (erf)  }
0x215: {  	v2 =	vmul.f32 v33, v2;
	v47 =	vmul.f32 v37, v1;
	v46 =	vadd.f32 v45, v45  }
0x216: {  	v10 =	vmul.f32 v35, v1;
	v1 =	vmul.f32 v5, v1;
	v52 =	vadd.f32 $1.000000000e-30, v48  }
0x217: {  	v12 =	vadd.f32 v53, v12;
	v49 =	vmul.f32 v46, v16;
	v50 =	vmul.f32 v46, v23  }
0x218: {  	v2 =	vadd.f32 v2, v3;
	v51 =	vmul.f32 v46, v15;
	(erf) = vrcp.f32 v52  }
0x219: {  	v43 =	vadd.f32 v34, v12;
	v3 =	vmul.f32 v49, v16;
	v53 =	vmul.f32 v50, v23  }
0x21a: {  	v8 =	vadd.f32 v47, v9;
	v54 =	vmul.f32 v51, v14;
	v55 =	vmul.f32 v50, v14  }
0x21b: {  	v62 =	vld [tilespmem:s10+$0xFFFFFDF0];
	v1 =	vadd.f32 v1, v2;
	v2 =	vmul.f32 v51, v15;
	v58 =	vmul.f32 v49, v15  }
0x21c: {  	v59 =	vld [tilespmem:s10+$0xFFFFFBF0];
	v4 =	vadd.f32 v10, v43;
	v10 =	vmul.f32 v49, v14;
	v60 =	vmul.f32 v50, v15  }
0x21d: {  	v57 =	vld [tilespmem:s10+$0xFFFFF9F0];
	v13 =	vmul.f32 v50, v16;
	v56 =	vadd.f32 v53, v3;
	v63 =	vsub.f32 v58, v55  }
0x21e: {  	v8 =	vmul.f32 v8, v42;
	v12 =	vadd.f32 v53, v2;
	v24 =	vadd.f32 v10, v60  }
0x21f: {  	v4 =	vmul.f32 v4, v42;
	v5 =	vadd.f32 v55, v58;
	v26 =	vsub.f32 v13, v54  }
0x220: {  	v1 =	vmul.f32 v1, v42;
	v10 =	vsub.f32 v60, v10;
	v2 =	vadd.f32 v3, v2  }
0x221: {  	v9 =	vadd.f32 v54, v13;
	v61 =	vsub.f32 $1.000000000e+00, v56;
	v27 =	vmul.f32 v59, v63  }
0x222: {  	v25 =	vsub.f32 $1.000000000e+00, v12;
	v28 =	vmul.f32 v62, v24;
	v5 =	vmul.f32 v57, v5  }
0x223: {  	v2 =	vsub.f32 $1.000000000e+00, v2;
	v12 =	vmul.f32 v62, v26;
	v10 =	vmul.f32 v57, v10  }
0x224: {  	v33 =	vmul.f32 v59, v9;
	v3 =	vmul.f32 v57, v61;
	v29 =	vpop (erf)  }
0x225: {  	v4 =	vadd.f32 v28, v4;
	v2 =	vmul.f32 v62, v2;
	v30 =	vadd.f32 v29, v29  }
0x226: {  	v11 =	vmul.f32 v59, v25;
	v8 =	vadd.f32 v12, v8;
	v3 =	vadd.f32 v27, v3  }
0x227: {  	v1 =	vadd.f32 v2, v1;
	v31 =	vmul.f32 v30, v18;
	v32 =	vmul.f32 v30, v36  }
0x228: {  	v3 =	vadd.f32 v4, v3;
	v4 =	vadd.f32 v33, v10;
	v2 =	vmul.f32 v30, v6  }
0x229: {  	v5 =	vadd.f32 v11, v5;
	v35 =	vmul.f32 v32, v36;
	v36 =	vmul.f32 v31, v7  }
0x22a: {  	[tilespmem:s6+$0xF800] =	vst v3;
	v1 =	vadd.f32 v1, v4;
	v3 =	vmul.f32 v32, v7;
	v38 =	vmul.f32 v31, v6  }
0x22b: {  	v5 =	vadd.f32 v8, v5;
	v39 =	vmul.f32 v2, v6;
	v6 =	vmul.f32 v32, v6  }
0x22c: {  	v34 =	vmul.f32 v31, v18;
	[tilespmem:s6+$0xF900] =	vst v1;
	v1 =	vsub.f32 v38, v3  }
0x22d: {  	[tilespmem:s6+$0xF880] =	vst v5;
	v2 =	vmul.f32 v2, v7;
	v42 =	vmul.f32 v32, v18;
	v41 =	vadd.f32 v36, v6  }
0x22e: {  	v37 =	vadd.f32 v35, v34;
	v3 =	vadd.f32 v3, v38;
	[tilespmem:s6+$0x10080] =	vst v1  }
0x22f: {  	v9 =	vadd.f32 v35, v39;
	v43 =	vsub.f32 v42, v2;
	[tilespmem:s6+$0x10100] =	vst v41  }
0x230: {  	v40 =	vsub.f32 $1.000000000e+00, v37;
	[tilespmem:s6+$0x10800] =	vst v3  }
0x231: {  	v1 =	vsub.f32 $1.000000000e+00, v9;
	[tilespmem:s6+$0x10900] =	vst v43  }
0x232: {  	v5 =	vadd.f32 v34, v39;
	v3 =	vsub.f32 v6, v36;
	[tilespmem:s6+$0x10000] =	vst v40  }
0x233: {  	[tilespmem:s6+$0x10880] =	vst v1;
	v1 =	vadd.f32 v2, v42  }
0x234: {  	v2 =	vsub.f32 $1.000000000e+00, v5;
	[tilespmem:s6+$0x11000] =	vst v3  }
0x235: {  	[tilespmem:s6+$0x11080] =	vst v1  }
0x236: {  	[tilespmem:s6+$0x11100] =	vst v2  }
0x237: {  	v1 =	vld [tilespmem:s10+$0xFFFFFFF0];
	_ =	sdelay $0x4  }
0x238: {  	v1 =	vmul.f32 $1.442695020e+00, v1;
	_ =	sdelay $0x1  }
0x239: {  	(erf) = vpow2.f32 v1;
	_ =	sdelay $0x8  }
0x23a: {  	v1 =	vpop (erf)  }
0x23b: {  	[tilespmem:s6+$0x11800] =	vst v1  }
0x23c: {  	v1 =	vld [tilespmem:s10+$0x1F0];
	_ =	sdelay $0x4  }
0x23d: {  	v1 =	vmul.f32 $1.442695020e+00, v1;
	_ =	sdelay $0x1  }
0x23e: {  	(erf) = vpow2.f32 v1;
	_ =	sdelay $0x8  }
0x23f: {  	v1 =	vpop (erf)  }
0x240: {  	[tilespmem:s6+$0x11880] =	vst v1  }
0x241: {  	v1 =	vld [tilespmem:s10+$0x3F0];
	_ =	sdelay $0x4  }
0x242: {  	v1 =	vmul.f32 $1.442695020e+00, v1;
	_ =	sdelay $0x1  }
0x243: {  	(erf) = vpow2.f32 v1;
	_ =	sdelay $0x8  }
0x244: {  	v1 =	vpop (erf)  }
0x245: {  	[tilespmem:s6+$0x11900] =	vst v1  }
0x246: {  	v1 =	vld [tilespmem:s10+$0x5F0];
	_ =	sdelay $0x4  }
0x247: {  	v1 =	vsub.f32 $0.0e+00, v1;
	_ =	sdelay $0x1  }
0x248: {  	v1 =	vmul.f32 $1.442695020e+00, v1;
	_ =	sdelay $0x1  }
0x249: {  	(erf) = vpow2.f32 v1;
	_ =	sdelay $0x8  }
0x24a: {  	v1 =	vpop (erf)  }
0x24b: {  	v1 =	vadd.f32 $1.000000000e+00, v1;
	_ =	sdelay $0x1  }
0x24c: {  	(erf) = vrcp.f32 v1;
	_ =	sdelay $0x7  }
0x24d: {  	s8 =	sadd.s32 $0x10, s1  }
0x24e: {  	s6 =	sand.u32 $0x70, s8;
	v1 =	vpop (erf)  }
0x24f: {  	s5 =	sor.u32 s5, s6;
	[tilespmem:s28+$0xFFFFFFF0] =	vst v1  }
0x250: {  	v20 =	vld [tilespmem:s5+$0xB200]  }
0x251: {  	v18 =	vld [tilespmem:s5+$0xB280]  }
0x252: {  	v14 =	vld [tilespmem:s5+$0xB300]  }
0x253: {  	v11 =	vld [tilespmem:s5+$0xB380]  }
0x254: {  	v8 =	vld [tilespmem:s5+$0xB400]  }
0x255: {  	v12 =	vld [tilespmem:s5+$0xA200]  }
0x256: {  	v13 =	vld [tilespmem:s5+$0xA280]  }
0x257: {  	v10 =	vld [tilespmem:s5+$0xA300]  }
0x258: {  	v6 =	vld [tilespmem:s5+$0xA380]  }
0x259: {  	v4 =	vld [tilespmem:s5+$0xA400]  }
0x25a: {  	v3 =	vld [tilespmem:s5+$0xA480]  }
0x25b: {  	v2 =	vld [tilespmem:s5+$0xA500]  }
0x25c: {  	v1 =	vld [tilespmem:s5+$0xA580]  }
0x25d: {  	v19 =	vld.idx.msk [tilespmem:v20+s19+$0x0], $0xffff  }
0x25e: {  	v17 =	vld.idx.msk [tilespmem:v20+s11+$0x0], $0xffff  }
0x25f: {  	v15 =	vld.idx.msk [tilespmem:v20+s12+$0x0], $0xffff  }
0x260: {  	v16 =	vld.idx.msk [tilespmem:v20+s13+$0x0], $0xffff  }
0x261: {  	v44 =	vld.idx.msk [tilespmem:v18+s19+$0x0], $0xffff  }
0x262: {  	v9 =	vld.idx.msk [tilespmem:v18+s11+$0x0], $0xffff  }
0x263: {  	v21 =	vld.idx.msk [tilespmem:v18+s12+$0x0], $0xffff  }
0x264: {  	v22 =	vld.idx.msk [tilespmem:v18+s13+$0x0], $0xffff  }
0x265: {  	v23 =	vld.idx.msk [tilespmem:v14+s19+$0x0], $0xffff  }
0x266: {  	v24 =	vld.idx.msk [tilespmem:v14+s11+$0x0], $0xffff  }
0x267: {  	v25 =	vld.idx.msk [tilespmem:v14+s12+$0x0], $0xffff  }
0x268: {  	v49 =	vadd.f32 v13, v12;
	v26 =	vld.idx.msk [tilespmem:v14+s13+$0x0], $0xffff  }
0x269: {  	v53 =	vadd.f32 v6, v10;
	v60 =	vadd.f32 v3, v4;
	v31 =	vld.idx.msk [tilespmem:v11+s19+$0x0], $0xffff  }
0x26a: {  	v61 =	vadd.f32 v1, v2;
	v56 =	vld.idx.msk [tilespmem:v11+s11+$0x0], $0xffff;
	v45 =	vmul.f32 v44, v19;
	v46 =	vmul.f32 v9, v17  }
0x26b: {  	v57 =	vsub.f32 $0.0e+00, v13;
	v58 =	vld.idx.msk [tilespmem:v11+s12+$0x0], $0xffff;
	v47 =	vmul.f32 v21, v15;
	v48 =	vmul.f32 v22, v16  }
0x26c: {  	v30 =	vadd.f32 v53, v49;
	v29 =	vadd.f32 v61, v60;
	v39 =	vld.idx.msk [tilespmem:v8+s11+$0x0], $0xffff;
	v51 =	vmul.f32 v23, v19  }
0x26d: {  	v33 =	vld.idx.msk [tilespmem:v11+s13+$0x0], $0xffff;
	v52 =	vmul.f32 v24, v17;
	v7 =	vadd.f32 v46, v45;
	v50 =	vadd.f32 v48, v47  }
0x26e: {  	v62 =	vsub.f32 $0.0e+00, v10;
	v37 =	vld.idx.msk [tilespmem:v8+s19+$0x0], $0xffff;
	v54 =	vmul.f32 v25, v15;
	v55 =	vmul.f32 v26, v16  }
0x26f: {  	v42 =	vld.idx.msk [tilespmem:v8+s12+$0x0], $0xffff;
	v29 =	vadd.f32 v29, v30;
	v7 =	vadd.f32 v50, v7  }
0x270: {  	v28 =	vadd.f32 v52, v51;
	v59 =	vadd.f32 v55, v54  }
0x271: {  	v63 =	vmul.f32 v31, v19;
	v53 =	vmul.f32 v39, v17;
	vm9 =	vlt.f32 v7, $0.0e+00;
	v7 =	vld [tilespmem:s5+$0xB480]  }
0x272: {  	v43 =	vld.idx.msk [tilespmem:v8+s13+$0x0], $0xffff;
	v45 =	vmul.f32 v56, v17;
	v46 =	vmul.f32 v58, v15;
	v28 =	vadd.f32 v59, v28  }
0x273: {  	v47 =	vmul.f32 v33, v16;
	v51 =	vsub.f32 $0.0e+00, v6;
	v52 =	vmul.f32 v37, v19  }
0x274: {  	v54 =	vmul.f32 v42, v15;
	vm10 =	vlt.f32 v28, $0.0e+00;
	v27 =	vsel vm9, v57, v13  }
0x275: {  	v49 =	vadd.f32 v47, v46;
	v34 =	vsel vm10, v62, v10;
	v48 =	vmul.f32 v27, v9;
	v9 =	vld [tilespmem:s5+$0xB500]  }
0x276: {  	v28 =	vadd.f32 v45, v63;
	v5 =	vmul.f32 v27, v44;
	v23 =	vmul.f32 v34, v23  }
0x277: {  	v55 =	vmul.f32 v43, v16;
	v30 =	vadd.f32 v53, v52;
	v24 =	vmul.f32 v34, v24  }
0x278: {  	v21 =	vmul.f32 v27, v21;
	v50 =	vadd.f32 v49, v28;
	v23 =	vadd.f32 v23, v5;
	v5 =	vld [tilespmem:s5+$0xB580]  }
0x279: {  	v59 =	vsub.f32 $0.0e+00, v4;
	v22 =	vmul.f32 v27, v22;
	v25 =	vmul.f32 v34, v25;
	v38 =	vld.idx.msk [tilespmem:v7+s19+$0x0], $0xffff  }
0x27a: {  	v26 =	vmul.f32 v34, v26;
	v27 =	vadd.f32 v55, v54;
	vm11 =	vlt.f32 v50, $0.0e+00;
	v41 =	vld.idx.msk [tilespmem:v7+s11+$0x0], $0xffff  }
0x27b: {  	v54 =	vsub.f32 $0.0e+00, v3;
	v24 =	vadd.f32 v24, v48;
	v28 =	vsel vm11, v51, v6;
	v34 =	vld.idx.msk [tilespmem:v7+s12+$0x0], $0xffff  }
0x27c: {  	v21 =	vadd.f32 v25, v21;
	v57 =	vadd.f32 v27, v30;
	v31 =	vmul.f32 v28, v31;
	v32 =	vld.idx.msk [tilespmem:v7+s13+$0x0], $0xffff  }
0x27d: {  	v22 =	vadd.f32 v26, v22;
	v56 =	vmul.f32 v28, v56;
	v58 =	vmul.f32 v28, v58;
	v30 =	vld.idx.msk [tilespmem:v9+s19+$0x0], $0xffff  }
0x27e: {  	vm12 =	vlt.f32 v57, $0.0e+00;
	v48 =	vmul.f32 v28, v33;
	v23 =	vadd.f32 v31, v23;
	v35 =	vld.idx.msk [tilespmem:v9+s11+$0x0], $0xffff  }
0x27f: {  	v27 =	vsel vm12, v59, v4;
	v24 =	vadd.f32 v56, v24;
	v21 =	vadd.f32 v58, v21;
	v44 =	vld.idx.msk [tilespmem:v9+s12+$0x0], $0xffff  }
0x280: {  	v49 =	vmul.f32 v27, v37;
	v50 =	vmul.f32 v27, v39;
	v22 =	vadd.f32 v48, v22;
	v33 =	vld.idx.msk [tilespmem:v9+s13+$0x0], $0xffff  }
0x281: {  	v52 =	vmul.f32 v27, v42;
	v53 =	vmul.f32 v27, v43;
	v48 =	vsub.f32 $0.0e+00, v2;
	v36 =	vld.idx.msk [tilespmem:v5+s19+$0x0], $0xffff  }
0x282: {  	v39 =	vadd.f32 $9.999999930e-09, v29;
	v42 =	vmul.f32 v16, v12;
	v23 =	vadd.f32 v49, v23;
	v28 =	vld.idx.msk [tilespmem:v5+s11+$0x0], $0xffff  }
0x283: {  	v24 =	vadd.f32 v50, v24;
	v31 =	vld.idx.msk [tilespmem:v5+s12+$0x0], $0xffff;
	v60 =	vmul.f32 v38, v19;
	v61 =	vmul.f32 v41, v17  }
0x284: {  	v21 =	vadd.f32 v52, v21;
	v37 =	vld.idx.msk [tilespmem:v5+s13+$0x0], $0xffff;
	v62 =	vmul.f32 v34, v15;
	v63 =	vmul.f32 v32, v16  }
0x285: {  	v22 =	vadd.f32 v53, v22;
	(erf) = vrcp.f32 v39;
	v26 =	vadd.f32 v61, v60  }
0x286: {  	v51 =	vadd.f32 v63, v62;
	v55 =	vmul.f32 v30, v19;
	v56 =	vmul.f32 v35, v17  }
0x287: {  	v53 =	vsub.f32 $0.0e+00, v1;
	v57 =	vmul.f32 v44, v15;
	v58 =	vmul.f32 v33, v16  }
0x288: {  	v26 =	vadd.f32 v51, v26;
	v61 =	vmul.f32 v36, v19;
	v62 =	vmul.f32 v28, v17  }
0x289: {  	v60 =	vadd.f32 v58, v57;
	v63 =	vmul.f32 v31, v15;
	v45 =	vmul.f32 v37, v16;
	v58 =	vld.idx.msk [tilespmem:v18+s14+$0x0], $0xffff  }
0x28a: {  	v19 =	vmul.f32 v19, v12;
	vm13 =	vlt.f32 v26, $0.0e+00;
	v46 =	vadd.f32 v62, v61;
	v61 =	vld.idx.msk [tilespmem:v18+s16+$0x0], $0xffff  }
0x28b: {  	v17 =	vmul.f32 v17, v12;
	v26 =	vadd.f32 v56, v55;
	v18 =	vld.idx.msk [tilespmem:v18+s17+$0x0], $0xffff;
	v27 =	vsel vm13, v54, v3  }
0x28c: {  	v40 =	vld.idx.msk [tilespmem:v14+s17+$0x0], $0xffff;
	v25 =	vadd.f32 v45, v63;
	v59 =	vmul.f32 v27, v38;
	v47 =	vmul.f32 v27, v41  }
0x28d: {  	v43 =	vld.idx.msk [tilespmem:v11+s14+$0x0], $0xffff;
	v26 =	vadd.f32 v60, v26;
	v49 =	vmul.f32 v27, v34;
	v27 =	vmul.f32 v27, v32  }
0x28e: {  	v51 =	vld.idx.msk [tilespmem:v20+s14+$0x0], $0xffff;
	v25 =	vadd.f32 v25, v46;
	v41 =	vmul.f32 v15, v12;
	v23 =	vadd.f32 v59, v23  }
0x28f: {  	v54 =	vld.idx.msk [tilespmem:v20+s16+$0x0], $0xffff;
	v24 =	vadd.f32 v47, v24;
	vm14 =	vlt.f32 v26, $0.0e+00;
	v47 =	vmul.f32 v58, v13  }
0x290: {  	v20 =	vld.idx.msk [tilespmem:v20+s17+$0x0], $0xffff;
	v50 =	vsel vm14, v48, v2;
	v48 =	vmul.f32 v61, v13;
	v13 =	vmul.f32 v18, v13  }
0x291: {  	v46 =	vld.idx.msk [tilespmem:v11+s16+$0x0], $0xffff;
	vm15 =	vlt.f32 v25, $0.0e+00;
	v52 =	vmul.f32 v50, v30;
	v55 =	vmul.f32 v50, v35  }
0x292: {  	v11 =	vld.idx.msk [tilespmem:v11+s17+$0x0], $0xffff;
	v57 =	vsel vm15, v53, v1;
	v56 =	vmul.f32 v50, v44;
	v59 =	vmul.f32 v50, v33  }
0x293: {  	v21 =	vadd.f32 v49, v21;
	v49 =	vld.idx.msk [tilespmem:v8+s14+$0x0], $0xffff;
	v60 =	vmul.f32 v57, v36;
	v62 =	vmul.f32 v57, v28  }
0x294: {  	v22 =	vadd.f32 v27, v22;
	v63 =	vmul.f32 v57, v31;
	v35 =	vmul.f32 v57, v37;
	v36 =	vld.idx.msk [tilespmem:v14+s14+$0x0], $0xffff  }
0x295: {  	v37 =	vld.idx.msk [tilespmem:v14+s16+$0x0], $0xffff;
	v44 =	vmul.f32 v51, v12;
	v45 =	vmul.f32 v54, v12;
	v23 =	vadd.f32 v52, v23  }
0x296: {  	v12 =	vmul.f32 v20, v12;
	v24 =	vadd.f32 v55, v24;
	v21 =	vadd.f32 v56, v21;
	v52 =	vld.idx.msk [tilespmem:v8+s16+$0x0], $0xffff  }
0x297: {  	v61 =	vmul.f32 v46, v6;
	v22 =	vadd.f32 v59, v22;
	v8 =	vld.idx.msk [tilespmem:v8+s17+$0x0], $0xffff;
	v23 =	vadd.f32 v60, v23  }
0x298: {  	s4 =	sor.u32 s4, s6;
	v27 =	vmul.f32 v49, v4;
	v24 =	vadd.f32 v62, v24;
	v21 =	vadd.f32 v63, v21  }
0x299: {  	v30 =	vld [tilespmem:s4+$0x9B00];
	v22 =	vadd.f32 v35, v22;
	v60 =	vmul.f32 v43, v6;
	v6 =	vmul.f32 v11, v6  }
0x29a: {  	v59 =	vld [tilespmem:s4+$0x9A00];
	v51 =	vmul.f32 v36, v10;
	v53 =	vmul.f32 v37, v10;
	v14 =	vadd.f32 v23, v19  }
0x29b: {  	v10 =	vmul.f32 v40, v10;
	v15 =	vadd.f32 v24, v17;
	v16 =	vadd.f32 v21, v41  }
0x29c: {  	v33 =	vld [tilespmem:s4+$0x9B80];
	v22 =	vadd.f32 v22, v42;
	v32 =	vmul.f32 v52, v4;
	v4 =	vmul.f32 v8, v4  }
0x29d: {  	v50 =	vadd.f32 v48, v45;
	v55 =	vmul.f32 v14, v14;
	v56 =	vmul.f32 v15, v15  }
0x29e: {  	v12 =	vadd.f32 v13, v12;
	v57 =	vmul.f32 v16, v16;
	v58 =	vmul.f32 v22, v22  }
0x29f: {  	v62 =	vld [tilespmem:s4+$0x9A80];
	v17 =	vadd.f32 v47, v44;
	v34 =	vmul.f32 v59, v14;
	v38 =	vmul.f32 v30, v16  }
0x2a0: {  	v13 =	vadd.f32 v53, v50;
	v40 =	vmul.f32 v59, v15;
	v41 =	vmul.f32 v30, v14  }
0x2a1: {  	v10 =	vadd.f32 v10, v12;
	v42 =	vmul.f32 v33, v15;
	v43 =	vmul.f32 v33, v14  }
0x2a2: {  	v17 =	vadd.f32 v51, v17;
	v44 =	vmul.f32 v30, v15;
	v46 =	vmul.f32 v33, v16  }
0x2a3: {  	v47 =	vmul.f32 v59, v16;
	v23 =	vadd.f32 v56, v55;
	v19 =	vadd.f32 v58, v57  }
0x2a4: {  	v8 =	vmul.f32 v33, v22;
	v6 =	vadd.f32 v6, v10;
	v39 =	vmul.f32 v62, v14  }
0x2a5: {  	v18 =	vmul.f32 v30, v22;
	v13 =	vadd.f32 v61, v13;
	v31 =	vadd.f32 v19, v23  }
0x2a6: {  	v54 =	vld.idx.msk [tilespmem:v7+s14+$0x0], $0xffff;
	v35 =	vmul.f32 v62, v15;
	v4 =	vadd.f32 v4, v6;
	v6 =	vadd.f32 v39, v40  }
0x2a7: {  	v63 =	vld.idx.msk [tilespmem:v7+s16+$0x0], $0xffff;
	v48 =	vmul.f32 v62, v16;
	v19 =	vsub.f32 v41, v42;
	v10 =	vadd.f32 $1.000000000e-30, v31  }
0x2a8: {  	v50 =	vmul.f32 v62, v22;
	v20 =	vadd.f32 v43, v44;
	v37 =	vsub.f32 v34, v35  }
0x2a9: {  	v45 =	vld.idx.msk [tilespmem:v9+s14+$0x0], $0xffff;
	v6 =	vadd.f32 v46, v6;
	v19 =	vadd.f32 v19, v47;
	(erf) = vrcp.f32 v10  }
0x2aa: {  	v49 =	vld.idx.msk [tilespmem:v9+s16+$0x0], $0xffff;
	v51 =	vmul.f32 v59, v22;
	v20 =	vsub.f32 v20, v48;
	v10 =	vsub.f32 v37, v38  }
0x2ab: {  	v7 =	vld.idx.msk [tilespmem:v7+s17+$0x0], $0xffff;
	v36 =	vmul.f32 v54, v3;
	v6 =	vsub.f32 v6, v18;
	v18 =	vadd.f32 v19, v50  }
0x2ac: {  	v54 =	vld.idx.msk [tilespmem:v5+s14+$0x0], $0xffff;
	v11 =	vmul.f32 v63, v3;
	v19 =	vadd.f32 v20, v51;
	v8 =	vsub.f32 v10, v8  }
0x2ad: {  	v52 =	vld.idx.msk [tilespmem:v9+s17+$0x0], $0xffff;
	v13 =	vadd.f32 v32, v13;
	v57 =	vmul.f32 v6, v6;
	v58 =	vmul.f32 v18, v18  }
0x2ae: {  	v55 =	vld.idx.msk [tilespmem:v5+s16+$0x0], $0xffff;
	v59 =	vmul.f32 v19, v19;
	v56 =	vmul.f32 v8, v8  }
0x2af: {  	v12 =	vadd.f32 v60, v17;
	v5 =	vld.idx.msk [tilespmem:v5+s17+$0x0], $0xffff;
	v11 =	vadd.f32 v11, v13  }
0x2b0: {  	v3 =	vmul.f32 v7, v3;
	v13 =	vadd.f32 v59, v58;
	v20 =	vadd.f32 v57, v56  }
0x2b1: {  	v53 =	vmul.f32 v45, v2;
	v62 =	vmul.f32 v49, v2;
	v60 =	vpop (erf);
	v12 =	vadd.f32 v27, v12  }
0x2b2: {  	v2 =	vmul.f32 v52, v2;
	v3 =	vadd.f32 v3, v4;
	v28 =	vadd.f32 v13, v20;
	v63 =	vpop (erf)  }
0x2b3: {  	v12 =	vadd.f32 v36, v12;
	v27 =	vmul.f32 v55, v1;
	v26 =	vadd.f32 v63, v63  }
0x2b4: {  	v10 =	vmul.f32 v54, v1;
	v1 =	vmul.f32 v5, v1;
	v32 =	vadd.f32 $1.000000000e-30, v28  }
0x2b5: {  	v9 =	vadd.f32 v62, v11;
	v29 =	vmul.f32 v26, v16;
	v30 =	vmul.f32 v26, v22  }
0x2b6: {  	v2 =	vadd.f32 v2, v3;
	v31 =	vmul.f32 v26, v15;
	(erf) = vrcp.f32 v32  }
0x2b7: {  	v61 =	vadd.f32 v53, v12;
	v3 =	vmul.f32 v29, v16;
	v33 =	vmul.f32 v30, v22  }
0x2b8: {  	v7 =	vadd.f32 v27, v9;
	v34 =	vmul.f32 v31, v14;
	v35 =	vmul.f32 v30, v14  }
0x2b9: {  	v1 =	vadd.f32 v1, v2;
	v2 =	vmul.f32 v31, v15;
	v38 =	vmul.f32 v29, v15  }
0x2ba: {  	v39 =	vld [tilespmem:s10+$0xFFFFFC00];
	v4 =	vadd.f32 v10, v61;
	v10 =	vmul.f32 v29, v14;
	v40 =	vmul.f32 v30, v15  }
0x2bb: {  	v42 =	vld [tilespmem:s10+$0xFFFFFE00];
	v13 =	vmul.f32 v30, v16;
	v36 =	vadd.f32 v33, v3;
	v43 =	vsub.f32 v38, v35  }
0x2bc: {  	v37 =	vld [tilespmem:s10+$0xFFFFFA00];
	v12 =	vadd.f32 v33, v2;
	v44 =	vadd.f32 v10, v40  }
0x2bd: {  	v7 =	vmul.f32 v7, v60;
	v5 =	vadd.f32 v35, v38;
	v46 =	vsub.f32 v13, v34  }
0x2be: {  	v4 =	vmul.f32 v4, v60;
	v10 =	vsub.f32 v40, v10;
	v2 =	vadd.f32 v3, v2  }
0x2bf: {  	v1 =	vmul.f32 v1, v60;
	v9 =	vadd.f32 v34, v13;
	v41 =	vsub.f32 $1.000000000e+00, v36  }
0x2c0: {  	v45 =	vsub.f32 $1.000000000e+00, v12;
	v47 =	vmul.f32 v39, v43;
	v48 =	vmul.f32 v42, v44  }
0x2c1: {  	v2 =	vsub.f32 $1.000000000e+00, v2;
	v5 =	vmul.f32 v37, v5;
	v12 =	vmul.f32 v42, v46  }
0x2c2: {  	v10 =	vmul.f32 v37, v10;
	v3 =	vmul.f32 v37, v41;
	v49 =	vpop (erf)  }
0x2c3: {  	v53 =	vmul.f32 v39, v9;
	v2 =	vmul.f32 v42, v2;
	v50 =	vadd.f32 v49, v49  }
0x2c4: {  	v11 =	vmul.f32 v39, v45;
	v4 =	vadd.f32 v48, v4;
	v3 =	vadd.f32 v47, v3  }
0x2c5: {  	v7 =	vadd.f32 v12, v7;
	v1 =	vadd.f32 v2, v1;
	v51 =	vmul.f32 v50, v18  }
0x2c6: {  	v52 =	vmul.f32 v50, v19;
	v3 =	vadd.f32 v4, v3;
	v4 =	vadd.f32 v53, v10  }
0x2c7: {  	v5 =	vadd.f32 v11, v5;
	v2 =	vmul.f32 v50, v6;
	v56 =	vmul.f32 v51, v8  }
0x2c8: {  	[tilespmem:s4+$0xF800] =	vst v3;
	v1 =	vadd.f32 v1, v4;
	v3 =	vmul.f32 v52, v8;
	v58 =	vmul.f32 v51, v6  }
0x2c9: {  	v5 =	vadd.f32 v7, v5;
	v59 =	vmul.f32 v2, v6;
	v6 =	vmul.f32 v52, v6  }
0x2ca: {  	v54 =	vmul.f32 v51, v18;
	v55 =	vmul.f32 v52, v19;
	[tilespmem:s4+$0xF900] =	vst v1;
	v1 =	vsub.f32 v58, v3  }
0x2cb: {  	[tilespmem:s4+$0xF880] =	vst v5;
	v2 =	vmul.f32 v2, v8;
	v62 =	vmul.f32 v52, v18;
	v61 =	vadd.f32 v56, v6  }
0x2cc: {  	v57 =	vadd.f32 v55, v54;
	v3 =	vadd.f32 v3, v58;
	[tilespmem:s4+$0x10080] =	vst v1  }
0x2cd: {  	v9 =	vadd.f32 v55, v59;
	v63 =	vsub.f32 v62, v2;
	[tilespmem:s4+$0x10100] =	vst v61  }
0x2ce: {  	v60 =	vsub.f32 $1.000000000e+00, v57;
	[tilespmem:s4+$0x10800] =	vst v3  }
0x2cf: {  	v1 =	vsub.f32 $1.000000000e+00, v9;
	[tilespmem:s4+$0x10900] =	vst v63  }
0x2d0: {  	v5 =	vadd.f32 v54, v59;
	v3 =	vsub.f32 v6, v56;
	[tilespmem:s4+$0x10000] =	vst v60  }
0x2d1: {  	[tilespmem:s4+$0x10880] =	vst v1;
	v1 =	vadd.f32 v2, v62  }
0x2d2: {  	v2 =	vsub.f32 $1.000000000e+00, v5;
	[tilespmem:s4+$0x11000] =	vst v3  }
0x2d3: {  	[tilespmem:s4+$0x11080] =	vst v1  }
0x2d4: {  	[tilespmem:s4+$0x11100] =	vst v2  }
0x2d5: {  	v1 =	vld [tilespmem:s10+$0x0];
	_ =	sdelay $0x4  }
0x2d6: {  	v1 =	vmul.f32 $1.442695020e+00, v1;
	_ =	sdelay $0x1  }
0x2d7: {  	(erf) = vpow2.f32 v1;
	_ =	sdelay $0x8  }
0x2d8: {  	v1 =	vpop (erf)  }
0x2d9: {  	[tilespmem:s4+$0x11800] =	vst v1  }
0x2da: {  	v1 =	vld [tilespmem:s10+$0x200];
	_ =	sdelay $0x4  }
0x2db: {  	v1 =	vmul.f32 $1.442695020e+00, v1;
	_ =	sdelay $0x1  }
0x2dc: {  	(erf) = vpow2.f32 v1;
	_ =	sdelay $0x8  }
0x2dd: {  	v1 =	vpop (erf)  }
0x2de: {  	[tilespmem:s4+$0x11880] =	vst v1  }
0x2df: {  	v1 =	vld [tilespmem:s10+$0x400];
	_ =	sdelay $0x4  }
0x2e0: {  	v1 =	vmul.f32 $1.442695020e+00, v1;
	_ =	sdelay $0x1  }
0x2e1: {  	(erf) = vpow2.f32 v1;
	_ =	sdelay $0x8  }
0x2e2: {  	v1 =	vpop (erf)  }
0x2e3: {  	[tilespmem:s4+$0x11900] =	vst v1  }
0x2e4: {  	v1 =	vld [tilespmem:s10+$0x600];
	_ =	sdelay $0x4  }
0x2e5: {  	v1 =	vsub.f32 $0.0e+00, v1;
	_ =	sdelay $0x1  }
0x2e6: {  	v1 =	vmul.f32 $1.442695020e+00, v1;
	_ =	sdelay $0x1  }
0x2e7: {  	(erf) = vpow2.f32 v1;
	_ =	sdelay $0x8  }
0x2e8: {  	v1 =	vpop (erf)  }
0x2e9: {  	v1 =	vadd.f32 $1.000000000e+00, v1;
	_ =	sdelay $0x1  }
0x2ea: {  	(erf) = vrcp.f32 v1;
	_ =	sdelay $0x4  }
0x2eb: {  	p1 =	sne.s32 s3, $0xF  }
.Ltmp1:
0x2ec: {  	_ = 	snop;
	(pc) =	sbr.rel @p1 .LBB2_5-.Ltmp1, $3  }
0x2ed: {  	_ =	sdelay $0x1  }
0x2ee: {  	s3 =	sadd.s32 $0x1, s3;
	v1 =	vpop (erf)  }
0x2ef: {  	s1 =	sadd.s32 $0x20, s1;
	s10 =	sadd.s32 $0x20, s10;
	[tilespmem:s28+$0x0] =	vst v1;
	s28 =	sadd.s32 $0x20, s28  }
0x2f0: {  	s1 =	sshrl.u32 s24, $0x1;
	s3 =	rddreg [dreg:$0x9]  }
0x2f1: {  	s4 =	simm.s32 $0xF800;
	s3 =	sadd.s32 s3, s1  }
0x2f2: {  	[hbm4b:s3+s9] =	stream.linear.scatter [tilespmem:s4], [sflag:$0x3], $0x800, $0x38;
	[tilespmem:$0x14C00] =	vst v63  }
0x2f3: {  	s6 =	simm.s32 $0x10000;
	s5 =	sadd.s32 s7, s1;
	s8 =	sor.u32 $0x20000, s1  }
0x2f4: {  	[hbm4b:s5+s9] =	stream.linear.scatter [tilespmem:s6], [sflag:$0x3], $0x800, $0x38;
	[tilespmem:$0x14C00] =	vst v63  }
0x2f5: {  	s10 =	simm.s32 $0x10800;
	s3 =	sadd.s32 s7, s8;
	s4 =	sor.u32 $0x40000, s1  }
0x2f6: {  	[hbm4b:s3+s9] =	stream.linear.scatter [tilespmem:s10], [sflag:$0x3], $0x800, $0x38;
	[tilespmem:$0x14C00] =	vst v63  }
0x2f7: {  	s5 =	simm.s32 $0x11000;
	s6 =	rddreg [dreg:$0x16];
	s3 =	sadd.s32 s7, s4  }
0x2f8: {  	[hbm4b:s3+s9] =	stream.linear.scatter [tilespmem:s5], [sflag:$0x3], $0x800, $0x38;
	[tilespmem:$0x14C00] =	vst v63  }
0x2f9: {  	p1 =	seq.s32 s23, $0x7;
	s8 =	simm.s32 $0x11800;
	s1 =	sadd.s32 s6, s1  }
0x2fa: {  	[hbm4b:s1+s9] =	stream.linear.scatter [tilespmem:s8], [sflag:$0x3], $0x800, $0x38;
	[tilespmem:$0x14C00] =	vst v63  }
0x2fb: {  	s1 =	sadd.s32 @!p1 $0x400, s24  }
0x2fc: {  	s10 =	sadd.s32 s21, s25;
	s25 =	simm.s32 $0x12000;
	s3 =	sshrl.u32 @!p1 s1, $0x3  }
0x2fd: {  	[hbm4b:s10+s9] =	stream.linear.scatter [tilespmem:s25], [sflag:$0x3], $0x200, $0x38;
	[tilespmem:$0x14C00] =	vst v63  }
0x2fe: {  	s6 =	simm.s32 @!p1 $0x8C00;
	s5 =	simm.s32 @!p1 $0x0;
	s4 =	sadd.s32 @!p1 s0, s3  }
0x2ff: {  	[tilespmem:s6], [sflag:$0x1] =	stream.linear.gather @!p1 [hbm4b:s4+s5], $0x200, $0x38;
	[tilespmem:$0x14C00] =	vst v63  }
0x300: {  	s4 =	sadd.s32 @!p1 s2, s3;
	s6 =	simm.s32 @!p1 $0x9200  }
0x301: {  	[tilespmem:s6], [sflag:$0x1] =	stream.linear.gather @!p1 [hbm4b:s4+s5], $0x200, $0x38;
	[tilespmem:$0x14C00] =	vst v63  }
0x302: {  	s4 =	sshrl.u32 @!p1 s24, $0x3  }
0x303: {  	s6 =	sadd.s32 @!p1 $0x8080, s4  }
0x304: {  	s10 =	simm.s32 @!p1 $0x8E00;
	s8 =	sadd.s32 @!p1 s0, s6  }
0x305: {  	[tilespmem:s10], [sflag:$0x1] =	stream.linear.gather @!p1 [hbm4b:s8+s5], $0x200, $0x38;
	[tilespmem:$0x14C00] =	vst v63  }
0x306: {  	s4 =	sadd.s32 @!p1 $0x10080, s4;
	s6 =	sadd.s32 @!p1 s2, s6;
	s8 =	simm.s32 @!p1 $0x9400  }
0x307: {  	[tilespmem:s8], [sflag:$0x1] =	stream.linear.gather @!p1 [hbm4b:s6+s5], $0x200, $0x38;
	[tilespmem:$0x14C00] =	vst v63  }
0x308: {  	s6 =	sadd.s32 @!p1 s0, s4;
	s8 =	simm.s32 @!p1 $0x9000  }
0x309: {  	[tilespmem:s8], [sflag:$0x1] =	stream.linear.gather @!p1 [hbm4b:s6+s5], $0x200, $0x38;
	[tilespmem:$0x14C00] =	vst v63  }
0x30a: {  	s4 =	sadd.s32 @!p1 s2, s4;
	s6 =	simm.s32 @!p1 $0x9600  }
0x30b: {  	[tilespmem:s6], [sflag:$0x1] =	stream.linear.gather @!p1 [hbm4b:s4+s5], $0x200, $0x38;
	[tilespmem:$0x14C00] =	vst v63  }
0x30c: {  	s4 =	rddreg [dreg:$0x3]  }
0x30d: {  	s3 =	sadd.s32 @!p1 s4, s3;
	s4 =	simm.s32 @!p1 $0x9800  }
0x30e: {  	[tilespmem:s4], [sflag:$0x1] =	stream.linear.gather @!p1 [hbm4b:s3+s5], $0x200, $0x38;
	[tilespmem:$0x14C00] =	vst v63  }
0x30f: {  	s3 =	sshrl.u32 @!p1 s1, $0x1  }
0x310: {  	s4 =	simm.s32 @!p1 $0x9A00;
	s3 =	sadd.s32 @!p1 s26, s3  }
0x311: {  	[tilespmem:s4], [sflag:$0x1] =	stream.linear.gather @!p1 [hbm4b:s3+s5], $0x800, $0x38;
	[tilespmem:$0x14C00] =	vst v63  }
0x312: {  	s3 =	rddreg [dreg:$0x5]  }
0x313: {  	s4 =	simm.s32 @!p1 $0xA200;
	s3 =	sadd.s32 @!p1 s3, s1  }
0x314: {  	[tilespmem:s4], [sflag:$0x1] =	stream.linear.gather @!p1 [hbm4b:s3+s5], $0x1000, $0x38;
	[tilespmem:$0x14C00] =	vst v63  }
0x315: {  	s3 =	rddreg [dreg:$0x4]  }
0x316: {  	s1 =	sadd.s32 @!p1 s3, s1;
	s3 =	simm.s32 @!p1 $0xB200  }
0x317: {  	[tilespmem:s3], [sflag:$0x1] =	stream.linear.gather @!p1 [hbm4b:s1+s5], $0x1000, $0x38;
	[tilespmem:$0x14C00] =	vst v63  }
0x318: {  	_ =	swait.ge [sflag:s18], $0x200  }
0x319: {  	[sflag:s18] =	ssyncset.done $0x0  }
0x31a: {  	[sflag:s18] =	ssyncadd.s32 $0xFFFFFE00  }
0x31b: {  	_ =	swait.ge [sflag:s18], $0x200  }
0x31c: {  	[sflag:s18] =	ssyncset.done $0x0  }
0x31d: {  	[sflag:s18] =	ssyncadd.s32 $0xFFFFFE00  }
0x31e: {  	_ =	swait.ge [sflag:s18], $0x200  }
0x31f: {  	[sflag:s18] =	ssyncset.done $0x0  }
0x320: {  	[sflag:s18] =	ssyncadd.s32 $0xFFFFFE00  }
0x321: {  	_ =	swait.ge [sflag:s18], $0x200  }
0x322: {  	[sflag:s18] =	ssyncset.done $0x0  }
0x323: {  	[sflag:s18] =	ssyncadd.s32 $0xFFFFFE00  }
0x324: {  	_ =	swait.ge [sflag:s18], $0x200  }
0x325: {  	[sflag:s18] =	ssyncset.done $0x0  }
0x326: {  	[sflag:s18] =	ssyncadd.s32 $0xFFFFFE00  }
0x327: {  	_ =	swait.ge [sflag:s18], $0x200  }
0x328: {  	[sflag:s18] =	ssyncset.done $0x0  }
0x329: {  	[sflag:s18] =	ssyncadd.s32 $0xFFFFFE00  }
0x32a: {  	_ =	swait.ge [sflag:s18], $0x200  }
0x32b: {  	[sflag:s18] =	ssyncset.done $0x0  }
0x32c: {  	[sflag:s18] =	ssyncadd.s32 $0xFFFFFE00  }
0x32d: {  	_ =	swait.ge [sflag:s18], $0x800  }
0x32e: {  	[sflag:s18] =	ssyncset.done $0x0  }
0x32f: {  	[sflag:s18] =	ssyncadd.s32 $0xFFFFF800  }
0x330: {  	_ =	swait.ge [sflag:s18], $0x1000  }
0x331: {  	[sflag:s18] =	ssyncset.done $0x0  }
0x332: {  	[sflag:s18] =	ssyncadd.s32 $0xFFFFF000  }
0x333: {  	_ =	swait.ge [sflag:s18], $0x1000  }
0x334: {  	[sflag:s18] =	ssyncset.done $0x0  }
0x335: {  	s1 =	simm.s32 @!p0 $0x4;
	[sflag:s18] =	ssyncadd.s32 $0xFFFFF000  }
0x336: {  	_ =	swait.ge @!p0 [sflag:s1], $0x800  }
0x337: {  	[sflag:s1] =	ssyncset.done @!p0 $0x0  }
0x338: {  	[sflag:s1] =	ssyncadd.s32 @!p0 $0xFFFFF800  }
0x339: {  	_ =	swait.ge @!p0 [sflag:s1], $0x800  }
0x33a: {  	[sflag:s1] =	ssyncset.done @!p0 $0x0  }
0x33b: {  	[sflag:s1] =	ssyncadd.s32 @!p0 $0xFFFFF800  }
0x33c: {  	_ =	swait.ge @!p0 [sflag:s1], $0x800  }
0x33d: {  	[sflag:s1] =	ssyncset.done @!p0 $0x0  }
0x33e: {  	[sflag:s1] =	ssyncadd.s32 @!p0 $0xFFFFF800  }
0x33f: {  	_ =	swait.ge @!p0 [sflag:s1], $0x800  }
0x340: {  	[sflag:s1] =	ssyncset.done @!p0 $0x0  }
0x341: {  	[sflag:s1] =	ssyncadd.s32 @!p0 $0xFFFFF800  }
0x342: {  	_ =	swait.ge @!p0 [sflag:s1], $0x800  }
0x343: {  	[sflag:s1] =	ssyncset.done @!p0 $0x0  }
0x344: {  	[sflag:s1] =	ssyncadd.s32 @!p0 $0xFFFFF800  }
0x345: {  	s28 =	smov.u32 s26;
	s23 =	sadd.s32 $0x1, s23;
	_ =	swait.ge @!p0 [sflag:s1], $0x200  }
0x346: {  	s24 =	simm.s32 $0x0;
	s10 =	simm.s32 $0x14A10;
	[sflag:s1] =	ssyncset.done @!p0 $0x0  }
0x347: {  	s3 =	simm.s32 $0x0;
	[sflag:s1] =	ssyncadd.s32 @!p0 $0xFFFFFE00;
	s1 =	simm.s32 $0xC810  }
.LBB2_7:
0x348: {  	s4 =	sshrl.u32 s3, $0x2  }
0x349: {  	s6 =	sand.u32 $0x60, s24;
	s5 =	sshll.u32 s4, $0xA  }
0x34a: {  	s8 =	sor.u32 s6, s5  }
0x34b: {  	v20 =	vld [tilespmem:s8+$0xE800]  }
0x34c: {  	v18 =	vld [tilespmem:s8+$0xE880]  }
0x34d: {  	v14 =	vld [tilespmem:s8+$0xE900]  }
0x34e: {  	v11 =	vld [tilespmem:s8+$0xE980]  }
0x34f: {  	v7 =	vld [tilespmem:s8+$0xEA00]  }
0x350: {  	v12 =	vld [tilespmem:s8+$0xD800]  }
0x351: {  	v13 =	vld [tilespmem:s8+$0xD880]  }
0x352: {  	v10 =	vld [tilespmem:s8+$0xD900]  }
0x353: {  	v6 =	vld [tilespmem:s8+$0xD980]  }
0x354: {  	v4 =	vld [tilespmem:s8+$0xDA00]  }
0x355: {  	v3 =	vld [tilespmem:s8+$0xDA80]  }
0x356: {  	v2 =	vld [tilespmem:s8+$0xDB00]  }
0x357: {  	v1 =	vld [tilespmem:s8+$0xDB80]  }
0x358: {  	v19 =	vld.idx.msk [tilespmem:v20+s19+$0x0], $0xffff  }
0x359: {  	v17 =	vld.idx.msk [tilespmem:v20+s11+$0x0], $0xffff  }
0x35a: {  	v15 =	vld.idx.msk [tilespmem:v20+s12+$0x0], $0xffff  }
0x35b: {  	v16 =	vld.idx.msk [tilespmem:v20+s13+$0x0], $0xffff  }
0x35c: {  	v5 =	vld.idx.msk [tilespmem:v18+s19+$0x0], $0xffff  }
0x35d: {  	v9 =	vld.idx.msk [tilespmem:v18+s11+$0x0], $0xffff  }
0x35e: {  	v22 =	vld.idx.msk [tilespmem:v18+s12+$0x0], $0xffff  }
0x35f: {  	v23 =	vld.idx.msk [tilespmem:v18+s13+$0x0], $0xffff  }
0x360: {  	v21 =	vld.idx.msk [tilespmem:v14+s19+$0x0], $0xffff  }
0x361: {  	v24 =	vld.idx.msk [tilespmem:v14+s11+$0x0], $0xffff  }
0x362: {  	v25 =	vld.idx.msk [tilespmem:v14+s12+$0x0], $0xffff  }
0x363: {  	v30 =	vadd.f32 v13, v12;
	v26 =	vld.idx.msk [tilespmem:v14+s13+$0x0], $0xffff  }
0x364: {  	v32 =	vadd.f32 v6, v10;
	v54 =	vsub.f32 $0.0e+00, v13;
	v31 =	vld.idx.msk [tilespmem:v11+s19+$0x0], $0xffff  }
0x365: {  	v56 =	vadd.f32 v3, v4;
	v35 =	vld.idx.msk [tilespmem:v11+s11+$0x0], $0xffff;
	v8 =	vmul.f32 v5, v19;
	v27 =	vmul.f32 v9, v17  }
0x366: {  	v37 =	vadd.f32 v1, v2;
	v36 =	vld.idx.msk [tilespmem:v11+s12+$0x0], $0xffff;
	v28 =	vmul.f32 v22, v15;
	v29 =	vmul.f32 v23, v16  }
0x367: {  	v58 =	vsub.f32 $0.0e+00, v10;
	v45 =	vsub.f32 $0.0e+00, v6;
	v38 =	vld.idx.msk [tilespmem:v7+s11+$0x0], $0xffff;
	v33 =	vmul.f32 v25, v15  }
0x368: {  	v41 =	vld.idx.msk [tilespmem:v7+s12+$0x0], $0xffff;
	v34 =	vmul.f32 v26, v16;
	v8 =	vadd.f32 v27, v8;
	v51 =	vadd.f32 v29, v28  }
0x369: {  	v30 =	vadd.f32 v32, v30;
	v43 =	vld.idx.msk [tilespmem:v7+s13+$0x0], $0xffff;
	v52 =	vmul.f32 v21, v19;
	v53 =	vmul.f32 v24, v17  }
0x36a: {  	v55 =	vadd.f32 v34, v33;
	v33 =	vld.idx.msk [tilespmem:v11+s13+$0x0], $0xffff;
	v8 =	vadd.f32 v51, v8  }
0x36b: {  	v57 =	vadd.f32 v37, v56;
	v59 =	vmul.f32 v31, v19;
	v28 =	vadd.f32 v53, v52;
	v34 =	vld.idx.msk [tilespmem:v7+s19+$0x0], $0xffff  }
0x36c: {  	v60 =	vmul.f32 v35, v17;
	v39 =	vmul.f32 v36, v15;
	vm0 =	vlt.f32 v8, $0.0e+00;
	v8 =	vld [tilespmem:s8+$0xEA80]  }
0x36d: {  	v47 =	vmul.f32 v38, v17;
	v48 =	vmul.f32 v41, v15;
	v28 =	vadd.f32 v55, v28  }
0x36e: {  	v49 =	vmul.f32 v43, v16;
	v29 =	vadd.f32 v57, v30;
	v53 =	vsub.f32 $0.0e+00, v4  }
0x36f: {  	vm15 =	vlt.f32 v28, $0.0e+00;
	v27 =	vsel vm0, v54, v13;
	v40 =	vmul.f32 v33, v16  }
0x370: {  	v32 =	vsel vm15, v58, v10;
	v46 =	vmul.f32 v34, v19;
	v61 =	vmul.f32 v27, v9;
	v9 =	vld [tilespmem:s8+$0xEB00]  }
0x371: {  	v28 =	vadd.f32 v60, v59;
	v5 =	vmul.f32 v27, v5;
	v42 =	vmul.f32 v32, v21  }
0x372: {  	v24 =	vmul.f32 v32, v24;
	v21 =	vadd.f32 $9.999999930e-09, v29;
	v22 =	vmul.f32 v27, v22  }
0x373: {  	v23 =	vmul.f32 v27, v23;
	v62 =	vadd.f32 v40, v39;
	v63 =	vadd.f32 v42, v5;
	v5 =	vld [tilespmem:s8+$0xEB80]  }
0x374: {  	v25 =	vmul.f32 v32, v25;
	v27 =	vadd.f32 v49, v48;
	v30 =	vadd.f32 v47, v46;
	v39 =	vld.idx.msk [tilespmem:v8+s19+$0x0], $0xffff  }
0x375: {  	v26 =	vmul.f32 v32, v26;
	v48 =	vsub.f32 $0.0e+00, v3;
	v44 =	vadd.f32 v62, v28;
	v42 =	vld.idx.msk [tilespmem:v8+s11+$0x0], $0xffff  }
0x376: {  	v24 =	vadd.f32 v24, v61;
	v27 =	vadd.f32 v27, v30;
	v32 =	vld.idx.msk [tilespmem:v8+s12+$0x0], $0xffff  }
0x377: {  	v22 =	vadd.f32 v25, v22;
	v23 =	vadd.f32 v26, v23;
	vm4 =	vlt.f32 v44, $0.0e+00;
	v37 =	vld.idx.msk [tilespmem:v8+s13+$0x0], $0xffff  }
0x378: {  	(erf) = vrcp.f32 v21;
	vm5 =	vlt.f32 v27, $0.0e+00;
	v28 =	vsel vm4, v45, v6;
	v40 =	vld.idx.msk [tilespmem:v9+s11+$0x0], $0xffff  }
0x379: {  	v29 =	vsel vm5, v53, v4;
	v31 =	vmul.f32 v28, v31;
	v58 =	vmul.f32 v28, v33;
	v33 =	vld.idx.msk [tilespmem:v9+s12+$0x0], $0xffff  }
0x37a: {  	v45 =	vsub.f32 $0.0e+00, v1;
	v50 =	vmul.f32 v28, v35;
	v52 =	vmul.f32 v28, v36;
	v35 =	vld.idx.msk [tilespmem:v9+s13+$0x0], $0xffff  }
0x37b: {  	v59 =	vmul.f32 v29, v34;
	v60 =	vmul.f32 v29, v38;
	v51 =	vadd.f32 v31, v63;
	v31 =	vld.idx.msk [tilespmem:v9+s19+$0x0], $0xffff  }
0x37c: {  	v24 =	vadd.f32 v50, v24;
	v22 =	vadd.f32 v52, v22;
	v63 =	vmul.f32 v29, v41;
	v26 =	vld.idx.msk [tilespmem:v5+s19+$0x0], $0xffff  }
0x37d: {  	v23 =	vadd.f32 v58, v23;
	v29 =	vmul.f32 v29, v43;
	v28 =	vld.idx.msk [tilespmem:v5+s11+$0x0], $0xffff;
	v54 =	vmul.f32 v39, v19  }
0x37e: {  	v36 =	vld.idx.msk [tilespmem:v5+s12+$0x0], $0xffff;
	v55 =	vmul.f32 v42, v17;
	v56 =	vmul.f32 v32, v15;
	v62 =	vadd.f32 v59, v51  }
0x37f: {  	v57 =	vmul.f32 v37, v16;
	v24 =	vadd.f32 v60, v24;
	v22 =	vadd.f32 v63, v22  }
0x380: {  	v51 =	vld.idx.msk [tilespmem:v5+s13+$0x0], $0xffff;
	v23 =	vadd.f32 v29, v23;
	v27 =	vadd.f32 v55, v54;
	v50 =	vmul.f32 v40, v17  }
0x381: {  	v61 =	vadd.f32 v57, v56;
	v52 =	vmul.f32 v33, v15;
	v44 =	vmul.f32 v35, v16  }
0x382: {  	v59 =	vsub.f32 $0.0e+00, v2;
	v49 =	vmul.f32 v31, v19;
	v55 =	vmul.f32 v26, v19  }
0x383: {  	v27 =	vadd.f32 v61, v27;
	v56 =	vmul.f32 v28, v17;
	v57 =	vmul.f32 v36, v15  }
0x384: {  	v54 =	vadd.f32 v44, v52;
	v19 =	vmul.f32 v19, v12;
	v17 =	vmul.f32 v17, v12  }
0x385: {  	v47 =	vld.idx.msk [tilespmem:v18+s14+$0x0], $0xffff;
	v58 =	vmul.f32 v51, v16;
	vm6 =	vlt.f32 v27, $0.0e+00;
	v27 =	vadd.f32 v50, v49  }
0x386: {  	v43 =	vld.idx.msk [tilespmem:v20+s16+$0x0], $0xffff;
	v60 =	vadd.f32 v56, v55;
	v55 =	vmul.f32 v15, v12;
	v34 =	vsel vm6, v48, v3  }
0x387: {  	v52 =	vld.idx.msk [tilespmem:v14+s14+$0x0], $0xffff;
	v53 =	vmul.f32 v34, v39;
	v27 =	vadd.f32 v54, v27;
	v42 =	vmul.f32 v34, v42  }
0x388: {  	v49 =	vld.idx.msk [tilespmem:v18+s16+$0x0], $0xffff;
	v56 =	vmul.f32 v16, v12;
	v61 =	vadd.f32 v58, v57;
	v32 =	vmul.f32 v34, v32  }
0x389: {  	v18 =	vld.idx.msk [tilespmem:v18+s17+$0x0], $0xffff;
	v25 =	vadd.f32 v53, v62;
	vm7 =	vlt.f32 v27, $0.0e+00;
	v24 =	vadd.f32 v42, v24  }
0x38a: {  	v57 =	vld.idx.msk [tilespmem:v11+s14+$0x0], $0xffff;
	v62 =	vmul.f32 v34, v37;
	v22 =	vadd.f32 v32, v22;
	v27 =	vadd.f32 v61, v60  }
0x38b: {  	v42 =	vld.idx.msk [tilespmem:v20+s14+$0x0], $0xffff;
	v61 =	vmul.f32 v47, v13;
	v63 =	vsel vm7, v59, v2;
	v59 =	vmul.f32 v43, v12  }
0x38c: {  	v20 =	vld.idx.msk [tilespmem:v20+s17+$0x0], $0xffff;
	v31 =	vmul.f32 v63, v31;
	v23 =	vadd.f32 v62, v23;
	v44 =	vmul.f32 v63, v40  }
0x38d: {  	v53 =	vld.idx.msk [tilespmem:v14+s16+$0x0], $0xffff;
	v46 =	vmul.f32 v63, v33;
	vm8 =	vlt.f32 v27, $0.0e+00;
	v48 =	vmul.f32 v63, v35  }
0x38e: {  	v54 =	vld.idx.msk [tilespmem:v14+s17+$0x0], $0xffff;
	v62 =	vmul.f32 v49, v13;
	v13 =	vmul.f32 v18, v13;
	v32 =	vsel vm8, v45, v1  }
0x38f: {  	v60 =	vld.idx.msk [tilespmem:v11+s16+$0x0], $0xffff;
	v33 =	vmul.f32 v52, v10;
	v25 =	vadd.f32 v31, v25;
	v26 =	vmul.f32 v32, v26  }
0x390: {  	v11 =	vld.idx.msk [tilespmem:v11+s17+$0x0], $0xffff;
	v24 =	vadd.f32 v44, v24;
	v28 =	vmul.f32 v32, v28;
	v50 =	vmul.f32 v32, v36  }
0x391: {  	v34 =	vld.idx.msk [tilespmem:v7+s16+$0x0], $0xffff;
	v22 =	vadd.f32 v46, v22;
	v51 =	vmul.f32 v32, v51;
	v58 =	vmul.f32 v42, v12  }
0x392: {  	s4 =	sshll.u32 s4, $0x9;
	v63 =	vld.idx.msk [tilespmem:v7+s14+$0x0], $0xffff;
	v23 =	vadd.f32 v48, v23;
	v12 =	vmul.f32 v20, v12;
	v35 =	vmul.f32 v53, v10  }
0x393: {  	s6 =	sor.u32 s6, s4;
	v7 =	vld.idx.msk [tilespmem:v7+s17+$0x0], $0xffff;
	v31 =	vadd.f32 v62, v59;
	v10 =	vmul.f32 v54, v10;
	v42 =	vmul.f32 v57, v6  }
0x394: {  	v41 =	vld [tilespmem:s6+$0xD000];
	v43 =	vmul.f32 v60, v6;
	v25 =	vadd.f32 v26, v25;
	v24 =	vadd.f32 v28, v24  }
0x395: {  	v47 =	vld [tilespmem:s6+$0xD100];
	v6 =	vmul.f32 v11, v6;
	v22 =	vadd.f32 v50, v22;
	v23 =	vadd.f32 v51, v23  }
0x396: {  	v44 =	vld [tilespmem:s6+$0xD080];
	v49 =	vmul.f32 v34, v4;
	v12 =	vadd.f32 v13, v12;
	v14 =	vadd.f32 v25, v19  }
0x397: {  	v46 =	vmul.f32 v63, v4;
	v15 =	vadd.f32 v24, v17;
	v16 =	vadd.f32 v22, v55  }
0x398: {  	v4 =	vmul.f32 v7, v4;
	v23 =	vadd.f32 v23, v56;
	v37 =	vmul.f32 v14, v14  }
0x399: {  	v13 =	vadd.f32 v35, v31;
	v38 =	vmul.f32 v15, v15;
	v39 =	vmul.f32 v16, v16  }
0x39a: {  	v17 =	vadd.f32 v61, v58;
	v40 =	vmul.f32 v23, v23;
	v51 =	vmul.f32 v41, v14  }
0x39b: {  	v50 =	vld [tilespmem:s6+$0xD180];
	v10 =	vadd.f32 v10, v12;
	v52 =	vmul.f32 v44, v15;
	v55 =	vmul.f32 v47, v16  }
0x39c: {  	v13 =	vadd.f32 v43, v13;
	v56 =	vmul.f32 v44, v14;
	v57 =	vmul.f32 v41, v15  }
0x39d: {  	v17 =	vadd.f32 v33, v17;
	v58 =	vmul.f32 v47, v14;
	v61 =	vmul.f32 v47, v15  }
0x39e: {  	v26 =	vmul.f32 v41, v16;
	v24 =	vadd.f32 v38, v37;
	v19 =	vadd.f32 v40, v39  }
0x39f: {  	v28 =	vmul.f32 v44, v16;
	v18 =	vmul.f32 v47, v23;
	v6 =	vadd.f32 v6, v10  }
0x3a0: {  	v31 =	vmul.f32 v44, v23;
	v60 =	vmul.f32 v50, v14;
	v48 =	vadd.f32 v19, v24  }
0x3a1: {  	v36 =	vld.idx.msk [tilespmem:v8+s14+$0x0], $0xffff;
	v59 =	vmul.f32 v50, v15;
	v4 =	vadd.f32 v4, v6;
	v6 =	vadd.f32 v56, v57  }
0x3a2: {  	v45 =	vld.idx.msk [tilespmem:v8+s16+$0x0], $0xffff;
	v63 =	vmul.f32 v50, v16;
	v20 =	vadd.f32 v60, v61;
	v10 =	vadd.f32 $1.000000000e-30, v48  }
0x3a3: {  	v32 =	vmul.f32 v41, v23;
	v54 =	vsub.f32 v51, v52;
	v19 =	vsub.f32 v58, v59  }
0x3a4: {  	v30 =	vld.idx.msk [tilespmem:v9+s16+$0x0], $0xffff;
	v6 =	vadd.f32 v63, v6;
	v20 =	vsub.f32 v20, v28;
	(erf) = vrcp.f32 v10  }
0x3a5: {  	v8 =	vld.idx.msk [tilespmem:v8+s17+$0x0], $0xffff;
	v7 =	vmul.f32 v50, v23;
	v19 =	vadd.f32 v19, v26;
	v10 =	vsub.f32 v54, v55  }
0x3a6: {  	v62 =	vld.idx.msk [tilespmem:v9+s14+$0x0], $0xffff;
	v53 =	vmul.f32 v36, v3;
	v6 =	vsub.f32 v6, v18;
	v36 =	vadd.f32 v20, v32  }
0x3a7: {  	v35 =	vld.idx.msk [tilespmem:v5+s14+$0x0], $0xffff;
	v11 =	vmul.f32 v45, v3;
	v18 =	vadd.f32 v19, v31;
	v7 =	vsub.f32 v10, v7  }
0x3a8: {  	v33 =	vld.idx.msk [tilespmem:v9+s17+$0x0], $0xffff;
	v13 =	vadd.f32 v49, v13;
	v39 =	vmul.f32 v6, v6;
	v41 =	vmul.f32 v36, v36  }
0x3a9: {  	v37 =	vld.idx.msk [tilespmem:v5+s16+$0x0], $0xffff;
	v40 =	vmul.f32 v18, v18;
	v38 =	vmul.f32 v7, v7  }
0x3aa: {  	v3 =	vmul.f32 v8, v3;
	v12 =	vadd.f32 v42, v17;
	v5 =	vld.idx.msk [tilespmem:v5+s17+$0x0], $0xffff;
	v11 =	vadd.f32 v11, v13  }
0x3ab: {  	v44 =	vmul.f32 v30, v2;
	v13 =	vadd.f32 v41, v40;
	v20 =	vadd.f32 v39, v38  }
0x3ac: {  	v42 =	vpop (erf);
	v12 =	vadd.f32 v46, v12;
	v3 =	vadd.f32 v3, v4  }
0x3ad: {  	v34 =	vmul.f32 v62, v2;
	v9 =	vadd.f32 v44, v11;
	v48 =	vadd.f32 v13, v20;
	v45 =	vpop (erf)  }
0x3ae: {  	v2 =	vmul.f32 v33, v2;
	v47 =	vmul.f32 v37, v1;
	v46 =	vadd.f32 v45, v45  }
0x3af: {  	v10 =	vmul.f32 v35, v1;
	v1 =	vmul.f32 v5, v1;
	v52 =	vadd.f32 $1.000000000e-30, v48  }
0x3b0: {  	v12 =	vadd.f32 v53, v12;
	v49 =	vmul.f32 v46, v16;
	v50 =	vmul.f32 v46, v23  }
0x3b1: {  	v2 =	vadd.f32 v2, v3;
	v51 =	vmul.f32 v46, v15;
	(erf) = vrcp.f32 v52  }
0x3b2: {  	v43 =	vadd.f32 v34, v12;
	v3 =	vmul.f32 v49, v16;
	v53 =	vmul.f32 v50, v23  }
0x3b3: {  	v8 =	vadd.f32 v47, v9;
	v54 =	vmul.f32 v51, v14;
	v55 =	vmul.f32 v50, v14  }
0x3b4: {  	v62 =	vld [tilespmem:s1+$0xFFFFFDF0];
	v1 =	vadd.f32 v1, v2;
	v2 =	vmul.f32 v51, v15;
	v58 =	vmul.f32 v49, v15  }
0x3b5: {  	v59 =	vld [tilespmem:s1+$0xFFFFFBF0];
	v4 =	vadd.f32 v10, v43;
	v10 =	vmul.f32 v49, v14;
	v60 =	vmul.f32 v50, v15  }
0x3b6: {  	v57 =	vld [tilespmem:s1+$0xFFFFF9F0];
	v13 =	vmul.f32 v50, v16;
	v56 =	vadd.f32 v53, v3;
	v63 =	vsub.f32 v58, v55  }
0x3b7: {  	v8 =	vmul.f32 v8, v42;
	v12 =	vadd.f32 v53, v2;
	v24 =	vadd.f32 v10, v60  }
0x3b8: {  	v4 =	vmul.f32 v4, v42;
	v5 =	vadd.f32 v55, v58;
	v26 =	vsub.f32 v13, v54  }
0x3b9: {  	v1 =	vmul.f32 v1, v42;
	v10 =	vsub.f32 v60, v10;
	v2 =	vadd.f32 v3, v2  }
0x3ba: {  	v9 =	vadd.f32 v54, v13;
	v61 =	vsub.f32 $1.000000000e+00, v56;
	v27 =	vmul.f32 v59, v63  }
0x3bb: {  	v25 =	vsub.f32 $1.000000000e+00, v12;
	v28 =	vmul.f32 v62, v24;
	v5 =	vmul.f32 v57, v5  }
0x3bc: {  	v2 =	vsub.f32 $1.000000000e+00, v2;
	v12 =	vmul.f32 v62, v26;
	v10 =	vmul.f32 v57, v10  }
0x3bd: {  	v33 =	vmul.f32 v59, v9;
	v3 =	vmul.f32 v57, v61;
	v29 =	vpop (erf)  }
0x3be: {  	v4 =	vadd.f32 v28, v4;
	v2 =	vmul.f32 v62, v2;
	v30 =	vadd.f32 v29, v29  }
0x3bf: {  	v11 =	vmul.f32 v59, v25;
	v8 =	vadd.f32 v12, v8;
	v3 =	vadd.f32 v27, v3  }
0x3c0: {  	v1 =	vadd.f32 v2, v1;
	v31 =	vmul.f32 v30, v18;
	v32 =	vmul.f32 v30, v36  }
0x3c1: {  	v3 =	vadd.f32 v4, v3;
	v4 =	vadd.f32 v33, v10;
	v2 =	vmul.f32 v30, v6  }
0x3c2: {  	v5 =	vadd.f32 v11, v5;
	v35 =	vmul.f32 v32, v36;
	v36 =	vmul.f32 v31, v7  }
0x3c3: {  	[tilespmem:s6+$0x12200] =	vst v3;
	v1 =	vadd.f32 v1, v4;
	v3 =	vmul.f32 v32, v7;
	v38 =	vmul.f32 v31, v6  }
0x3c4: {  	v5 =	vadd.f32 v8, v5;
	v39 =	vmul.f32 v2, v6;
	v6 =	vmul.f32 v32, v6  }
0x3c5: {  	v34 =	vmul.f32 v31, v18;
	[tilespmem:s6+$0x12300] =	vst v1;
	v1 =	vsub.f32 v38, v3  }
0x3c6: {  	[tilespmem:s6+$0x12280] =	vst v5;
	v2 =	vmul.f32 v2, v7;
	v42 =	vmul.f32 v32, v18;
	v41 =	vadd.f32 v36, v6  }
0x3c7: {  	v37 =	vadd.f32 v35, v34;
	v3 =	vadd.f32 v3, v38;
	[tilespmem:s6+$0x12A80] =	vst v1  }
0x3c8: {  	v9 =	vadd.f32 v35, v39;
	v43 =	vsub.f32 v42, v2;
	[tilespmem:s6+$0x12B00] =	vst v41  }
0x3c9: {  	v40 =	vsub.f32 $1.000000000e+00, v37;
	[tilespmem:s6+$0x13200] =	vst v3  }
0x3ca: {  	v1 =	vsub.f32 $1.000000000e+00, v9;
	[tilespmem:s6+$0x13300] =	vst v43  }
0x3cb: {  	v5 =	vadd.f32 v34, v39;
	v3 =	vsub.f32 v6, v36;
	[tilespmem:s6+$0x12A00] =	vst v40  }
0x3cc: {  	[tilespmem:s6+$0x13280] =	vst v1;
	v1 =	vadd.f32 v2, v42  }
0x3cd: {  	v2 =	vsub.f32 $1.000000000e+00, v5;
	[tilespmem:s6+$0x13A00] =	vst v3  }
0x3ce: {  	[tilespmem:s6+$0x13A80] =	vst v1  }
0x3cf: {  	[tilespmem:s6+$0x13B00] =	vst v2  }
0x3d0: {  	v1 =	vld [tilespmem:s1+$0xFFFFFFF0];
	_ =	sdelay $0x4  }
0x3d1: {  	v1 =	vmul.f32 $1.442695020e+00, v1;
	_ =	sdelay $0x1  }
0x3d2: {  	(erf) = vpow2.f32 v1;
	_ =	sdelay $0x8  }
0x3d3: {  	v1 =	vpop (erf)  }
0x3d4: {  	[tilespmem:s6+$0x14200] =	vst v1  }
0x3d5: {  	v1 =	vld [tilespmem:s1+$0x1F0];
	_ =	sdelay $0x4  }
0x3d6: {  	v1 =	vmul.f32 $1.442695020e+00, v1;
	_ =	sdelay $0x1  }
0x3d7: {  	(erf) = vpow2.f32 v1;
	_ =	sdelay $0x8  }
0x3d8: {  	v1 =	vpop (erf)  }
0x3d9: {  	[tilespmem:s6+$0x14280] =	vst v1  }
0x3da: {  	v1 =	vld [tilespmem:s1+$0x3F0];
	_ =	sdelay $0x4  }
0x3db: {  	v1 =	vmul.f32 $1.442695020e+00, v1;
	_ =	sdelay $0x1  }
0x3dc: {  	(erf) = vpow2.f32 v1;
	_ =	sdelay $0x8  }
0x3dd: {  	v1 =	vpop (erf)  }
0x3de: {  	[tilespmem:s6+$0x14300] =	vst v1  }
0x3df: {  	v1 =	vld [tilespmem:s1+$0x5F0];
	_ =	sdelay $0x4  }
0x3e0: {  	v1 =	vsub.f32 $0.0e+00, v1;
	_ =	sdelay $0x1  }
0x3e1: {  	v1 =	vmul.f32 $1.442695020e+00, v1;
	_ =	sdelay $0x1  }
0x3e2: {  	(erf) = vpow2.f32 v1;
	_ =	sdelay $0x8  }
0x3e3: {  	v1 =	vpop (erf)  }
0x3e4: {  	v1 =	vadd.f32 $1.000000000e+00, v1;
	_ =	sdelay $0x1  }
0x3e5: {  	(erf) = vrcp.f32 v1;
	_ =	sdelay $0x7  }
0x3e6: {  	s26 =	sadd.s32 $0x10, s24  }
0x3e7: {  	s6 =	sand.u32 $0x70, s26;
	v1 =	vpop (erf)  }
0x3e8: {  	s5 =	sor.u32 s5, s6;
	[tilespmem:s10+$0xFFFFFFF0] =	vst v1  }
0x3e9: {  	v20 =	vld [tilespmem:s5+$0xE800]  }
0x3ea: {  	v18 =	vld [tilespmem:s5+$0xE880]  }
0x3eb: {  	v14 =	vld [tilespmem:s5+$0xE900]  }
0x3ec: {  	v11 =	vld [tilespmem:s5+$0xE980]  }
0x3ed: {  	v8 =	vld [tilespmem:s5+$0xEA00]  }
0x3ee: {  	v12 =	vld [tilespmem:s5+$0xD800]  }
0x3ef: {  	v13 =	vld [tilespmem:s5+$0xD880]  }
0x3f0: {  	v10 =	vld [tilespmem:s5+$0xD900]  }
0x3f1: {  	v6 =	vld [tilespmem:s5+$0xD980]  }
0x3f2: {  	v4 =	vld [tilespmem:s5+$0xDA00]  }
0x3f3: {  	v3 =	vld [tilespmem:s5+$0xDA80]  }
0x3f4: {  	v2 =	vld [tilespmem:s5+$0xDB00]  }
0x3f5: {  	v1 =	vld [tilespmem:s5+$0xDB80]  }
0x3f6: {  	v19 =	vld.idx.msk [tilespmem:v20+s19+$0x0], $0xffff  }
0x3f7: {  	v17 =	vld.idx.msk [tilespmem:v20+s11+$0x0], $0xffff  }
0x3f8: {  	v15 =	vld.idx.msk [tilespmem:v20+s12+$0x0], $0xffff  }
0x3f9: {  	v16 =	vld.idx.msk [tilespmem:v20+s13+$0x0], $0xffff  }
0x3fa: {  	v44 =	vld.idx.msk [tilespmem:v18+s19+$0x0], $0xffff  }
0x3fb: {  	v9 =	vld.idx.msk [tilespmem:v18+s11+$0x0], $0xffff  }
0x3fc: {  	v21 =	vld.idx.msk [tilespmem:v18+s12+$0x0], $0xffff  }
0x3fd: {  	v22 =	vld.idx.msk [tilespmem:v18+s13+$0x0], $0xffff  }
0x3fe: {  	v23 =	vld.idx.msk [tilespmem:v14+s19+$0x0], $0xffff  }
0x3ff: {  	v24 =	vld.idx.msk [tilespmem:v14+s11+$0x0], $0xffff  }
0x400: {  	v25 =	vld.idx.msk [tilespmem:v14+s12+$0x0], $0xffff  }
0x401: {  	v49 =	vadd.f32 v13, v12;
	v26 =	vld.idx.msk [tilespmem:v14+s13+$0x0], $0xffff  }
0x402: {  	v53 =	vadd.f32 v6, v10;
	v60 =	vadd.f32 v3, v4;
	v31 =	vld.idx.msk [tilespmem:v11+s19+$0x0], $0xffff  }
0x403: {  	v61 =	vadd.f32 v1, v2;
	v56 =	vld.idx.msk [tilespmem:v11+s11+$0x0], $0xffff;
	v45 =	vmul.f32 v44, v19;
	v46 =	vmul.f32 v9, v17  }
0x404: {  	v57 =	vsub.f32 $0.0e+00, v13;
	v58 =	vld.idx.msk [tilespmem:v11+s12+$0x0], $0xffff;
	v47 =	vmul.f32 v21, v15;
	v48 =	vmul.f32 v22, v16  }
0x405: {  	v30 =	vadd.f32 v53, v49;
	v29 =	vadd.f32 v61, v60;
	v39 =	vld.idx.msk [tilespmem:v8+s11+$0x0], $0xffff;
	v51 =	vmul.f32 v23, v19  }
0x406: {  	v33 =	vld.idx.msk [tilespmem:v11+s13+$0x0], $0xffff;
	v52 =	vmul.f32 v24, v17;
	v7 =	vadd.f32 v46, v45;
	v50 =	vadd.f32 v48, v47  }
0x407: {  	v62 =	vsub.f32 $0.0e+00, v10;
	v37 =	vld.idx.msk [tilespmem:v8+s19+$0x0], $0xffff;
	v54 =	vmul.f32 v25, v15;
	v55 =	vmul.f32 v26, v16  }
0x408: {  	v42 =	vld.idx.msk [tilespmem:v8+s12+$0x0], $0xffff;
	v29 =	vadd.f32 v29, v30;
	v7 =	vadd.f32 v50, v7  }
0x409: {  	v28 =	vadd.f32 v52, v51;
	v59 =	vadd.f32 v55, v54  }
0x40a: {  	v63 =	vmul.f32 v31, v19;
	v53 =	vmul.f32 v39, v17;
	vm9 =	vlt.f32 v7, $0.0e+00;
	v7 =	vld [tilespmem:s5+$0xEA80]  }
0x40b: {  	v43 =	vld.idx.msk [tilespmem:v8+s13+$0x0], $0xffff;
	v45 =	vmul.f32 v56, v17;
	v46 =	vmul.f32 v58, v15;
	v28 =	vadd.f32 v59, v28  }
0x40c: {  	v47 =	vmul.f32 v33, v16;
	v51 =	vsub.f32 $0.0e+00, v6;
	v52 =	vmul.f32 v37, v19  }
0x40d: {  	v54 =	vmul.f32 v42, v15;
	vm10 =	vlt.f32 v28, $0.0e+00;
	v27 =	vsel vm9, v57, v13  }
0x40e: {  	v49 =	vadd.f32 v47, v46;
	v34 =	vsel vm10, v62, v10;
	v48 =	vmul.f32 v27, v9;
	v9 =	vld [tilespmem:s5+$0xEB00]  }
0x40f: {  	v28 =	vadd.f32 v45, v63;
	v5 =	vmul.f32 v27, v44;
	v23 =	vmul.f32 v34, v23  }
0x410: {  	v55 =	vmul.f32 v43, v16;
	v30 =	vadd.f32 v53, v52;
	v24 =	vmul.f32 v34, v24  }
0x411: {  	v21 =	vmul.f32 v27, v21;
	v50 =	vadd.f32 v49, v28;
	v23 =	vadd.f32 v23, v5;
	v5 =	vld [tilespmem:s5+$0xEB80]  }
0x412: {  	v59 =	vsub.f32 $0.0e+00, v4;
	v22 =	vmul.f32 v27, v22;
	v25 =	vmul.f32 v34, v25;
	v38 =	vld.idx.msk [tilespmem:v7+s19+$0x0], $0xffff  }
0x413: {  	v26 =	vmul.f32 v34, v26;
	v27 =	vadd.f32 v55, v54;
	vm11 =	vlt.f32 v50, $0.0e+00;
	v41 =	vld.idx.msk [tilespmem:v7+s11+$0x0], $0xffff  }
0x414: {  	v54 =	vsub.f32 $0.0e+00, v3;
	v24 =	vadd.f32 v24, v48;
	v28 =	vsel vm11, v51, v6;
	v34 =	vld.idx.msk [tilespmem:v7+s12+$0x0], $0xffff  }
0x415: {  	v21 =	vadd.f32 v25, v21;
	v57 =	vadd.f32 v27, v30;
	v31 =	vmul.f32 v28, v31;
	v32 =	vld.idx.msk [tilespmem:v7+s13+$0x0], $0xffff  }
0x416: {  	v22 =	vadd.f32 v26, v22;
	v56 =	vmul.f32 v28, v56;
	v58 =	vmul.f32 v28, v58;
	v30 =	vld.idx.msk [tilespmem:v9+s19+$0x0], $0xffff  }
0x417: {  	vm12 =	vlt.f32 v57, $0.0e+00;
	v48 =	vmul.f32 v28, v33;
	v23 =	vadd.f32 v31, v23;
	v35 =	vld.idx.msk [tilespmem:v9+s11+$0x0], $0xffff  }
0x418: {  	v27 =	vsel vm12, v59, v4;
	v24 =	vadd.f32 v56, v24;
	v21 =	vadd.f32 v58, v21;
	v44 =	vld.idx.msk [tilespmem:v9+s12+$0x0], $0xffff  }
0x419: {  	v49 =	vmul.f32 v27, v37;
	v50 =	vmul.f32 v27, v39;
	v22 =	vadd.f32 v48, v22;
	v33 =	vld.idx.msk [tilespmem:v9+s13+$0x0], $0xffff  }
0x41a: {  	v52 =	vmul.f32 v27, v42;
	v53 =	vmul.f32 v27, v43;
	v48 =	vsub.f32 $0.0e+00, v2;
	v36 =	vld.idx.msk [tilespmem:v5+s19+$0x0], $0xffff  }
0x41b: {  	v39 =	vadd.f32 $9.999999930e-09, v29;
	v42 =	vmul.f32 v16, v12;
	v23 =	vadd.f32 v49, v23;
	v28 =	vld.idx.msk [tilespmem:v5+s11+$0x0], $0xffff  }
0x41c: {  	v24 =	vadd.f32 v50, v24;
	v31 =	vld.idx.msk [tilespmem:v5+s12+$0x0], $0xffff;
	v60 =	vmul.f32 v38, v19;
	v61 =	vmul.f32 v41, v17  }
0x41d: {  	v21 =	vadd.f32 v52, v21;
	v37 =	vld.idx.msk [tilespmem:v5+s13+$0x0], $0xffff;
	v62 =	vmul.f32 v34, v15;
	v63 =	vmul.f32 v32, v16  }
0x41e: {  	v22 =	vadd.f32 v53, v22;
	(erf) = vrcp.f32 v39;
	v26 =	vadd.f32 v61, v60  }
0x41f: {  	v51 =	vadd.f32 v63, v62;
	v55 =	vmul.f32 v30, v19;
	v56 =	vmul.f32 v35, v17  }
0x420: {  	v53 =	vsub.f32 $0.0e+00, v1;
	v57 =	vmul.f32 v44, v15;
	v58 =	vmul.f32 v33, v16  }
0x421: {  	v26 =	vadd.f32 v51, v26;
	v61 =	vmul.f32 v36, v19;
	v62 =	vmul.f32 v28, v17  }
0x422: {  	v60 =	vadd.f32 v58, v57;
	v63 =	vmul.f32 v31, v15;
	v45 =	vmul.f32 v37, v16;
	v58 =	vld.idx.msk [tilespmem:v18+s14+$0x0], $0xffff  }
0x423: {  	v19 =	vmul.f32 v19, v12;
	vm13 =	vlt.f32 v26, $0.0e+00;
	v46 =	vadd.f32 v62, v61;
	v61 =	vld.idx.msk [tilespmem:v18+s16+$0x0], $0xffff  }
0x424: {  	v17 =	vmul.f32 v17, v12;
	v26 =	vadd.f32 v56, v55;
	v18 =	vld.idx.msk [tilespmem:v18+s17+$0x0], $0xffff;
	v27 =	vsel vm13, v54, v3  }
0x425: {  	v40 =	vld.idx.msk [tilespmem:v14+s17+$0x0], $0xffff;
	v25 =	vadd.f32 v45, v63;
	v59 =	vmul.f32 v27, v38;
	v47 =	vmul.f32 v27, v41  }
0x426: {  	v43 =	vld.idx.msk [tilespmem:v11+s14+$0x0], $0xffff;
	v26 =	vadd.f32 v60, v26;
	v49 =	vmul.f32 v27, v34;
	v27 =	vmul.f32 v27, v32  }
0x427: {  	v51 =	vld.idx.msk [tilespmem:v20+s14+$0x0], $0xffff;
	v25 =	vadd.f32 v25, v46;
	v41 =	vmul.f32 v15, v12;
	v23 =	vadd.f32 v59, v23  }
0x428: {  	v54 =	vld.idx.msk [tilespmem:v20+s16+$0x0], $0xffff;
	v24 =	vadd.f32 v47, v24;
	vm14 =	vlt.f32 v26, $0.0e+00;
	v47 =	vmul.f32 v58, v13  }
0x429: {  	v20 =	vld.idx.msk [tilespmem:v20+s17+$0x0], $0xffff;
	v50 =	vsel vm14, v48, v2;
	v48 =	vmul.f32 v61, v13;
	v13 =	vmul.f32 v18, v13  }
0x42a: {  	v46 =	vld.idx.msk [tilespmem:v11+s16+$0x0], $0xffff;
	vm15 =	vlt.f32 v25, $0.0e+00;
	v52 =	vmul.f32 v50, v30;
	v55 =	vmul.f32 v50, v35  }
0x42b: {  	v11 =	vld.idx.msk [tilespmem:v11+s17+$0x0], $0xffff;
	v57 =	vsel vm15, v53, v1;
	v56 =	vmul.f32 v50, v44;
	v59 =	vmul.f32 v50, v33  }
0x42c: {  	v21 =	vadd.f32 v49, v21;
	v49 =	vld.idx.msk [tilespmem:v8+s14+$0x0], $0xffff;
	v60 =	vmul.f32 v57, v36;
	v62 =	vmul.f32 v57, v28  }
0x42d: {  	v22 =	vadd.f32 v27, v22;
	v63 =	vmul.f32 v57, v31;
	v35 =	vmul.f32 v57, v37;
	v36 =	vld.idx.msk [tilespmem:v14+s14+$0x0], $0xffff  }
0x42e: {  	v37 =	vld.idx.msk [tilespmem:v14+s16+$0x0], $0xffff;
	v44 =	vmul.f32 v51, v12;
	v45 =	vmul.f32 v54, v12;
	v23 =	vadd.f32 v52, v23  }
0x42f: {  	v12 =	vmul.f32 v20, v12;
	v24 =	vadd.f32 v55, v24;
	v21 =	vadd.f32 v56, v21;
	v52 =	vld.idx.msk [tilespmem:v8+s16+$0x0], $0xffff  }
0x430: {  	v61 =	vmul.f32 v46, v6;
	v22 =	vadd.f32 v59, v22;
	v8 =	vld.idx.msk [tilespmem:v8+s17+$0x0], $0xffff;
	v23 =	vadd.f32 v60, v23  }
0x431: {  	s4 =	sor.u32 s4, s6;
	v27 =	vmul.f32 v49, v4;
	v24 =	vadd.f32 v62, v24;
	v21 =	vadd.f32 v63, v21  }
0x432: {  	v30 =	vld [tilespmem:s4+$0xD100];
	v22 =	vadd.f32 v35, v22;
	v60 =	vmul.f32 v43, v6;
	v6 =	vmul.f32 v11, v6  }
0x433: {  	v59 =	vld [tilespmem:s4+$0xD000];
	v51 =	vmul.f32 v36, v10;
	v53 =	vmul.f32 v37, v10;
	v14 =	vadd.f32 v23, v19  }
0x434: {  	v10 =	vmul.f32 v40, v10;
	v15 =	vadd.f32 v24, v17;
	v16 =	vadd.f32 v21, v41  }
0x435: {  	v33 =	vld [tilespmem:s4+$0xD180];
	v22 =	vadd.f32 v22, v42;
	v32 =	vmul.f32 v52, v4;
	v4 =	vmul.f32 v8, v4  }
0x436: {  	v50 =	vadd.f32 v48, v45;
	v55 =	vmul.f32 v14, v14;
	v56 =	vmul.f32 v15, v15  }
0x437: {  	v12 =	vadd.f32 v13, v12;
	v57 =	vmul.f32 v16, v16;
	v58 =	vmul.f32 v22, v22  }
0x438: {  	v62 =	vld [tilespmem:s4+$0xD080];
	v17 =	vadd.f32 v47, v44;
	v34 =	vmul.f32 v59, v14;
	v38 =	vmul.f32 v30, v16  }
0x439: {  	v13 =	vadd.f32 v53, v50;
	v40 =	vmul.f32 v59, v15;
	v41 =	vmul.f32 v30, v14  }
0x43a: {  	v10 =	vadd.f32 v10, v12;
	v42 =	vmul.f32 v33, v15;
	v43 =	vmul.f32 v33, v14  }
0x43b: {  	v17 =	vadd.f32 v51, v17;
	v44 =	vmul.f32 v30, v15;
	v46 =	vmul.f32 v33, v16  }
0x43c: {  	v47 =	vmul.f32 v59, v16;
	v23 =	vadd.f32 v56, v55;
	v19 =	vadd.f32 v58, v57  }
0x43d: {  	v8 =	vmul.f32 v33, v22;
	v6 =	vadd.f32 v6, v10;
	v39 =	vmul.f32 v62, v14  }
0x43e: {  	v18 =	vmul.f32 v30, v22;
	v13 =	vadd.f32 v61, v13;
	v31 =	vadd.f32 v19, v23  }
0x43f: {  	v54 =	vld.idx.msk [tilespmem:v7+s14+$0x0], $0xffff;
	v35 =	vmul.f32 v62, v15;
	v4 =	vadd.f32 v4, v6;
	v6 =	vadd.f32 v39, v40  }
0x440: {  	v63 =	vld.idx.msk [tilespmem:v7+s16+$0x0], $0xffff;
	v48 =	vmul.f32 v62, v16;
	v19 =	vsub.f32 v41, v42;
	v10 =	vadd.f32 $1.000000000e-30, v31  }
0x441: {  	v50 =	vmul.f32 v62, v22;
	v20 =	vadd.f32 v43, v44;
	v37 =	vsub.f32 v34, v35  }
0x442: {  	v45 =	vld.idx.msk [tilespmem:v9+s14+$0x0], $0xffff;
	v6 =	vadd.f32 v46, v6;
	v19 =	vadd.f32 v19, v47;
	(erf) = vrcp.f32 v10  }
0x443: {  	v49 =	vld.idx.msk [tilespmem:v9+s16+$0x0], $0xffff;
	v51 =	vmul.f32 v59, v22;
	v20 =	vsub.f32 v20, v48;
	v10 =	vsub.f32 v37, v38  }
0x444: {  	v7 =	vld.idx.msk [tilespmem:v7+s17+$0x0], $0xffff;
	v36 =	vmul.f32 v54, v3;
	v6 =	vsub.f32 v6, v18;
	v18 =	vadd.f32 v19, v50  }
0x445: {  	v54 =	vld.idx.msk [tilespmem:v5+s14+$0x0], $0xffff;
	v11 =	vmul.f32 v63, v3;
	v19 =	vadd.f32 v20, v51;
	v8 =	vsub.f32 v10, v8  }
0x446: {  	v52 =	vld.idx.msk [tilespmem:v9+s17+$0x0], $0xffff;
	v13 =	vadd.f32 v32, v13;
	v57 =	vmul.f32 v6, v6;
	v58 =	vmul.f32 v18, v18  }
0x447: {  	v55 =	vld.idx.msk [tilespmem:v5+s16+$0x0], $0xffff;
	v59 =	vmul.f32 v19, v19;
	v56 =	vmul.f32 v8, v8  }
0x448: {  	v12 =	vadd.f32 v60, v17;
	v5 =	vld.idx.msk [tilespmem:v5+s17+$0x0], $0xffff;
	v11 =	vadd.f32 v11, v13  }
0x449: {  	v3 =	vmul.f32 v7, v3;
	v13 =	vadd.f32 v59, v58;
	v20 =	vadd.f32 v57, v56  }
0x44a: {  	v53 =	vmul.f32 v45, v2;
	v62 =	vmul.f32 v49, v2;
	v60 =	vpop (erf);
	v12 =	vadd.f32 v27, v12  }
0x44b: {  	v2 =	vmul.f32 v52, v2;
	v3 =	vadd.f32 v3, v4;
	v28 =	vadd.f32 v13, v20;
	v63 =	vpop (erf)  }
0x44c: {  	v12 =	vadd.f32 v36, v12;
	v27 =	vmul.f32 v55, v1;
	v26 =	vadd.f32 v63, v63  }
0x44d: {  	v10 =	vmul.f32 v54, v1;
	v1 =	vmul.f32 v5, v1;
	v32 =	vadd.f32 $1.000000000e-30, v28  }
0x44e: {  	v9 =	vadd.f32 v62, v11;
	v29 =	vmul.f32 v26, v16;
	v30 =	vmul.f32 v26, v22  }
0x44f: {  	v2 =	vadd.f32 v2, v3;
	v31 =	vmul.f32 v26, v15;
	(erf) = vrcp.f32 v32  }
0x450: {  	v61 =	vadd.f32 v53, v12;
	v3 =	vmul.f32 v29, v16;
	v33 =	vmul.f32 v30, v22  }
0x451: {  	v7 =	vadd.f32 v27, v9;
	v34 =	vmul.f32 v31, v14;
	v35 =	vmul.f32 v30, v14  }
0x452: {  	v1 =	vadd.f32 v1, v2;
	v2 =	vmul.f32 v31, v15;
	v38 =	vmul.f32 v29, v15  }
0x453: {  	v39 =	vld [tilespmem:s1+$0xFFFFFC00];
	v4 =	vadd.f32 v10, v61;
	v10 =	vmul.f32 v29, v14;
	v40 =	vmul.f32 v30, v15  }
0x454: {  	v42 =	vld [tilespmem:s1+$0xFFFFFE00];
	v13 =	vmul.f32 v30, v16;
	v36 =	vadd.f32 v33, v3;
	v43 =	vsub.f32 v38, v35  }
0x455: {  	v37 =	vld [tilespmem:s1+$0xFFFFFA00];
	v12 =	vadd.f32 v33, v2;
	v44 =	vadd.f32 v10, v40  }
0x456: {  	v7 =	vmul.f32 v7, v60;
	v5 =	vadd.f32 v35, v38;
	v46 =	vsub.f32 v13, v34  }
0x457: {  	v4 =	vmul.f32 v4, v60;
	v10 =	vsub.f32 v40, v10;
	v2 =	vadd.f32 v3, v2  }
0x458: {  	v1 =	vmul.f32 v1, v60;
	v9 =	vadd.f32 v34, v13;
	v41 =	vsub.f32 $1.000000000e+00, v36  }
0x459: {  	v45 =	vsub.f32 $1.000000000e+00, v12;
	v47 =	vmul.f32 v39, v43;
	v48 =	vmul.f32 v42, v44  }
0x45a: {  	v2 =	vsub.f32 $1.000000000e+00, v2;
	v5 =	vmul.f32 v37, v5;
	v12 =	vmul.f32 v42, v46  }
0x45b: {  	v10 =	vmul.f32 v37, v10;
	v3 =	vmul.f32 v37, v41;
	v49 =	vpop (erf)  }
0x45c: {  	v53 =	vmul.f32 v39, v9;
	v2 =	vmul.f32 v42, v2;
	v50 =	vadd.f32 v49, v49  }
0x45d: {  	v11 =	vmul.f32 v39, v45;
	v4 =	vadd.f32 v48, v4;
	v3 =	vadd.f32 v47, v3  }
0x45e: {  	v7 =	vadd.f32 v12, v7;
	v1 =	vadd.f32 v2, v1;
	v51 =	vmul.f32 v50, v18  }
0x45f: {  	v52 =	vmul.f32 v50, v19;
	v3 =	vadd.f32 v4, v3;
	v4 =	vadd.f32 v53, v10  }
0x460: {  	v5 =	vadd.f32 v11, v5;
	v2 =	vmul.f32 v50, v6;
	v56 =	vmul.f32 v51, v8  }
0x461: {  	[tilespmem:s4+$0x12200] =	vst v3;
	v1 =	vadd.f32 v1, v4;
	v3 =	vmul.f32 v52, v8;
	v58 =	vmul.f32 v51, v6  }
0x462: {  	v5 =	vadd.f32 v7, v5;
	v59 =	vmul.f32 v2, v6;
	v6 =	vmul.f32 v52, v6  }
0x463: {  	v54 =	vmul.f32 v51, v18;
	v55 =	vmul.f32 v52, v19;
	[tilespmem:s4+$0x12300] =	vst v1;
	v1 =	vsub.f32 v58, v3  }
0x464: {  	[tilespmem:s4+$0x12280] =	vst v5;
	v2 =	vmul.f32 v2, v8;
	v62 =	vmul.f32 v52, v18;
	v61 =	vadd.f32 v56, v6  }
0x465: {  	v57 =	vadd.f32 v55, v54;
	v3 =	vadd.f32 v3, v58;
	[tilespmem:s4+$0x12A80] =	vst v1  }
0x466: {  	v9 =	vadd.f32 v55, v59;
	v63 =	vsub.f32 v62, v2;
	[tilespmem:s4+$0x12B00] =	vst v61  }
0x467: {  	v60 =	vsub.f32 $1.000000000e+00, v57;
	[tilespmem:s4+$0x13200] =	vst v3  }
0x468: {  	v1 =	vsub.f32 $1.000000000e+00, v9;
	[tilespmem:s4+$0x13300] =	vst v63  }
0x469: {  	v5 =	vadd.f32 v54, v59;
	v3 =	vsub.f32 v6, v56;
	[tilespmem:s4+$0x12A00] =	vst v60  }
0x46a: {  	[tilespmem:s4+$0x13280] =	vst v1;
	v1 =	vadd.f32 v2, v62  }
0x46b: {  	v2 =	vsub.f32 $1.000000000e+00, v5;
	[tilespmem:s4+$0x13A00] =	vst v3  }
0x46c: {  	[tilespmem:s4+$0x13A80] =	vst v1  }
0x46d: {  	[tilespmem:s4+$0x13B00] =	vst v2  }
0x46e: {  	v1 =	vld [tilespmem:s1+$0x0];
	_ =	sdelay $0x4  }
0x46f: {  	v1 =	vmul.f32 $1.442695020e+00, v1;
	_ =	sdelay $0x1  }
0x470: {  	(erf) = vpow2.f32 v1;
	_ =	sdelay $0x8  }
0x471: {  	v1 =	vpop (erf)  }
0x472: {  	[tilespmem:s4+$0x14200] =	vst v1  }
0x473: {  	v1 =	vld [tilespmem:s1+$0x200];
	_ =	sdelay $0x4  }
0x474: {  	v1 =	vmul.f32 $1.442695020e+00, v1;
	_ =	sdelay $0x1  }
0x475: {  	(erf) = vpow2.f32 v1;
	_ =	sdelay $0x8  }
0x476: {  	v1 =	vpop (erf)  }
0x477: {  	[tilespmem:s4+$0x14280] =	vst v1  }
0x478: {  	v1 =	vld [tilespmem:s1+$0x400];
	_ =	sdelay $0x4  }
0x479: {  	v1 =	vmul.f32 $1.442695020e+00, v1;
	_ =	sdelay $0x1  }
0x47a: {  	(erf) = vpow2.f32 v1;
	_ =	sdelay $0x8  }
0x47b: {  	v1 =	vpop (erf)  }
0x47c: {  	[tilespmem:s4+$0x14300] =	vst v1  }
0x47d: {  	v1 =	vld [tilespmem:s1+$0x600];
	_ =	sdelay $0x4  }
0x47e: {  	v1 =	vsub.f32 $0.0e+00, v1;
	_ =	sdelay $0x1  }
0x47f: {  	v1 =	vmul.f32 $1.442695020e+00, v1;
	_ =	sdelay $0x1  }
0x480: {  	(erf) = vpow2.f32 v1;
	_ =	sdelay $0x8  }
0x481: {  	v1 =	vpop (erf)  }
0x482: {  	v1 =	vadd.f32 $1.000000000e+00, v1;
	_ =	sdelay $0x1  }
0x483: {  	(erf) = vrcp.f32 v1;
	_ =	sdelay $0x4  }
0x484: {  	p0 =	sne.s32 s3, $0xF  }
.Ltmp2:
0x485: {  	_ = 	snop;
	(pc) =	sbr.rel @p0 .LBB2_7-.Ltmp2, $3  }
0x486: {  	_ =	sdelay $0x1  }
0x487: {  	s24 =	sadd.s32 $0x20, s24;
	v1 =	vpop (erf)  }
0x488: {  	s3 =	sadd.s32 $0x1, s3;
	s1 =	sadd.s32 $0x20, s1;
	[tilespmem:s10+$0x0] =	vst v1;
	s10 =	sadd.s32 $0x20, s10  }
0x489: {  	s1 =	rddreg [dreg:$0x9]  }
0x48a: {  	s3 =	simm.s32 $0x12200;
	s6 =	sshrl.u32 s22, $0x3;
	s1 =	sadd.s32 s1, s20  }
0x48b: {  	[hbm4b:s1+s9] =	stream.linear.scatter [tilespmem:s3], [sflag:$0x4], $0x800, $0x38;
	[tilespmem:$0x14C00] =	vst v63  }
0x48c: {  	s4 =	sadd.s32 s7, s20;
	s5 =	simm.s32 $0x12A00;
	s1 =	sadd.s32 s7, s6  }
0x48d: {  	[hbm4b:s4+s9] =	stream.linear.scatter [tilespmem:s5], [sflag:$0x4], $0x800, $0x38;
	[tilespmem:$0x14C00] =	vst v63  }
0x48e: {  	s8 =	sadd.s32 $0x20000, s1;
	s4 =	simm.s32 $0x13200  }
0x48f: {  	[hbm4b:s8+s9] =	stream.linear.scatter [tilespmem:s4], [sflag:$0x4], $0x800, $0x38;
	[tilespmem:$0x14C00] =	vst v63  }
0x490: {  	s10 =	simm.s32 $0x13A00;
	p0 =	sne.s32 s23, $0x8;
	s1 =	sadd.s32 $0x40000, s1  }
0x491: {  	[hbm4b:s1+s9] =	stream.linear.scatter [tilespmem:s10], [sflag:$0x4], $0x800, $0x38;
	[tilespmem:$0x14C00] =	vst v63  }
.Ltmp3:
0x492: {  	s22 =	rddreg [dreg:$0x16];
	(pc) =	sbr.rel @p0 .LBB2_4-.Ltmp3, $4  }
0x493: {  	s24 =	simm.s32 $0x14200;
	s1 =	sadd.s32 s22, s20  }
0x494: {  	[hbm4b:s1+s9] =	stream.linear.scatter [tilespmem:s24], [sflag:$0x4], $0x800, $0x38;
	[tilespmem:$0x14C00] =	vst v63  }
0x495: {  	s25 =	sadd.s32 s21, s15;
	s26 =	simm.s32 $0x14A00  }
0x496: {  	[hbm4b:s25+s9] =	stream.linear.scatter [tilespmem:s26], [sflag:$0x4], $0x200, $0x38;
	[tilespmem:$0x14C00] =	vst v63  }
0x497: {  	s1 =	simm.s32 $0x3  }
0x498: {  	_ =	swait.ge [sflag:s1], $0x800  }
0x499: {  	[sflag:s1] =	ssyncset.done $0x0  }
0x49a: {  	[sflag:s1] =	ssyncadd.s32 $0xFFFFF800  }
0x49b: {  	_ =	swait.ge [sflag:s1], $0x800  }
0x49c: {  	[sflag:s1] =	ssyncset.done $0x0  }
0x49d: {  	[sflag:s1] =	ssyncadd.s32 $0xFFFFF800  }
0x49e: {  	_ =	swait.ge [sflag:s1], $0x800  }
0x49f: {  	[sflag:s1] =	ssyncset.done $0x0  }
0x4a0: {  	[sflag:s1] =	ssyncadd.s32 $0xFFFFF800  }
0x4a1: {  	_ =	swait.ge [sflag:s1], $0x800  }
0x4a2: {  	[sflag:s1] =	ssyncset.done $0x0  }
0x4a3: {  	[sflag:s1] =	ssyncadd.s32 $0xFFFFF800  }
0x4a4: {  	_ =	swait.ge [sflag:s1], $0x800  }
0x4a5: {  	[sflag:s1] =	ssyncset.done $0x0  }
0x4a6: {  	[sflag:s1] =	ssyncadd.s32 $0xFFFFF800  }
0x4a7: {  	_ =	swait.ge [sflag:s1], $0x200  }
0x4a8: {  	[sflag:s1] =	ssyncset.done $0x0  }
0x4a9: {  	s3 =	simm.s32 $0x4;
	[sflag:s1] =	ssyncadd.s32 $0xFFFFFE00  }
0x4aa: {  	_ =	swait.ge [sflag:s3], $0x800  }
0x4ab: {  	[sflag:s3] =	ssyncset.done $0x0  }
0x4ac: {  	[sflag:s3] =	ssyncadd.s32 $0xFFFFF800  }
0x4ad: {  	_ =	swait.ge [sflag:s3], $0x800  }
0x4ae: {  	[sflag:s3] =	ssyncset.done $0x0  }
0x4af: {  	[sflag:s3] =	ssyncadd.s32 $0xFFFFF800  }
0x4b0: {  	_ =	swait.ge [sflag:s3], $0x800  }
0x4b1: {  	[sflag:s3] =	ssyncset.done $0x0  }
0x4b2: {  	[sflag:s3] =	ssyncadd.s32 $0xFFFFF800  }
0x4b3: {  	_ =	swait.ge [sflag:s3], $0x800  }
0x4b4: {  	[sflag:s3] =	ssyncset.done $0x0  }
0x4b5: {  	[sflag:s3] =	ssyncadd.s32 $0xFFFFF800  }
0x4b6: {  	_ =	swait.ge [sflag:s3], $0x800  }
0x4b7: {  	[sflag:s3] =	ssyncset.done $0x0  }
0x4b8: {  	[sflag:s3] =	ssyncadd.s32 $0xFFFFF800  }
0x4b9: {  	_ =	swait.ge [sflag:s3], $0x200  }
0x4ba: {  	s4 =	sld [smem:$0x7ED]  }
0x4bb: {  	s26 =	sld [smem:$0x7F0];
	_ =	sdelay $0x1  }
0x4bc: {  	s4 =	sadd.s32 $0x1, s4  }
0x4bd: {  	p0 =	sne.s32 s4, s26  }
.Ltmp4:
0x4be: {  	_ = 	snop;
	(pc) =	sbr.rel @p0 .LBB2_1-.Ltmp4, $3  }
0x4bf: {  	_ =	sdelay $0x1  }
0x4c0: {  	[sflag:s3] =	ssyncset.done $0x0  }
0x4c1: {  	[sflag:s3] =	ssyncadd.s32 $0xFFFFFE00  }
0x4c2: {  	_ =	sfence.sel $0x180000  }
0x4c3: {  	[bflag:$0x0] =	sbarrier.arrive $0xFFFF  }
0x4c4: {  	_ =	strace $0x90000047  }
0x4c5: {  	s0 =	stileid.u32;
	[bflag:$0x2] =	sbarrier.arrive $0xFFFF  }
0x4c6: {  	p0 =	sne.s32 s0, $0x0;
	s0 =	rddreg [dreg:$0xd]  }
0x4c7: {  	s0 =	sadd.s32 @!p0 $0x100000, s0  }
0x4c8: {  	[sflag:s0] =	ssyncadd.tile.s32 @!p0 $0x1;
	_ =	shalt  }
.Lfunc_end2:
_tile_overlayer_lowered:
.L_overlay_start_2:
0x4c9: {  	(tag) =	ssettag $0x2  }
0x4ca: {  	s0 =	rddreg [dreg:$0x0];
	s2 =	stileid.u32  }
0x4cb: {  	s1 =	rddreg [dreg:$0x1];
	p0 =	sne.s32 s2, $0x0  }
0x4cc: {  	s3 =	rddreg [dreg:$0x2];
	[bflag:$0x3] =	sbarrier.arrive $0xFFFF;
	s2 =	simm.s32 @!p0 $0x1C05  }
0x4cd: {  	[timem:s3], [sflag:s2] =	dma.local @!p0 [hbm:s0], s1  }
0x4ce: {  	s0 =	simm.s32 @!p0 $0x5  }
0x4cf: {  	_ =	swait.ge @!p0 [sflag:s0], s1  }
0x4d0: {  	s1 =	ssub.s32 @!p0 $0x0, s1;
	[sflag:s0] =	ssyncset.done @!p0 $0x0  }
0x4d1: {  	[sflag:s0] =	ssyncadd.s32 @!p0 s1  }
0x4d2: {  	[bflag:$0x3] =	sbarrier.arrive $0xFFFF  }
0x4d3: {  	_ =	shalt  }

</sc_bundles>
